<compile_context>
chip_gen: v7x
topology: tpu7x:2x2x1
jax: 0.10.2.dev20260603
libtpu: 0.0.44.dev20260713+nightly
codegen_flags: <defaults>
</compile_context>

<pallas_src>
import dataclasses

import jax
import jax.numpy as jnp
from jax import lax
from jax.experimental import pallas as pl
from jax.experimental.pallas import tpu as pltpu
from jax.experimental.pallas import tpu_sc as plsc

B = 32
N_POINTS = 100000
N_OUT = 50000
FP_LEN = 4
NNZ = 1600000
NUM_ROWS = N_OUT * FP_LEN

RPB = 1600
ACC_PITCH = 1601
NB = NUM_ROWS // RPB
NTILES = 32
KMAX = -(-NB // NTILES)
W = 128
S = 1024
NGPS = S // W
NWINS = S // 16
BND_PAD = 512
ECMAX = NNZ - S


def _sc_body(ut_hbm, qn_hbm, qr_hbm, qv_hbm, bnd_hbm, out_hbm,
             bnd_v, qn_a, qr_a, qv_a, rows_a, qn_b, qr_b, qv_b, rows_b,
             acc_v, nsem_a, lsem_a, gsem_a, nsem_b, lsem_b, gsem_b, dma_sem):
    iota = lax.iota(jnp.int32, 16)
    wid = lax.axis_index("s") * 2 + lax.axis_index("c")

    pltpu.async_copy(bnd_hbm, bnd_v, dma_sem).wait()

    bufs = {
        0: (qn_a, qr_a, qv_a, rows_a, nsem_a, lsem_a, gsem_a),
        1: (qn_b, qr_b, qv_b, rows_b, nsem_b, lsem_b, gsem_b),
    }

    def fire_linear(p, ec):
        ecc = pl.multiple_of(jnp.minimum(ec, jnp.int32(ECMAX)), 16)
        qn_v, qr_v, qv_v, _, nsem, lsem, _ = bufs[p]
        pltpu.async_copy(qn_hbm.at[pl.ds(ecc, S)], qn_v, nsem)
        pltpu.async_copy(qr_hbm.at[pl.ds(ecc, S)], qr_v, lsem)
        pltpu.async_copy(qv_hbm.at[pl.ds(ecc, S)], qv_v, lsem)

    def wait_qn_fire_gathers(p):
        qn_v, _, _, rows_v, nsem, _, gsem = bufs[p]
        pltpu.make_async_copy(qn_hbm.at[pl.ds(0, S)], qn_v, nsem).wait()
        for j in range(NGPS):
            pltpu.async_copy(ut_hbm.at[qn_v.at[pl.ds(j * W, W)]],
                             rows_v.at[pl.ds(j * W, W), :], gsem)

    def wait_rest(p):
        qn_v, qr_v, qv_v, rows_v, _, lsem, gsem = bufs[p]
        pltpu.make_async_copy(qr_hbm.at[pl.ds(0, S)], qr_v, lsem).wait()
        pltpu.make_async_copy(qv_hbm.at[pl.ds(0, S)], qv_v, lsem).wait()
        for j in range(NGPS):
            pltpu.make_async_copy(ut_hbm.at[qn_v.at[pl.ds(j * W, W)]],
                                  rows_v.at[pl.ds(j * W, W), :], gsem).wait()

    @pl.loop(0, KMAX)
    def _round(k):
        blk = wid + NTILES * k

        @pl.when(blk < NB)
        def _process():
            r0 = blk * RPB
            e0 = jnp.max(plsc.load_gather(bnd_v, [jnp.full((16,), blk, jnp.int32)]))
            e1 = jnp.max(plsc.load_gather(bnd_v, [jnp.full((16,), blk + 1, jnp.int32)]))

            zeros16 = jnp.zeros((16,), jnp.float32)

            @pl.loop(0, B)
            def _zb(bi):
                @pl.loop(0, RPB // 16)
                def _zj(j):
                    acc_v[bi, pl.ds(j * 16, 16)] = zeros16

            e_base = pl.multiple_of(e0 - lax.rem(e0, 16), 16)
            nsc = lax.div(e1 - e_base + (S - 1), S)
            e0f = jnp.full((16,), e0, jnp.int32)
            e1f = jnp.full((16,), e1, jnp.int32)
            r0f = jnp.full((16,), r0, jnp.int32)

            def ecof(s):
                return pl.multiple_of(e_base + s * S, 16)

            def compute(p, s):
                _, qr_v, qv_v, rows_v, _, _, _ = bufs[p]
                ec = ecof(s)
                ecc = pl.multiple_of(jnp.minimum(ec, jnp.int32(ECMAX)), 16)
                d = ec - ecc

                @pl.loop(0, NWINS)
                def _window(wd):
                    base = wd * 16
                    gid = jnp.full((16,), ec + base, jnp.int32) + iota
                    mask = (gid >= e0f) & (gid < e1f)
                    eoff = jnp.minimum(
                        jnp.full((16,), d + base, jnp.int32) + iota,
                        jnp.int32(S - 1))
                    wvec = plsc.load_gather(qv_v, [eoff])
                    rvec = plsc.load_gather(qr_v, [eoff])
                    rl = rvec - r0f
                    for t in range(B):
                        btl = (iota + jnp.int32(t)) & jnp.int32(B - 1)
                        col = plsc.load_gather(rows_v, [eoff, btl])
                        plsc.addupdate_scatter(acc_v, [btl, rl], col * wvec,
                                               mask=mask)

            fire_linear(0, ecof(0))
            wait_qn_fire_gathers(0)

            @pl.when(1 < nsc)
            def _pb():
                fire_linear(1, ecof(1))

            def _pair(i, carry):
                s0 = 2 * i
                s1 = s0 + 1
                wait_rest(0)

                @pl.when(s1 < nsc)
                def _gb():
                    wait_qn_fire_gathers(1)

                compute(0, s0)

                @pl.when(s1 + 1 < nsc)
                def _la():
                    fire_linear(0, ecof(s1 + 1))

                @pl.when(s1 < nsc)
                def _bphase():
                    wait_rest(1)

                    @pl.when(s1 + 1 < nsc)
                    def _ga():
                        wait_qn_fire_gathers(0)

                    compute(1, s1)

                    @pl.when(s1 + 2 < nsc)
                    def _lb():
                        fire_linear(1, ecof(s1 + 2))

                return carry

            lax.fori_loop(0, lax.div(nsc + 1, 2), _pair, 0)

            copies = [
                pltpu.async_copy(acc_v.at[b, pl.ds(0, RPB)],
                                 out_hbm.at[b, pl.ds(r0, RPB)],
                                 dma_sem)
                for b in range(B)
            ]
            for c in copies:
                c.wait()


@jax.jit
def kernel(U, Qrow, Qneigh, Qval):
    UT = jnp.transpose(U)

    row_starts = jnp.arange(NB + 1, dtype=jnp.int32) * RPB
    bounds = jnp.searchsorted(Qrow, row_starts, side="left",
                              method="scan_unrolled").astype(jnp.int32)
    bounds = jnp.pad(bounds, (0, BND_PAD - (NB + 1)), constant_values=NNZ)

    mesh = plsc.VectorSubcoreMesh(core_axis_name="c", subcore_axis_name="s")
    cp = pltpu.CompilerParams()
    if "needs_layout_passes" in pltpu.CompilerParams.__dataclass_fields__:
        cp = dataclasses.replace(cp, needs_layout_passes=False)
    cp = dataclasses.replace(cp, use_tc_tiling_on_sc=False)
    out = pl.kernel(
        _sc_body,
        compiler_params=cp,
        out_type=jax.ShapeDtypeStruct((B, NUM_ROWS), jnp.float32),
        mesh=mesh,
        scratch_types=[
            pltpu.VMEM((BND_PAD,), jnp.int32),
            pltpu.VMEM((S,), jnp.int32),
            pltpu.VMEM((S,), jnp.int32),
            pltpu.VMEM((S,), jnp.float32),
            pltpu.VMEM((S, B), jnp.float32),
            pltpu.VMEM((S,), jnp.int32),
            pltpu.VMEM((S,), jnp.int32),
            pltpu.VMEM((S,), jnp.float32),
            pltpu.VMEM((S, B), jnp.float32),
            pltpu.VMEM((B, ACC_PITCH), jnp.float32),
            pltpu.SemaphoreType.DMA,
            pltpu.SemaphoreType.DMA,
            pltpu.SemaphoreType.DMA,
            pltpu.SemaphoreType.DMA,
            pltpu.SemaphoreType.DMA,
            pltpu.SemaphoreType.DMA,
            pltpu.SemaphoreType.DMA,
        ],
    )(UT, Qneigh, Qrow, Qval, bounds)

    return jnp.reshape(out, (B, N_OUT, FP_LEN))

# --- scband reference (transcript-rebuilt; emitter-appended) ---
"""Pipeline reference for scband-mflayer-16363825397836 (READ-ONLY COPY).

The authoritative reference and input builder live on the scoring server;
editing this copy changes nothing except your own understanding.
"""

import jax, jax.numpy as jnp
import numpy as np

B = 32
N_POINTS = 100000
N_OUT = 50000
FP_LEN = 4
NNZ = 1600000
NUM_ROWS = N_OUT * FP_LEN


def setup_inputs(seed: int = 0) -> dict:
    key = jax.random.key(seed)
    k1, k2, k3, k4 = jax.random.split(key, 4)
    # U: batch of functions sampled at the N source points (the 'embedding source')
    U = jax.random.normal(k1, (B, N_POINTS), dtype=jnp.float32)
    # Precomputed sparse MLS operator Q, flattened COO:
    #   Qrow:   row index into the (N_OUT * FP_LEN) output rows (sorted, as built row-by-row in __init__)
    #   Qneigh: neighbor/source-point index into [0, N_POINTS) (the embedding ids)
    #   Qval:   MLS weights Qija (the embedding combiner weights)
    Qrow = jnp.sort(jax.random.randint(k2, (NNZ,), 0, NUM_ROWS, dtype=jnp.int32))
    Qneigh = jax.random.randint(k3, (NNZ,), 0, N_POINTS, dtype=jnp.int32)
    Qval = (jax.random.normal(k4, (NNZ,), dtype=jnp.float32) * 0.1)
    return {"U": U, "Qrow": Qrow, "Qneigh": Qneigh, "Qval": Qval}


def reference(U, Qrow, Qneigh, Qval):
    # Faithful translation of MFLayer.call:
    #   UT = transpose(U)                                  [N_POINTS, B]
    #   Cia = embedding_lookup_sparse(UT, sp_ids, sp_weights, combiner='sum')
    #       = per-row weighted sum of gathered rows of UT  [N_OUT*FP_LEN, B]
    #   CiaT = reshape(transpose(Cia), [B, N_OUT, FP_LEN])
    UT = jnp.transpose(U)                                  # [N_POINTS, B]
    gathered = jnp.take(UT, Qneigh, axis=0)                # [NNZ, B]  (SparseCore gather)
    weighted = gathered * Qval[:, None]                    # [NNZ, B]
    Cia = jax.ops.segment_sum(weighted, Qrow, num_segments=NUM_ROWS)  # [N_OUT*FP_LEN, B] (scatter-add)
    CiaT = jnp.reshape(jnp.transpose(Cia), (U.shape[0], N_OUT, FP_LEN))
    return CiaT

if __name__ == "__main__":
    import jax
    _d = setup_inputs()
    print(jax.jit(kernel)(*tuple(_d.values())))

</pallas_src>

<mosaic_0001>
#map = affine_map<(d0, d1) -> (0, 0)>
#map1 = affine_map<(d0, d1) -> (0)>
module attributes {stable_mosaic.version = 14 : i64} {
  func.func @_sc_body(%arg0: i32, %arg1: i32, %arg2: memref<100000x32xf32, #tpu.memory_space<hbm>>, %arg3: memref<1600000xi32, #tpu.memory_space<hbm>>, %arg4: memref<1600000xi32, #tpu.memory_space<hbm>>, %arg5: memref<1600000xf32, #tpu.memory_space<hbm>>, %arg6: memref<512xi32, #tpu.memory_space<hbm>>, %arg7: memref<32x200000xf32, #tpu.memory_space<hbm>>, %arg8: memref<512xi32, #tpu.memory_space<vmem>>, %arg9: memref<1024xi32, #tpu.memory_space<vmem>>, %arg10: memref<1024xi32, #tpu.memory_space<vmem>>, %arg11: memref<1024xf32, #tpu.memory_space<vmem>>, %arg12: memref<1024x32xf32, #tpu.memory_space<vmem>>, %arg13: memref<1024xi32, #tpu.memory_space<vmem>>, %arg14: memref<1024xi32, #tpu.memory_space<vmem>>, %arg15: memref<1024xf32, #tpu.memory_space<vmem>>, %arg16: memref<1024x32xf32, #tpu.memory_space<vmem>>, %arg17: memref<32x1601xf32, #tpu.memory_space<vmem>>, %arg18: memref<!tpu.dma_semaphore, #tpu.memory_space<semaphore_mem>>, %arg19: memref<!tpu.dma_semaphore, #tpu.memory_space<semaphore_mem>>, %arg20: memref<!tpu.dma_semaphore, #tpu.memory_space<semaphore_mem>>, %arg21: memref<!tpu.dma_semaphore, #tpu.memory_space<semaphore_mem>>, %arg22: memref<!tpu.dma_semaphore, #tpu.memory_space<semaphore_mem>>, %arg23: memref<!tpu.dma_semaphore, #tpu.memory_space<semaphore_mem>>, %arg24: memref<!tpu.dma_semaphore, #tpu.memory_space<semaphore_mem>>) attributes {dimension_semantics = [#tpu.dimension_semantics<core_parallel>, #tpu.dimension_semantics<subcore_parallel>], iteration_bounds = array<i64: 2, 16>, scalar_prefetch = 0 : i64, scratch_operands = 17 : i64, tpu.core_type = #tpu.core_type<sc_vector_subcore>, window_params = [{transform_indices = #map}, {transform_indices = #map1}, {transform_indices = #map1}, {transform_indices = #map1}, {transform_indices = #map1}, {transform_indices = #map}]} {
    %iota3A = tpu.iota {dimensions = array<i32: 0>} : vector<16xi32>
    %mul3A = arith.constant 2 : i32
    %mul3A_0 = arith.muli %arg1, %mul3A : i32
    %add3A = arith.addi %mul3A_0, %arg0 : i32
    tpu.enqueue_dma source(%arg6 : memref<512xi32, #tpu.memory_space<hbm>>) target(%arg8 : memref<512xi32, #tpu.memory_space<vmem>>) target_semaphore(%arg24 : memref<!tpu.dma_semaphore, #tpu.memory_space<semaphore_mem>>)
    tpu.wait_dma2 semaphore(%arg24 : memref<!tpu.dma_semaphore, #tpu.memory_space<semaphore_mem>>) src(%arg6 : memref<512xi32, #tpu.memory_space<hbm>>) dst(%arg8 : memref<512xi32, #tpu.memory_space<vmem>>)
    %scan3A = arith.constant 0 : i32
    %scan3A_1 = arith.constant 4 : i32
    %scan3A_2 = arith.addi %scan3A, %scan3A_1 : i32
    %scan3A_3 = arith.constant 1 : i32
    scf.for %scan3A_5 = %scan3A to %scan3A_2 step %scan3A_3  : i32 {
      %mul3A_6 = arith.constant 1 : i32
      %mul3A_7 = arith.muli %scan3A_5, %mul3A_6 : i32
      %add3A_8 = arith.constant 0 : i32
      %add3A_9 = arith.addi %add3A_8, %mul3A_7 : i32
      %mul3A_10 = arith.constant 32 : i32
      %mul3A_11 = arith.muli %mul3A_10, %add3A_9 : i32
      %add3A_12 = arith.addi %add3A, %mul3A_11 : i32
      %lt3A = arith.constant 125 : i32
      %lt3A_13 = arith.cmpi slt, %add3A_12, %lt3A : i32
      %convert_element_type3A = arith.extui %lt3A_13 : i1 to i32
      %cond3A = arith.constant 0 : i32
      %cond3A_14 = arith.cmpi ne, %convert_element_type3A, %cond3A : i32
      scf.if %cond3A_14 {
        %mul3A_15 = arith.constant 1600 : i32
        %mul3A_16 = arith.muli %add3A_12, %mul3A_15 : i32
        %broadcast_in_dim3A = vector.broadcast %add3A_12 : i32 to vector<16xi32>
        %gather3A = tpu.vector_load_idx %arg8[%broadcast_in_dim3A] : memref<512xi32, #tpu.memory_space<vmem>>[vector<16xi32>], vector<16xi32>,
        %reduce_max3A = arith.constant true
        %reduce_max3A_17 = vector.broadcast %reduce_max3A : i1 to vector<16xi1>
        %reduce_max3A_18 = arith.constant -2147483648 : i32
        %reduce_max3A_19 = vector.broadcast %reduce_max3A_18 : i32 to vector<16xi32>
        %reduce_max3A_20 = arith.xori %gather3A, %reduce_max3A_19 : vector<16xi32>
        %reduce_max3A_21 = tpu.scan <max>, %reduce_max3A_20 masked %reduce_max3A_17 : vector<16xi32>, vector<16xi1> -> vector<16xi32>
        %reduce_max3A_22 = arith.xori %reduce_max3A_21, %reduce_max3A_19 : vector<16xi32>
        %reduce_max3A_23 = vector.extract %reduce_max3A_22[15] : i32 from vector<16xi32>
        %add3A_24 = arith.constant 1 : i32
        %add3A_25 = arith.addi %add3A_12, %add3A_24 : i32
        %broadcast_in_dim3A_26 = vector.broadcast %add3A_25 : i32 to vector<16xi32>
        %gather3A_27 = tpu.vector_load_idx %arg8[%broadcast_in_dim3A_26] : memref<512xi32, #tpu.memory_space<vmem>>[vector<16xi32>], vector<16xi32>,
        %reduce_max3A_28 = arith.constant true
        %reduce_max3A_29 = vector.broadcast %reduce_max3A_28 : i1 to vector<16xi1>
        %reduce_max3A_30 = arith.constant -2147483648 : i32
        %reduce_max3A_31 = vector.broadcast %reduce_max3A_30 : i32 to vector<16xi32>
        %reduce_max3A_32 = arith.xori %gather3A_27, %reduce_max3A_31 : vector<16xi32>
        %reduce_max3A_33 = tpu.scan <max>, %reduce_max3A_32 masked %reduce_max3A_29 : vector<16xi32>, vector<16xi1> -> vector<16xi32>
        %reduce_max3A_34 = arith.xori %reduce_max3A_33, %reduce_max3A_31 : vector<16xi32>
        %reduce_max3A_35 = vector.extract %reduce_max3A_34[15] : i32 from vector<16xi32>
        %broadcast_in_dim3A_36 = arith.constant 0.000000e+00 : f32
        %broadcast_in_dim3A_37 = vector.broadcast %broadcast_in_dim3A_36 : f32 to vector<16xf32>
        %scan3A_38 = arith.constant 0 : i32
        %scan3A_39 = arith.constant 32 : i32
        %scan3A_40 = arith.addi %scan3A_38, %scan3A_39 : i32
        %scan3A_41 = arith.constant 1 : i32
        scf.for %scan3A_913 = %scan3A_38 to %scan3A_40 step %scan3A_41  : i32 {
          %mul3A_914 = arith.constant 1 : i32
          %mul3A_915 = arith.muli %scan3A_913, %mul3A_914 : i32
          %add3A_916 = arith.constant 0 : i32
          %add3A_917 = arith.addi %add3A_916, %mul3A_915 : i32
          %scan3A_918 = arith.constant 0 : i32
          %scan3A_919 = arith.constant 100 : i32
          %scan3A_920 = arith.addi %scan3A_918, %scan3A_919 : i32
          %scan3A_921 = arith.constant 1 : i32
          scf.for %scan3A_923 = %scan3A_918 to %scan3A_920 step %scan3A_921  : i32 {
            %mul3A_924 = arith.constant 1 : i32
            %mul3A_925 = arith.muli %scan3A_923, %mul3A_924 : i32
            %add3A_926 = arith.constant 0 : i32
            %add3A_927 = arith.addi %add3A_926, %mul3A_925 : i32
            %mul3A_928 = arith.constant 16 : i32
            %mul3A_929 = arith.muli %add3A_927, %mul3A_928 : i32
            %swap3A = arith.index_cast %add3A_917 : i32 to index
            %swap3A_930 = arith.index_cast %mul3A_929 : i32 to index
            %swap3A_931 = tpu.vector_load %arg17[%swap3A, %swap3A_930] {strides = array<i32>} : memref<32x1601xf32, #tpu.memory_space<vmem>>, vector<16xf32>,
            tpu.vector_store %arg17[%swap3A, %swap3A_930], %broadcast_in_dim3A_37 {strides = array<i32>} : memref<32x1601xf32, #tpu.memory_space<vmem>>, vector<16xf32>,
          }
          %scan3A_922 = arith.constant 100 : i32
        }
        %scan3A_42 = arith.constant 32 : i32
        %rem3A = arith.constant 16 : i32
        %rem3A_43 = arith.remsi %reduce_max3A_23, %rem3A : i32
        %sub3A = arith.subi %reduce_max3A_23, %rem3A_43 : i32
        %multiple_of3A = tpu.assume_multiple %sub3A, 16 : i32
        %sub3A_44 = arith.subi %reduce_max3A_35, %multiple_of3A : i32
        %add3A_45 = arith.constant 1023 : i32
        %add3A_46 = arith.addi %sub3A_44, %add3A_45 : i32
        %div3A = arith.constant 1024 : i32
        %div3A_47 = arith.divsi %add3A_46, %div3A : i32
        %broadcast_in_dim3A_48 = vector.broadcast %reduce_max3A_23 : i32 to vector<16xi32>
        %broadcast_in_dim3A_49 = vector.broadcast %reduce_max3A_35 : i32 to vector<16xi32>
        %broadcast_in_dim3A_50 = vector.broadcast %mul3A_16 : i32 to vector<16xi32>
        %add3A_51 = arith.constant 0 : i32
        %add3A_52 = arith.addi %multiple_of3A, %add3A_51 : i32
        %multiple_of3A_53 = tpu.assume_multiple %add3A_52, 16 : i32
        %min3A = arith.constant 1598976 : i32
        %min3A_54 = arith.minsi %multiple_of3A_53, %min3A : i32
        %multiple_of3A_55 = tpu.assume_multiple %min3A_54, 16 : i32
        %dma_start3A = tpu.memref_slice %arg3[%multiple_of3A_55] : memref<1600000xi32, #tpu.memory_space<hbm>> -> memref<1024xi32, #tpu.memory_space<hbm>>
        %dma_start3A_56 = tpu.memref_slice %arg3[%multiple_of3A_55] : memref<1600000xi32, #tpu.memory_space<hbm>> -> memref<1024xi32, #tpu.memory_space<hbm>>
        tpu.enqueue_dma source(%dma_start3A_56 : memref<1024xi32, #tpu.memory_space<hbm>>) target(%arg9 : memref<1024xi32, #tpu.memory_space<vmem>>) target_semaphore(%arg18 : memref<!tpu.dma_semaphore, #tpu.memory_space<semaphore_mem>>)
        %dma_start3A_57 = tpu.memref_slice %arg4[%multiple_of3A_55] : memref<1600000xi32, #tpu.memory_space<hbm>> -> memref<1024xi32, #tpu.memory_space<hbm>>
        %dma_start3A_58 = tpu.memref_slice %arg4[%multiple_of3A_55] : memref<1600000xi32, #tpu.memory_space<hbm>> -> memref<1024xi32, #tpu.memory_space<hbm>>
        tpu.enqueue_dma source(%dma_start3A_58 : memref<1024xi32, #tpu.memory_space<hbm>>) target(%arg10 : memref<1024xi32, #tpu.memory_space<vmem>>) target_semaphore(%arg19 : memref<!tpu.dma_semaphore, #tpu.memory_space<semaphore_mem>>)
        %dma_start3A_59 = tpu.memref_slice %arg5[%multiple_of3A_55] : memref<1600000xf32, #tpu.memory_space<hbm>> -> memref<1024xf32, #tpu.memory_space<hbm>>
        %dma_start3A_60 = tpu.memref_slice %arg5[%multiple_of3A_55] : memref<1600000xf32, #tpu.memory_space<hbm>> -> memref<1024xf32, #tpu.memory_space<hbm>>
        tpu.enqueue_dma source(%dma_start3A_60 : memref<1024xf32, #tpu.memory_space<hbm>>) target(%arg11 : memref<1024xf32, #tpu.memory_space<vmem>>) target_semaphore(%arg19 : memref<!tpu.dma_semaphore, #tpu.memory_space<semaphore_mem>>)
        %dma_wait3A = arith.constant 0 : i32
        %dma_wait3A_61 = tpu.memref_slice %arg3[%dma_wait3A] : memref<1600000xi32, #tpu.memory_space<hbm>> -> memref<1024xi32, #tpu.memory_space<hbm>>
        %dma_wait3A_62 = arith.constant 0 : i32
        %dma_wait3A_63 = tpu.memref_slice %arg3[%dma_wait3A_62] : memref<1600000xi32, #tpu.memory_space<hbm>> -> memref<1024xi32, #tpu.memory_space<hbm>>
        tpu.wait_dma2 semaphore(%arg18 : memref<!tpu.dma_semaphore, #tpu.memory_space<semaphore_mem>>) src(%dma_wait3A_63 : memref<1024xi32, #tpu.memory_space<hbm>>) dst(%arg9 : memref<1024xi32, #tpu.memory_space<vmem>>)
        %dma_start3A_64 = arith.constant 0 : i32
        %dma_start3A_65 = arith.constant 0 : i32
        %dma_start3A_66 = tpu.memref_slice %arg12[%dma_start3A_64, %dma_start3A_65] : memref<1024x32xf32, #tpu.memory_space<vmem>> -> memref<128x32xf32, #tpu.memory_space<vmem>>
        %dma_start3A_67 = arith.constant 0 : i32
        %dma_start3A_68 = tpu.memref_slice %arg9[%dma_start3A_67] : memref<1024xi32, #tpu.memory_space<vmem>> -> memref<128xi32, #tpu.memory_space<vmem>>
        %dma_start3A_69 = arith.constant 0 : i32
        %dma_start3A_70 = arith.constant 0 : i32
        %dma_start3A_71 = tpu.memref_slice %arg2[%dma_start3A_69, %dma_start3A_70] : memref<100000x32xf32, #tpu.memory_space<hbm>> -> memref<100000x32xf32, #tpu.memory_space<hbm>>
        tpu.enqueue_indirect_dma source(%dma_start3A_71 : memref<100000x32xf32, #tpu.memory_space<hbm>>) target(%dma_start3A_66 : memref<128x32xf32, #tpu.memory_space<vmem>>) offsets(%dma_start3A_68 : memref<128xi32, #tpu.memory_space<vmem>>) semaphore(%arg20 : memref<!tpu.dma_semaphore, #tpu.memory_space<semaphore_mem>>)
        %dma_start3A_72 = arith.constant 128 : i32
        %dma_start3A_73 = arith.constant 0 : i32
        %dma_start3A_74 = tpu.memref_slice %arg12[%dma_start3A_72, %dma_start3A_73] : memref<1024x32xf32, #tpu.memory_space<vmem>> -> memref<128x32xf32, #tpu.memory_space<vmem>>
        %dma_start3A_75 = arith.constant 128 : i32
        %dma_start3A_76 = tpu.memref_slice %arg9[%dma_start3A_75] : memref<1024xi32, #tpu.memory_space<vmem>> -> memref<128xi32, #tpu.memory_space<vmem>>
        %dma_start3A_77 = arith.constant 0 : i32
        %dma_start3A_78 = arith.constant 0 : i32
        %dma_start3A_79 = tpu.memref_slice %arg2[%dma_start3A_77, %dma_start3A_78] : memref<100000x32xf32, #tpu.memory_space<hbm>> -> memref<100000x32xf32, #tpu.memory_space<hbm>>
        tpu.enqueue_indirect_dma source(%dma_start3A_79 : memref<100000x32xf32, #tpu.memory_space<hbm>>) target(%dma_start3A_74 : memref<128x32xf32, #tpu.memory_space<vmem>>) offsets(%dma_start3A_76 : memref<128xi32, #tpu.memory_space<vmem>>) semaphore(%arg20 : memref<!tpu.dma_semaphore, #tpu.memory_space<semaphore_mem>>)
        %dma_start3A_80 = arith.constant 256 : i32
        %dma_start3A_81 = arith.constant 0 : i32
        %dma_start3A_82 = tpu.memref_slice %arg12[%dma_start3A_80, %dma_start3A_81] : memref<1024x32xf32, #tpu.memory_space<vmem>> -> memref<128x32xf32, #tpu.memory_space<vmem>>
        %dma_start3A_83 = arith.constant 256 : i32
        %dma_start3A_84 = tpu.memref_slice %arg9[%dma_start3A_83] : memref<1024xi32, #tpu.memory_space<vmem>> -> memref<128xi32, #tpu.memory_space<vmem>>
        %dma_start3A_85 = arith.constant 0 : i32
        %dma_start3A_86 = arith.constant 0 : i32
        %dma_start3A_87 = tpu.memref_slice %arg2[%dma_start3A_85, %dma_start3A_86] : memref<100000x32xf32, #tpu.memory_space<hbm>> -> memref<100000x32xf32, #tpu.memory_space<hbm>>
        tpu.enqueue_indirect_dma source(%dma_start3A_87 : memref<100000x32xf32, #tpu.memory_space<hbm>>) target(%dma_start3A_82 : memref<128x32xf32, #tpu.memory_space<vmem>>) offsets(%dma_start3A_84 : memref<128xi32, #tpu.memory_space<vmem>>) semaphore(%arg20 : memref<!tpu.dma_semaphore, #tpu.memory_space<semaphore_mem>>)
        %dma_start3A_88 = arith.constant 384 : i32
        %dma_start3A_89 = arith.constant 0 : i32
        %dma_start3A_90 = tpu.memref_slice %arg12[%dma_start3A_88, %dma_start3A_89] : memref<1024x32xf32, #tpu.memory_space<vmem>> -> memref<128x32xf32, #tpu.memory_space<vmem>>
        %dma_start3A_91 = arith.constant 384 : i32
        %dma_start3A_92 = tpu.memref_slice %arg9[%dma_start3A_91] : memref<1024xi32, #tpu.memory_space<vmem>> -> memref<128xi32, #tpu.memory_space<vmem>>
        %dma_start3A_93 = arith.constant 0 : i32
        %dma_start3A_94 = arith.constant 0 : i32
        %dma_start3A_95 = tpu.memref_slice %arg2[%dma_start3A_93, %dma_start3A_94] : memref<100000x32xf32, #tpu.memory_space<hbm>> -> memref<100000x32xf32, #tpu.memory_space<hbm>>
        tpu.enqueue_indirect_dma source(%dma_start3A_95 : memref<100000x32xf32, #tpu.memory_space<hbm>>) target(%dma_start3A_90 : memref<128x32xf32, #tpu.memory_space<vmem>>) offsets(%dma_start3A_92 : memref<128xi32, #tpu.memory_space<vmem>>) semaphore(%arg20 : memref<!tpu.dma_semaphore, #tpu.memory_space<semaphore_mem>>)
        %dma_start3A_96 = arith.constant 512 : i32
        %dma_start3A_97 = arith.constant 0 : i32
        %dma_start3A_98 = tpu.memref_slice %arg12[%dma_start3A_96, %dma_start3A_97] : memref<1024x32xf32, #tpu.memory_space<vmem>> -> memref<128x32xf32, #tpu.memory_space<vmem>>
        %dma_start3A_99 = arith.constant 512 : i32
        %dma_start3A_100 = tpu.memref_slice %arg9[%dma_start3A_99] : memref<1024xi32, #tpu.memory_space<vmem>> -> memref<128xi32, #tpu.memory_space<vmem>>
        %dma_start3A_101 = arith.constant 0 : i32
        %dma_start3A_102 = arith.constant 0 : i32
        %dma_start3A_103 = tpu.memref_slice %arg2[%dma_start3A_101, %dma_start3A_102] : memref<100000x32xf32, #tpu.memory_space<hbm>> -> memref<100000x32xf32, #tpu.memory_space<hbm>>
        tpu.enqueue_indirect_dma source(%dma_start3A_103 : memref<100000x32xf32, #tpu.memory_space<hbm>>) target(%dma_start3A_98 : memref<128x32xf32, #tpu.memory_space<vmem>>) offsets(%dma_start3A_100 : memref<128xi32, #tpu.memory_space<vmem>>) semaphore(%arg20 : memref<!tpu.dma_semaphore, #tpu.memory_space<semaphore_mem>>)
        %dma_start3A_104 = arith.constant 640 : i32
        %dma_start3A_105 = arith.constant 0 : i32
        %dma_start3A_106 = tpu.memref_slice %arg12[%dma_start3A_104, %dma_start3A_105] : memref<1024x32xf32, #tpu.memory_space<vmem>> -> memref<128x32xf32, #tpu.memory_space<vmem>>
        %dma_start3A_107 = arith.constant 640 : i32
        %dma_start3A_108 = tpu.memref_slice %arg9[%dma_start3A_107] : memref<1024xi32, #tpu.memory_space<vmem>> -> memref<128xi32, #tpu.memory_space<vmem>>
        %dma_start3A_109 = arith.constant 0 : i32
        %dma_start3A_110 = arith.constant 0 : i32
        %dma_start3A_111 = tpu.memref_slice %arg2[%dma_start3A_109, %dma_start3A_110] : memref<100000x32xf32, #tpu.memory_space<hbm>> -> memref<100000x32xf32, #tpu.memory_space<hbm>>
        tpu.enqueue_indirect_dma source(%dma_start3A_111 : memref<100000x32xf32, #tpu.memory_space<hbm>>) target(%dma_start3A_106 : memref<128x32xf32, #tpu.memory_space<vmem>>) offsets(%dma_start3A_108 : memref<128xi32, #tpu.memory_space<vmem>>) semaphore(%arg20 : memref<!tpu.dma_semaphore, #tpu.memory_space<semaphore_mem>>)
        %dma_start3A_112 = arith.constant 768 : i32
        %dma_start3A_113 = arith.constant 0 : i32
        %dma_start3A_114 = tpu.memref_slice %arg12[%dma_start3A_112, %dma_start3A_113] : memref<1024x32xf32, #tpu.memory_space<vmem>> -> memref<128x32xf32, #tpu.memory_space<vmem>>
        %dma_start3A_115 = arith.constant 768 : i32
        %dma_start3A_116 = tpu.memref_slice %arg9[%dma_start3A_115] : memref<1024xi32, #tpu.memory_space<vmem>> -> memref<128xi32, #tpu.memory_space<vmem>>
        %dma_start3A_117 = arith.constant 0 : i32
        %dma_start3A_118 = arith.constant 0 : i32
        %dma_start3A_119 = tpu.memref_slice %arg2[%dma_start3A_117, %dma_start3A_118] : memref<100000x32xf32, #tpu.memory_space<hbm>> -> memref<100000x32xf32, #tpu.memory_space<hbm>>
        tpu.enqueue_indirect_dma source(%dma_start3A_119 : memref<100000x32xf32, #tpu.memory_space<hbm>>) target(%dma_start3A_114 : memref<128x32xf32, #tpu.memory_space<vmem>>) offsets(%dma_start3A_116 : memref<128xi32, #tpu.memory_space<vmem>>) semaphore(%arg20 : memref<!tpu.dma_semaphore, #tpu.memory_space<semaphore_mem>>)
        %dma_start3A_120 = arith.constant 896 : i32
        %dma_start3A_121 = arith.constant 0 : i32
        %dma_start3A_122 = tpu.memref_slice %arg12[%dma_start3A_120, %dma_start3A_121] : memref<1024x32xf32, #tpu.memory_space<vmem>> -> memref<128x32xf32, #tpu.memory_space<vmem>>
        %dma_start3A_123 = arith.constant 896 : i32
        %dma_start3A_124 = tpu.memref_slice %arg9[%dma_start3A_123] : memref<1024xi32, #tpu.memory_space<vmem>> -> memref<128xi32, #tpu.memory_space<vmem>>
        %dma_start3A_125 = arith.constant 0 : i32
        %dma_start3A_126 = arith.constant 0 : i32
        %dma_start3A_127 = tpu.memref_slice %arg2[%dma_start3A_125, %dma_start3A_126] : memref<100000x32xf32, #tpu.memory_space<hbm>> -> memref<100000x32xf32, #tpu.memory_space<hbm>>
        tpu.enqueue_indirect_dma source(%dma_start3A_127 : memref<100000x32xf32, #tpu.memory_space<hbm>>) target(%dma_start3A_122 : memref<128x32xf32, #tpu.memory_space<vmem>>) offsets(%dma_start3A_124 : memref<128xi32, #tpu.memory_space<vmem>>) semaphore(%arg20 : memref<!tpu.dma_semaphore, #tpu.memory_space<semaphore_mem>>)
        %gt3A = arith.constant 1 : i32
        %gt3A_128 = arith.cmpi sgt, %div3A_47, %gt3A : i32
        %convert_element_type3A_129 = arith.extui %gt3A_128 : i1 to i32
        %cond3A_130 = arith.constant 0 : i32
        %cond3A_131 = arith.cmpi ne, %convert_element_type3A_129, %cond3A_130 : i32
        scf.if %cond3A_131 {
          %add3A_913 = arith.constant 1024 : i32
          %add3A_914 = arith.addi %multiple_of3A, %add3A_913 : i32
          %multiple_of3A_915 = tpu.assume_multiple %add3A_914, 16 : i32
          %min3A_916 = arith.constant 1598976 : i32
          %min3A_917 = arith.minsi %multiple_of3A_915, %min3A_916 : i32
          %multiple_of3A_918 = tpu.assume_multiple %min3A_917, 16 : i32
          %dma_start3A_919 = tpu.memref_slice %arg3[%multiple_of3A_918] : memref<1600000xi32, #tpu.memory_space<hbm>> -> memref<1024xi32, #tpu.memory_space<hbm>>
          %dma_start3A_920 = tpu.memref_slice %arg3[%multiple_of3A_918] : memref<1600000xi32, #tpu.memory_space<hbm>> -> memref<1024xi32, #tpu.memory_space<hbm>>
          tpu.enqueue_dma source(%dma_start3A_920 : memref<1024xi32, #tpu.memory_space<hbm>>) target(%arg13 : memref<1024xi32, #tpu.memory_space<vmem>>) target_semaphore(%arg21 : memref<!tpu.dma_semaphore, #tpu.memory_space<semaphore_mem>>)
          %dma_start3A_921 = tpu.memref_slice %arg4[%multiple_of3A_918] : memref<1600000xi32, #tpu.memory_space<hbm>> -> memref<1024xi32, #tpu.memory_space<hbm>>
          %dma_start3A_922 = tpu.memref_slice %arg4[%multiple_of3A_918] : memref<1600000xi32, #tpu.memory_space<hbm>> -> memref<1024xi32, #tpu.memory_space<hbm>>
          tpu.enqueue_dma source(%dma_start3A_922 : memref<1024xi32, #tpu.memory_space<hbm>>) target(%arg14 : memref<1024xi32, #tpu.memory_space<vmem>>) target_semaphore(%arg22 : memref<!tpu.dma_semaphore, #tpu.memory_space<semaphore_mem>>)
          %dma_start3A_923 = tpu.memref_slice %arg5[%multiple_of3A_918] : memref<1600000xf32, #tpu.memory_space<hbm>> -> memref<1024xf32, #tpu.memory_space<hbm>>
          %dma_start3A_924 = tpu.memref_slice %arg5[%multiple_of3A_918] : memref<1600000xf32, #tpu.memory_space<hbm>> -> memref<1024xf32, #tpu.memory_space<hbm>>
          tpu.enqueue_dma source(%dma_start3A_924 : memref<1024xf32, #tpu.memory_space<hbm>>) target(%arg15 : memref<1024xf32, #tpu.memory_space<vmem>>) target_semaphore(%arg22 : memref<!tpu.dma_semaphore, #tpu.memory_space<semaphore_mem>>)
        } else {
        }
        %add3A_132 = arith.constant 1 : i32
        %add3A_133 = arith.addi %div3A_47, %add3A_132 : i32
        %div3A_134 = arith.constant 2 : i32
        %div3A_135 = arith.divsi %add3A_133, %div3A_134 : i32
        %while3A = arith.constant 0 : i32
        %while3A_136 = arith.constant 0 : i32
        %while3A_137 = arith.subi %div3A_135, %while3A_136 : i32
        %while3A_138 = arith.addi %while3A_136, %while3A_137 : i32
        %while3A_139 = arith.constant 1 : i32
        %while3A_140 = arith.divsi %while3A_137, %while3A_139 : i32
        %while3A_141 = arith.muli %while3A_140, %while3A_139 : i32
        %while3A_142 = arith.addi %while3A_136, %while3A_141 : i32
        %while3A_143 = arith.constant 1 : i32
        scf.for %while3A_913 = %while3A_136 to %while3A_142 step %while3A_143  : i32 {
          %mul3A_914 = arith.constant 2 : i32
          %mul3A_915 = arith.muli %mul3A_914, %while3A_913 : i32
          %add3A_916 = arith.constant 1 : i32
          %add3A_917 = arith.addi %mul3A_915, %add3A_916 : i32
          %dma_wait3A_918 = arith.constant 0 : i32
          %dma_wait3A_919 = tpu.memref_slice %arg4[%dma_wait3A_918] : memref<1600000xi32, #tpu.memory_space<hbm>> -> memref<1024xi32, #tpu.memory_space<hbm>>
          %dma_wait3A_920 = arith.constant 0 : i32
          %dma_wait3A_921 = tpu.memref_slice %arg4[%dma_wait3A_920] : memref<1600000xi32, #tpu.memory_space<hbm>> -> memref<1024xi32, #tpu.memory_space<hbm>>
          tpu.wait_dma2 semaphore(%arg19 : memref<!tpu.dma_semaphore, #tpu.memory_space<semaphore_mem>>) src(%dma_wait3A_921 : memref<1024xi32, #tpu.memory_space<hbm>>) dst(%arg10 : memref<1024xi32, #tpu.memory_space<vmem>>)
          %dma_wait3A_922 = arith.constant 0 : i32
          %dma_wait3A_923 = tpu.memref_slice %arg5[%dma_wait3A_922] : memref<1600000xf32, #tpu.memory_space<hbm>> -> memref<1024xf32, #tpu.memory_space<hbm>>
          %dma_wait3A_924 = arith.constant 0 : i32
          %dma_wait3A_925 = tpu.memref_slice %arg5[%dma_wait3A_924] : memref<1600000xf32, #tpu.memory_space<hbm>> -> memref<1024xf32, #tpu.memory_space<hbm>>
          tpu.wait_dma2 semaphore(%arg19 : memref<!tpu.dma_semaphore, #tpu.memory_space<semaphore_mem>>) src(%dma_wait3A_925 : memref<1024xf32, #tpu.memory_space<hbm>>) dst(%arg11 : memref<1024xf32, #tpu.memory_space<vmem>>)
          %dma_wait3A_926 = arith.constant 0 : i32
          %dma_wait3A_927 = arith.constant 0 : i32
          %dma_wait3A_928 = tpu.memref_slice %arg12[%dma_wait3A_926, %dma_wait3A_927] : memref<1024x32xf32, #tpu.memory_space<vmem>> -> memref<128x32xf32, #tpu.memory_space<vmem>>
          %dma_wait3A_929 = arith.constant 0 : i32
          %dma_wait3A_930 = tpu.memref_slice %arg9[%dma_wait3A_929] : memref<1024xi32, #tpu.memory_space<vmem>> -> memref<128xi32, #tpu.memory_space<vmem>>
          %dma_wait3A_931 = arith.constant 0 : i32
          %dma_wait3A_932 = arith.constant 0 : i32
          %dma_wait3A_933 = tpu.memref_slice %arg2[%dma_wait3A_931, %dma_wait3A_932] : memref<100000x32xf32, #tpu.memory_space<hbm>> -> memref<100000x32xf32, #tpu.memory_space<hbm>>
          tpu.wait_indirect_dma semaphore(%arg20 : memref<!tpu.dma_semaphore, #tpu.memory_space<semaphore_mem>>) src(%dma_wait3A_933 : memref<100000x32xf32, #tpu.memory_space<hbm>>) dst(%dma_wait3A_928 : memref<128x32xf32, #tpu.memory_space<vmem>>)
          %dma_wait3A_934 = arith.constant 128 : i32
          %dma_wait3A_935 = arith.constant 0 : i32
          %dma_wait3A_936 = tpu.memref_slice %arg12[%dma_wait3A_934, %dma_wait3A_935] : memref<1024x32xf32, #tpu.memory_space<vmem>> -> memref<128x32xf32, #tpu.memory_space<vmem>>
          %dma_wait3A_937 = arith.constant 128 : i32
          %dma_wait3A_938 = tpu.memref_slice %arg9[%dma_wait3A_937] : memref<1024xi32, #tpu.memory_space<vmem>> -> memref<128xi32, #tpu.memory_space<vmem>>
          %dma_wait3A_939 = arith.constant 0 : i32
          %dma_wait3A_940 = arith.constant 0 : i32
          %dma_wait3A_941 = tpu.memref_slice %arg2[%dma_wait3A_939, %dma_wait3A_940] : memref<100000x32xf32, #tpu.memory_space<hbm>> -> memref<100000x32xf32, #tpu.memory_space<hbm>>
          tpu.wait_indirect_dma semaphore(%arg20 : memref<!tpu.dma_semaphore, #tpu.memory_space<semaphore_mem>>) src(%dma_wait3A_941 : memref<100000x32xf32, #tpu.memory_space<hbm>>) dst(%dma_wait3A_936 : memref<128x32xf32, #tpu.memory_space<vmem>>)
          %dma_wait3A_942 = arith.constant 256 : i32
          %dma_wait3A_943 = arith.constant 0 : i32
          %dma_wait3A_944 = tpu.memref_slice %arg12[%dma_wait3A_942, %dma_wait3A_943] : memref<1024x32xf32, #tpu.memory_space<vmem>> -> memref<128x32xf32, #tpu.memory_space<vmem>>
          %dma_wait3A_945 = arith.constant 256 : i32
          %dma_wait3A_946 = tpu.memref_slice %arg9[%dma_wait3A_945] : memref<1024xi32, #tpu.memory_space<vmem>> -> memref<128xi32, #tpu.memory_space<vmem>>
          %dma_wait3A_947 = arith.constant 0 : i32
          %dma_wait3A_948 = arith.constant 0 : i32
          %dma_wait3A_949 = tpu.memref_slice %arg2[%dma_wait3A_947, %dma_wait3A_948] : memref<100000x32xf32, #tpu.memory_space<hbm>> -> memref<100000x32xf32, #tpu.memory_space<hbm>>
          tpu.wait_indirect_dma semaphore(%arg20 : memref<!tpu.dma_semaphore, #tpu.memory_space<semaphore_mem>>) src(%dma_wait3A_949 : memref<100000x32xf32, #tpu.memory_space<hbm>>) dst(%dma_wait3A_944 : memref<128x32xf32, #tpu.memory_space<vmem>>)
          %dma_wait3A_950 = arith.constant 384 : i32
          %dma_wait3A_951 = arith.constant 0 : i32
          %dma_wait3A_952 = tpu.memref_slice %arg12[%dma_wait3A_950, %dma_wait3A_951] : memref<1024x32xf32, #tpu.memory_space<vmem>> -> memref<128x32xf32, #tpu.memory_space<vmem>>
          %dma_wait3A_953 = arith.constant 384 : i32
          %dma_wait3A_954 = tpu.memref_slice %arg9[%dma_wait3A_953] : memref<1024xi32, #tpu.memory_space<vmem>> -> memref<128xi32, #tpu.memory_space<vmem>>
          %dma_wait3A_955 = arith.constant 0 : i32
          %dma_wait3A_956 = arith.constant 0 : i32
          %dma_wait3A_957 = tpu.memref_slice %arg2[%dma_wait3A_955, %dma_wait3A_956] : memref<100000x32xf32, #tpu.memory_space<hbm>> -> memref<100000x32xf32, #tpu.memory_space<hbm>>
          tpu.wait_indirect_dma semaphore(%arg20 : memref<!tpu.dma_semaphore, #tpu.memory_space<semaphore_mem>>) src(%dma_wait3A_957 : memref<100000x32xf32, #tpu.memory_space<hbm>>) dst(%dma_wait3A_952 : memref<128x32xf32, #tpu.memory_space<vmem>>)
          %dma_wait3A_958 = arith.constant 512 : i32
          %dma_wait3A_959 = arith.constant 0 : i32
          %dma_wait3A_960 = tpu.memref_slice %arg12[%dma_wait3A_958, %dma_wait3A_959] : memref<1024x32xf32, #tpu.memory_space<vmem>> -> memref<128x32xf32, #tpu.memory_space<vmem>>
          %dma_wait3A_961 = arith.constant 512 : i32
          %dma_wait3A_962 = tpu.memref_slice %arg9[%dma_wait3A_961] : memref<1024xi32, #tpu.memory_space<vmem>> -> memref<128xi32, #tpu.memory_space<vmem>>
          %dma_wait3A_963 = arith.constant 0 : i32
          %dma_wait3A_964 = arith.constant 0 : i32
          %dma_wait3A_965 = tpu.memref_slice %arg2[%dma_wait3A_963, %dma_wait3A_964] : memref<100000x32xf32, #tpu.memory_space<hbm>> -> memref<100000x32xf32, #tpu.memory_space<hbm>>
          tpu.wait_indirect_dma semaphore(%arg20 : memref<!tpu.dma_semaphore, #tpu.memory_space<semaphore_mem>>) src(%dma_wait3A_965 : memref<100000x32xf32, #tpu.memory_space<hbm>>) dst(%dma_wait3A_960 : memref<128x32xf32, #tpu.memory_space<vmem>>)
          %dma_wait3A_966 = arith.constant 640 : i32
          %dma_wait3A_967 = arith.constant 0 : i32
          %dma_wait3A_968 = tpu.memref_slice %arg12[%dma_wait3A_966, %dma_wait3A_967] : memref<1024x32xf32, #tpu.memory_space<vmem>> -> memref<128x32xf32, #tpu.memory_space<vmem>>
          %dma_wait3A_969 = arith.constant 640 : i32
          %dma_wait3A_970 = tpu.memref_slice %arg9[%dma_wait3A_969] : memref<1024xi32, #tpu.memory_space<vmem>> -> memref<128xi32, #tpu.memory_space<vmem>>
          %dma_wait3A_971 = arith.constant 0 : i32
          %dma_wait3A_972 = arith.constant 0 : i32
          %dma_wait3A_973 = tpu.memref_slice %arg2[%dma_wait3A_971, %dma_wait3A_972] : memref<100000x32xf32, #tpu.memory_space<hbm>> -> memref<100000x32xf32, #tpu.memory_space<hbm>>
          tpu.wait_indirect_dma semaphore(%arg20 : memref<!tpu.dma_semaphore, #tpu.memory_space<semaphore_mem>>) src(%dma_wait3A_973 : memref<100000x32xf32, #tpu.memory_space<hbm>>) dst(%dma_wait3A_968 : memref<128x32xf32, #tpu.memory_space<vmem>>)
          %dma_wait3A_974 = arith.constant 768 : i32
          %dma_wait3A_975 = arith.constant 0 : i32
          %dma_wait3A_976 = tpu.memref_slice %arg12[%dma_wait3A_974, %dma_wait3A_975] : memref<1024x32xf32, #tpu.memory_space<vmem>> -> memref<128x32xf32, #tpu.memory_space<vmem>>
          %dma_wait3A_977 = arith.constant 768 : i32
          %dma_wait3A_978 = tpu.memref_slice %arg9[%dma_wait3A_977] : memref<1024xi32, #tpu.memory_space<vmem>> -> memref<128xi32, #tpu.memory_space<vmem>>
          %dma_wait3A_979 = arith.constant 0 : i32
          %dma_wait3A_980 = arith.constant 0 : i32
          %dma_wait3A_981 = tpu.memref_slice %arg2[%dma_wait3A_979, %dma_wait3A_980] : memref<100000x32xf32, #tpu.memory_space<hbm>> -> memref<100000x32xf32, #tpu.memory_space<hbm>>
          tpu.wait_indirect_dma semaphore(%arg20 : memref<!tpu.dma_semaphore, #tpu.memory_space<semaphore_mem>>) src(%dma_wait3A_981 : memref<100000x32xf32, #tpu.memory_space<hbm>>) dst(%dma_wait3A_976 : memref<128x32xf32, #tpu.memory_space<vmem>>)
          %dma_wait3A_982 = arith.constant 896 : i32
          %dma_wait3A_983 = arith.constant 0 : i32
          %dma_wait3A_984 = tpu.memref_slice %arg12[%dma_wait3A_982, %dma_wait3A_983] : memref<1024x32xf32, #tpu.memory_space<vmem>> -> memref<128x32xf32, #tpu.memory_space<vmem>>
          %dma_wait3A_985 = arith.constant 896 : i32
          %dma_wait3A_986 = tpu.memref_slice %arg9[%dma_wait3A_985] : memref<1024xi32, #tpu.memory_space<vmem>> -> memref<128xi32, #tpu.memory_space<vmem>>
          %dma_wait3A_987 = arith.constant 0 : i32
          %dma_wait3A_988 = arith.constant 0 : i32
          %dma_wait3A_989 = tpu.memref_slice %arg2[%dma_wait3A_987, %dma_wait3A_988] : memref<100000x32xf32, #tpu.memory_space<hbm>> -> memref<100000x32xf32, #tpu.memory_space<hbm>>
          tpu.wait_indirect_dma semaphore(%arg20 : memref<!tpu.dma_semaphore, #tpu.memory_space<semaphore_mem>>) src(%dma_wait3A_989 : memref<100000x32xf32, #tpu.memory_space<hbm>>) dst(%dma_wait3A_984 : memref<128x32xf32, #tpu.memory_space<vmem>>)
          %lt3A_990 = arith.cmpi slt, %add3A_917, %div3A_47 : i32
          %convert_element_type3A_991 = arith.extui %lt3A_990 : i1 to i32
          %cond3A_992 = arith.constant 0 : i32
          %cond3A_993 = arith.cmpi ne, %convert_element_type3A_991, %cond3A_992 : i32
          scf.if %cond3A_993 {
            %dma_wait3A_1017 = arith.constant 0 : i32
            %dma_wait3A_1018 = tpu.memref_slice %arg3[%dma_wait3A_1017] : memref<1600000xi32, #tpu.memory_space<hbm>> -> memref<1024xi32, #tpu.memory_space<hbm>>
            %dma_wait3A_1019 = arith.constant 0 : i32
            %dma_wait3A_1020 = tpu.memref_slice %arg3[%dma_wait3A_1019] : memref<1600000xi32, #tpu.memory_space<hbm>> -> memref<1024xi32, #tpu.memory_space<hbm>>
            tpu.wait_dma2 semaphore(%arg21 : memref<!tpu.dma_semaphore, #tpu.memory_space<semaphore_mem>>) src(%dma_wait3A_1020 : memref<1024xi32, #tpu.memory_space<hbm>>) dst(%arg13 : memref<1024xi32, #tpu.memory_space<vmem>>)
            %dma_start3A_1021 = arith.constant 0 : i32
            %dma_start3A_1022 = arith.constant 0 : i32
            %dma_start3A_1023 = tpu.memref_slice %arg16[%dma_start3A_1021, %dma_start3A_1022] : memref<1024x32xf32, #tpu.memory_space<vmem>> -> memref<128x32xf32, #tpu.memory_space<vmem>>
            %dma_start3A_1024 = arith.constant 0 : i32
            %dma_start3A_1025 = tpu.memref_slice %arg13[%dma_start3A_1024] : memref<1024xi32, #tpu.memory_space<vmem>> -> memref<128xi32, #tpu.memory_space<vmem>>
            %dma_start3A_1026 = arith.constant 0 : i32
            %dma_start3A_1027 = arith.constant 0 : i32
            %dma_start3A_1028 = tpu.memref_slice %arg2[%dma_start3A_1026, %dma_start3A_1027] : memref<100000x32xf32, #tpu.memory_space<hbm>> -> memref<100000x32xf32, #tpu.memory_space<hbm>>
            tpu.enqueue_indirect_dma source(%dma_start3A_1028 : memref<100000x32xf32, #tpu.memory_space<hbm>>) target(%dma_start3A_1023 : memref<128x32xf32, #tpu.memory_space<vmem>>) offsets(%dma_start3A_1025 : memref<128xi32, #tpu.memory_space<vmem>>) semaphore(%arg23 : memref<!tpu.dma_semaphore, #tpu.memory_space<semaphore_mem>>)
            %dma_start3A_1029 = arith.constant 128 : i32
            %dma_start3A_1030 = arith.constant 0 : i32
            %dma_start3A_1031 = tpu.memref_slice %arg16[%dma_start3A_1029, %dma_start3A_1030] : memref<1024x32xf32, #tpu.memory_space<vmem>> -> memref<128x32xf32, #tpu.memory_space<vmem>>
            %dma_start3A_1032 = arith.constant 128 : i32
            %dma_start3A_1033 = tpu.memref_slice %arg13[%dma_start3A_1032] : memref<1024xi32, #tpu.memory_space<vmem>> -> memref<128xi32, #tpu.memory_space<vmem>>
            %dma_start3A_1034 = arith.constant 0 : i32
            %dma_start3A_1035 = arith.constant 0 : i32
            %dma_start3A_1036 = tpu.memref_slice %arg2[%dma_start3A_1034, %dma_start3A_1035] : memref<100000x32xf32, #tpu.memory_space<hbm>> -> memref<100000x32xf32, #tpu.memory_space<hbm>>
            tpu.enqueue_indirect_dma source(%dma_start3A_1036 : memref<100000x32xf32, #tpu.memory_space<hbm>>) target(%dma_start3A_1031 : memref<128x32xf32, #tpu.memory_space<vmem>>) offsets(%dma_start3A_1033 : memref<128xi32, #tpu.memory_space<vmem>>) semaphore(%arg23 : memref<!tpu.dma_semaphore, #tpu.memory_space<semaphore_mem>>)
            %dma_start3A_1037 = arith.constant 256 : i32
            %dma_start3A_1038 = arith.constant 0 : i32
            %dma_start3A_1039 = tpu.memref_slice %arg16[%dma_start3A_1037, %dma_start3A_1038] : memref<1024x32xf32, #tpu.memory_space<vmem>> -> memref<128x32xf32, #tpu.memory_space<vmem>>
            %dma_start3A_1040 = arith.constant 256 : i32
            %dma_start3A_1041 = tpu.memref_slice %arg13[%dma_start3A_1040] : memref<1024xi32, #tpu.memory_space<vmem>> -> memref<128xi32, #tpu.memory_space<vmem>>
            %dma_start3A_1042 = arith.constant 0 : i32
            %dma_start3A_1043 = arith.constant 0 : i32
            %dma_start3A_1044 = tpu.memref_slice %arg2[%dma_start3A_1042, %dma_start3A_1043] : memref<100000x32xf32, #tpu.memory_space<hbm>> -> memref<100000x32xf32, #tpu.memory_space<hbm>>
            tpu.enqueue_indirect_dma source(%dma_start3A_1044 : memref<100000x32xf32, #tpu.memory_space<hbm>>) target(%dma_start3A_1039 : memref<128x32xf32, #tpu.memory_space<vmem>>) offsets(%dma_start3A_1041 : memref<128xi32, #tpu.memory_space<vmem>>) semaphore(%arg23 : memref<!tpu.dma_semaphore, #tpu.memory_space<semaphore_mem>>)
            %dma_start3A_1045 = arith.constant 384 : i32
            %dma_start3A_1046 = arith.constant 0 : i32
            %dma_start3A_1047 = tpu.memref_slice %arg16[%dma_start3A_1045, %dma_start3A_1046] : memref<1024x32xf32, #tpu.memory_space<vmem>> -> memref<128x32xf32, #tpu.memory_space<vmem>>
            %dma_start3A_1048 = arith.constant 384 : i32
            %dma_start3A_1049 = tpu.memref_slice %arg13[%dma_start3A_1048] : memref<1024xi32, #tpu.memory_space<vmem>> -> memref<128xi32, #tpu.memory_space<vmem>>
            %dma_start3A_1050 = arith.constant 0 : i32
            %dma_start3A_1051 = arith.constant 0 : i32
            %dma_start3A_1052 = tpu.memref_slice %arg2[%dma_start3A_1050, %dma_start3A_1051] : memref<100000x32xf32, #tpu.memory_space<hbm>> -> memref<100000x32xf32, #tpu.memory_space<hbm>>
            tpu.enqueue_indirect_dma source(%dma_start3A_1052 : memref<100000x32xf32, #tpu.memory_space<hbm>>) target(%dma_start3A_1047 : memref<128x32xf32, #tpu.memory_space<vmem>>) offsets(%dma_start3A_1049 : memref<128xi32, #tpu.memory_space<vmem>>) semaphore(%arg23 : memref<!tpu.dma_semaphore, #tpu.memory_space<semaphore_mem>>)
            %dma_start3A_1053 = arith.constant 512 : i32
            %dma_start3A_1054 = arith.constant 0 : i32
            %dma_start3A_1055 = tpu.memref_slice %arg16[%dma_start3A_1053, %dma_start3A_1054] : memref<1024x32xf32, #tpu.memory_space<vmem>> -> memref<128x32xf32, #tpu.memory_space<vmem>>
            %dma_start3A_1056 = arith.constant 512 : i32
            %dma_start3A_1057 = tpu.memref_slice %arg13[%dma_start3A_1056] : memref<1024xi32, #tpu.memory_space<vmem>> -> memref<128xi32, #tpu.memory_space<vmem>>
            %dma_start3A_1058 = arith.constant 0 : i32
            %dma_start3A_1059 = arith.constant 0 : i32
            %dma_start3A_1060 = tpu.memref_slice %arg2[%dma_start3A_1058, %dma_start3A_1059] : memref<100000x32xf32, #tpu.memory_space<hbm>> -> memref<100000x32xf32, #tpu.memory_space<hbm>>
            tpu.enqueue_indirect_dma source(%dma_start3A_1060 : memref<100000x32xf32, #tpu.memory_space<hbm>>) target(%dma_start3A_1055 : memref<128x32xf32, #tpu.memory_space<vmem>>) offsets(%dma_start3A_1057 : memref<128xi32, #tpu.memory_space<vmem>>) semaphore(%arg23 : memref<!tpu.dma_semaphore, #tpu.memory_space<semaphore_mem>>)
            %dma_start3A_1061 = arith.constant 640 : i32
            %dma_start3A_1062 = arith.constant 0 : i32
            %dma_start3A_1063 = tpu.memref_slice %arg16[%dma_start3A_1061, %dma_start3A_1062] : memref<1024x32xf32, #tpu.memory_space<vmem>> -> memref<128x32xf32, #tpu.memory_space<vmem>>
            %dma_start3A_1064 = arith.constant 640 : i32
            %dma_start3A_1065 = tpu.memref_slice %arg13[%dma_start3A_1064] : memref<1024xi32, #tpu.memory_space<vmem>> -> memref<128xi32, #tpu.memory_space<vmem>>
            %dma_start3A_1066 = arith.constant 0 : i32
            %dma_start3A_1067 = arith.constant 0 : i32
            %dma_start3A_1068 = tpu.memref_slice %arg2[%dma_start3A_1066, %dma_start3A_1067] : memref<100000x32xf32, #tpu.memory_space<hbm>> -> memref<100000x32xf32, #tpu.memory_space<hbm>>
            tpu.enqueue_indirect_dma source(%dma_start3A_1068 : memref<100000x32xf32, #tpu.memory_space<hbm>>) target(%dma_start3A_1063 : memref<128x32xf32, #tpu.memory_space<vmem>>) offsets(%dma_start3A_1065 : memref<128xi32, #tpu.memory_space<vmem>>) semaphore(%arg23 : memref<!tpu.dma_semaphore, #tpu.memory_space<semaphore_mem>>)
            %dma_start3A_1069 = arith.constant 768 : i32
            %dma_start3A_1070 = arith.constant 0 : i32
            %dma_start3A_1071 = tpu.memref_slice %arg16[%dma_start3A_1069, %dma_start3A_1070] : memref<1024x32xf32, #tpu.memory_space<vmem>> -> memref<128x32xf32, #tpu.memory_space<vmem>>
            %dma_start3A_1072 = arith.constant 768 : i32
            %dma_start3A_1073 = tpu.memref_slice %arg13[%dma_start3A_1072] : memref<1024xi32, #tpu.memory_space<vmem>> -> memref<128xi32, #tpu.memory_space<vmem>>
            %dma_start3A_1074 = arith.constant 0 : i32
            %dma_start3A_1075 = arith.constant 0 : i32
            %dma_start3A_1076 = tpu.memref_slice %arg2[%dma_start3A_1074, %dma_start3A_1075] : memref<100000x32xf32, #tpu.memory_space<hbm>> -> memref<100000x32xf32, #tpu.memory_space<hbm>>
            tpu.enqueue_indirect_dma source(%dma_start3A_1076 : memref<100000x32xf32, #tpu.memory_space<hbm>>) target(%dma_start3A_1071 : memref<128x32xf32, #tpu.memory_space<vmem>>) offsets(%dma_start3A_1073 : memref<128xi32, #tpu.memory_space<vmem>>) semaphore(%arg23 : memref<!tpu.dma_semaphore, #tpu.memory_space<semaphore_mem>>)
            %dma_start3A_1077 = arith.constant 896 : i32
            %dma_start3A_1078 = arith.constant 0 : i32
            %dma_start3A_1079 = tpu.memref_slice %arg16[%dma_start3A_1077, %dma_start3A_1078] : memref<1024x32xf32, #tpu.memory_space<vmem>> -> memref<128x32xf32, #tpu.memory_space<vmem>>
            %dma_start3A_1080 = arith.constant 896 : i32
            %dma_start3A_1081 = tpu.memref_slice %arg13[%dma_start3A_1080] : memref<1024xi32, #tpu.memory_space<vmem>> -> memref<128xi32, #tpu.memory_space<vmem>>
            %dma_start3A_1082 = arith.constant 0 : i32
            %dma_start3A_1083 = arith.constant 0 : i32
            %dma_start3A_1084 = tpu.memref_slice %arg2[%dma_start3A_1082, %dma_start3A_1083] : memref<100000x32xf32, #tpu.memory_space<hbm>> -> memref<100000x32xf32, #tpu.memory_space<hbm>>
            tpu.enqueue_indirect_dma source(%dma_start3A_1084 : memref<100000x32xf32, #tpu.memory_space<hbm>>) target(%dma_start3A_1079 : memref<128x32xf32, #tpu.memory_space<vmem>>) offsets(%dma_start3A_1081 : memref<128xi32, #tpu.memory_space<vmem>>) semaphore(%arg23 : memref<!tpu.dma_semaphore, #tpu.memory_space<semaphore_mem>>)
          } else {
          }
          %mul3A_994 = arith.constant 1024 : i32
          %mul3A_995 = arith.muli %mul3A_915, %mul3A_994 : i32
          %add3A_996 = arith.addi %multiple_of3A, %mul3A_995 : i32
          %multiple_of3A_997 = tpu.assume_multiple %add3A_996, 16 : i32
          %min3A_998 = arith.constant 1598976 : i32
          %min3A_999 = arith.minsi %multiple_of3A_997, %min3A_998 : i32
          %multiple_of3A_1000 = tpu.assume_multiple %min3A_999, 16 : i32
          %sub3A_1001 = arith.subi %multiple_of3A_997, %multiple_of3A_1000 : i32
          %scan3A_1002 = arith.constant 0 : i32
          %scan3A_1003 = arith.constant 64 : i32
          %scan3A_1004 = arith.addi %scan3A_1002, %scan3A_1003 : i32
          %scan3A_1005 = arith.constant 1 : i32
          scf.for %scan3A_1017 = %scan3A_1002 to %scan3A_1004 step %scan3A_1005  : i32 {
            %mul3A_1018 = arith.constant 1 : i32
            %mul3A_1019 = arith.muli %scan3A_1017, %mul3A_1018 : i32
            %add3A_1020 = arith.constant 0 : i32
            %add3A_1021 = arith.addi %add3A_1020, %mul3A_1019 : i32
            %mul3A_1022 = arith.constant 16 : i32
            %mul3A_1023 = arith.muli %add3A_1021, %mul3A_1022 : i32
            %add3A_1024 = arith.addi %multiple_of3A_997, %mul3A_1023 : i32
            %broadcast_in_dim3A_1025 = vector.broadcast %add3A_1024 : i32 to vector<16xi32>
            %add3A_1026 = arith.addi %broadcast_in_dim3A_1025, %iota3A : vector<16xi32>
            %ge3A = arith.cmpi sge, %add3A_1026, %broadcast_in_dim3A_48 : vector<16xi32>
            %lt3A_1027 = arith.cmpi slt, %add3A_1026, %broadcast_in_dim3A_49 : vector<16xi32>
            %and3A = arith.andi %ge3A, %lt3A_1027 : vector<16xi1>
            %add3A_1028 = arith.addi %sub3A_1001, %mul3A_1023 : i32
            %broadcast_in_dim3A_1029 = vector.broadcast %add3A_1028 : i32 to vector<16xi32>
            %add3A_1030 = arith.addi %broadcast_in_dim3A_1029, %iota3A : vector<16xi32>
            %min3A_1031 = arith.constant 1023 : i32
            %min3A_1032 = vector.broadcast %min3A_1031 : i32 to vector<16xi32>
            %min3A_1033 = arith.minsi %add3A_1030, %min3A_1032 : vector<16xi32>
            %gather3A_1034 = tpu.vector_load_idx %arg11[%min3A_1033] : memref<1024xf32, #tpu.memory_space<vmem>>[vector<16xi32>], vector<16xf32>,
            %gather3A_1035 = tpu.vector_load_idx %arg10[%min3A_1033] : memref<1024xi32, #tpu.memory_space<vmem>>[vector<16xi32>], vector<16xi32>,
            %sub3A_1036 = arith.subi %gather3A_1035, %broadcast_in_dim3A_50 : vector<16xi32>
            %add3A_1037 = arith.constant 0 : i32
            %add3A_1038 = vector.broadcast %add3A_1037 : i32 to vector<16xi32>
            %add3A_1039 = arith.addi %iota3A, %add3A_1038 : vector<16xi32>
            %and3A_1040 = arith.constant 31 : i32
            %and3A_1041 = vector.broadcast %and3A_1040 : i32 to vector<16xi32>
            %and3A_1042 = arith.andi %add3A_1039, %and3A_1041 : vector<16xi32>
            %gather3A_1043 = tpu.vector_load_idx %arg12[%min3A_1033, %and3A_1042] : memref<1024x32xf32, #tpu.memory_space<vmem>>[vector<16xi32>, vector<16xi32>], vector<16xf32>,
            %mul3A_1044 = arith.mulf %gather3A_1043, %gather3A_1034 : vector<16xf32>
            tpu.vector_store_idx %arg17[%and3A_1042, %sub3A_1036], %mul3A_1044 masked %and3A {add = true} : memref<32x1601xf32, #tpu.memory_space<vmem>>[vector<16xi32>, vector<16xi32>], vector<16xf32>, vector<16xi1>
            %add3A_1045 = arith.constant 1 : i32
            %add3A_1046 = vector.broadcast %add3A_1045 : i32 to vector<16xi32>
            %add3A_1047 = arith.addi %iota3A, %add3A_1046 : vector<16xi32>
            %and3A_1048 = arith.constant 31 : i32
            %and3A_1049 = vector.broadcast %and3A_1048 : i32 to vector<16xi32>
            %and3A_1050 = arith.andi %add3A_1047, %and3A_1049 : vector<16xi32>
            %gather3A_1051 = tpu.vector_load_idx %arg12[%min3A_1033, %and3A_1050] : memref<1024x32xf32, #tpu.memory_space<vmem>>[vector<16xi32>, vector<16xi32>], vector<16xf32>,
            %mul3A_1052 = arith.mulf %gather3A_1051, %gather3A_1034 : vector<16xf32>
            tpu.vector_store_idx %arg17[%and3A_1050, %sub3A_1036], %mul3A_1052 masked %and3A {add = true} : memref<32x1601xf32, #tpu.memory_space<vmem>>[vector<16xi32>, vector<16xi32>], vector<16xf32>, vector<16xi1>
            %add3A_1053 = arith.constant 2 : i32
            %add3A_1054 = vector.broadcast %add3A_1053 : i32 to vector<16xi32>
            %add3A_1055 = arith.addi %iota3A, %add3A_1054 : vector<16xi32>
            %and3A_1056 = arith.constant 31 : i32
            %and3A_1057 = vector.broadcast %and3A_1056 : i32 to vector<16xi32>
            %and3A_1058 = arith.andi %add3A_1055, %and3A_1057 : vector<16xi32>
            %gather3A_1059 = tpu.vector_load_idx %arg12[%min3A_1033, %and3A_1058] : memref<1024x32xf32, #tpu.memory_space<vmem>>[vector<16xi32>, vector<16xi32>], vector<16xf32>,
            %mul3A_1060 = arith.mulf %gather3A_1059, %gather3A_1034 : vector<16xf32>
            tpu.vector_store_idx %arg17[%and3A_1058, %sub3A_1036], %mul3A_1060 masked %and3A {add = true} : memref<32x1601xf32, #tpu.memory_space<vmem>>[vector<16xi32>, vector<16xi32>], vector<16xf32>, vector<16xi1>
            %add3A_1061 = arith.constant 3 : i32
            %add3A_1062 = vector.broadcast %add3A_1061 : i32 to vector<16xi32>
            %add3A_1063 = arith.addi %iota3A, %add3A_1062 : vector<16xi32>
            %and3A_1064 = arith.constant 31 : i32
            %and3A_1065 = vector.broadcast %and3A_1064 : i32 to vector<16xi32>
            %and3A_1066 = arith.andi %add3A_1063, %and3A_1065 : vector<16xi32>
            %gather3A_1067 = tpu.vector_load_idx %arg12[%min3A_1033, %and3A_1066] : memref<1024x32xf32, #tpu.memory_space<vmem>>[vector<16xi32>, vector<16xi32>], vector<16xf32>,
            %mul3A_1068 = arith.mulf %gather3A_1067, %gather3A_1034 : vector<16xf32>
            tpu.vector_store_idx %arg17[%and3A_1066, %sub3A_1036], %mul3A_1068 masked %and3A {add = true} : memref<32x1601xf32, #tpu.memory_space<vmem>>[vector<16xi32>, vector<16xi32>], vector<16xf32>, vector<16xi1>
            %add3A_1069 = arith.constant 4 : i32
            %add3A_1070 = vector.broadcast %add3A_1069 : i32 to vector<16xi32>
            %add3A_1071 = arith.addi %iota3A, %add3A_1070 : vector<16xi32>
            %and3A_1072 = arith.constant 31 : i32
            %and3A_1073 = vector.broadcast %and3A_1072 : i32 to vector<16xi32>
            %and3A_1074 = arith.andi %add3A_1071, %and3A_1073 : vector<16xi32>
            %gather3A_1075 = tpu.vector_load_idx %arg12[%min3A_1033, %and3A_1074] : memref<1024x32xf32, #tpu.memory_space<vmem>>[vector<16xi32>, vector<16xi32>], vector<16xf32>,
            %mul3A_1076 = arith.mulf %gather3A_1075, %gather3A_1034 : vector<16xf32>
            tpu.vector_store_idx %arg17[%and3A_1074, %sub3A_1036], %mul3A_1076 masked %and3A {add = true} : memref<32x1601xf32, #tpu.memory_space<vmem>>[vector<16xi32>, vector<16xi32>], vector<16xf32>, vector<16xi1>
            %add3A_1077 = arith.constant 5 : i32
            %add3A_1078 = vector.broadcast %add3A_1077 : i32 to vector<16xi32>
            %add3A_1079 = arith.addi %iota3A, %add3A_1078 : vector<16xi32>
            %and3A_1080 = arith.constant 31 : i32
            %and3A_1081 = vector.broadcast %and3A_1080 : i32 to vector<16xi32>
            %and3A_1082 = arith.andi %add3A_1079, %and3A_1081 : vector<16xi32>
            %gather3A_1083 = tpu.vector_load_idx %arg12[%min3A_1033, %and3A_1082] : memref<1024x32xf32, #tpu.memory_space<vmem>>[vector<16xi32>, vector<16xi32>], vector<16xf32>,
            %mul3A_1084 = arith.mulf %gather3A_1083, %gather3A_1034 : vector<16xf32>
            tpu.vector_store_idx %arg17[%and3A_1082, %sub3A_1036], %mul3A_1084 masked %and3A {add = true} : memref<32x1601xf32, #tpu.memory_space<vmem>>[vector<16xi32>, vector<16xi32>], vector<16xf32>, vector<16xi1>
            %add3A_1085 = arith.constant 6 : i32
            %add3A_1086 = vector.broadcast %add3A_1085 : i32 to vector<16xi32>
            %add3A_1087 = arith.addi %iota3A, %add3A_1086 : vector<16xi32>
            %and3A_1088 = arith.constant 31 : i32
            %and3A_1089 = vector.broadcast %and3A_1088 : i32 to vector<16xi32>
            %and3A_1090 = arith.andi %add3A_1087, %and3A_1089 : vector<16xi32>
            %gather3A_1091 = tpu.vector_load_idx %arg12[%min3A_1033, %and3A_1090] : memref<1024x32xf32, #tpu.memory_space<vmem>>[vector<16xi32>, vector<16xi32>], vector<16xf32>,
            %mul3A_1092 = arith.mulf %gather3A_1091, %gather3A_1034 : vector<16xf32>
            tpu.vector_store_idx %arg17[%and3A_1090, %sub3A_1036], %mul3A_1092 masked %and3A {add = true} : memref<32x1601xf32, #tpu.memory_space<vmem>>[vector<16xi32>, vector<16xi32>], vector<16xf32>, vector<16xi1>
            %add3A_1093 = arith.constant 7 : i32
            %add3A_1094 = vector.broadcast %add3A_1093 : i32 to vector<16xi32>
            %add3A_1095 = arith.addi %iota3A, %add3A_1094 : vector<16xi32>
            %and3A_1096 = arith.constant 31 : i32
            %and3A_1097 = vector.broadcast %and3A_1096 : i32 to vector<16xi32>
            %and3A_1098 = arith.andi %add3A_1095, %and3A_1097 : vector<16xi32>
            %gather3A_1099 = tpu.vector_load_idx %arg12[%min3A_1033, %and3A_1098] : memref<1024x32xf32, #tpu.memory_space<vmem>>[vector<16xi32>, vector<16xi32>], vector<16xf32>,
            %mul3A_1100 = arith.mulf %gather3A_1099, %gather3A_1034 : vector<16xf32>
            tpu.vector_store_idx %arg17[%and3A_1098, %sub3A_1036], %mul3A_1100 masked %and3A {add = true} : memref<32x1601xf32, #tpu.memory_space<vmem>>[vector<16xi32>, vector<16xi32>], vector<16xf32>, vector<16xi1>
            %add3A_1101 = arith.constant 8 : i32
            %add3A_1102 = vector.broadcast %add3A_1101 : i32 to vector<16xi32>
            %add3A_1103 = arith.addi %iota3A, %add3A_1102 : vector<16xi32>
            %and3A_1104 = arith.constant 31 : i32
            %and3A_1105 = vector.broadcast %and3A_1104 : i32 to vector<16xi32>
            %and3A_1106 = arith.andi %add3A_1103, %and3A_1105 : vector<16xi32>
            %gather3A_1107 = tpu.vector_load_idx %arg12[%min3A_1033, %and3A_1106] : memref<1024x32xf32, #tpu.memory_space<vmem>>[vector<16xi32>, vector<16xi32>], vector<16xf32>,
            %mul3A_1108 = arith.mulf %gather3A_1107, %gather3A_1034 : vector<16xf32>
            tpu.vector_store_idx %arg17[%and3A_1106, %sub3A_1036], %mul3A_1108 masked %and3A {add = true} : memref<32x1601xf32, #tpu.memory_space<vmem>>[vector<16xi32>, vector<16xi32>], vector<16xf32>, vector<16xi1>
            %add3A_1109 = arith.constant 9 : i32
            %add3A_1110 = vector.broadcast %add3A_1109 : i32 to vector<16xi32>
            %add3A_1111 = arith.addi %iota3A, %add3A_1110 : vector<16xi32>
            %and3A_1112 = arith.constant 31 : i32
            %and3A_1113 = vector.broadcast %and3A_1112 : i32 to vector<16xi32>
            %and3A_1114 = arith.andi %add3A_1111, %and3A_1113 : vector<16xi32>
            %gather3A_1115 = tpu.vector_load_idx %arg12[%min3A_1033, %and3A_1114] : memref<1024x32xf32, #tpu.memory_space<vmem>>[vector<16xi32>, vector<16xi32>], vector<16xf32>,
            %mul3A_1116 = arith.mulf %gather3A_1115, %gather3A_1034 : vector<16xf32>
            tpu.vector_store_idx %arg17[%and3A_1114, %sub3A_1036], %mul3A_1116 masked %and3A {add = true} : memref<32x1601xf32, #tpu.memory_space<vmem>>[vector<16xi32>, vector<16xi32>], vector<16xf32>, vector<16xi1>
            %add3A_1117 = arith.constant 10 : i32
            %add3A_1118 = vector.broadcast %add3A_1117 : i32 to vector<16xi32>
            %add3A_1119 = arith.addi %iota3A, %add3A_1118 : vector<16xi32>
            %and3A_1120 = arith.constant 31 : i32
            %and3A_1121 = vector.broadcast %and3A_1120 : i32 to vector<16xi32>
            %and3A_1122 = arith.andi %add3A_1119, %and3A_1121 : vector<16xi32>
            %gather3A_1123 = tpu.vector_load_idx %arg12[%min3A_1033, %and3A_1122] : memref<1024x32xf32, #tpu.memory_space<vmem>>[vector<16xi32>, vector<16xi32>], vector<16xf32>,
            %mul3A_1124 = arith.mulf %gather3A_1123, %gather3A_1034 : vector<16xf32>
            tpu.vector_store_idx %arg17[%and3A_1122, %sub3A_1036], %mul3A_1124 masked %and3A {add = true} : memref<32x1601xf32, #tpu.memory_space<vmem>>[vector<16xi32>, vector<16xi32>], vector<16xf32>, vector<16xi1>
            %add3A_1125 = arith.constant 11 : i32
            %add3A_1126 = vector.broadcast %add3A_1125 : i32 to vector<16xi32>
            %add3A_1127 = arith.addi %iota3A, %add3A_1126 : vector<16xi32>
            %and3A_1128 = arith.constant 31 : i32
            %and3A_1129 = vector.broadcast %and3A_1128 : i32 to vector<16xi32>
            %and3A_1130 = arith.andi %add3A_1127, %and3A_1129 : vector<16xi32>
            %gather3A_1131 = tpu.vector_load_idx %arg12[%min3A_1033, %and3A_1130] : memref<1024x32xf32, #tpu.memory_space<vmem>>[vector<16xi32>, vector<16xi32>], vector<16xf32>,
            %mul3A_1132 = arith.mulf %gather3A_1131, %gather3A_1034 : vector<16xf32>
            tpu.vector_store_idx %arg17[%and3A_1130, %sub3A_1036], %mul3A_1132 masked %and3A {add = true} : memref<32x1601xf32, #tpu.memory_space<vmem>>[vector<16xi32>, vector<16xi32>], vector<16xf32>, vector<16xi1>
            %add3A_1133 = arith.constant 12 : i32
            %add3A_1134 = vector.broadcast %add3A_1133 : i32 to vector<16xi32>
            %add3A_1135 = arith.addi %iota3A, %add3A_1134 : vector<16xi32>
            %and3A_1136 = arith.constant 31 : i32
            %and3A_1137 = vector.broadcast %and3A_1136 : i32 to vector<16xi32>
            %and3A_1138 = arith.andi %add3A_1135, %and3A_1137 : vector<16xi32>
            %gather3A_1139 = tpu.vector_load_idx %arg12[%min3A_1033, %and3A_1138] : memref<1024x32xf32, #tpu.memory_space<vmem>>[vector<16xi32>, vector<16xi32>], vector<16xf32>,
            %mul3A_1140 = arith.mulf %gather3A_1139, %gather3A_1034 : vector<16xf32>
            tpu.vector_store_idx %arg17[%and3A_1138, %sub3A_1036], %mul3A_1140 masked %and3A {add = true} : memref<32x1601xf32, #tpu.memory_space<vmem>>[vector<16xi32>, vector<16xi32>], vector<16xf32>, vector<16xi1>
            %add3A_1141 = arith.constant 13 : i32
            %add3A_1142 = vector.broadcast %add3A_1141 : i32 to vector<16xi32>
            %add3A_1143 = arith.addi %iota3A, %add3A_1142 : vector<16xi32>
            %and3A_1144 = arith.constant 31 : i32
            %and3A_1145 = vector.broadcast %and3A_1144 : i32 to vector<16xi32>
            %and3A_1146 = arith.andi %add3A_1143, %and3A_1145 : vector<16xi32>
            %gather3A_1147 = tpu.vector_load_idx %arg12[%min3A_1033, %and3A_1146] : memref<1024x32xf32, #tpu.memory_space<vmem>>[vector<16xi32>, vector<16xi32>], vector<16xf32>,
            %mul3A_1148 = arith.mulf %gather3A_1147, %gather3A_1034 : vector<16xf32>
            tpu.vector_store_idx %arg17[%and3A_1146, %sub3A_1036], %mul3A_1148 masked %and3A {add = true} : memref<32x1601xf32, #tpu.memory_space<vmem>>[vector<16xi32>, vector<16xi32>], vector<16xf32>, vector<16xi1>
            %add3A_1149 = arith.constant 14 : i32
            %add3A_1150 = vector.broadcast %add3A_1149 : i32 to vector<16xi32>
            %add3A_1151 = arith.addi %iota3A, %add3A_1150 : vector<16xi32>
            %and3A_1152 = arith.constant 31 : i32
            %and3A_1153 = vector.broadcast %and3A_1152 : i32 to vector<16xi32>
            %and3A_1154 = arith.andi %add3A_1151, %and3A_1153 : vector<16xi32>
            %gather3A_1155 = tpu.vector_load_idx %arg12[%min3A_1033, %and3A_1154] : memref<1024x32xf32, #tpu.memory_space<vmem>>[vector<16xi32>, vector<16xi32>], vector<16xf32>,
            %mul3A_1156 = arith.mulf %gather3A_1155, %gather3A_1034 : vector<16xf32>
            tpu.vector_store_idx %arg17[%and3A_1154, %sub3A_1036], %mul3A_1156 masked %and3A {add = true} : memref<32x1601xf32, #tpu.memory_space<vmem>>[vector<16xi32>, vector<16xi32>], vector<16xf32>, vector<16xi1>
            %add3A_1157 = arith.constant 15 : i32
            %add3A_1158 = vector.broadcast %add3A_1157 : i32 to vector<16xi32>
            %add3A_1159 = arith.addi %iota3A, %add3A_1158 : vector<16xi32>
            %and3A_1160 = arith.constant 31 : i32
            %and3A_1161 = vector.broadcast %and3A_1160 : i32 to vector<16xi32>
            %and3A_1162 = arith.andi %add3A_1159, %and3A_1161 : vector<16xi32>
            %gather3A_1163 = tpu.vector_load_idx %arg12[%min3A_1033, %and3A_1162] : memref<1024x32xf32, #tpu.memory_space<vmem>>[vector<16xi32>, vector<16xi32>], vector<16xf32>,
            %mul3A_1164 = arith.mulf %gather3A_1163, %gather3A_1034 : vector<16xf32>
            tpu.vector_store_idx %arg17[%and3A_1162, %sub3A_1036], %mul3A_1164 masked %and3A {add = true} : memref<32x1601xf32, #tpu.memory_space<vmem>>[vector<16xi32>, vector<16xi32>], vector<16xf32>, vector<16xi1>
            %add3A_1165 = arith.constant 16 : i32
            %add3A_1166 = vector.broadcast %add3A_1165 : i32 to vector<16xi32>
            %add3A_1167 = arith.addi %iota3A, %add3A_1166 : vector<16xi32>
            %and3A_1168 = arith.constant 31 : i32
            %and3A_1169 = vector.broadcast %and3A_1168 : i32 to vector<16xi32>
            %and3A_1170 = arith.andi %add3A_1167, %and3A_1169 : vector<16xi32>
            %gather3A_1171 = tpu.vector_load_idx %arg12[%min3A_1033, %and3A_1170] : memref<1024x32xf32, #tpu.memory_space<vmem>>[vector<16xi32>, vector<16xi32>], vector<16xf32>,
            %mul3A_1172 = arith.mulf %gather3A_1171, %gather3A_1034 : vector<16xf32>
            tpu.vector_store_idx %arg17[%and3A_1170, %sub3A_1036], %mul3A_1172 masked %and3A {add = true} : memref<32x1601xf32, #tpu.memory_space<vmem>>[vector<16xi32>, vector<16xi32>], vector<16xf32>, vector<16xi1>
            %add3A_1173 = arith.constant 17 : i32
            %add3A_1174 = vector.broadcast %add3A_1173 : i32 to vector<16xi32>
            %add3A_1175 = arith.addi %iota3A, %add3A_1174 : vector<16xi32>
            %and3A_1176 = arith.constant 31 : i32
            %and3A_1177 = vector.broadcast %and3A_1176 : i32 to vector<16xi32>
            %and3A_1178 = arith.andi %add3A_1175, %and3A_1177 : vector<16xi32>
            %gather3A_1179 = tpu.vector_load_idx %arg12[%min3A_1033, %and3A_1178] : memref<1024x32xf32, #tpu.memory_space<vmem>>[vector<16xi32>, vector<16xi32>], vector<16xf32>,
            %mul3A_1180 = arith.mulf %gather3A_1179, %gather3A_1034 : vector<16xf32>
            tpu.vector_store_idx %arg17[%and3A_1178, %sub3A_1036], %mul3A_1180 masked %and3A {add = true} : memref<32x1601xf32, #tpu.memory_space<vmem>>[vector<16xi32>, vector<16xi32>], vector<16xf32>, vector<16xi1>
            %add3A_1181 = arith.constant 18 : i32
            %add3A_1182 = vector.broadcast %add3A_1181 : i32 to vector<16xi32>
            %add3A_1183 = arith.addi %iota3A, %add3A_1182 : vector<16xi32>
            %and3A_1184 = arith.constant 31 : i32
            %and3A_1185 = vector.broadcast %and3A_1184 : i32 to vector<16xi32>
            %and3A_1186 = arith.andi %add3A_1183, %and3A_1185 : vector<16xi32>
            %gather3A_1187 = tpu.vector_load_idx %arg12[%min3A_1033, %and3A_1186] : memref<1024x32xf32, #tpu.memory_space<vmem>>[vector<16xi32>, vector<16xi32>], vector<16xf32>,
            %mul3A_1188 = arith.mulf %gather3A_1187, %gather3A_1034 : vector<16xf32>
            tpu.vector_store_idx %arg17[%and3A_1186, %sub3A_1036], %mul3A_1188 masked %and3A {add = true} : memref<32x1601xf32, #tpu.memory_space<vmem>>[vector<16xi32>, vector<16xi32>], vector<16xf32>, vector<16xi1>
            %add3A_1189 = arith.constant 19 : i32
            %add3A_1190 = vector.broadcast %add3A_1189 : i32 to vector<16xi32>
            %add3A_1191 = arith.addi %iota3A, %add3A_1190 : vector<16xi32>
            %and3A_1192 = arith.constant 31 : i32
            %and3A_1193 = vector.broadcast %and3A_1192 : i32 to vector<16xi32>
            %and3A_1194 = arith.andi %add3A_1191, %and3A_1193 : vector<16xi32>
            %gather3A_1195 = tpu.vector_load_idx %arg12[%min3A_1033, %and3A_1194] : memref<1024x32xf32, #tpu.memory_space<vmem>>[vector<16xi32>, vector<16xi32>], vector<16xf32>,
            %mul3A_1196 = arith.mulf %gather3A_1195, %gather3A_1034 : vector<16xf32>
            tpu.vector_store_idx %arg17[%and3A_1194, %sub3A_1036], %mul3A_1196 masked %and3A {add = true} : memref<32x1601xf32, #tpu.memory_space<vmem>>[vector<16xi32>, vector<16xi32>], vector<16xf32>, vector<16xi1>
            %add3A_1197 = arith.constant 20 : i32
            %add3A_1198 = vector.broadcast %add3A_1197 : i32 to vector<16xi32>
            %add3A_1199 = arith.addi %iota3A, %add3A_1198 : vector<16xi32>
            %and3A_1200 = arith.constant 31 : i32
            %and3A_1201 = vector.broadcast %and3A_1200 : i32 to vector<16xi32>
            %and3A_1202 = arith.andi %add3A_1199, %and3A_1201 : vector<16xi32>
            %gather3A_1203 = tpu.vector_load_idx %arg12[%min3A_1033, %and3A_1202] : memref<1024x32xf32, #tpu.memory_space<vmem>>[vector<16xi32>, vector<16xi32>], vector<16xf32>,
            %mul3A_1204 = arith.mulf %gather3A_1203, %gather3A_1034 : vector<16xf32>
            tpu.vector_store_idx %arg17[%and3A_1202, %sub3A_1036], %mul3A_1204 masked %and3A {add = true} : memref<32x1601xf32, #tpu.memory_space<vmem>>[vector<16xi32>, vector<16xi32>], vector<16xf32>, vector<16xi1>
            %add3A_1205 = arith.constant 21 : i32
            %add3A_1206 = vector.broadcast %add3A_1205 : i32 to vector<16xi32>
            %add3A_1207 = arith.addi %iota3A, %add3A_1206 : vector<16xi32>
            %and3A_1208 = arith.constant 31 : i32
            %and3A_1209 = vector.broadcast %and3A_1208 : i32 to vector<16xi32>
            %and3A_1210 = arith.andi %add3A_1207, %and3A_1209 : vector<16xi32>
            %gather3A_1211 = tpu.vector_load_idx %arg12[%min3A_1033, %and3A_1210] : memref<1024x32xf32, #tpu.memory_space<vmem>>[vector<16xi32>, vector<16xi32>], vector<16xf32>,
            %mul3A_1212 = arith.mulf %gather3A_1211, %gather3A_1034 : vector<16xf32>
            tpu.vector_store_idx %arg17[%and3A_1210, %sub3A_1036], %mul3A_1212 masked %and3A {add = true} : memref<32x1601xf32, #tpu.memory_space<vmem>>[vector<16xi32>, vector<16xi32>], vector<16xf32>, vector<16xi1>
            %add3A_1213 = arith.constant 22 : i32
            %add3A_1214 = vector.broadcast %add3A_1213 : i32 to vector<16xi32>
            %add3A_1215 = arith.addi %iota3A, %add3A_1214 : vector<16xi32>
            %and3A_1216 = arith.constant 31 : i32
            %and3A_1217 = vector.broadcast %and3A_1216 : i32 to vector<16xi32>
            %and3A_1218 = arith.andi %add3A_1215, %and3A_1217 : vector<16xi32>
            %gather3A_1219 = tpu.vector_load_idx %arg12[%min3A_1033, %and3A_1218] : memref<1024x32xf32, #tpu.memory_space<vmem>>[vector<16xi32>, vector<16xi32>], vector<16xf32>,
            %mul3A_1220 = arith.mulf %gather3A_1219, %gather3A_1034 : vector<16xf32>
            tpu.vector_store_idx %arg17[%and3A_1218, %sub3A_1036], %mul3A_1220 masked %and3A {add = true} : memref<32x1601xf32, #tpu.memory_space<vmem>>[vector<16xi32>, vector<16xi32>], vector<16xf32>, vector<16xi1>
            %add3A_1221 = arith.constant 23 : i32
            %add3A_1222 = vector.broadcast %add3A_1221 : i32 to vector<16xi32>
            %add3A_1223 = arith.addi %iota3A, %add3A_1222 : vector<16xi32>
            %and3A_1224 = arith.constant 31 : i32
            %and3A_1225 = vector.broadcast %and3A_1224 : i32 to vector<16xi32>
            %and3A_1226 = arith.andi %add3A_1223, %and3A_1225 : vector<16xi32>
            %gather3A_1227 = tpu.vector_load_idx %arg12[%min3A_1033, %and3A_1226] : memref<1024x32xf32, #tpu.memory_space<vmem>>[vector<16xi32>, vector<16xi32>], vector<16xf32>,
            %mul3A_1228 = arith.mulf %gather3A_1227, %gather3A_1034 : vector<16xf32>
            tpu.vector_store_idx %arg17[%and3A_1226, %sub3A_1036], %mul3A_1228 masked %and3A {add = true} : memref<32x1601xf32, #tpu.memory_space<vmem>>[vector<16xi32>, vector<16xi32>], vector<16xf32>, vector<16xi1>
            %add3A_1229 = arith.constant 24 : i32
            %add3A_1230 = vector.broadcast %add3A_1229 : i32 to vector<16xi32>
            %add3A_1231 = arith.addi %iota3A, %add3A_1230 : vector<16xi32>
            %and3A_1232 = arith.constant 31 : i32
            %and3A_1233 = vector.broadcast %and3A_1232 : i32 to vector<16xi32>
            %and3A_1234 = arith.andi %add3A_1231, %and3A_1233 : vector<16xi32>
            %gather3A_1235 = tpu.vector_load_idx %arg12[%min3A_1033, %and3A_1234] : memref<1024x32xf32, #tpu.memory_space<vmem>>[vector<16xi32>, vector<16xi32>], vector<16xf32>,
            %mul3A_1236 = arith.mulf %gather3A_1235, %gather3A_1034 : vector<16xf32>
            tpu.vector_store_idx %arg17[%and3A_1234, %sub3A_1036], %mul3A_1236 masked %and3A {add = true} : memref<32x1601xf32, #tpu.memory_space<vmem>>[vector<16xi32>, vector<16xi32>], vector<16xf32>, vector<16xi1>
            %add3A_1237 = arith.constant 25 : i32
            %add3A_1238 = vector.broadcast %add3A_1237 : i32 to vector<16xi32>
            %add3A_1239 = arith.addi %iota3A, %add3A_1238 : vector<16xi32>
            %and3A_1240 = arith.constant 31 : i32
            %and3A_1241 = vector.broadcast %and3A_1240 : i32 to vector<16xi32>
            %and3A_1242 = arith.andi %add3A_1239, %and3A_1241 : vector<16xi32>
            %gather3A_1243 = tpu.vector_load_idx %arg12[%min3A_1033, %and3A_1242] : memref<1024x32xf32, #tpu.memory_space<vmem>>[vector<16xi32>, vector<16xi32>], vector<16xf32>,
            %mul3A_1244 = arith.mulf %gather3A_1243, %gather3A_1034 : vector<16xf32>
            tpu.vector_store_idx %arg17[%and3A_1242, %sub3A_1036], %mul3A_1244 masked %and3A {add = true} : memref<32x1601xf32, #tpu.memory_space<vmem>>[vector<16xi32>, vector<16xi32>], vector<16xf32>, vector<16xi1>
            %add3A_1245 = arith.constant 26 : i32
            %add3A_1246 = vector.broadcast %add3A_1245 : i32 to vector<16xi32>
            %add3A_1247 = arith.addi %iota3A, %add3A_1246 : vector<16xi32>
            %and3A_1248 = arith.constant 31 : i32
            %and3A_1249 = vector.broadcast %and3A_1248 : i32 to vector<16xi32>
            %and3A_1250 = arith.andi %add3A_1247, %and3A_1249 : vector<16xi32>
            %gather3A_1251 = tpu.vector_load_idx %arg12[%min3A_1033, %and3A_1250] : memref<1024x32xf32, #tpu.memory_space<vmem>>[vector<16xi32>, vector<16xi32>], vector<16xf32>,
            %mul3A_1252 = arith.mulf %gather3A_1251, %gather3A_1034 : vector<16xf32>
            tpu.vector_store_idx %arg17[%and3A_1250, %sub3A_1036], %mul3A_1252 masked %and3A {add = true} : memref<32x1601xf32, #tpu.memory_space<vmem>>[vector<16xi32>, vector<16xi32>], vector<16xf32>, vector<16xi1>
            %add3A_1253 = arith.constant 27 : i32
            %add3A_1254 = vector.broadcast %add3A_1253 : i32 to vector<16xi32>
            %add3A_1255 = arith.addi %iota3A, %add3A_1254 : vector<16xi32>
            %and3A_1256 = arith.constant 31 : i32
            %and3A_1257 = vector.broadcast %and3A_1256 : i32 to vector<16xi32>
            %and3A_1258 = arith.andi %add3A_1255, %and3A_1257 : vector<16xi32>
            %gather3A_1259 = tpu.vector_load_idx %arg12[%min3A_1033, %and3A_1258] : memref<1024x32xf32, #tpu.memory_space<vmem>>[vector<16xi32>, vector<16xi32>], vector<16xf32>,
            %mul3A_1260 = arith.mulf %gather3A_1259, %gather3A_1034 : vector<16xf32>
            tpu.vector_store_idx %arg17[%and3A_1258, %sub3A_1036], %mul3A_1260 masked %and3A {add = true} : memref<32x1601xf32, #tpu.memory_space<vmem>>[vector<16xi32>, vector<16xi32>], vector<16xf32>, vector<16xi1>
            %add3A_1261 = arith.constant 28 : i32
            %add3A_1262 = vector.broadcast %add3A_1261 : i32 to vector<16xi32>
            %add3A_1263 = arith.addi %iota3A, %add3A_1262 : vector<16xi32>
            %and3A_1264 = arith.constant 31 : i32
            %and3A_1265 = vector.broadcast %and3A_1264 : i32 to vector<16xi32>
            %and3A_1266 = arith.andi %add3A_1263, %and3A_1265 : vector<16xi32>
            %gather3A_1267 = tpu.vector_load_idx %arg12[%min3A_1033, %and3A_1266] : memref<1024x32xf32, #tpu.memory_space<vmem>>[vector<16xi32>, vector<16xi32>], vector<16xf32>,
            %mul3A_1268 = arith.mulf %gather3A_1267, %gather3A_1034 : vector<16xf32>
            tpu.vector_store_idx %arg17[%and3A_1266, %sub3A_1036], %mul3A_1268 masked %and3A {add = true} : memref<32x1601xf32, #tpu.memory_space<vmem>>[vector<16xi32>, vector<16xi32>], vector<16xf32>, vector<16xi1>
            %add3A_1269 = arith.constant 29 : i32
            %add3A_1270 = vector.broadcast %add3A_1269 : i32 to vector<16xi32>
            %add3A_1271 = arith.addi %iota3A, %add3A_1270 : vector<16xi32>
            %and3A_1272 = arith.constant 31 : i32
            %and3A_1273 = vector.broadcast %and3A_1272 : i32 to vector<16xi32>
            %and3A_1274 = arith.andi %add3A_1271, %and3A_1273 : vector<16xi32>
            %gather3A_1275 = tpu.vector_load_idx %arg12[%min3A_1033, %and3A_1274] : memref<1024x32xf32, #tpu.memory_space<vmem>>[vector<16xi32>, vector<16xi32>], vector<16xf32>,
            %mul3A_1276 = arith.mulf %gather3A_1275, %gather3A_1034 : vector<16xf32>
            tpu.vector_store_idx %arg17[%and3A_1274, %sub3A_1036], %mul3A_1276 masked %and3A {add = true} : memref<32x1601xf32, #tpu.memory_space<vmem>>[vector<16xi32>, vector<16xi32>], vector<16xf32>, vector<16xi1>
            %add3A_1277 = arith.constant 30 : i32
            %add3A_1278 = vector.broadcast %add3A_1277 : i32 to vector<16xi32>
            %add3A_1279 = arith.addi %iota3A, %add3A_1278 : vector<16xi32>
            %and3A_1280 = arith.constant 31 : i32
            %and3A_1281 = vector.broadcast %and3A_1280 : i32 to vector<16xi32>
            %and3A_1282 = arith.andi %add3A_1279, %and3A_1281 : vector<16xi32>
            %gather3A_1283 = tpu.vector_load_idx %arg12[%min3A_1033, %and3A_1282] : memref<1024x32xf32, #tpu.memory_space<vmem>>[vector<16xi32>, vector<16xi32>], vector<16xf32>,
            %mul3A_1284 = arith.mulf %gather3A_1283, %gather3A_1034 : vector<16xf32>
            tpu.vector_store_idx %arg17[%and3A_1282, %sub3A_1036], %mul3A_1284 masked %and3A {add = true} : memref<32x1601xf32, #tpu.memory_space<vmem>>[vector<16xi32>, vector<16xi32>], vector<16xf32>, vector<16xi1>
            %add3A_1285 = arith.constant 31 : i32
            %add3A_1286 = vector.broadcast %add3A_1285 : i32 to vector<16xi32>
            %add3A_1287 = arith.addi %iota3A, %add3A_1286 : vector<16xi32>
            %and3A_1288 = arith.constant 31 : i32
            %and3A_1289 = vector.broadcast %and3A_1288 : i32 to vector<16xi32>
            %and3A_1290 = arith.andi %add3A_1287, %and3A_1289 : vector<16xi32>
            %gather3A_1291 = tpu.vector_load_idx %arg12[%min3A_1033, %and3A_1290] : memref<1024x32xf32, #tpu.memory_space<vmem>>[vector<16xi32>, vector<16xi32>], vector<16xf32>,
            %mul3A_1292 = arith.mulf %gather3A_1291, %gather3A_1034 : vector<16xf32>
            tpu.vector_store_idx %arg17[%and3A_1290, %sub3A_1036], %mul3A_1292 masked %and3A {add = true} : memref<32x1601xf32, #tpu.memory_space<vmem>>[vector<16xi32>, vector<16xi32>], vector<16xf32>, vector<16xi1>
          }
          %scan3A_1006 = arith.constant 64 : i32
          %add3A_1007 = arith.constant 1 : i32
          %add3A_1008 = arith.addi %add3A_917, %add3A_1007 : i32
          %lt3A_1009 = arith.cmpi slt, %add3A_1008, %div3A_47 : i32
          %convert_element_type3A_1010 = arith.extui %lt3A_1009 : i1 to i32
          %cond3A_1011 = arith.constant 0 : i32
          %cond3A_1012 = arith.cmpi ne, %convert_element_type3A_1010, %cond3A_1011 : i32
          scf.if %cond3A_1012 {
            %add3A_1017 = arith.constant 1 : i32
            %add3A_1018 = arith.addi %add3A_917, %add3A_1017 : i32
            %mul3A_1019 = arith.constant 1024 : i32
            %mul3A_1020 = arith.muli %add3A_1018, %mul3A_1019 : i32
            %add3A_1021 = arith.addi %multiple_of3A, %mul3A_1020 : i32
            %multiple_of3A_1022 = tpu.assume_multiple %add3A_1021, 16 : i32
            %min3A_1023 = arith.constant 1598976 : i32
            %min3A_1024 = arith.minsi %multiple_of3A_1022, %min3A_1023 : i32
            %multiple_of3A_1025 = tpu.assume_multiple %min3A_1024, 16 : i32
            %dma_start3A_1026 = tpu.memref_slice %arg3[%multiple_of3A_1025] : memref<1600000xi32, #tpu.memory_space<hbm>> -> memref<1024xi32, #tpu.memory_space<hbm>>
            %dma_start3A_1027 = tpu.memref_slice %arg3[%multiple_of3A_1025] : memref<1600000xi32, #tpu.memory_space<hbm>> -> memref<1024xi32, #tpu.memory_space<hbm>>
            tpu.enqueue_dma source(%dma_start3A_1027 : memref<1024xi32, #tpu.memory_space<hbm>>) target(%arg9 : memref<1024xi32, #tpu.memory_space<vmem>>) target_semaphore(%arg18 : memref<!tpu.dma_semaphore, #tpu.memory_space<semaphore_mem>>)
            %dma_start3A_1028 = tpu.memref_slice %arg4[%multiple_of3A_1025] : memref<1600000xi32, #tpu.memory_space<hbm>> -> memref<1024xi32, #tpu.memory_space<hbm>>
            %dma_start3A_1029 = tpu.memref_slice %arg4[%multiple_of3A_1025] : memref<1600000xi32, #tpu.memory_space<hbm>> -> memref<1024xi32, #tpu.memory_space<hbm>>
            tpu.enqueue_dma source(%dma_start3A_1029 : memref<1024xi32, #tpu.memory_space<hbm>>) target(%arg10 : memref<1024xi32, #tpu.memory_space<vmem>>) target_semaphore(%arg19 : memref<!tpu.dma_semaphore, #tpu.memory_space<semaphore_mem>>)
            %dma_start3A_1030 = tpu.memref_slice %arg5[%multiple_of3A_1025] : memref<1600000xf32, #tpu.memory_space<hbm>> -> memref<1024xf32, #tpu.memory_space<hbm>>
            %dma_start3A_1031 = tpu.memref_slice %arg5[%multiple_of3A_1025] : memref<1600000xf32, #tpu.memory_space<hbm>> -> memref<1024xf32, #tpu.memory_space<hbm>>
            tpu.enqueue_dma source(%dma_start3A_1031 : memref<1024xf32, #tpu.memory_space<hbm>>) target(%arg11 : memref<1024xf32, #tpu.memory_space<vmem>>) target_semaphore(%arg19 : memref<!tpu.dma_semaphore, #tpu.memory_space<semaphore_mem>>)
          } else {
          }
          %lt3A_1013 = arith.cmpi slt, %add3A_917, %div3A_47 : i32
          %convert_element_type3A_1014 = arith.extui %lt3A_1013 : i1 to i32
          %cond3A_1015 = arith.constant 0 : i32
          %cond3A_1016 = arith.cmpi ne, %convert_element_type3A_1014, %cond3A_1015 : i32
          scf.if %cond3A_1016 {
            %dma_wait3A_1017 = arith.constant 0 : i32
            %dma_wait3A_1018 = tpu.memref_slice %arg4[%dma_wait3A_1017] : memref<1600000xi32, #tpu.memory_space<hbm>> -> memref<1024xi32, #tpu.memory_space<hbm>>
            %dma_wait3A_1019 = arith.constant 0 : i32
            %dma_wait3A_1020 = tpu.memref_slice %arg4[%dma_wait3A_1019] : memref<1600000xi32, #tpu.memory_space<hbm>> -> memref<1024xi32, #tpu.memory_space<hbm>>
            tpu.wait_dma2 semaphore(%arg22 : memref<!tpu.dma_semaphore, #tpu.memory_space<semaphore_mem>>) src(%dma_wait3A_1020 : memref<1024xi32, #tpu.memory_space<hbm>>) dst(%arg14 : memref<1024xi32, #tpu.memory_space<vmem>>)
            %dma_wait3A_1021 = arith.constant 0 : i32
            %dma_wait3A_1022 = tpu.memref_slice %arg5[%dma_wait3A_1021] : memref<1600000xf32, #tpu.memory_space<hbm>> -> memref<1024xf32, #tpu.memory_space<hbm>>
            %dma_wait3A_1023 = arith.constant 0 : i32
            %dma_wait3A_1024 = tpu.memref_slice %arg5[%dma_wait3A_1023] : memref<1600000xf32, #tpu.memory_space<hbm>> -> memref<1024xf32, #tpu.memory_space<hbm>>
            tpu.wait_dma2 semaphore(%arg22 : memref<!tpu.dma_semaphore, #tpu.memory_space<semaphore_mem>>) src(%dma_wait3A_1024 : memref<1024xf32, #tpu.memory_space<hbm>>) dst(%arg15 : memref<1024xf32, #tpu.memory_space<vmem>>)
            %dma_wait3A_1025 = arith.constant 0 : i32
            %dma_wait3A_1026 = arith.constant 0 : i32
            %dma_wait3A_1027 = tpu.memref_slice %arg16[%dma_wait3A_1025, %dma_wait3A_1026] : memref<1024x32xf32, #tpu.memory_space<vmem>> -> memref<128x32xf32, #tpu.memory_space<vmem>>
            %dma_wait3A_1028 = arith.constant 0 : i32
            %dma_wait3A_1029 = tpu.memref_slice %arg13[%dma_wait3A_1028] : memref<1024xi32, #tpu.memory_space<vmem>> -> memref<128xi32, #tpu.memory_space<vmem>>
            %dma_wait3A_1030 = arith.constant 0 : i32
            %dma_wait3A_1031 = arith.constant 0 : i32
            %dma_wait3A_1032 = tpu.memref_slice %arg2[%dma_wait3A_1030, %dma_wait3A_1031] : memref<100000x32xf32, #tpu.memory_space<hbm>> -> memref<100000x32xf32, #tpu.memory_space<hbm>>
            tpu.wait_indirect_dma semaphore(%arg23 : memref<!tpu.dma_semaphore, #tpu.memory_space<semaphore_mem>>) src(%dma_wait3A_1032 : memref<100000x32xf32, #tpu.memory_space<hbm>>) dst(%dma_wait3A_1027 : memref<128x32xf32, #tpu.memory_space<vmem>>)
            %dma_wait3A_1033 = arith.constant 128 : i32
            %dma_wait3A_1034 = arith.constant 0 : i32
            %dma_wait3A_1035 = tpu.memref_slice %arg16[%dma_wait3A_1033, %dma_wait3A_1034] : memref<1024x32xf32, #tpu.memory_space<vmem>> -> memref<128x32xf32, #tpu.memory_space<vmem>>
            %dma_wait3A_1036 = arith.constant 128 : i32
            %dma_wait3A_1037 = tpu.memref_slice %arg13[%dma_wait3A_1036] : memref<1024xi32, #tpu.memory_space<vmem>> -> memref<128xi32, #tpu.memory_space<vmem>>
            %dma_wait3A_1038 = arith.constant 0 : i32
            %dma_wait3A_1039 = arith.constant 0 : i32
            %dma_wait3A_1040 = tpu.memref_slice %arg2[%dma_wait3A_1038, %dma_wait3A_1039] : memref<100000x32xf32, #tpu.memory_space<hbm>> -> memref<100000x32xf32, #tpu.memory_space<hbm>>
            tpu.wait_indirect_dma semaphore(%arg23 : memref<!tpu.dma_semaphore, #tpu.memory_space<semaphore_mem>>) src(%dma_wait3A_1040 : memref<100000x32xf32, #tpu.memory_space<hbm>>) dst(%dma_wait3A_1035 : memref<128x32xf32, #tpu.memory_space<vmem>>)
            %dma_wait3A_1041 = arith.constant 256 : i32
            %dma_wait3A_1042 = arith.constant 0 : i32
            %dma_wait3A_1043 = tpu.memref_slice %arg16[%dma_wait3A_1041, %dma_wait3A_1042] : memref<1024x32xf32, #tpu.memory_space<vmem>> -> memref<128x32xf32, #tpu.memory_space<vmem>>
            %dma_wait3A_1044 = arith.constant 256 : i32
            %dma_wait3A_1045 = tpu.memref_slice %arg13[%dma_wait3A_1044] : memref<1024xi32, #tpu.memory_space<vmem>> -> memref<128xi32, #tpu.memory_space<vmem>>
            %dma_wait3A_1046 = arith.constant 0 : i32
            %dma_wait3A_1047 = arith.constant 0 : i32
            %dma_wait3A_1048 = tpu.memref_slice %arg2[%dma_wait3A_1046, %dma_wait3A_1047] : memref<100000x32xf32, #tpu.memory_space<hbm>> -> memref<100000x32xf32, #tpu.memory_space<hbm>>
            tpu.wait_indirect_dma semaphore(%arg23 : memref<!tpu.dma_semaphore, #tpu.memory_space<semaphore_mem>>) src(%dma_wait3A_1048 : memref<100000x32xf32, #tpu.memory_space<hbm>>) dst(%dma_wait3A_1043 : memref<128x32xf32, #tpu.memory_space<vmem>>)
            %dma_wait3A_1049 = arith.constant 384 : i32
            %dma_wait3A_1050 = arith.constant 0 : i32
            %dma_wait3A_1051 = tpu.memref_slice %arg16[%dma_wait3A_1049, %dma_wait3A_1050] : memref<1024x32xf32, #tpu.memory_space<vmem>> -> memref<128x32xf32, #tpu.memory_space<vmem>>
            %dma_wait3A_1052 = arith.constant 384 : i32
            %dma_wait3A_1053 = tpu.memref_slice %arg13[%dma_wait3A_1052] : memref<1024xi32, #tpu.memory_space<vmem>> -> memref<128xi32, #tpu.memory_space<vmem>>
            %dma_wait3A_1054 = arith.constant 0 : i32
            %dma_wait3A_1055 = arith.constant 0 : i32
            %dma_wait3A_1056 = tpu.memref_slice %arg2[%dma_wait3A_1054, %dma_wait3A_1055] : memref<100000x32xf32, #tpu.memory_space<hbm>> -> memref<100000x32xf32, #tpu.memory_space<hbm>>
            tpu.wait_indirect_dma semaphore(%arg23 : memref<!tpu.dma_semaphore, #tpu.memory_space<semaphore_mem>>) src(%dma_wait3A_1056 : memref<100000x32xf32, #tpu.memory_space<hbm>>) dst(%dma_wait3A_1051 : memref<128x32xf32, #tpu.memory_space<vmem>>)
            %dma_wait3A_1057 = arith.constant 512 : i32
            %dma_wait3A_1058 = arith.constant 0 : i32
            %dma_wait3A_1059 = tpu.memref_slice %arg16[%dma_wait3A_1057, %dma_wait3A_1058] : memref<1024x32xf32, #tpu.memory_space<vmem>> -> memref<128x32xf32, #tpu.memory_space<vmem>>
            %dma_wait3A_1060 = arith.constant 512 : i32
            %dma_wait3A_1061 = tpu.memref_slice %arg13[%dma_wait3A_1060] : memref<1024xi32, #tpu.memory_space<vmem>> -> memref<128xi32, #tpu.memory_space<vmem>>
            %dma_wait3A_1062 = arith.constant 0 : i32
            %dma_wait3A_1063 = arith.constant 0 : i32
            %dma_wait3A_1064 = tpu.memref_slice %arg2[%dma_wait3A_1062, %dma_wait3A_1063] : memref<100000x32xf32, #tpu.memory_space<hbm>> -> memref<100000x32xf32, #tpu.memory_space<hbm>>
            tpu.wait_indirect_dma semaphore(%arg23 : memref<!tpu.dma_semaphore, #tpu.memory_space<semaphore_mem>>) src(%dma_wait3A_1064 : memref<100000x32xf32, #tpu.memory_space<hbm>>) dst(%dma_wait3A_1059 : memref<128x32xf32, #tpu.memory_space<vmem>>)
            %dma_wait3A_1065 = arith.constant 640 : i32
            %dma_wait3A_1066 = arith.constant 0 : i32
            %dma_wait3A_1067 = tpu.memref_slice %arg16[%dma_wait3A_1065, %dma_wait3A_1066] : memref<1024x32xf32, #tpu.memory_space<vmem>> -> memref<128x32xf32, #tpu.memory_space<vmem>>
            %dma_wait3A_1068 = arith.constant 640 : i32
            %dma_wait3A_1069 = tpu.memref_slice %arg13[%dma_wait3A_1068] : memref<1024xi32, #tpu.memory_space<vmem>> -> memref<128xi32, #tpu.memory_space<vmem>>
            %dma_wait3A_1070 = arith.constant 0 : i32
            %dma_wait3A_1071 = arith.constant 0 : i32
            %dma_wait3A_1072 = tpu.memref_slice %arg2[%dma_wait3A_1070, %dma_wait3A_1071] : memref<100000x32xf32, #tpu.memory_space<hbm>> -> memref<100000x32xf32, #tpu.memory_space<hbm>>
            tpu.wait_indirect_dma semaphore(%arg23 : memref<!tpu.dma_semaphore, #tpu.memory_space<semaphore_mem>>) src(%dma_wait3A_1072 : memref<100000x32xf32, #tpu.memory_space<hbm>>) dst(%dma_wait3A_1067 : memref<128x32xf32, #tpu.memory_space<vmem>>)
            %dma_wait3A_1073 = arith.constant 768 : i32
            %dma_wait3A_1074 = arith.constant 0 : i32
            %dma_wait3A_1075 = tpu.memref_slice %arg16[%dma_wait3A_1073, %dma_wait3A_1074] : memref<1024x32xf32, #tpu.memory_space<vmem>> -> memref<128x32xf32, #tpu.memory_space<vmem>>
            %dma_wait3A_1076 = arith.constant 768 : i32
            %dma_wait3A_1077 = tpu.memref_slice %arg13[%dma_wait3A_1076] : memref<1024xi32, #tpu.memory_space<vmem>> -> memref<128xi32, #tpu.memory_space<vmem>>
            %dma_wait3A_1078 = arith.constant 0 : i32
            %dma_wait3A_1079 = arith.constant 0 : i32
            %dma_wait3A_1080 = tpu.memref_slice %arg2[%dma_wait3A_1078, %dma_wait3A_1079] : memref<100000x32xf32, #tpu.memory_space<hbm>> -> memref<100000x32xf32, #tpu.memory_space<hbm>>
            tpu.wait_indirect_dma semaphore(%arg23 : memref<!tpu.dma_semaphore, #tpu.memory_space<semaphore_mem>>) src(%dma_wait3A_1080 : memref<100000x32xf32, #tpu.memory_space<hbm>>) dst(%dma_wait3A_1075 : memref<128x32xf32, #tpu.memory_space<vmem>>)
            %dma_wait3A_1081 = arith.constant 896 : i32
            %dma_wait3A_1082 = arith.constant 0 : i32
            %dma_wait3A_1083 = tpu.memref_slice %arg16[%dma_wait3A_1081, %dma_wait3A_1082] : memref<1024x32xf32, #tpu.memory_space<vmem>> -> memref<128x32xf32, #tpu.memory_space<vmem>>
            %dma_wait3A_1084 = arith.constant 896 : i32
            %dma_wait3A_1085 = tpu.memref_slice %arg13[%dma_wait3A_1084] : memref<1024xi32, #tpu.memory_space<vmem>> -> memref<128xi32, #tpu.memory_space<vmem>>
            %dma_wait3A_1086 = arith.constant 0 : i32
            %dma_wait3A_1087 = arith.constant 0 : i32
            %dma_wait3A_1088 = tpu.memref_slice %arg2[%dma_wait3A_1086, %dma_wait3A_1087] : memref<100000x32xf32, #tpu.memory_space<hbm>> -> memref<100000x32xf32, #tpu.memory_space<hbm>>
            tpu.wait_indirect_dma semaphore(%arg23 : memref<!tpu.dma_semaphore, #tpu.memory_space<semaphore_mem>>) src(%dma_wait3A_1088 : memref<100000x32xf32, #tpu.memory_space<hbm>>) dst(%dma_wait3A_1083 : memref<128x32xf32, #tpu.memory_space<vmem>>)
            %add3A_1089 = arith.constant 1 : i32
            %add3A_1090 = arith.addi %add3A_917, %add3A_1089 : i32
            %lt3A_1091 = arith.cmpi slt, %add3A_1090, %div3A_47 : i32
            %convert_element_type3A_1092 = arith.extui %lt3A_1091 : i1 to i32
            %cond3A_1093 = arith.constant 0 : i32
            %cond3A_1094 = arith.cmpi ne, %convert_element_type3A_1092, %cond3A_1093 : i32
            scf.if %cond3A_1094 {
              %dma_wait3A_1114 = arith.constant 0 : i32
              %dma_wait3A_1115 = tpu.memref_slice %arg3[%dma_wait3A_1114] : memref<1600000xi32, #tpu.memory_space<hbm>> -> memref<1024xi32, #tpu.memory_space<hbm>>
              %dma_wait3A_1116 = arith.constant 0 : i32
              %dma_wait3A_1117 = tpu.memref_slice %arg3[%dma_wait3A_1116] : memref<1600000xi32, #tpu.memory_space<hbm>> -> memref<1024xi32, #tpu.memory_space<hbm>>
              tpu.wait_dma2 semaphore(%arg18 : memref<!tpu.dma_semaphore, #tpu.memory_space<semaphore_mem>>) src(%dma_wait3A_1117 : memref<1024xi32, #tpu.memory_space<hbm>>) dst(%arg9 : memref<1024xi32, #tpu.memory_space<vmem>>)
              %dma_start3A_1118 = arith.constant 0 : i32
              %dma_start3A_1119 = arith.constant 0 : i32
              %dma_start3A_1120 = tpu.memref_slice %arg12[%dma_start3A_1118, %dma_start3A_1119] : memref<1024x32xf32, #tpu.memory_space<vmem>> -> memref<128x32xf32, #tpu.memory_space<vmem>>
              %dma_start3A_1121 = arith.constant 0 : i32
              %dma_start3A_1122 = tpu.memref_slice %arg9[%dma_start3A_1121] : memref<1024xi32, #tpu.memory_space<vmem>> -> memref<128xi32, #tpu.memory_space<vmem>>
              %dma_start3A_1123 = arith.constant 0 : i32
              %dma_start3A_1124 = arith.constant 0 : i32
              %dma_start3A_1125 = tpu.memref_slice %arg2[%dma_start3A_1123, %dma_start3A_1124] : memref<100000x32xf32, #tpu.memory_space<hbm>> -> memref<100000x32xf32, #tpu.memory_space<hbm>>
              tpu.enqueue_indirect_dma source(%dma_start3A_1125 : memref<100000x32xf32, #tpu.memory_space<hbm>>) target(%dma_start3A_1120 : memref<128x32xf32, #tpu.memory_space<vmem>>) offsets(%dma_start3A_1122 : memref<128xi32, #tpu.memory_space<vmem>>) semaphore(%arg20 : memref<!tpu.dma_semaphore, #tpu.memory_space<semaphore_mem>>)
              %dma_start3A_1126 = arith.constant 128 : i32
              %dma_start3A_1127 = arith.constant 0 : i32
              %dma_start3A_1128 = tpu.memref_slice %arg12[%dma_start3A_1126, %dma_start3A_1127] : memref<1024x32xf32, #tpu.memory_space<vmem>> -> memref<128x32xf32, #tpu.memory_space<vmem>>
              %dma_start3A_1129 = arith.constant 128 : i32
              %dma_start3A_1130 = tpu.memref_slice %arg9[%dma_start3A_1129] : memref<1024xi32, #tpu.memory_space<vmem>> -> memref<128xi32, #tpu.memory_space<vmem>>
              %dma_start3A_1131 = arith.constant 0 : i32
              %dma_start3A_1132 = arith.constant 0 : i32
              %dma_start3A_1133 = tpu.memref_slice %arg2[%dma_start3A_1131, %dma_start3A_1132] : memref<100000x32xf32, #tpu.memory_space<hbm>> -> memref<100000x32xf32, #tpu.memory_space<hbm>>
              tpu.enqueue_indirect_dma source(%dma_start3A_1133 : memref<100000x32xf32, #tpu.memory_space<hbm>>) target(%dma_start3A_1128 : memref<128x32xf32, #tpu.memory_space<vmem>>) offsets(%dma_start3A_1130 : memref<128xi32, #tpu.memory_space<vmem>>) semaphore(%arg20 : memref<!tpu.dma_semaphore, #tpu.memory_space<semaphore_mem>>)
              %dma_start3A_1134 = arith.constant 256 : i32
              %dma_start3A_1135 = arith.constant 0 : i32
              %dma_start3A_1136 = tpu.memref_slice %arg12[%dma_start3A_1134, %dma_start3A_1135] : memref<1024x32xf32, #tpu.memory_space<vmem>> -> memref<128x32xf32, #tpu.memory_space<vmem>>
              %dma_start3A_1137 = arith.constant 256 : i32
              %dma_start3A_1138 = tpu.memref_slice %arg9[%dma_start3A_1137] : memref<1024xi32, #tpu.memory_space<vmem>> -> memref<128xi32, #tpu.memory_space<vmem>>
              %dma_start3A_1139 = arith.constant 0 : i32
              %dma_start3A_1140 = arith.constant 0 : i32
              %dma_start3A_1141 = tpu.memref_slice %arg2[%dma_start3A_1139, %dma_start3A_1140] : memref<100000x32xf32, #tpu.memory_space<hbm>> -> memref<100000x32xf32, #tpu.memory_space<hbm>>
              tpu.enqueue_indirect_dma source(%dma_start3A_1141 : memref<100000x32xf32, #tpu.memory_space<hbm>>) target(%dma_start3A_1136 : memref<128x32xf32, #tpu.memory_space<vmem>>) offsets(%dma_start3A_1138 : memref<128xi32, #tpu.memory_space<vmem>>) semaphore(%arg20 : memref<!tpu.dma_semaphore, #tpu.memory_space<semaphore_mem>>)
              %dma_start3A_1142 = arith.constant 384 : i32
              %dma_start3A_1143 = arith.constant 0 : i32
              %dma_start3A_1144 = tpu.memref_slice %arg12[%dma_start3A_1142, %dma_start3A_1143] : memref<1024x32xf32, #tpu.memory_space<vmem>> -> memref<128x32xf32, #tpu.memory_space<vmem>>
              %dma_start3A_1145 = arith.constant 384 : i32
              %dma_start3A_1146 = tpu.memref_slice %arg9[%dma_start3A_1145] : memref<1024xi32, #tpu.memory_space<vmem>> -> memref<128xi32, #tpu.memory_space<vmem>>
              %dma_start3A_1147 = arith.constant 0 : i32
              %dma_start3A_1148 = arith.constant 0 : i32
              %dma_start3A_1149 = tpu.memref_slice %arg2[%dma_start3A_1147, %dma_start3A_1148] : memref<100000x32xf32, #tpu.memory_space<hbm>> -> memref<100000x32xf32, #tpu.memory_space<hbm>>
              tpu.enqueue_indirect_dma source(%dma_start3A_1149 : memref<100000x32xf32, #tpu.memory_space<hbm>>) target(%dma_start3A_1144 : memref<128x32xf32, #tpu.memory_space<vmem>>) offsets(%dma_start3A_1146 : memref<128xi32, #tpu.memory_space<vmem>>) semaphore(%arg20 : memref<!tpu.dma_semaphore, #tpu.memory_space<semaphore_mem>>)
              %dma_start3A_1150 = arith.constant 512 : i32
              %dma_start3A_1151 = arith.constant 0 : i32
              %dma_start3A_1152 = tpu.memref_slice %arg12[%dma_start3A_1150, %dma_start3A_1151] : memref<1024x32xf32, #tpu.memory_space<vmem>> -> memref<128x32xf32, #tpu.memory_space<vmem>>
              %dma_start3A_1153 = arith.constant 512 : i32
              %dma_start3A_1154 = tpu.memref_slice %arg9[%dma_start3A_1153] : memref<1024xi32, #tpu.memory_space<vmem>> -> memref<128xi32, #tpu.memory_space<vmem>>
              %dma_start3A_1155 = arith.constant 0 : i32
              %dma_start3A_1156 = arith.constant 0 : i32
              %dma_start3A_1157 = tpu.memref_slice %arg2[%dma_start3A_1155, %dma_start3A_1156] : memref<100000x32xf32, #tpu.memory_space<hbm>> -> memref<100000x32xf32, #tpu.memory_space<hbm>>
              tpu.enqueue_indirect_dma source(%dma_start3A_1157 : memref<100000x32xf32, #tpu.memory_space<hbm>>) target(%dma_start3A_1152 : memref<128x32xf32, #tpu.memory_space<vmem>>) offsets(%dma_start3A_1154 : memref<128xi32, #tpu.memory_space<vmem>>) semaphore(%arg20 : memref<!tpu.dma_semaphore, #tpu.memory_space<semaphore_mem>>)
              %dma_start3A_1158 = arith.constant 640 : i32
              %dma_start3A_1159 = arith.constant 0 : i32
              %dma_start3A_1160 = tpu.memref_slice %arg12[%dma_start3A_1158, %dma_start3A_1159] : memref<1024x32xf32, #tpu.memory_space<vmem>> -> memref<128x32xf32, #tpu.memory_space<vmem>>
              %dma_start3A_1161 = arith.constant 640 : i32
              %dma_start3A_1162 = tpu.memref_slice %arg9[%dma_start3A_1161] : memref<1024xi32, #tpu.memory_space<vmem>> -> memref<128xi32, #tpu.memory_space<vmem>>
              %dma_start3A_1163 = arith.constant 0 : i32
              %dma_start3A_1164 = arith.constant 0 : i32
              %dma_start3A_1165 = tpu.memref_slice %arg2[%dma_start3A_1163, %dma_start3A_1164] : memref<100000x32xf32, #tpu.memory_space<hbm>> -> memref<100000x32xf32, #tpu.memory_space<hbm>>
              tpu.enqueue_indirect_dma source(%dma_start3A_1165 : memref<100000x32xf32, #tpu.memory_space<hbm>>) target(%dma_start3A_1160 : memref<128x32xf32, #tpu.memory_space<vmem>>) offsets(%dma_start3A_1162 : memref<128xi32, #tpu.memory_space<vmem>>) semaphore(%arg20 : memref<!tpu.dma_semaphore, #tpu.memory_space<semaphore_mem>>)
              %dma_start3A_1166 = arith.constant 768 : i32
              %dma_start3A_1167 = arith.constant 0 : i32
              %dma_start3A_1168 = tpu.memref_slice %arg12[%dma_start3A_1166, %dma_start3A_1167] : memref<1024x32xf32, #tpu.memory_space<vmem>> -> memref<128x32xf32, #tpu.memory_space<vmem>>
              %dma_start3A_1169 = arith.constant 768 : i32
              %dma_start3A_1170 = tpu.memref_slice %arg9[%dma_start3A_1169] : memref<1024xi32, #tpu.memory_space<vmem>> -> memref<128xi32, #tpu.memory_space<vmem>>
              %dma_start3A_1171 = arith.constant 0 : i32
              %dma_start3A_1172 = arith.constant 0 : i32
              %dma_start3A_1173 = tpu.memref_slice %arg2[%dma_start3A_1171, %dma_start3A_1172] : memref<100000x32xf32, #tpu.memory_space<hbm>> -> memref<100000x32xf32, #tpu.memory_space<hbm>>
              tpu.enqueue_indirect_dma source(%dma_start3A_1173 : memref<100000x32xf32, #tpu.memory_space<hbm>>) target(%dma_start3A_1168 : memref<128x32xf32, #tpu.memory_space<vmem>>) offsets(%dma_start3A_1170 : memref<128xi32, #tpu.memory_space<vmem>>) semaphore(%arg20 : memref<!tpu.dma_semaphore, #tpu.memory_space<semaphore_mem>>)
              %dma_start3A_1174 = arith.constant 896 : i32
              %dma_start3A_1175 = arith.constant 0 : i32
              %dma_start3A_1176 = tpu.memref_slice %arg12[%dma_start3A_1174, %dma_start3A_1175] : memref<1024x32xf32, #tpu.memory_space<vmem>> -> memref<128x32xf32, #tpu.memory_space<vmem>>
              %dma_start3A_1177 = arith.constant 896 : i32
              %dma_start3A_1178 = tpu.memref_slice %arg9[%dma_start3A_1177] : memref<1024xi32, #tpu.memory_space<vmem>> -> memref<128xi32, #tpu.memory_space<vmem>>
              %dma_start3A_1179 = arith.constant 0 : i32
              %dma_start3A_1180 = arith.constant 0 : i32
              %dma_start3A_1181 = tpu.memref_slice %arg2[%dma_start3A_1179, %dma_start3A_1180] : memref<100000x32xf32, #tpu.memory_space<hbm>> -> memref<100000x32xf32, #tpu.memory_space<hbm>>
              tpu.enqueue_indirect_dma source(%dma_start3A_1181 : memref<100000x32xf32, #tpu.memory_space<hbm>>) target(%dma_start3A_1176 : memref<128x32xf32, #tpu.memory_space<vmem>>) offsets(%dma_start3A_1178 : memref<128xi32, #tpu.memory_space<vmem>>) semaphore(%arg20 : memref<!tpu.dma_semaphore, #tpu.memory_space<semaphore_mem>>)
            } else {
            }
            %mul3A_1095 = arith.constant 1024 : i32
            %mul3A_1096 = arith.muli %add3A_917, %mul3A_1095 : i32
            %add3A_1097 = arith.addi %multiple_of3A, %mul3A_1096 : i32
            %multiple_of3A_1098 = tpu.assume_multiple %add3A_1097, 16 : i32
            %min3A_1099 = arith.constant 1598976 : i32
            %min3A_1100 = arith.minsi %multiple_of3A_1098, %min3A_1099 : i32
            %multiple_of3A_1101 = tpu.assume_multiple %min3A_1100, 16 : i32
            %sub3A_1102 = arith.subi %multiple_of3A_1098, %multiple_of3A_1101 : i32
            %scan3A_1103 = arith.constant 0 : i32
            %scan3A_1104 = arith.constant 64 : i32
            %scan3A_1105 = arith.addi %scan3A_1103, %scan3A_1104 : i32
            %scan3A_1106 = arith.constant 1 : i32
            scf.for %scan3A_1114 = %scan3A_1103 to %scan3A_1105 step %scan3A_1106  : i32 {
              %mul3A_1115 = arith.constant 1 : i32
              %mul3A_1116 = arith.muli %scan3A_1114, %mul3A_1115 : i32
              %add3A_1117 = arith.constant 0 : i32
              %add3A_1118 = arith.addi %add3A_1117, %mul3A_1116 : i32
              %mul3A_1119 = arith.constant 16 : i32
              %mul3A_1120 = arith.muli %add3A_1118, %mul3A_1119 : i32
              %add3A_1121 = arith.addi %multiple_of3A_1098, %mul3A_1120 : i32
              %broadcast_in_dim3A_1122 = vector.broadcast %add3A_1121 : i32 to vector<16xi32>
              %add3A_1123 = arith.addi %broadcast_in_dim3A_1122, %iota3A : vector<16xi32>
              %ge3A = arith.cmpi sge, %add3A_1123, %broadcast_in_dim3A_48 : vector<16xi32>
              %lt3A_1124 = arith.cmpi slt, %add3A_1123, %broadcast_in_dim3A_49 : vector<16xi32>
              %and3A = arith.andi %ge3A, %lt3A_1124 : vector<16xi1>
              %add3A_1125 = arith.addi %sub3A_1102, %mul3A_1120 : i32
              %broadcast_in_dim3A_1126 = vector.broadcast %add3A_1125 : i32 to vector<16xi32>
              %add3A_1127 = arith.addi %broadcast_in_dim3A_1126, %iota3A : vector<16xi32>
              %min3A_1128 = arith.constant 1023 : i32
              %min3A_1129 = vector.broadcast %min3A_1128 : i32 to vector<16xi32>
              %min3A_1130 = arith.minsi %add3A_1127, %min3A_1129 : vector<16xi32>
              %gather3A_1131 = tpu.vector_load_idx %arg15[%min3A_1130] : memref<1024xf32, #tpu.memory_space<vmem>>[vector<16xi32>], vector<16xf32>,
              %gather3A_1132 = tpu.vector_load_idx %arg14[%min3A_1130] : memref<1024xi32, #tpu.memory_space<vmem>>[vector<16xi32>], vector<16xi32>,
              %sub3A_1133 = arith.subi %gather3A_1132, %broadcast_in_dim3A_50 : vector<16xi32>
              %add3A_1134 = arith.constant 0 : i32
              %add3A_1135 = vector.broadcast %add3A_1134 : i32 to vector<16xi32>
              %add3A_1136 = arith.addi %iota3A, %add3A_1135 : vector<16xi32>
              %and3A_1137 = arith.constant 31 : i32
              %and3A_1138 = vector.broadcast %and3A_1137 : i32 to vector<16xi32>
              %and3A_1139 = arith.andi %add3A_1136, %and3A_1138 : vector<16xi32>
              %gather3A_1140 = tpu.vector_load_idx %arg16[%min3A_1130, %and3A_1139] : memref<1024x32xf32, #tpu.memory_space<vmem>>[vector<16xi32>, vector<16xi32>], vector<16xf32>,
              %mul3A_1141 = arith.mulf %gather3A_1140, %gather3A_1131 : vector<16xf32>
              tpu.vector_store_idx %arg17[%and3A_1139, %sub3A_1133], %mul3A_1141 masked %and3A {add = true} : memref<32x1601xf32, #tpu.memory_space<vmem>>[vector<16xi32>, vector<16xi32>], vector<16xf32>, vector<16xi1>
              %add3A_1142 = arith.constant 1 : i32
              %add3A_1143 = vector.broadcast %add3A_1142 : i32 to vector<16xi32>
              %add3A_1144 = arith.addi %iota3A, %add3A_1143 : vector<16xi32>
              %and3A_1145 = arith.constant 31 : i32
              %and3A_1146 = vector.broadcast %and3A_1145 : i32 to vector<16xi32>
              %and3A_1147 = arith.andi %add3A_1144, %and3A_1146 : vector<16xi32>
              %gather3A_1148 = tpu.vector_load_idx %arg16[%min3A_1130, %and3A_1147] : memref<1024x32xf32, #tpu.memory_space<vmem>>[vector<16xi32>, vector<16xi32>], vector<16xf32>,
              %mul3A_1149 = arith.mulf %gather3A_1148, %gather3A_1131 : vector<16xf32>
              tpu.vector_store_idx %arg17[%and3A_1147, %sub3A_1133], %mul3A_1149 masked %and3A {add = true} : memref<32x1601xf32, #tpu.memory_space<vmem>>[vector<16xi32>, vector<16xi32>], vector<16xf32>, vector<16xi1>
              %add3A_1150 = arith.constant 2 : i32
              %add3A_1151 = vector.broadcast %add3A_1150 : i32 to vector<16xi32>
              %add3A_1152 = arith.addi %iota3A, %add3A_1151 : vector<16xi32>
              %and3A_1153 = arith.constant 31 : i32
              %and3A_1154 = vector.broadcast %and3A_1153 : i32 to vector<16xi32>
              %and3A_1155 = arith.andi %add3A_1152, %and3A_1154 : vector<16xi32>
              %gather3A_1156 = tpu.vector_load_idx %arg16[%min3A_1130, %and3A_1155] : memref<1024x32xf32, #tpu.memory_space<vmem>>[vector<16xi32>, vector<16xi32>], vector<16xf32>,
              %mul3A_1157 = arith.mulf %gather3A_1156, %gather3A_1131 : vector<16xf32>
              tpu.vector_store_idx %arg17[%and3A_1155, %sub3A_1133], %mul3A_1157 masked %and3A {add = true} : memref<32x1601xf32, #tpu.memory_space<vmem>>[vector<16xi32>, vector<16xi32>], vector<16xf32>, vector<16xi1>
              %add3A_1158 = arith.constant 3 : i32
              %add3A_1159 = vector.broadcast %add3A_1158 : i32 to vector<16xi32>
              %add3A_1160 = arith.addi %iota3A, %add3A_1159 : vector<16xi32>
              %and3A_1161 = arith.constant 31 : i32
              %and3A_1162 = vector.broadcast %and3A_1161 : i32 to vector<16xi32>
              %and3A_1163 = arith.andi %add3A_1160, %and3A_1162 : vector<16xi32>
              %gather3A_1164 = tpu.vector_load_idx %arg16[%min3A_1130, %and3A_1163] : memref<1024x32xf32, #tpu.memory_space<vmem>>[vector<16xi32>, vector<16xi32>], vector<16xf32>,
              %mul3A_1165 = arith.mulf %gather3A_1164, %gather3A_1131 : vector<16xf32>
              tpu.vector_store_idx %arg17[%and3A_1163, %sub3A_1133], %mul3A_1165 masked %and3A {add = true} : memref<32x1601xf32, #tpu.memory_space<vmem>>[vector<16xi32>, vector<16xi32>], vector<16xf32>, vector<16xi1>
              %add3A_1166 = arith.constant 4 : i32
              %add3A_1167 = vector.broadcast %add3A_1166 : i32 to vector<16xi32>
              %add3A_1168 = arith.addi %iota3A, %add3A_1167 : vector<16xi32>
              %and3A_1169 = arith.constant 31 : i32
              %and3A_1170 = vector.broadcast %and3A_1169 : i32 to vector<16xi32>
              %and3A_1171 = arith.andi %add3A_1168, %and3A_1170 : vector<16xi32>
              %gather3A_1172 = tpu.vector_load_idx %arg16[%min3A_1130, %and3A_1171] : memref<1024x32xf32, #tpu.memory_space<vmem>>[vector<16xi32>, vector<16xi32>], vector<16xf32>,
              %mul3A_1173 = arith.mulf %gather3A_1172, %gather3A_1131 : vector<16xf32>
              tpu.vector_store_idx %arg17[%and3A_1171, %sub3A_1133], %mul3A_1173 masked %and3A {add = true} : memref<32x1601xf32, #tpu.memory_space<vmem>>[vector<16xi32>, vector<16xi32>], vector<16xf32>, vector<16xi1>
              %add3A_1174 = arith.constant 5 : i32
              %add3A_1175 = vector.broadcast %add3A_1174 : i32 to vector<16xi32>
              %add3A_1176 = arith.addi %iota3A, %add3A_1175 : vector<16xi32>
              %and3A_1177 = arith.constant 31 : i32
              %and3A_1178 = vector.broadcast %and3A_1177 : i32 to vector<16xi32>
              %and3A_1179 = arith.andi %add3A_1176, %and3A_1178 : vector<16xi32>
              %gather3A_1180 = tpu.vector_load_idx %arg16[%min3A_1130, %and3A_1179] : memref<1024x32xf32, #tpu.memory_space<vmem>>[vector<16xi32>, vector<16xi32>], vector<16xf32>,
              %mul3A_1181 = arith.mulf %gather3A_1180, %gather3A_1131 : vector<16xf32>
              tpu.vector_store_idx %arg17[%and3A_1179, %sub3A_1133], %mul3A_1181 masked %and3A {add = true} : memref<32x1601xf32, #tpu.memory_space<vmem>>[vector<16xi32>, vector<16xi32>], vector<16xf32>, vector<16xi1>
              %add3A_1182 = arith.constant 6 : i32
              %add3A_1183 = vector.broadcast %add3A_1182 : i32 to vector<16xi32>
              %add3A_1184 = arith.addi %iota3A, %add3A_1183 : vector<16xi32>
              %and3A_1185 = arith.constant 31 : i32
              %and3A_1186 = vector.broadcast %and3A_1185 : i32 to vector<16xi32>
              %and3A_1187 = arith.andi %add3A_1184, %and3A_1186 : vector<16xi32>
              %gather3A_1188 = tpu.vector_load_idx %arg16[%min3A_1130, %and3A_1187] : memref<1024x32xf32, #tpu.memory_space<vmem>>[vector<16xi32>, vector<16xi32>], vector<16xf32>,
              %mul3A_1189 = arith.mulf %gather3A_1188, %gather3A_1131 : vector<16xf32>
              tpu.vector_store_idx %arg17[%and3A_1187, %sub3A_1133], %mul3A_1189 masked %and3A {add = true} : memref<32x1601xf32, #tpu.memory_space<vmem>>[vector<16xi32>, vector<16xi32>], vector<16xf32>, vector<16xi1>
              %add3A_1190 = arith.constant 7 : i32
              %add3A_1191 = vector.broadcast %add3A_1190 : i32 to vector<16xi32>
              %add3A_1192 = arith.addi %iota3A, %add3A_1191 : vector<16xi32>
              %and3A_1193 = arith.constant 31 : i32
              %and3A_1194 = vector.broadcast %and3A_1193 : i32 to vector<16xi32>
              %and3A_1195 = arith.andi %add3A_1192, %and3A_1194 : vector<16xi32>
              %gather3A_1196 = tpu.vector_load_idx %arg16[%min3A_1130, %and3A_1195] : memref<1024x32xf32, #tpu.memory_space<vmem>>[vector<16xi32>, vector<16xi32>], vector<16xf32>,
              %mul3A_1197 = arith.mulf %gather3A_1196, %gather3A_1131 : vector<16xf32>
              tpu.vector_store_idx %arg17[%and3A_1195, %sub3A_1133], %mul3A_1197 masked %and3A {add = true} : memref<32x1601xf32, #tpu.memory_space<vmem>>[vector<16xi32>, vector<16xi32>], vector<16xf32>, vector<16xi1>
              %add3A_1198 = arith.constant 8 : i32
              %add3A_1199 = vector.broadcast %add3A_1198 : i32 to vector<16xi32>
              %add3A_1200 = arith.addi %iota3A, %add3A_1199 : vector<16xi32>
              %and3A_1201 = arith.constant 31 : i32
              %and3A_1202 = vector.broadcast %and3A_1201 : i32 to vector<16xi32>
              %and3A_1203 = arith.andi %add3A_1200, %and3A_1202 : vector<16xi32>
              %gather3A_1204 = tpu.vector_load_idx %arg16[%min3A_1130, %and3A_1203] : memref<1024x32xf32, #tpu.memory_space<vmem>>[vector<16xi32>, vector<16xi32>], vector<16xf32>,
              %mul3A_1205 = arith.mulf %gather3A_1204, %gather3A_1131 : vector<16xf32>
              tpu.vector_store_idx %arg17[%and3A_1203, %sub3A_1133], %mul3A_1205 masked %and3A {add = true} : memref<32x1601xf32, #tpu.memory_space<vmem>>[vector<16xi32>, vector<16xi32>], vector<16xf32>, vector<16xi1>
              %add3A_1206 = arith.constant 9 : i32
              %add3A_1207 = vector.broadcast %add3A_1206 : i32 to vector<16xi32>
              %add3A_1208 = arith.addi %iota3A, %add3A_1207 : vector<16xi32>
              %and3A_1209 = arith.constant 31 : i32
              %and3A_1210 = vector.broadcast %and3A_1209 : i32 to vector<16xi32>
              %and3A_1211 = arith.andi %add3A_1208, %and3A_1210 : vector<16xi32>
              %gather3A_1212 = tpu.vector_load_idx %arg16[%min3A_1130, %and3A_1211] : memref<1024x32xf32, #tpu.memory_space<vmem>>[vector<16xi32>, vector<16xi32>], vector<16xf32>,
              %mul3A_1213 = arith.mulf %gather3A_1212, %gather3A_1131 : vector<16xf32>
              tpu.vector_store_idx %arg17[%and3A_1211, %sub3A_1133], %mul3A_1213 masked %and3A {add = true} : memref<32x1601xf32, #tpu.memory_space<vmem>>[vector<16xi32>, vector<16xi32>], vector<16xf32>, vector<16xi1>
              %add3A_1214 = arith.constant 10 : i32
              %add3A_1215 = vector.broadcast %add3A_1214 : i32 to vector<16xi32>
              %add3A_1216 = arith.addi %iota3A, %add3A_1215 : vector<16xi32>
              %and3A_1217 = arith.constant 31 : i32
              %and3A_1218 = vector.broadcast %and3A_1217 : i32 to vector<16xi32>
              %and3A_1219 = arith.andi %add3A_1216, %and3A_1218 : vector<16xi32>
              %gather3A_1220 = tpu.vector_load_idx %arg16[%min3A_1130, %and3A_1219] : memref<1024x32xf32, #tpu.memory_space<vmem>>[vector<16xi32>, vector<16xi32>], vector<16xf32>,
              %mul3A_1221 = arith.mulf %gather3A_1220, %gather3A_1131 : vector<16xf32>
              tpu.vector_store_idx %arg17[%and3A_1219, %sub3A_1133], %mul3A_1221 masked %and3A {add = true} : memref<32x1601xf32, #tpu.memory_space<vmem>>[vector<16xi32>, vector<16xi32>], vector<16xf32>, vector<16xi1>
              %add3A_1222 = arith.constant 11 : i32
              %add3A_1223 = vector.broadcast %add3A_1222 : i32 to vector<16xi32>
              %add3A_1224 = arith.addi %iota3A, %add3A_1223 : vector<16xi32>
              %and3A_1225 = arith.constant 31 : i32
              %and3A_1226 = vector.broadcast %and3A_1225 : i32 to vector<16xi32>
              %and3A_1227 = arith.andi %add3A_1224, %and3A_1226 : vector<16xi32>
              %gather3A_1228 = tpu.vector_load_idx %arg16[%min3A_1130, %and3A_1227] : memref<1024x32xf32, #tpu.memory_space<vmem>>[vector<16xi32>, vector<16xi32>], vector<16xf32>,
              %mul3A_1229 = arith.mulf %gather3A_1228, %gather3A_1131 : vector<16xf32>
              tpu.vector_store_idx %arg17[%and3A_1227, %sub3A_1133], %mul3A_1229 masked %and3A {add = true} : memref<32x1601xf32, #tpu.memory_space<vmem>>[vector<16xi32>, vector<16xi32>], vector<16xf32>, vector<16xi1>
              %add3A_1230 = arith.constant 12 : i32
              %add3A_1231 = vector.broadcast %add3A_1230 : i32 to vector<16xi32>
              %add3A_1232 = arith.addi %iota3A, %add3A_1231 : vector<16xi32>
              %and3A_1233 = arith.constant 31 : i32
              %and3A_1234 = vector.broadcast %and3A_1233 : i32 to vector<16xi32>
              %and3A_1235 = arith.andi %add3A_1232, %and3A_1234 : vector<16xi32>
              %gather3A_1236 = tpu.vector_load_idx %arg16[%min3A_1130, %and3A_1235] : memref<1024x32xf32, #tpu.memory_space<vmem>>[vector<16xi32>, vector<16xi32>], vector<16xf32>,
              %mul3A_1237 = arith.mulf %gather3A_1236, %gather3A_1131 : vector<16xf32>
              tpu.vector_store_idx %arg17[%and3A_1235, %sub3A_1133], %mul3A_1237 masked %and3A {add = true} : memref<32x1601xf32, #tpu.memory_space<vmem>>[vector<16xi32>, vector<16xi32>], vector<16xf32>, vector<16xi1>
              %add3A_1238 = arith.constant 13 : i32
              %add3A_1239 = vector.broadcast %add3A_1238 : i32 to vector<16xi32>
              %add3A_1240 = arith.addi %iota3A, %add3A_1239 : vector<16xi32>
              %and3A_1241 = arith.constant 31 : i32
              %and3A_1242 = vector.broadcast %and3A_1241 : i32 to vector<16xi32>
              %and3A_1243 = arith.andi %add3A_1240, %and3A_1242 : vector<16xi32>
              %gather3A_1244 = tpu.vector_load_idx %arg16[%min3A_1130, %and3A_1243] : memref<1024x32xf32, #tpu.memory_space<vmem>>[vector<16xi32>, vector<16xi32>], vector<16xf32>,
              %mul3A_1245 = arith.mulf %gather3A_1244, %gather3A_1131 : vector<16xf32>
              tpu.vector_store_idx %arg17[%and3A_1243, %sub3A_1133], %mul3A_1245 masked %and3A {add = true} : memref<32x1601xf32, #tpu.memory_space<vmem>>[vector<16xi32>, vector<16xi32>], vector<16xf32>, vector<16xi1>
              %add3A_1246 = arith.constant 14 : i32
              %add3A_1247 = vector.broadcast %add3A_1246 : i32 to vector<16xi32>
              %add3A_1248 = arith.addi %iota3A, %add3A_1247 : vector<16xi32>
              %and3A_1249 = arith.constant 31 : i32
              %and3A_1250 = vector.broadcast %and3A_1249 : i32 to vector<16xi32>
              %and3A_1251 = arith.andi %add3A_1248, %and3A_1250 : vector<16xi32>
              %gather3A_1252 = tpu.vector_load_idx %arg16[%min3A_1130, %and3A_1251] : memref<1024x32xf32, #tpu.memory_space<vmem>>[vector<16xi32>, vector<16xi32>], vector<16xf32>,
              %mul3A_1253 = arith.mulf %gather3A_1252, %gather3A_1131 : vector<16xf32>
              tpu.vector_store_idx %arg17[%and3A_1251, %sub3A_1133], %mul3A_1253 masked %and3A {add = true} : memref<32x1601xf32, #tpu.memory_space<vmem>>[vector<16xi32>, vector<16xi32>], vector<16xf32>, vector<16xi1>
              %add3A_1254 = arith.constant 15 : i32
              %add3A_1255 = vector.broadcast %add3A_1254 : i32 to vector<16xi32>
              %add3A_1256 = arith.addi %iota3A, %add3A_1255 : vector<16xi32>
              %and3A_1257 = arith.constant 31 : i32
              %and3A_1258 = vector.broadcast %and3A_1257 : i32 to vector<16xi32>
              %and3A_1259 = arith.andi %add3A_1256, %and3A_1258 : vector<16xi32>
              %gather3A_1260 = tpu.vector_load_idx %arg16[%min3A_1130, %and3A_1259] : memref<1024x32xf32, #tpu.memory_space<vmem>>[vector<16xi32>, vector<16xi32>], vector<16xf32>,
              %mul3A_1261 = arith.mulf %gather3A_1260, %gather3A_1131 : vector<16xf32>
              tpu.vector_store_idx %arg17[%and3A_1259, %sub3A_1133], %mul3A_1261 masked %and3A {add = true} : memref<32x1601xf32, #tpu.memory_space<vmem>>[vector<16xi32>, vector<16xi32>], vector<16xf32>, vector<16xi1>
              %add3A_1262 = arith.constant 16 : i32
              %add3A_1263 = vector.broadcast %add3A_1262 : i32 to vector<16xi32>
              %add3A_1264 = arith.addi %iota3A, %add3A_1263 : vector<16xi32>
              %and3A_1265 = arith.constant 31 : i32
              %and3A_1266 = vector.broadcast %and3A_1265 : i32 to vector<16xi32>
              %and3A_1267 = arith.andi %add3A_1264, %and3A_1266 : vector<16xi32>
              %gather3A_1268 = tpu.vector_load_idx %arg16[%min3A_1130, %and3A_1267] : memref<1024x32xf32, #tpu.memory_space<vmem>>[vector<16xi32>, vector<16xi32>], vector<16xf32>,
              %mul3A_1269 = arith.mulf %gather3A_1268, %gather3A_1131 : vector<16xf32>
              tpu.vector_store_idx %arg17[%and3A_1267, %sub3A_1133], %mul3A_1269 masked %and3A {add = true} : memref<32x1601xf32, #tpu.memory_space<vmem>>[vector<16xi32>, vector<16xi32>], vector<16xf32>, vector<16xi1>
              %add3A_1270 = arith.constant 17 : i32
              %add3A_1271 = vector.broadcast %add3A_1270 : i32 to vector<16xi32>
              %add3A_1272 = arith.addi %iota3A, %add3A_1271 : vector<16xi32>
              %and3A_1273 = arith.constant 31 : i32
              %and3A_1274 = vector.broadcast %and3A_1273 : i32 to vector<16xi32>
              %and3A_1275 = arith.andi %add3A_1272, %and3A_1274 : vector<16xi32>
              %gather3A_1276 = tpu.vector_load_idx %arg16[%min3A_1130, %and3A_1275] : memref<1024x32xf32, #tpu.memory_space<vmem>>[vector<16xi32>, vector<16xi32>], vector<16xf32>,
              %mul3A_1277 = arith.mulf %gather3A_1276, %gather3A_1131 : vector<16xf32>
              tpu.vector_store_idx %arg17[%and3A_1275, %sub3A_1133], %mul3A_1277 masked %and3A {add = true} : memref<32x1601xf32, #tpu.memory_space<vmem>>[vector<16xi32>, vector<16xi32>], vector<16xf32>, vector<16xi1>
              %add3A_1278 = arith.constant 18 : i32
              %add3A_1279 = vector.broadcast %add3A_1278 : i32 to vector<16xi32>
              %add3A_1280 = arith.addi %iota3A, %add3A_1279 : vector<16xi32>
              %and3A_1281 = arith.constant 31 : i32
              %and3A_1282 = vector.broadcast %and3A_1281 : i32 to vector<16xi32>
              %and3A_1283 = arith.andi %add3A_1280, %and3A_1282 : vector<16xi32>
              %gather3A_1284 = tpu.vector_load_idx %arg16[%min3A_1130, %and3A_1283] : memref<1024x32xf32, #tpu.memory_space<vmem>>[vector<16xi32>, vector<16xi32>], vector<16xf32>,
              %mul3A_1285 = arith.mulf %gather3A_1284, %gather3A_1131 : vector<16xf32>
              tpu.vector_store_idx %arg17[%and3A_1283, %sub3A_1133], %mul3A_1285 masked %and3A {add = true} : memref<32x1601xf32, #tpu.memory_space<vmem>>[vector<16xi32>, vector<16xi32>], vector<16xf32>, vector<16xi1>
              %add3A_1286 = arith.constant 19 : i32
              %add3A_1287 = vector.broadcast %add3A_1286 : i32 to vector<16xi32>
              %add3A_1288 = arith.addi %iota3A, %add3A_1287 : vector<16xi32>
              %and3A_1289 = arith.constant 31 : i32
              %and3A_1290 = vector.broadcast %and3A_1289 : i32 to vector<16xi32>
              %and3A_1291 = arith.andi %add3A_1288, %and3A_1290 : vector<16xi32>
              %gather3A_1292 = tpu.vector_load_idx %arg16[%min3A_1130, %and3A_1291] : memref<1024x32xf32, #tpu.memory_space<vmem>>[vector<16xi32>, vector<16xi32>], vector<16xf32>,
              %mul3A_1293 = arith.mulf %gather3A_1292, %gather3A_1131 : vector<16xf32>
              tpu.vector_store_idx %arg17[%and3A_1291, %sub3A_1133], %mul3A_1293 masked %and3A {add = true} : memref<32x1601xf32, #tpu.memory_space<vmem>>[vector<16xi32>, vector<16xi32>], vector<16xf32>, vector<16xi1>
              %add3A_1294 = arith.constant 20 : i32
              %add3A_1295 = vector.broadcast %add3A_1294 : i32 to vector<16xi32>
              %add3A_1296 = arith.addi %iota3A, %add3A_1295 : vector<16xi32>
              %and3A_1297 = arith.constant 31 : i32
              %and3A_1298 = vector.broadcast %and3A_1297 : i32 to vector<16xi32>
              %and3A_1299 = arith.andi %add3A_1296, %and3A_1298 : vector<16xi32>
              %gather3A_1300 = tpu.vector_load_idx %arg16[%min3A_1130, %and3A_1299] : memref<1024x32xf32, #tpu.memory_space<vmem>>[vector<16xi32>, vector<16xi32>], vector<16xf32>,
              %mul3A_1301 = arith.mulf %gather3A_1300, %gather3A_1131 : vector<16xf32>
              tpu.vector_store_idx %arg17[%and3A_1299, %sub3A_1133], %mul3A_1301 masked %and3A {add = true} : memref<32x1601xf32, #tpu.memory_space<vmem>>[vector<16xi32>, vector<16xi32>], vector<16xf32>, vector<16xi1>
              %add3A_1302 = arith.constant 21 : i32
              %add3A_1303 = vector.broadcast %add3A_1302 : i32 to vector<16xi32>
              %add3A_1304 = arith.addi %iota3A, %add3A_1303 : vector<16xi32>
              %and3A_1305 = arith.constant 31 : i32
              %and3A_1306 = vector.broadcast %and3A_1305 : i32 to vector<16xi32>
              %and3A_1307 = arith.andi %add3A_1304, %and3A_1306 : vector<16xi32>
              %gather3A_1308 = tpu.vector_load_idx %arg16[%min3A_1130, %and3A_1307] : memref<1024x32xf32, #tpu.memory_space<vmem>>[vector<16xi32>, vector<16xi32>], vector<16xf32>,
              %mul3A_1309 = arith.mulf %gather3A_1308, %gather3A_1131 : vector<16xf32>
              tpu.vector_store_idx %arg17[%and3A_1307, %sub3A_1133], %mul3A_1309 masked %and3A {add = true} : memref<32x1601xf32, #tpu.memory_space<vmem>>[vector<16xi32>, vector<16xi32>], vector<16xf32>, vector<16xi1>
              %add3A_1310 = arith.constant 22 : i32
              %add3A_1311 = vector.broadcast %add3A_1310 : i32 to vector<16xi32>
              %add3A_1312 = arith.addi %iota3A, %add3A_1311 : vector<16xi32>
              %and3A_1313 = arith.constant 31 : i32
              %and3A_1314 = vector.broadcast %and3A_1313 : i32 to vector<16xi32>
              %and3A_1315 = arith.andi %add3A_1312, %and3A_1314 : vector<16xi32>
              %gather3A_1316 = tpu.vector_load_idx %arg16[%min3A_1130, %and3A_1315] : memref<1024x32xf32, #tpu.memory_space<vmem>>[vector<16xi32>, vector<16xi32>], vector<16xf32>,
              %mul3A_1317 = arith.mulf %gather3A_1316, %gather3A_1131 : vector<16xf32>
              tpu.vector_store_idx %arg17[%and3A_1315, %sub3A_1133], %mul3A_1317 masked %and3A {add = true} : memref<32x1601xf32, #tpu.memory_space<vmem>>[vector<16xi32>, vector<16xi32>], vector<16xf32>, vector<16xi1>
              %add3A_1318 = arith.constant 23 : i32
              %add3A_1319 = vector.broadcast %add3A_1318 : i32 to vector<16xi32>
              %add3A_1320 = arith.addi %iota3A, %add3A_1319 : vector<16xi32>
              %and3A_1321 = arith.constant 31 : i32
              %and3A_1322 = vector.broadcast %and3A_1321 : i32 to vector<16xi32>
              %and3A_1323 = arith.andi %add3A_1320, %and3A_1322 : vector<16xi32>
              %gather3A_1324 = tpu.vector_load_idx %arg16[%min3A_1130, %and3A_1323] : memref<1024x32xf32, #tpu.memory_space<vmem>>[vector<16xi32>, vector<16xi32>], vector<16xf32>,
              %mul3A_1325 = arith.mulf %gather3A_1324, %gather3A_1131 : vector<16xf32>
              tpu.vector_store_idx %arg17[%and3A_1323, %sub3A_1133], %mul3A_1325 masked %and3A {add = true} : memref<32x1601xf32, #tpu.memory_space<vmem>>[vector<16xi32>, vector<16xi32>], vector<16xf32>, vector<16xi1>
              %add3A_1326 = arith.constant 24 : i32
              %add3A_1327 = vector.broadcast %add3A_1326 : i32 to vector<16xi32>
              %add3A_1328 = arith.addi %iota3A, %add3A_1327 : vector<16xi32>
              %and3A_1329 = arith.constant 31 : i32
              %and3A_1330 = vector.broadcast %and3A_1329 : i32 to vector<16xi32>
              %and3A_1331 = arith.andi %add3A_1328, %and3A_1330 : vector<16xi32>
              %gather3A_1332 = tpu.vector_load_idx %arg16[%min3A_1130, %and3A_1331] : memref<1024x32xf32, #tpu.memory_space<vmem>>[vector<16xi32>, vector<16xi32>], vector<16xf32>,
              %mul3A_1333 = arith.mulf %gather3A_1332, %gather3A_1131 : vector<16xf32>
              tpu.vector_store_idx %arg17[%and3A_1331, %sub3A_1133], %mul3A_1333 masked %and3A {add = true} : memref<32x1601xf32, #tpu.memory_space<vmem>>[vector<16xi32>, vector<16xi32>], vector<16xf32>, vector<16xi1>
              %add3A_1334 = arith.constant 25 : i32
              %add3A_1335 = vector.broadcast %add3A_1334 : i32 to vector<16xi32>
              %add3A_1336 = arith.addi %iota3A, %add3A_1335 : vector<16xi32>
              %and3A_1337 = arith.constant 31 : i32
              %and3A_1338 = vector.broadcast %and3A_1337 : i32 to vector<16xi32>
              %and3A_1339 = arith.andi %add3A_1336, %and3A_1338 : vector<16xi32>
              %gather3A_1340 = tpu.vector_load_idx %arg16[%min3A_1130, %and3A_1339] : memref<1024x32xf32, #tpu.memory_space<vmem>>[vector<16xi32>, vector<16xi32>], vector<16xf32>,
              %mul3A_1341 = arith.mulf %gather3A_1340, %gather3A_1131 : vector<16xf32>
              tpu.vector_store_idx %arg17[%and3A_1339, %sub3A_1133], %mul3A_1341 masked %and3A {add = true} : memref<32x1601xf32, #tpu.memory_space<vmem>>[vector<16xi32>, vector<16xi32>], vector<16xf32>, vector<16xi1>
              %add3A_1342 = arith.constant 26 : i32
              %add3A_1343 = vector.broadcast %add3A_1342 : i32 to vector<16xi32>
              %add3A_1344 = arith.addi %iota3A, %add3A_1343 : vector<16xi32>
              %and3A_1345 = arith.constant 31 : i32
              %and3A_1346 = vector.broadcast %and3A_1345 : i32 to vector<16xi32>
              %and3A_1347 = arith.andi %add3A_1344, %and3A_1346 : vector<16xi32>
              %gather3A_1348 = tpu.vector_load_idx %arg16[%min3A_1130, %and3A_1347] : memref<1024x32xf32, #tpu.memory_space<vmem>>[vector<16xi32>, vector<16xi32>], vector<16xf32>,
              %mul3A_1349 = arith.mulf %gather3A_1348, %gather3A_1131 : vector<16xf32>
              tpu.vector_store_idx %arg17[%and3A_1347, %sub3A_1133], %mul3A_1349 masked %and3A {add = true} : memref<32x1601xf32, #tpu.memory_space<vmem>>[vector<16xi32>, vector<16xi32>], vector<16xf32>, vector<16xi1>
              %add3A_1350 = arith.constant 27 : i32
              %add3A_1351 = vector.broadcast %add3A_1350 : i32 to vector<16xi32>
              %add3A_1352 = arith.addi %iota3A, %add3A_1351 : vector<16xi32>
              %and3A_1353 = arith.constant 31 : i32
              %and3A_1354 = vector.broadcast %and3A_1353 : i32 to vector<16xi32>
              %and3A_1355 = arith.andi %add3A_1352, %and3A_1354 : vector<16xi32>
              %gather3A_1356 = tpu.vector_load_idx %arg16[%min3A_1130, %and3A_1355] : memref<1024x32xf32, #tpu.memory_space<vmem>>[vector<16xi32>, vector<16xi32>], vector<16xf32>,
              %mul3A_1357 = arith.mulf %gather3A_1356, %gather3A_1131 : vector<16xf32>
              tpu.vector_store_idx %arg17[%and3A_1355, %sub3A_1133], %mul3A_1357 masked %and3A {add = true} : memref<32x1601xf32, #tpu.memory_space<vmem>>[vector<16xi32>, vector<16xi32>], vector<16xf32>, vector<16xi1>
              %add3A_1358 = arith.constant 28 : i32
              %add3A_1359 = vector.broadcast %add3A_1358 : i32 to vector<16xi32>
              %add3A_1360 = arith.addi %iota3A, %add3A_1359 : vector<16xi32>
              %and3A_1361 = arith.constant 31 : i32
              %and3A_1362 = vector.broadcast %and3A_1361 : i32 to vector<16xi32>
              %and3A_1363 = arith.andi %add3A_1360, %and3A_1362 : vector<16xi32>
              %gather3A_1364 = tpu.vector_load_idx %arg16[%min3A_1130, %and3A_1363] : memref<1024x32xf32, #tpu.memory_space<vmem>>[vector<16xi32>, vector<16xi32>], vector<16xf32>,
              %mul3A_1365 = arith.mulf %gather3A_1364, %gather3A_1131 : vector<16xf32>
              tpu.vector_store_idx %arg17[%and3A_1363, %sub3A_1133], %mul3A_1365 masked %and3A {add = true} : memref<32x1601xf32, #tpu.memory_space<vmem>>[vector<16xi32>, vector<16xi32>], vector<16xf32>, vector<16xi1>
              %add3A_1366 = arith.constant 29 : i32
              %add3A_1367 = vector.broadcast %add3A_1366 : i32 to vector<16xi32>
              %add3A_1368 = arith.addi %iota3A, %add3A_1367 : vector<16xi32>
              %and3A_1369 = arith.constant 31 : i32
              %and3A_1370 = vector.broadcast %and3A_1369 : i32 to vector<16xi32>
              %and3A_1371 = arith.andi %add3A_1368, %and3A_1370 : vector<16xi32>
              %gather3A_1372 = tpu.vector_load_idx %arg16[%min3A_1130, %and3A_1371] : memref<1024x32xf32, #tpu.memory_space<vmem>>[vector<16xi32>, vector<16xi32>], vector<16xf32>,
              %mul3A_1373 = arith.mulf %gather3A_1372, %gather3A_1131 : vector<16xf32>
              tpu.vector_store_idx %arg17[%and3A_1371, %sub3A_1133], %mul3A_1373 masked %and3A {add = true} : memref<32x1601xf32, #tpu.memory_space<vmem>>[vector<16xi32>, vector<16xi32>], vector<16xf32>, vector<16xi1>
              %add3A_1374 = arith.constant 30 : i32
              %add3A_1375 = vector.broadcast %add3A_1374 : i32 to vector<16xi32>
              %add3A_1376 = arith.addi %iota3A, %add3A_1375 : vector<16xi32>
              %and3A_1377 = arith.constant 31 : i32
              %and3A_1378 = vector.broadcast %and3A_1377 : i32 to vector<16xi32>
              %and3A_1379 = arith.andi %add3A_1376, %and3A_1378 : vector<16xi32>
              %gather3A_1380 = tpu.vector_load_idx %arg16[%min3A_1130, %and3A_1379] : memref<1024x32xf32, #tpu.memory_space<vmem>>[vector<16xi32>, vector<16xi32>], vector<16xf32>,
              %mul3A_1381 = arith.mulf %gather3A_1380, %gather3A_1131 : vector<16xf32>
              tpu.vector_store_idx %arg17[%and3A_1379, %sub3A_1133], %mul3A_1381 masked %and3A {add = true} : memref<32x1601xf32, #tpu.memory_space<vmem>>[vector<16xi32>, vector<16xi32>], vector<16xf32>, vector<16xi1>
              %add3A_1382 = arith.constant 31 : i32
              %add3A_1383 = vector.broadcast %add3A_1382 : i32 to vector<16xi32>
              %add3A_1384 = arith.addi %iota3A, %add3A_1383 : vector<16xi32>
              %and3A_1385 = arith.constant 31 : i32
              %and3A_1386 = vector.broadcast %and3A_1385 : i32 to vector<16xi32>
              %and3A_1387 = arith.andi %add3A_1384, %and3A_1386 : vector<16xi32>
              %gather3A_1388 = tpu.vector_load_idx %arg16[%min3A_1130, %and3A_1387] : memref<1024x32xf32, #tpu.memory_space<vmem>>[vector<16xi32>, vector<16xi32>], vector<16xf32>,
              %mul3A_1389 = arith.mulf %gather3A_1388, %gather3A_1131 : vector<16xf32>
              tpu.vector_store_idx %arg17[%and3A_1387, %sub3A_1133], %mul3A_1389 masked %and3A {add = true} : memref<32x1601xf32, #tpu.memory_space<vmem>>[vector<16xi32>, vector<16xi32>], vector<16xf32>, vector<16xi1>
            }
            %scan3A_1107 = arith.constant 64 : i32
            %add3A_1108 = arith.constant 2 : i32
            %add3A_1109 = arith.addi %add3A_917, %add3A_1108 : i32
            %lt3A_1110 = arith.cmpi slt, %add3A_1109, %div3A_47 : i32
            %convert_element_type3A_1111 = arith.extui %lt3A_1110 : i1 to i32
            %cond3A_1112 = arith.constant 0 : i32
            %cond3A_1113 = arith.cmpi ne, %convert_element_type3A_1111, %cond3A_1112 : i32
            scf.if %cond3A_1113 {
              %add3A_1114 = arith.constant 2 : i32
              %add3A_1115 = arith.addi %add3A_917, %add3A_1114 : i32
              %mul3A_1116 = arith.constant 1024 : i32
              %mul3A_1117 = arith.muli %add3A_1115, %mul3A_1116 : i32
              %add3A_1118 = arith.addi %multiple_of3A, %mul3A_1117 : i32
              %multiple_of3A_1119 = tpu.assume_multiple %add3A_1118, 16 : i32
              %min3A_1120 = arith.constant 1598976 : i32
              %min3A_1121 = arith.minsi %multiple_of3A_1119, %min3A_1120 : i32
              %multiple_of3A_1122 = tpu.assume_multiple %min3A_1121, 16 : i32
              %dma_start3A_1123 = tpu.memref_slice %arg3[%multiple_of3A_1122] : memref<1600000xi32, #tpu.memory_space<hbm>> -> memref<1024xi32, #tpu.memory_space<hbm>>
              %dma_start3A_1124 = tpu.memref_slice %arg3[%multiple_of3A_1122] : memref<1600000xi32, #tpu.memory_space<hbm>> -> memref<1024xi32, #tpu.memory_space<hbm>>
              tpu.enqueue_dma source(%dma_start3A_1124 : memref<1024xi32, #tpu.memory_space<hbm>>) target(%arg13 : memref<1024xi32, #tpu.memory_space<vmem>>) target_semaphore(%arg21 : memref<!tpu.dma_semaphore, #tpu.memory_space<semaphore_mem>>)
              %dma_start3A_1125 = tpu.memref_slice %arg4[%multiple_of3A_1122] : memref<1600000xi32, #tpu.memory_space<hbm>> -> memref<1024xi32, #tpu.memory_space<hbm>>
              %dma_start3A_1126 = tpu.memref_slice %arg4[%multiple_of3A_1122] : memref<1600000xi32, #tpu.memory_space<hbm>> -> memref<1024xi32, #tpu.memory_space<hbm>>
              tpu.enqueue_dma source(%dma_start3A_1126 : memref<1024xi32, #tpu.memory_space<hbm>>) target(%arg14 : memref<1024xi32, #tpu.memory_space<vmem>>) target_semaphore(%arg22 : memref<!tpu.dma_semaphore, #tpu.memory_space<semaphore_mem>>)
              %dma_start3A_1127 = tpu.memref_slice %arg5[%multiple_of3A_1122] : memref<1600000xf32, #tpu.memory_space<hbm>> -> memref<1024xf32, #tpu.memory_space<hbm>>
              %dma_start3A_1128 = tpu.memref_slice %arg5[%multiple_of3A_1122] : memref<1600000xf32, #tpu.memory_space<hbm>> -> memref<1024xf32, #tpu.memory_space<hbm>>
              tpu.enqueue_dma source(%dma_start3A_1128 : memref<1024xf32, #tpu.memory_space<hbm>>) target(%arg15 : memref<1024xf32, #tpu.memory_space<vmem>>) target_semaphore(%arg22 : memref<!tpu.dma_semaphore, #tpu.memory_space<semaphore_mem>>)
            } else {
            }
          } else {
          }
        }
        %while3A_144 = arith.constant 1 : i32
        scf.for %while3A_913 = %while3A_142 to %while3A_138 step %while3A_144  : i32 {
          %mul3A_914 = arith.constant 2 : i32
          %mul3A_915 = arith.muli %mul3A_914, %while3A_913 : i32
          %add3A_916 = arith.constant 1 : i32
          %add3A_917 = arith.addi %mul3A_915, %add3A_916 : i32
          %dma_wait3A_918 = arith.constant 0 : i32
          %dma_wait3A_919 = tpu.memref_slice %arg4[%dma_wait3A_918] : memref<1600000xi32, #tpu.memory_space<hbm>> -> memref<1024xi32, #tpu.memory_space<hbm>>
          %dma_wait3A_920 = arith.constant 0 : i32
          %dma_wait3A_921 = tpu.memref_slice %arg4[%dma_wait3A_920] : memref<1600000xi32, #tpu.memory_space<hbm>> -> memref<1024xi32, #tpu.memory_space<hbm>>
          tpu.wait_dma2 semaphore(%arg19 : memref<!tpu.dma_semaphore, #tpu.memory_space<semaphore_mem>>) src(%dma_wait3A_921 : memref<1024xi32, #tpu.memory_space<hbm>>) dst(%arg10 : memref<1024xi32, #tpu.memory_space<vmem>>)
          %dma_wait3A_922 = arith.constant 0 : i32
          %dma_wait3A_923 = tpu.memref_slice %arg5[%dma_wait3A_922] : memref<1600000xf32, #tpu.memory_space<hbm>> -> memref<1024xf32, #tpu.memory_space<hbm>>
          %dma_wait3A_924 = arith.constant 0 : i32
          %dma_wait3A_925 = tpu.memref_slice %arg5[%dma_wait3A_924] : memref<1600000xf32, #tpu.memory_space<hbm>> -> memref<1024xf32, #tpu.memory_space<hbm>>
          tpu.wait_dma2 semaphore(%arg19 : memref<!tpu.dma_semaphore, #tpu.memory_space<semaphore_mem>>) src(%dma_wait3A_925 : memref<1024xf32, #tpu.memory_space<hbm>>) dst(%arg11 : memref<1024xf32, #tpu.memory_space<vmem>>)
          %dma_wait3A_926 = arith.constant 0 : i32
          %dma_wait3A_927 = arith.constant 0 : i32
          %dma_wait3A_928 = tpu.memref_slice %arg12[%dma_wait3A_926, %dma_wait3A_927] : memref<1024x32xf32, #tpu.memory_space<vmem>> -> memref<128x32xf32, #tpu.memory_space<vmem>>
          %dma_wait3A_929 = arith.constant 0 : i32
          %dma_wait3A_930 = tpu.memref_slice %arg9[%dma_wait3A_929] : memref<1024xi32, #tpu.memory_space<vmem>> -> memref<128xi32, #tpu.memory_space<vmem>>
          %dma_wait3A_931 = arith.constant 0 : i32
          %dma_wait3A_932 = arith.constant 0 : i32
          %dma_wait3A_933 = tpu.memref_slice %arg2[%dma_wait3A_931, %dma_wait3A_932] : memref<100000x32xf32, #tpu.memory_space<hbm>> -> memref<100000x32xf32, #tpu.memory_space<hbm>>
          tpu.wait_indirect_dma semaphore(%arg20 : memref<!tpu.dma_semaphore, #tpu.memory_space<semaphore_mem>>) src(%dma_wait3A_933 : memref<100000x32xf32, #tpu.memory_space<hbm>>) dst(%dma_wait3A_928 : memref<128x32xf32, #tpu.memory_space<vmem>>)
          %dma_wait3A_934 = arith.constant 128 : i32
          %dma_wait3A_935 = arith.constant 0 : i32
          %dma_wait3A_936 = tpu.memref_slice %arg12[%dma_wait3A_934, %dma_wait3A_935] : memref<1024x32xf32, #tpu.memory_space<vmem>> -> memref<128x32xf32, #tpu.memory_space<vmem>>
          %dma_wait3A_937 = arith.constant 128 : i32
          %dma_wait3A_938 = tpu.memref_slice %arg9[%dma_wait3A_937] : memref<1024xi32, #tpu.memory_space<vmem>> -> memref<128xi32, #tpu.memory_space<vmem>>
          %dma_wait3A_939 = arith.constant 0 : i32
          %dma_wait3A_940 = arith.constant 0 : i32
          %dma_wait3A_941 = tpu.memref_slice %arg2[%dma_wait3A_939, %dma_wait3A_940] : memref<100000x32xf32, #tpu.memory_space<hbm>> -> memref<100000x32xf32, #tpu.memory_space<hbm>>
          tpu.wait_indirect_dma semaphore(%arg20 : memref<!tpu.dma_semaphore, #tpu.memory_space<semaphore_mem>>) src(%dma_wait3A_941 : memref<100000x32xf32, #tpu.memory_space<hbm>>) dst(%dma_wait3A_936 : memref<128x32xf32, #tpu.memory_space<vmem>>)
          %dma_wait3A_942 = arith.constant 256 : i32
          %dma_wait3A_943 = arith.constant 0 : i32
          %dma_wait3A_944 = tpu.memref_slice %arg12[%dma_wait3A_942, %dma_wait3A_943] : memref<1024x32xf32, #tpu.memory_space<vmem>> -> memref<128x32xf32, #tpu.memory_space<vmem>>
          %dma_wait3A_945 = arith.constant 256 : i32
          %dma_wait3A_946 = tpu.memref_slice %arg9[%dma_wait3A_945] : memref<1024xi32, #tpu.memory_space<vmem>> -> memref<128xi32, #tpu.memory_space<vmem>>
          %dma_wait3A_947 = arith.constant 0 : i32
          %dma_wait3A_948 = arith.constant 0 : i32
          %dma_wait3A_949 = tpu.memref_slice %arg2[%dma_wait3A_947, %dma_wait3A_948] : memref<100000x32xf32, #tpu.memory_space<hbm>> -> memref<100000x32xf32, #tpu.memory_space<hbm>>
          tpu.wait_indirect_dma semaphore(%arg20 : memref<!tpu.dma_semaphore, #tpu.memory_space<semaphore_mem>>) src(%dma_wait3A_949 : memref<100000x32xf32, #tpu.memory_space<hbm>>) dst(%dma_wait3A_944 : memref<128x32xf32, #tpu.memory_space<vmem>>)
          %dma_wait3A_950 = arith.constant 384 : i32
          %dma_wait3A_951 = arith.constant 0 : i32
          %dma_wait3A_952 = tpu.memref_slice %arg12[%dma_wait3A_950, %dma_wait3A_951] : memref<1024x32xf32, #tpu.memory_space<vmem>> -> memref<128x32xf32, #tpu.memory_space<vmem>>
          %dma_wait3A_953 = arith.constant 384 : i32
          %dma_wait3A_954 = tpu.memref_slice %arg9[%dma_wait3A_953] : memref<1024xi32, #tpu.memory_space<vmem>> -> memref<128xi32, #tpu.memory_space<vmem>>
          %dma_wait3A_955 = arith.constant 0 : i32
          %dma_wait3A_956 = arith.constant 0 : i32
          %dma_wait3A_957 = tpu.memref_slice %arg2[%dma_wait3A_955, %dma_wait3A_956] : memref<100000x32xf32, #tpu.memory_space<hbm>> -> memref<100000x32xf32, #tpu.memory_space<hbm>>
          tpu.wait_indirect_dma semaphore(%arg20 : memref<!tpu.dma_semaphore, #tpu.memory_space<semaphore_mem>>) src(%dma_wait3A_957 : memref<100000x32xf32, #tpu.memory_space<hbm>>) dst(%dma_wait3A_952 : memref<128x32xf32, #tpu.memory_space<vmem>>)
          %dma_wait3A_958 = arith.constant 512 : i32
          %dma_wait3A_959 = arith.constant 0 : i32
          %dma_wait3A_960 = tpu.memref_slice %arg12[%dma_wait3A_958, %dma_wait3A_959] : memref<1024x32xf32, #tpu.memory_space<vmem>> -> memref<128x32xf32, #tpu.memory_space<vmem>>
          %dma_wait3A_961 = arith.constant 512 : i32
          %dma_wait3A_962 = tpu.memref_slice %arg9[%dma_wait3A_961] : memref<1024xi32, #tpu.memory_space<vmem>> -> memref<128xi32, #tpu.memory_space<vmem>>
          %dma_wait3A_963 = arith.constant 0 : i32
          %dma_wait3A_964 = arith.constant 0 : i32
          %dma_wait3A_965 = tpu.memref_slice %arg2[%dma_wait3A_963, %dma_wait3A_964] : memref<100000x32xf32, #tpu.memory_space<hbm>> -> memref<100000x32xf32, #tpu.memory_space<hbm>>
          tpu.wait_indirect_dma semaphore(%arg20 : memref<!tpu.dma_semaphore, #tpu.memory_space<semaphore_mem>>) src(%dma_wait3A_965 : memref<100000x32xf32, #tpu.memory_space<hbm>>) dst(%dma_wait3A_960 : memref<128x32xf32, #tpu.memory_space<vmem>>)
          %dma_wait3A_966 = arith.constant 640 : i32
          %dma_wait3A_967 = arith.constant 0 : i32
          %dma_wait3A_968 = tpu.memref_slice %arg12[%dma_wait3A_966, %dma_wait3A_967] : memref<1024x32xf32, #tpu.memory_space<vmem>> -> memref<128x32xf32, #tpu.memory_space<vmem>>
          %dma_wait3A_969 = arith.constant 640 : i32
          %dma_wait3A_970 = tpu.memref_slice %arg9[%dma_wait3A_969] : memref<1024xi32, #tpu.memory_space<vmem>> -> memref<128xi32, #tpu.memory_space<vmem>>
          %dma_wait3A_971 = arith.constant 0 : i32
          %dma_wait3A_972 = arith.constant 0 : i32
          %dma_wait3A_973 = tpu.memref_slice %arg2[%dma_wait3A_971, %dma_wait3A_972] : memref<100000x32xf32, #tpu.memory_space<hbm>> -> memref<100000x32xf32, #tpu.memory_space<hbm>>
          tpu.wait_indirect_dma semaphore(%arg20 : memref<!tpu.dma_semaphore, #tpu.memory_space<semaphore_mem>>) src(%dma_wait3A_973 : memref<100000x32xf32, #tpu.memory_space<hbm>>) dst(%dma_wait3A_968 : memref<128x32xf32, #tpu.memory_space<vmem>>)
          %dma_wait3A_974 = arith.constant 768 : i32
          %dma_wait3A_975 = arith.constant 0 : i32
          %dma_wait3A_976 = tpu.memref_slice %arg12[%dma_wait3A_974, %dma_wait3A_975] : memref<1024x32xf32, #tpu.memory_space<vmem>> -> memref<128x32xf32, #tpu.memory_space<vmem>>
          %dma_wait3A_977 = arith.constant 768 : i32
          %dma_wait3A_978 = tpu.memref_slice %arg9[%dma_wait3A_977] : memref<1024xi32, #tpu.memory_space<vmem>> -> memref<128xi32, #tpu.memory_space<vmem>>
          %dma_wait3A_979 = arith.constant 0 : i32
          %dma_wait3A_980 = arith.constant 0 : i32
          %dma_wait3A_981 = tpu.memref_slice %arg2[%dma_wait3A_979, %dma_wait3A_980] : memref<100000x32xf32, #tpu.memory_space<hbm>> -> memref<100000x32xf32, #tpu.memory_space<hbm>>
          tpu.wait_indirect_dma semaphore(%arg20 : memref<!tpu.dma_semaphore, #tpu.memory_space<semaphore_mem>>) src(%dma_wait3A_981 : memref<100000x32xf32, #tpu.memory_space<hbm>>) dst(%dma_wait3A_976 : memref<128x32xf32, #tpu.memory_space<vmem>>)
          %dma_wait3A_982 = arith.constant 896 : i32
          %dma_wait3A_983 = arith.constant 0 : i32
          %dma_wait3A_984 = tpu.memref_slice %arg12[%dma_wait3A_982, %dma_wait3A_983] : memref<1024x32xf32, #tpu.memory_space<vmem>> -> memref<128x32xf32, #tpu.memory_space<vmem>>
          %dma_wait3A_985 = arith.constant 896 : i32
          %dma_wait3A_986 = tpu.memref_slice %arg9[%dma_wait3A_985] : memref<1024xi32, #tpu.memory_space<vmem>> -> memref<128xi32, #tpu.memory_space<vmem>>
          %dma_wait3A_987 = arith.constant 0 : i32
          %dma_wait3A_988 = arith.constant 0 : i32
          %dma_wait3A_989 = tpu.memref_slice %arg2[%dma_wait3A_987, %dma_wait3A_988] : memref<100000x32xf32, #tpu.memory_space<hbm>> -> memref<100000x32xf32, #tpu.memory_space<hbm>>
          tpu.wait_indirect_dma semaphore(%arg20 : memref<!tpu.dma_semaphore, #tpu.memory_space<semaphore_mem>>) src(%dma_wait3A_989 : memref<100000x32xf32, #tpu.memory_space<hbm>>) dst(%dma_wait3A_984 : memref<128x32xf32, #tpu.memory_space<vmem>>)
          %lt3A_990 = arith.cmpi slt, %add3A_917, %div3A_47 : i32
          %convert_element_type3A_991 = arith.extui %lt3A_990 : i1 to i32
          %cond3A_992 = arith.constant 0 : i32
          %cond3A_993 = arith.cmpi ne, %convert_element_type3A_991, %cond3A_992 : i32
          scf.if %cond3A_993 {
            %dma_wait3A_1017 = arith.constant 0 : i32
            %dma_wait3A_1018 = tpu.memref_slice %arg3[%dma_wait3A_1017] : memref<1600000xi32, #tpu.memory_space<hbm>> -> memref<1024xi32, #tpu.memory_space<hbm>>
            %dma_wait3A_1019 = arith.constant 0 : i32
            %dma_wait3A_1020 = tpu.memref_slice %arg3[%dma_wait3A_1019] : memref<1600000xi32, #tpu.memory_space<hbm>> -> memref<1024xi32, #tpu.memory_space<hbm>>
            tpu.wait_dma2 semaphore(%arg21 : memref<!tpu.dma_semaphore, #tpu.memory_space<semaphore_mem>>) src(%dma_wait3A_1020 : memref<1024xi32, #tpu.memory_space<hbm>>) dst(%arg13 : memref<1024xi32, #tpu.memory_space<vmem>>)
            %dma_start3A_1021 = arith.constant 0 : i32
            %dma_start3A_1022 = arith.constant 0 : i32
            %dma_start3A_1023 = tpu.memref_slice %arg16[%dma_start3A_1021, %dma_start3A_1022] : memref<1024x32xf32, #tpu.memory_space<vmem>> -> memref<128x32xf32, #tpu.memory_space<vmem>>
            %dma_start3A_1024 = arith.constant 0 : i32
            %dma_start3A_1025 = tpu.memref_slice %arg13[%dma_start3A_1024] : memref<1024xi32, #tpu.memory_space<vmem>> -> memref<128xi32, #tpu.memory_space<vmem>>
            %dma_start3A_1026 = arith.constant 0 : i32
            %dma_start3A_1027 = arith.constant 0 : i32
            %dma_start3A_1028 = tpu.memref_slice %arg2[%dma_start3A_1026, %dma_start3A_1027] : memref<100000x32xf32, #tpu.memory_space<hbm>> -> memref<100000x32xf32, #tpu.memory_space<hbm>>
            tpu.enqueue_indirect_dma source(%dma_start3A_1028 : memref<100000x32xf32, #tpu.memory_space<hbm>>) target(%dma_start3A_1023 : memref<128x32xf32, #tpu.memory_space<vmem>>) offsets(%dma_start3A_1025 : memref<128xi32, #tpu.memory_space<vmem>>) semaphore(%arg23 : memref<!tpu.dma_semaphore, #tpu.memory_space<semaphore_mem>>)
            %dma_start3A_1029 = arith.constant 128 : i32
            %dma_start3A_1030 = arith.constant 0 : i32
            %dma_start3A_1031 = tpu.memref_slice %arg16[%dma_start3A_1029, %dma_start3A_1030] : memref<1024x32xf32, #tpu.memory_space<vmem>> -> memref<128x32xf32, #tpu.memory_space<vmem>>
            %dma_start3A_1032 = arith.constant 128 : i32
            %dma_start3A_1033 = tpu.memref_slice %arg13[%dma_start3A_1032] : memref<1024xi32, #tpu.memory_space<vmem>> -> memref<128xi32, #tpu.memory_space<vmem>>
            %dma_start3A_1034 = arith.constant 0 : i32
            %dma_start3A_1035 = arith.constant 0 : i32
            %dma_start3A_1036 = tpu.memref_slice %arg2[%dma_start3A_1034, %dma_start3A_1035] : memref<100000x32xf32, #tpu.memory_space<hbm>> -> memref<100000x32xf32, #tpu.memory_space<hbm>>
            tpu.enqueue_indirect_dma source(%dma_start3A_1036 : memref<100000x32xf32, #tpu.memory_space<hbm>>) target(%dma_start3A_1031 : memref<128x32xf32, #tpu.memory_space<vmem>>) offsets(%dma_start3A_1033 : memref<128xi32, #tpu.memory_space<vmem>>) semaphore(%arg23 : memref<!tpu.dma_semaphore, #tpu.memory_space<semaphore_mem>>)
            %dma_start3A_1037 = arith.constant 256 : i32
            %dma_start3A_1038 = arith.constant 0 : i32
            %dma_start3A_1039 = tpu.memref_slice %arg16[%dma_start3A_1037, %dma_start3A_1038] : memref<1024x32xf32, #tpu.memory_space<vmem>> -> memref<128x32xf32, #tpu.memory_space<vmem>>
            %dma_start3A_1040 = arith.constant 256 : i32
            %dma_start3A_1041 = tpu.memref_slice %arg13[%dma_start3A_1040] : memref<1024xi32, #tpu.memory_space<vmem>> -> memref<128xi32, #tpu.memory_space<vmem>>
            %dma_start3A_1042 = arith.constant 0 : i32
            %dma_start3A_1043 = arith.constant 0 : i32
            %dma_start3A_1044 = tpu.memref_slice %arg2[%dma_start3A_1042, %dma_start3A_1043] : memref<100000x32xf32, #tpu.memory_space<hbm>> -> memref<100000x32xf32, #tpu.memory_space<hbm>>
            tpu.enqueue_indirect_dma source(%dma_start3A_1044 : memref<100000x32xf32, #tpu.memory_space<hbm>>) target(%dma_start3A_1039 : memref<128x32xf32, #tpu.memory_space<vmem>>) offsets(%dma_start3A_1041 : memref<128xi32, #tpu.memory_space<vmem>>) semaphore(%arg23 : memref<!tpu.dma_semaphore, #tpu.memory_space<semaphore_mem>>)
            %dma_start3A_1045 = arith.constant 384 : i32
            %dma_start3A_1046 = arith.constant 0 : i32
            %dma_start3A_1047 = tpu.memref_slice %arg16[%dma_start3A_1045, %dma_start3A_1046] : memref<1024x32xf32, #tpu.memory_space<vmem>> -> memref<128x32xf32, #tpu.memory_space<vmem>>
            %dma_start3A_1048 = arith.constant 384 : i32
            %dma_start3A_1049 = tpu.memref_slice %arg13[%dma_start3A_1048] : memref<1024xi32, #tpu.memory_space<vmem>> -> memref<128xi32, #tpu.memory_space<vmem>>
            %dma_start3A_1050 = arith.constant 0 : i32
            %dma_start3A_1051 = arith.constant 0 : i32
            %dma_start3A_1052 = tpu.memref_slice %arg2[%dma_start3A_1050, %dma_start3A_1051] : memref<100000x32xf32, #tpu.memory_space<hbm>> -> memref<100000x32xf32, #tpu.memory_space<hbm>>
            tpu.enqueue_indirect_dma source(%dma_start3A_1052 : memref<100000x32xf32, #tpu.memory_space<hbm>>) target(%dma_start3A_1047 : memref<128x32xf32, #tpu.memory_space<vmem>>) offsets(%dma_start3A_1049 : memref<128xi32, #tpu.memory_space<vmem>>) semaphore(%arg23 : memref<!tpu.dma_semaphore, #tpu.memory_space<semaphore_mem>>)
            %dma_start3A_1053 = arith.constant 512 : i32
            %dma_start3A_1054 = arith.constant 0 : i32
            %dma_start3A_1055 = tpu.memref_slice %arg16[%dma_start3A_1053, %dma_start3A_1054] : memref<1024x32xf32, #tpu.memory_space<vmem>> -> memref<128x32xf32, #tpu.memory_space<vmem>>
            %dma_start3A_1056 = arith.constant 512 : i32
            %dma_start3A_1057 = tpu.memref_slice %arg13[%dma_start3A_1056] : memref<1024xi32, #tpu.memory_space<vmem>> -> memref<128xi32, #tpu.memory_space<vmem>>
            %dma_start3A_1058 = arith.constant 0 : i32
            %dma_start3A_1059 = arith.constant 0 : i32
            %dma_start3A_1060 = tpu.memref_slice %arg2[%dma_start3A_1058, %dma_start3A_1059] : memref<100000x32xf32, #tpu.memory_space<hbm>> -> memref<100000x32xf32, #tpu.memory_space<hbm>>
            tpu.enqueue_indirect_dma source(%dma_start3A_1060 : memref<100000x32xf32, #tpu.memory_space<hbm>>) target(%dma_start3A_1055 : memref<128x32xf32, #tpu.memory_space<vmem>>) offsets(%dma_start3A_1057 : memref<128xi32, #tpu.memory_space<vmem>>) semaphore(%arg23 : memref<!tpu.dma_semaphore, #tpu.memory_space<semaphore_mem>>)
            %dma_start3A_1061 = arith.constant 640 : i32
            %dma_start3A_1062 = arith.constant 0 : i32
            %dma_start3A_1063 = tpu.memref_slice %arg16[%dma_start3A_1061, %dma_start3A_1062] : memref<1024x32xf32, #tpu.memory_space<vmem>> -> memref<128x32xf32, #tpu.memory_space<vmem>>
            %dma_start3A_1064 = arith.constant 640 : i32
            %dma_start3A_1065 = tpu.memref_slice %arg13[%dma_start3A_1064] : memref<1024xi32, #tpu.memory_space<vmem>> -> memref<128xi32, #tpu.memory_space<vmem>>
            %dma_start3A_1066 = arith.constant 0 : i32
            %dma_start3A_1067 = arith.constant 0 : i32
            %dma_start3A_1068 = tpu.memref_slice %arg2[%dma_start3A_1066, %dma_start3A_1067] : memref<100000x32xf32, #tpu.memory_space<hbm>> -> memref<100000x32xf32, #tpu.memory_space<hbm>>
            tpu.enqueue_indirect_dma source(%dma_start3A_1068 : memref<100000x32xf32, #tpu.memory_space<hbm>>) target(%dma_start3A_1063 : memref<128x32xf32, #tpu.memory_space<vmem>>) offsets(%dma_start3A_1065 : memref<128xi32, #tpu.memory_space<vmem>>) semaphore(%arg23 : memref<!tpu.dma_semaphore, #tpu.memory_space<semaphore_mem>>)
            %dma_start3A_1069 = arith.constant 768 : i32
            %dma_start3A_1070 = arith.constant 0 : i32
            %dma_start3A_1071 = tpu.memref_slice %arg16[%dma_start3A_1069, %dma_start3A_1070] : memref<1024x32xf32, #tpu.memory_space<vmem>> -> memref<128x32xf32, #tpu.memory_space<vmem>>
            %dma_start3A_1072 = arith.constant 768 : i32
            %dma_start3A_1073 = tpu.memref_slice %arg13[%dma_start3A_1072] : memref<1024xi32, #tpu.memory_space<vmem>> -> memref<128xi32, #tpu.memory_space<vmem>>
            %dma_start3A_1074 = arith.constant 0 : i32
            %dma_start3A_1075 = arith.constant 0 : i32
            %dma_start3A_1076 = tpu.memref_slice %arg2[%dma_start3A_1074, %dma_start3A_1075] : memref<100000x32xf32, #tpu.memory_space<hbm>> -> memref<100000x32xf32, #tpu.memory_space<hbm>>
            tpu.enqueue_indirect_dma source(%dma_start3A_1076 : memref<100000x32xf32, #tpu.memory_space<hbm>>) target(%dma_start3A_1071 : memref<128x32xf32, #tpu.memory_space<vmem>>) offsets(%dma_start3A_1073 : memref<128xi32, #tpu.memory_space<vmem>>) semaphore(%arg23 : memref<!tpu.dma_semaphore, #tpu.memory_space<semaphore_mem>>)
            %dma_start3A_1077 = arith.constant 896 : i32
            %dma_start3A_1078 = arith.constant 0 : i32
            %dma_start3A_1079 = tpu.memref_slice %arg16[%dma_start3A_1077, %dma_start3A_1078] : memref<1024x32xf32, #tpu.memory_space<vmem>> -> memref<128x32xf32, #tpu.memory_space<vmem>>
            %dma_start3A_1080 = arith.constant 896 : i32
            %dma_start3A_1081 = tpu.memref_slice %arg13[%dma_start3A_1080] : memref<1024xi32, #tpu.memory_space<vmem>> -> memref<128xi32, #tpu.memory_space<vmem>>
            %dma_start3A_1082 = arith.constant 0 : i32
            %dma_start3A_1083 = arith.constant 0 : i32
            %dma_start3A_1084 = tpu.memref_slice %arg2[%dma_start3A_1082, %dma_start3A_1083] : memref<100000x32xf32, #tpu.memory_space<hbm>> -> memref<100000x32xf32, #tpu.memory_space<hbm>>
            tpu.enqueue_indirect_dma source(%dma_start3A_1084 : memref<100000x32xf32, #tpu.memory_space<hbm>>) target(%dma_start3A_1079 : memref<128x32xf32, #tpu.memory_space<vmem>>) offsets(%dma_start3A_1081 : memref<128xi32, #tpu.memory_space<vmem>>) semaphore(%arg23 : memref<!tpu.dma_semaphore, #tpu.memory_space<semaphore_mem>>)
          } else {
          }
          %mul3A_994 = arith.constant 1024 : i32
          %mul3A_995 = arith.muli %mul3A_915, %mul3A_994 : i32
          %add3A_996 = arith.addi %multiple_of3A, %mul3A_995 : i32
          %multiple_of3A_997 = tpu.assume_multiple %add3A_996, 16 : i32
          %min3A_998 = arith.constant 1598976 : i32
          %min3A_999 = arith.minsi %multiple_of3A_997, %min3A_998 : i32
          %multiple_of3A_1000 = tpu.assume_multiple %min3A_999, 16 : i32
          %sub3A_1001 = arith.subi %multiple_of3A_997, %multiple_of3A_1000 : i32
          %scan3A_1002 = arith.constant 0 : i32
          %scan3A_1003 = arith.constant 64 : i32
          %scan3A_1004 = arith.addi %scan3A_1002, %scan3A_1003 : i32
          %scan3A_1005 = arith.constant 1 : i32
          scf.for %scan3A_1017 = %scan3A_1002 to %scan3A_1004 step %scan3A_1005  : i32 {
            %mul3A_1018 = arith.constant 1 : i32
            %mul3A_1019 = arith.muli %scan3A_1017, %mul3A_1018 : i32
            %add3A_1020 = arith.constant 0 : i32
            %add3A_1021 = arith.addi %add3A_1020, %mul3A_1019 : i32
            %mul3A_1022 = arith.constant 16 : i32
            %mul3A_1023 = arith.muli %add3A_1021, %mul3A_1022 : i32
            %add3A_1024 = arith.addi %multiple_of3A_997, %mul3A_1023 : i32
            %broadcast_in_dim3A_1025 = vector.broadcast %add3A_1024 : i32 to vector<16xi32>
            %add3A_1026 = arith.addi %broadcast_in_dim3A_1025, %iota3A : vector<16xi32>
            %ge3A = arith.cmpi sge, %add3A_1026, %broadcast_in_dim3A_48 : vector<16xi32>
            %lt3A_1027 = arith.cmpi slt, %add3A_1026, %broadcast_in_dim3A_49 : vector<16xi32>
            %and3A = arith.andi %ge3A, %lt3A_1027 : vector<16xi1>
            %add3A_1028 = arith.addi %sub3A_1001, %mul3A_1023 : i32
            %broadcast_in_dim3A_1029 = vector.broadcast %add3A_1028 : i32 to vector<16xi32>
            %add3A_1030 = arith.addi %broadcast_in_dim3A_1029, %iota3A : vector<16xi32>
            %min3A_1031 = arith.constant 1023 : i32
            %min3A_1032 = vector.broadcast %min3A_1031 : i32 to vector<16xi32>
            %min3A_1033 = arith.minsi %add3A_1030, %min3A_1032 : vector<16xi32>
            %gather3A_1034 = tpu.vector_load_idx %arg11[%min3A_1033] : memref<1024xf32, #tpu.memory_space<vmem>>[vector<16xi32>], vector<16xf32>,
            %gather3A_1035 = tpu.vector_load_idx %arg10[%min3A_1033] : memref<1024xi32, #tpu.memory_space<vmem>>[vector<16xi32>], vector<16xi32>,
            %sub3A_1036 = arith.subi %gather3A_1035, %broadcast_in_dim3A_50 : vector<16xi32>
            %add3A_1037 = arith.constant 0 : i32
            %add3A_1038 = vector.broadcast %add3A_1037 : i32 to vector<16xi32>
            %add3A_1039 = arith.addi %iota3A, %add3A_1038 : vector<16xi32>
            %and3A_1040 = arith.constant 31 : i32
            %and3A_1041 = vector.broadcast %and3A_1040 : i32 to vector<16xi32>
            %and3A_1042 = arith.andi %add3A_1039, %and3A_1041 : vector<16xi32>
            %gather3A_1043 = tpu.vector_load_idx %arg12[%min3A_1033, %and3A_1042] : memref<1024x32xf32, #tpu.memory_space<vmem>>[vector<16xi32>, vector<16xi32>], vector<16xf32>,
            %mul3A_1044 = arith.mulf %gather3A_1043, %gather3A_1034 : vector<16xf32>
            tpu.vector_store_idx %arg17[%and3A_1042, %sub3A_1036], %mul3A_1044 masked %and3A {add = true} : memref<32x1601xf32, #tpu.memory_space<vmem>>[vector<16xi32>, vector<16xi32>], vector<16xf32>, vector<16xi1>
            %add3A_1045 = arith.constant 1 : i32
            %add3A_1046 = vector.broadcast %add3A_1045 : i32 to vector<16xi32>
            %add3A_1047 = arith.addi %iota3A, %add3A_1046 : vector<16xi32>
            %and3A_1048 = arith.constant 31 : i32
            %and3A_1049 = vector.broadcast %and3A_1048 : i32 to vector<16xi32>
            %and3A_1050 = arith.andi %add3A_1047, %and3A_1049 : vector<16xi32>
            %gather3A_1051 = tpu.vector_load_idx %arg12[%min3A_1033, %and3A_1050] : memref<1024x32xf32, #tpu.memory_space<vmem>>[vector<16xi32>, vector<16xi32>], vector<16xf32>,
            %mul3A_1052 = arith.mulf %gather3A_1051, %gather3A_1034 : vector<16xf32>
            tpu.vector_store_idx %arg17[%and3A_1050, %sub3A_1036], %mul3A_1052 masked %and3A {add = true} : memref<32x1601xf32, #tpu.memory_space<vmem>>[vector<16xi32>, vector<16xi32>], vector<16xf32>, vector<16xi1>
            %add3A_1053 = arith.constant 2 : i32
            %add3A_1054 = vector.broadcast %add3A_1053 : i32 to vector<16xi32>
            %add3A_1055 = arith.addi %iota3A, %add3A_1054 : vector<16xi32>
            %and3A_1056 = arith.constant 31 : i32
            %and3A_1057 = vector.broadcast %and3A_1056 : i32 to vector<16xi32>
            %and3A_1058 = arith.andi %add3A_1055, %and3A_1057 : vector<16xi32>
            %gather3A_1059 = tpu.vector_load_idx %arg12[%min3A_1033, %and3A_1058] : memref<1024x32xf32, #tpu.memory_space<vmem>>[vector<16xi32>, vector<16xi32>], vector<16xf32>,
            %mul3A_1060 = arith.mulf %gather3A_1059, %gather3A_1034 : vector<16xf32>
            tpu.vector_store_idx %arg17[%and3A_1058, %sub3A_1036], %mul3A_1060 masked %and3A {add = true} : memref<32x1601xf32, #tpu.memory_space<vmem>>[vector<16xi32>, vector<16xi32>], vector<16xf32>, vector<16xi1>
            %add3A_1061 = arith.constant 3 : i32
            %add3A_1062 = vector.broadcast %add3A_1061 : i32 to vector<16xi32>
            %add3A_1063 = arith.addi %iota3A, %add3A_1062 : vector<16xi32>
            %and3A_1064 = arith.constant 31 : i32
            %and3A_1065 = vector.broadcast %and3A_1064 : i32 to vector<16xi32>
            %and3A_1066 = arith.andi %add3A_1063, %and3A_1065 : vector<16xi32>
            %gather3A_1067 = tpu.vector_load_idx %arg12[%min3A_1033, %and3A_1066] : memref<1024x32xf32, #tpu.memory_space<vmem>>[vector<16xi32>, vector<16xi32>], vector<16xf32>,
            %mul3A_1068 = arith.mulf %gather3A_1067, %gather3A_1034 : vector<16xf32>
            tpu.vector_store_idx %arg17[%and3A_1066, %sub3A_1036], %mul3A_1068 masked %and3A {add = true} : memref<32x1601xf32, #tpu.memory_space<vmem>>[vector<16xi32>, vector<16xi32>], vector<16xf32>, vector<16xi1>
            %add3A_1069 = arith.constant 4 : i32
            %add3A_1070 = vector.broadcast %add3A_1069 : i32 to vector<16xi32>
            %add3A_1071 = arith.addi %iota3A, %add3A_1070 : vector<16xi32>
            %and3A_1072 = arith.constant 31 : i32
            %and3A_1073 = vector.broadcast %and3A_1072 : i32 to vector<16xi32>
            %and3A_1074 = arith.andi %add3A_1071, %and3A_1073 : vector<16xi32>
            %gather3A_1075 = tpu.vector_load_idx %arg12[%min3A_1033, %and3A_1074] : memref<1024x32xf32, #tpu.memory_space<vmem>>[vector<16xi32>, vector<16xi32>], vector<16xf32>,
            %mul3A_1076 = arith.mulf %gather3A_1075, %gather3A_1034 : vector<16xf32>
            tpu.vector_store_idx %arg17[%and3A_1074, %sub3A_1036], %mul3A_1076 masked %and3A {add = true} : memref<32x1601xf32, #tpu.memory_space<vmem>>[vector<16xi32>, vector<16xi32>], vector<16xf32>, vector<16xi1>
            %add3A_1077 = arith.constant 5 : i32
            %add3A_1078 = vector.broadcast %add3A_1077 : i32 to vector<16xi32>
            %add3A_1079 = arith.addi %iota3A, %add3A_1078 : vector<16xi32>
            %and3A_1080 = arith.constant 31 : i32
            %and3A_1081 = vector.broadcast %and3A_1080 : i32 to vector<16xi32>
            %and3A_1082 = arith.andi %add3A_1079, %and3A_1081 : vector<16xi32>
            %gather3A_1083 = tpu.vector_load_idx %arg12[%min3A_1033, %and3A_1082] : memref<1024x32xf32, #tpu.memory_space<vmem>>[vector<16xi32>, vector<16xi32>], vector<16xf32>,
            %mul3A_1084 = arith.mulf %gather3A_1083, %gather3A_1034 : vector<16xf32>
            tpu.vector_store_idx %arg17[%and3A_1082, %sub3A_1036], %mul3A_1084 masked %and3A {add = true} : memref<32x1601xf32, #tpu.memory_space<vmem>>[vector<16xi32>, vector<16xi32>], vector<16xf32>, vector<16xi1>
            %add3A_1085 = arith.constant 6 : i32
            %add3A_1086 = vector.broadcast %add3A_1085 : i32 to vector<16xi32>
            %add3A_1087 = arith.addi %iota3A, %add3A_1086 : vector<16xi32>
            %and3A_1088 = arith.constant 31 : i32
            %and3A_1089 = vector.broadcast %and3A_1088 : i32 to vector<16xi32>
            %and3A_1090 = arith.andi %add3A_1087, %and3A_1089 : vector<16xi32>
            %gather3A_1091 = tpu.vector_load_idx %arg12[%min3A_1033, %and3A_1090] : memref<1024x32xf32, #tpu.memory_space<vmem>>[vector<16xi32>, vector<16xi32>], vector<16xf32>,
            %mul3A_1092 = arith.mulf %gather3A_1091, %gather3A_1034 : vector<16xf32>
            tpu.vector_store_idx %arg17[%and3A_1090, %sub3A_1036], %mul3A_1092 masked %and3A {add = true} : memref<32x1601xf32, #tpu.memory_space<vmem>>[vector<16xi32>, vector<16xi32>], vector<16xf32>, vector<16xi1>
            %add3A_1093 = arith.constant 7 : i32
            %add3A_1094 = vector.broadcast %add3A_1093 : i32 to vector<16xi32>
            %add3A_1095 = arith.addi %iota3A, %add3A_1094 : vector<16xi32>
            %and3A_1096 = arith.constant 31 : i32
            %and3A_1097 = vector.broadcast %and3A_1096 : i32 to vector<16xi32>
            %and3A_1098 = arith.andi %add3A_1095, %and3A_1097 : vector<16xi32>
            %gather3A_1099 = tpu.vector_load_idx %arg12[%min3A_1033, %and3A_1098] : memref<1024x32xf32, #tpu.memory_space<vmem>>[vector<16xi32>, vector<16xi32>], vector<16xf32>,
            %mul3A_1100 = arith.mulf %gather3A_1099, %gather3A_1034 : vector<16xf32>
            tpu.vector_store_idx %arg17[%and3A_1098, %sub3A_1036], %mul3A_1100 masked %and3A {add = true} : memref<32x1601xf32, #tpu.memory_space<vmem>>[vector<16xi32>, vector<16xi32>], vector<16xf32>, vector<16xi1>
            %add3A_1101 = arith.constant 8 : i32
            %add3A_1102 = vector.broadcast %add3A_1101 : i32 to vector<16xi32>
            %add3A_1103 = arith.addi %iota3A, %add3A_1102 : vector<16xi32>
            %and3A_1104 = arith.constant 31 : i32
            %and3A_1105 = vector.broadcast %and3A_1104 : i32 to vector<16xi32>
            %and3A_1106 = arith.andi %add3A_1103, %and3A_1105 : vector<16xi32>
            %gather3A_1107 = tpu.vector_load_idx %arg12[%min3A_1033, %and3A_1106] : memref<1024x32xf32, #tpu.memory_space<vmem>>[vector<16xi32>, vector<16xi32>], vector<16xf32>,
            %mul3A_1108 = arith.mulf %gather3A_1107, %gather3A_1034 : vector<16xf32>
            tpu.vector_store_idx %arg17[%and3A_1106, %sub3A_1036], %mul3A_1108 masked %and3A {add = true} : memref<32x1601xf32, #tpu.memory_space<vmem>>[vector<16xi32>, vector<16xi32>], vector<16xf32>, vector<16xi1>
            %add3A_1109 = arith.constant 9 : i32
            %add3A_1110 = vector.broadcast %add3A_1109 : i32 to vector<16xi32>
            %add3A_1111 = arith.addi %iota3A, %add3A_1110 : vector<16xi32>
            %and3A_1112 = arith.constant 31 : i32
            %and3A_1113 = vector.broadcast %and3A_1112 : i32 to vector<16xi32>
            %and3A_1114 = arith.andi %add3A_1111, %and3A_1113 : vector<16xi32>
            %gather3A_1115 = tpu.vector_load_idx %arg12[%min3A_1033, %and3A_1114] : memref<1024x32xf32, #tpu.memory_space<vmem>>[vector<16xi32>, vector<16xi32>], vector<16xf32>,
            %mul3A_1116 = arith.mulf %gather3A_1115, %gather3A_1034 : vector<16xf32>
            tpu.vector_store_idx %arg17[%and3A_1114, %sub3A_1036], %mul3A_1116 masked %and3A {add = true} : memref<32x1601xf32, #tpu.memory_space<vmem>>[vector<16xi32>, vector<16xi32>], vector<16xf32>, vector<16xi1>
            %add3A_1117 = arith.constant 10 : i32
            %add3A_1118 = vector.broadcast %add3A_1117 : i32 to vector<16xi32>
            %add3A_1119 = arith.addi %iota3A, %add3A_1118 : vector<16xi32>
            %and3A_1120 = arith.constant 31 : i32
            %and3A_1121 = vector.broadcast %and3A_1120 : i32 to vector<16xi32>
            %and3A_1122 = arith.andi %add3A_1119, %and3A_1121 : vector<16xi32>
            %gather3A_1123 = tpu.vector_load_idx %arg12[%min3A_1033, %and3A_1122] : memref<1024x32xf32, #tpu.memory_space<vmem>>[vector<16xi32>, vector<16xi32>], vector<16xf32>,
            %mul3A_1124 = arith.mulf %gather3A_1123, %gather3A_1034 : vector<16xf32>
            tpu.vector_store_idx %arg17[%and3A_1122, %sub3A_1036], %mul3A_1124 masked %and3A {add = true} : memref<32x1601xf32, #tpu.memory_space<vmem>>[vector<16xi32>, vector<16xi32>], vector<16xf32>, vector<16xi1>
            %add3A_1125 = arith.constant 11 : i32
            %add3A_1126 = vector.broadcast %add3A_1125 : i32 to vector<16xi32>
            %add3A_1127 = arith.addi %iota3A, %add3A_1126 : vector<16xi32>
            %and3A_1128 = arith.constant 31 : i32
            %and3A_1129 = vector.broadcast %and3A_1128 : i32 to vector<16xi32>
            %and3A_1130 = arith.andi %add3A_1127, %and3A_1129 : vector<16xi32>
            %gather3A_1131 = tpu.vector_load_idx %arg12[%min3A_1033, %and3A_1130] : memref<1024x32xf32, #tpu.memory_space<vmem>>[vector<16xi32>, vector<16xi32>], vector<16xf32>,
            %mul3A_1132 = arith.mulf %gather3A_1131, %gather3A_1034 : vector<16xf32>
            tpu.vector_store_idx %arg17[%and3A_1130, %sub3A_1036], %mul3A_1132 masked %and3A {add = true} : memref<32x1601xf32, #tpu.memory_space<vmem>>[vector<16xi32>, vector<16xi32>], vector<16xf32>, vector<16xi1>
            %add3A_1133 = arith.constant 12 : i32
            %add3A_1134 = vector.broadcast %add3A_1133 : i32 to vector<16xi32>
            %add3A_1135 = arith.addi %iota3A, %add3A_1134 : vector<16xi32>
            %and3A_1136 = arith.constant 31 : i32
            %and3A_1137 = vector.broadcast %and3A_1136 : i32 to vector<16xi32>
            %and3A_1138 = arith.andi %add3A_1135, %and3A_1137 : vector<16xi32>
            %gather3A_1139 = tpu.vector_load_idx %arg12[%min3A_1033, %and3A_1138] : memref<1024x32xf32, #tpu.memory_space<vmem>>[vector<16xi32>, vector<16xi32>], vector<16xf32>,
            %mul3A_1140 = arith.mulf %gather3A_1139, %gather3A_1034 : vector<16xf32>
            tpu.vector_store_idx %arg17[%and3A_1138, %sub3A_1036], %mul3A_1140 masked %and3A {add = true} : memref<32x1601xf32, #tpu.memory_space<vmem>>[vector<16xi32>, vector<16xi32>], vector<16xf32>, vector<16xi1>
            %add3A_1141 = arith.constant 13 : i32
            %add3A_1142 = vector.broadcast %add3A_1141 : i32 to vector<16xi32>
            %add3A_1143 = arith.addi %iota3A, %add3A_1142 : vector<16xi32>
            %and3A_1144 = arith.constant 31 : i32
            %and3A_1145 = vector.broadcast %and3A_1144 : i32 to vector<16xi32>
            %and3A_1146 = arith.andi %add3A_1143, %and3A_1145 : vector<16xi32>
            %gather3A_1147 = tpu.vector_load_idx %arg12[%min3A_1033, %and3A_1146] : memref<1024x32xf32, #tpu.memory_space<vmem>>[vector<16xi32>, vector<16xi32>], vector<16xf32>,
            %mul3A_1148 = arith.mulf %gather3A_1147, %gather3A_1034 : vector<16xf32>
            tpu.vector_store_idx %arg17[%and3A_1146, %sub3A_1036], %mul3A_1148 masked %and3A {add = true} : memref<32x1601xf32, #tpu.memory_space<vmem>>[vector<16xi32>, vector<16xi32>], vector<16xf32>, vector<16xi1>
            %add3A_1149 = arith.constant 14 : i32
            %add3A_1150 = vector.broadcast %add3A_1149 : i32 to vector<16xi32>
            %add3A_1151 = arith.addi %iota3A, %add3A_1150 : vector<16xi32>
            %and3A_1152 = arith.constant 31 : i32
            %and3A_1153 = vector.broadcast %and3A_1152 : i32 to vector<16xi32>
            %and3A_1154 = arith.andi %add3A_1151, %and3A_1153 : vector<16xi32>
            %gather3A_1155 = tpu.vector_load_idx %arg12[%min3A_1033, %and3A_1154] : memref<1024x32xf32, #tpu.memory_space<vmem>>[vector<16xi32>, vector<16xi32>], vector<16xf32>,
            %mul3A_1156 = arith.mulf %gather3A_1155, %gather3A_1034 : vector<16xf32>
            tpu.vector_store_idx %arg17[%and3A_1154, %sub3A_1036], %mul3A_1156 masked %and3A {add = true} : memref<32x1601xf32, #tpu.memory_space<vmem>>[vector<16xi32>, vector<16xi32>], vector<16xf32>, vector<16xi1>
            %add3A_1157 = arith.constant 15 : i32
            %add3A_1158 = vector.broadcast %add3A_1157 : i32 to vector<16xi32>
            %add3A_1159 = arith.addi %iota3A, %add3A_1158 : vector<16xi32>
            %and3A_1160 = arith.constant 31 : i32
            %and3A_1161 = vector.broadcast %and3A_1160 : i32 to vector<16xi32>
            %and3A_1162 = arith.andi %add3A_1159, %and3A_1161 : vector<16xi32>
            %gather3A_1163 = tpu.vector_load_idx %arg12[%min3A_1033, %and3A_1162] : memref<1024x32xf32, #tpu.memory_space<vmem>>[vector<16xi32>, vector<16xi32>], vector<16xf32>,
            %mul3A_1164 = arith.mulf %gather3A_1163, %gather3A_1034 : vector<16xf32>
            tpu.vector_store_idx %arg17[%and3A_1162, %sub3A_1036], %mul3A_1164 masked %and3A {add = true} : memref<32x1601xf32, #tpu.memory_space<vmem>>[vector<16xi32>, vector<16xi32>], vector<16xf32>, vector<16xi1>
            %add3A_1165 = arith.constant 16 : i32
            %add3A_1166 = vector.broadcast %add3A_1165 : i32 to vector<16xi32>
            %add3A_1167 = arith.addi %iota3A, %add3A_1166 : vector<16xi32>
            %and3A_1168 = arith.constant 31 : i32
            %and3A_1169 = vector.broadcast %and3A_1168 : i32 to vector<16xi32>
            %and3A_1170 = arith.andi %add3A_1167, %and3A_1169 : vector<16xi32>
            %gather3A_1171 = tpu.vector_load_idx %arg12[%min3A_1033, %and3A_1170] : memref<1024x32xf32, #tpu.memory_space<vmem>>[vector<16xi32>, vector<16xi32>], vector<16xf32>,
            %mul3A_1172 = arith.mulf %gather3A_1171, %gather3A_1034 : vector<16xf32>
            tpu.vector_store_idx %arg17[%and3A_1170, %sub3A_1036], %mul3A_1172 masked %and3A {add = true} : memref<32x1601xf32, #tpu.memory_space<vmem>>[vector<16xi32>, vector<16xi32>], vector<16xf32>, vector<16xi1>
            %add3A_1173 = arith.constant 17 : i32
            %add3A_1174 = vector.broadcast %add3A_1173 : i32 to vector<16xi32>
            %add3A_1175 = arith.addi %iota3A, %add3A_1174 : vector<16xi32>
            %and3A_1176 = arith.constant 31 : i32
            %and3A_1177 = vector.broadcast %and3A_1176 : i32 to vector<16xi32>
            %and3A_1178 = arith.andi %add3A_1175, %and3A_1177 : vector<16xi32>
            %gather3A_1179 = tpu.vector_load_idx %arg12[%min3A_1033, %and3A_1178] : memref<1024x32xf32, #tpu.memory_space<vmem>>[vector<16xi32>, vector<16xi32>], vector<16xf32>,
            %mul3A_1180 = arith.mulf %gather3A_1179, %gather3A_1034 : vector<16xf32>
            tpu.vector_store_idx %arg17[%and3A_1178, %sub3A_1036], %mul3A_1180 masked %and3A {add = true} : memref<32x1601xf32, #tpu.memory_space<vmem>>[vector<16xi32>, vector<16xi32>], vector<16xf32>, vector<16xi1>
            %add3A_1181 = arith.constant 18 : i32
            %add3A_1182 = vector.broadcast %add3A_1181 : i32 to vector<16xi32>
            %add3A_1183 = arith.addi %iota3A, %add3A_1182 : vector<16xi32>
            %and3A_1184 = arith.constant 31 : i32
            %and3A_1185 = vector.broadcast %and3A_1184 : i32 to vector<16xi32>
            %and3A_1186 = arith.andi %add3A_1183, %and3A_1185 : vector<16xi32>
            %gather3A_1187 = tpu.vector_load_idx %arg12[%min3A_1033, %and3A_1186] : memref<1024x32xf32, #tpu.memory_space<vmem>>[vector<16xi32>, vector<16xi32>], vector<16xf32>,
            %mul3A_1188 = arith.mulf %gather3A_1187, %gather3A_1034 : vector<16xf32>
            tpu.vector_store_idx %arg17[%and3A_1186, %sub3A_1036], %mul3A_1188 masked %and3A {add = true} : memref<32x1601xf32, #tpu.memory_space<vmem>>[vector<16xi32>, vector<16xi32>], vector<16xf32>, vector<16xi1>
            %add3A_1189 = arith.constant 19 : i32
            %add3A_1190 = vector.broadcast %add3A_1189 : i32 to vector<16xi32>
            %add3A_1191 = arith.addi %iota3A, %add3A_1190 : vector<16xi32>
            %and3A_1192 = arith.constant 31 : i32
            %and3A_1193 = vector.broadcast %and3A_1192 : i32 to vector<16xi32>
            %and3A_1194 = arith.andi %add3A_1191, %and3A_1193 : vector<16xi32>
            %gather3A_1195 = tpu.vector_load_idx %arg12[%min3A_1033, %and3A_1194] : memref<1024x32xf32, #tpu.memory_space<vmem>>[vector<16xi32>, vector<16xi32>], vector<16xf32>,
            %mul3A_1196 = arith.mulf %gather3A_1195, %gather3A_1034 : vector<16xf32>
            tpu.vector_store_idx %arg17[%and3A_1194, %sub3A_1036], %mul3A_1196 masked %and3A {add = true} : memref<32x1601xf32, #tpu.memory_space<vmem>>[vector<16xi32>, vector<16xi32>], vector<16xf32>, vector<16xi1>
            %add3A_1197 = arith.constant 20 : i32
            %add3A_1198 = vector.broadcast %add3A_1197 : i32 to vector<16xi32>
            %add3A_1199 = arith.addi %iota3A, %add3A_1198 : vector<16xi32>
            %and3A_1200 = arith.constant 31 : i32
            %and3A_1201 = vector.broadcast %and3A_1200 : i32 to vector<16xi32>
            %and3A_1202 = arith.andi %add3A_1199, %and3A_1201 : vector<16xi32>
            %gather3A_1203 = tpu.vector_load_idx %arg12[%min3A_1033, %and3A_1202] : memref<1024x32xf32, #tpu.memory_space<vmem>>[vector<16xi32>, vector<16xi32>], vector<16xf32>,
            %mul3A_1204 = arith.mulf %gather3A_1203, %gather3A_1034 : vector<16xf32>
            tpu.vector_store_idx %arg17[%and3A_1202, %sub3A_1036], %mul3A_1204 masked %and3A {add = true} : memref<32x1601xf32, #tpu.memory_space<vmem>>[vector<16xi32>, vector<16xi32>], vector<16xf32>, vector<16xi1>
            %add3A_1205 = arith.constant 21 : i32
            %add3A_1206 = vector.broadcast %add3A_1205 : i32 to vector<16xi32>
            %add3A_1207 = arith.addi %iota3A, %add3A_1206 : vector<16xi32>
            %and3A_1208 = arith.constant 31 : i32
            %and3A_1209 = vector.broadcast %and3A_1208 : i32 to vector<16xi32>
            %and3A_1210 = arith.andi %add3A_1207, %and3A_1209 : vector<16xi32>
            %gather3A_1211 = tpu.vector_load_idx %arg12[%min3A_1033, %and3A_1210] : memref<1024x32xf32, #tpu.memory_space<vmem>>[vector<16xi32>, vector<16xi32>], vector<16xf32>,
            %mul3A_1212 = arith.mulf %gather3A_1211, %gather3A_1034 : vector<16xf32>
            tpu.vector_store_idx %arg17[%and3A_1210, %sub3A_1036], %mul3A_1212 masked %and3A {add = true} : memref<32x1601xf32, #tpu.memory_space<vmem>>[vector<16xi32>, vector<16xi32>], vector<16xf32>, vector<16xi1>
            %add3A_1213 = arith.constant 22 : i32
            %add3A_1214 = vector.broadcast %add3A_1213 : i32 to vector<16xi32>
            %add3A_1215 = arith.addi %iota3A, %add3A_1214 : vector<16xi32>
            %and3A_1216 = arith.constant 31 : i32
            %and3A_1217 = vector.broadcast %and3A_1216 : i32 to vector<16xi32>
            %and3A_1218 = arith.andi %add3A_1215, %and3A_1217 : vector<16xi32>
            %gather3A_1219 = tpu.vector_load_idx %arg12[%min3A_1033, %and3A_1218] : memref<1024x32xf32, #tpu.memory_space<vmem>>[vector<16xi32>, vector<16xi32>], vector<16xf32>,
            %mul3A_1220 = arith.mulf %gather3A_1219, %gather3A_1034 : vector<16xf32>
            tpu.vector_store_idx %arg17[%and3A_1218, %sub3A_1036], %mul3A_1220 masked %and3A {add = true} : memref<32x1601xf32, #tpu.memory_space<vmem>>[vector<16xi32>, vector<16xi32>], vector<16xf32>, vector<16xi1>
            %add3A_1221 = arith.constant 23 : i32
            %add3A_1222 = vector.broadcast %add3A_1221 : i32 to vector<16xi32>
            %add3A_1223 = arith.addi %iota3A, %add3A_1222 : vector<16xi32>
            %and3A_1224 = arith.constant 31 : i32
            %and3A_1225 = vector.broadcast %and3A_1224 : i32 to vector<16xi32>
            %and3A_1226 = arith.andi %add3A_1223, %and3A_1225 : vector<16xi32>
            %gather3A_1227 = tpu.vector_load_idx %arg12[%min3A_1033, %and3A_1226] : memref<1024x32xf32, #tpu.memory_space<vmem>>[vector<16xi32>, vector<16xi32>], vector<16xf32>,
            %mul3A_1228 = arith.mulf %gather3A_1227, %gather3A_1034 : vector<16xf32>
            tpu.vector_store_idx %arg17[%and3A_1226, %sub3A_1036], %mul3A_1228 masked %and3A {add = true} : memref<32x1601xf32, #tpu.memory_space<vmem>>[vector<16xi32>, vector<16xi32>], vector<16xf32>, vector<16xi1>
            %add3A_1229 = arith.constant 24 : i32
            %add3A_1230 = vector.broadcast %add3A_1229 : i32 to vector<16xi32>
            %add3A_1231 = arith.addi %iota3A, %add3A_1230 : vector<16xi32>
            %and3A_1232 = arith.constant 31 : i32
            %and3A_1233 = vector.broadcast %and3A_1232 : i32 to vector<16xi32>
            %and3A_1234 = arith.andi %add3A_1231, %and3A_1233 : vector<16xi32>
            %gather3A_1235 = tpu.vector_load_idx %arg12[%min3A_1033, %and3A_1234] : memref<1024x32xf32, #tpu.memory_space<vmem>>[vector<16xi32>, vector<16xi32>], vector<16xf32>,
            %mul3A_1236 = arith.mulf %gather3A_1235, %gather3A_1034 : vector<16xf32>
            tpu.vector_store_idx %arg17[%and3A_1234, %sub3A_1036], %mul3A_1236 masked %and3A {add = true} : memref<32x1601xf32, #tpu.memory_space<vmem>>[vector<16xi32>, vector<16xi32>], vector<16xf32>, vector<16xi1>
            %add3A_1237 = arith.constant 25 : i32
            %add3A_1238 = vector.broadcast %add3A_1237 : i32 to vector<16xi32>
            %add3A_1239 = arith.addi %iota3A, %add3A_1238 : vector<16xi32>
            %and3A_1240 = arith.constant 31 : i32
            %and3A_1241 = vector.broadcast %and3A_1240 : i32 to vector<16xi32>
            %and3A_1242 = arith.andi %add3A_1239, %and3A_1241 : vector<16xi32>
            %gather3A_1243 = tpu.vector_load_idx %arg12[%min3A_1033, %and3A_1242] : memref<1024x32xf32, #tpu.memory_space<vmem>>[vector<16xi32>, vector<16xi32>], vector<16xf32>,
            %mul3A_1244 = arith.mulf %gather3A_1243, %gather3A_1034 : vector<16xf32>
            tpu.vector_store_idx %arg17[%and3A_1242, %sub3A_1036], %mul3A_1244 masked %and3A {add = true} : memref<32x1601xf32, #tpu.memory_space<vmem>>[vector<16xi32>, vector<16xi32>], vector<16xf32>, vector<16xi1>
            %add3A_1245 = arith.constant 26 : i32
            %add3A_1246 = vector.broadcast %add3A_1245 : i32 to vector<16xi32>
            %add3A_1247 = arith.addi %iota3A, %add3A_1246 : vector<16xi32>
            %and3A_1248 = arith.constant 31 : i32
            %and3A_1249 = vector.broadcast %and3A_1248 : i32 to vector<16xi32>
            %and3A_1250 = arith.andi %add3A_1247, %and3A_1249 : vector<16xi32>
            %gather3A_1251 = tpu.vector_load_idx %arg12[%min3A_1033, %and3A_1250] : memref<1024x32xf32, #tpu.memory_space<vmem>>[vector<16xi32>, vector<16xi32>], vector<16xf32>,
            %mul3A_1252 = arith.mulf %gather3A_1251, %gather3A_1034 : vector<16xf32>
            tpu.vector_store_idx %arg17[%and3A_1250, %sub3A_1036], %mul3A_1252 masked %and3A {add = true} : memref<32x1601xf32, #tpu.memory_space<vmem>>[vector<16xi32>, vector<16xi32>], vector<16xf32>, vector<16xi1>
            %add3A_1253 = arith.constant 27 : i32
            %add3A_1254 = vector.broadcast %add3A_1253 : i32 to vector<16xi32>
            %add3A_1255 = arith.addi %iota3A, %add3A_1254 : vector<16xi32>
            %and3A_1256 = arith.constant 31 : i32
            %and3A_1257 = vector.broadcast %and3A_1256 : i32 to vector<16xi32>
            %and3A_1258 = arith.andi %add3A_1255, %and3A_1257 : vector<16xi32>
            %gather3A_1259 = tpu.vector_load_idx %arg12[%min3A_1033, %and3A_1258] : memref<1024x32xf32, #tpu.memory_space<vmem>>[vector<16xi32>, vector<16xi32>], vector<16xf32>,
            %mul3A_1260 = arith.mulf %gather3A_1259, %gather3A_1034 : vector<16xf32>
            tpu.vector_store_idx %arg17[%and3A_1258, %sub3A_1036], %mul3A_1260 masked %and3A {add = true} : memref<32x1601xf32, #tpu.memory_space<vmem>>[vector<16xi32>, vector<16xi32>], vector<16xf32>, vector<16xi1>
            %add3A_1261 = arith.constant 28 : i32
            %add3A_1262 = vector.broadcast %add3A_1261 : i32 to vector<16xi32>
            %add3A_1263 = arith.addi %iota3A, %add3A_1262 : vector<16xi32>
            %and3A_1264 = arith.constant 31 : i32
            %and3A_1265 = vector.broadcast %and3A_1264 : i32 to vector<16xi32>
            %and3A_1266 = arith.andi %add3A_1263, %and3A_1265 : vector<16xi32>
            %gather3A_1267 = tpu.vector_load_idx %arg12[%min3A_1033, %and3A_1266] : memref<1024x32xf32, #tpu.memory_space<vmem>>[vector<16xi32>, vector<16xi32>], vector<16xf32>,
            %mul3A_1268 = arith.mulf %gather3A_1267, %gather3A_1034 : vector<16xf32>
            tpu.vector_store_idx %arg17[%and3A_1266, %sub3A_1036], %mul3A_1268 masked %and3A {add = true} : memref<32x1601xf32, #tpu.memory_space<vmem>>[vector<16xi32>, vector<16xi32>], vector<16xf32>, vector<16xi1>
            %add3A_1269 = arith.constant 29 : i32
            %add3A_1270 = vector.broadcast %add3A_1269 : i32 to vector<16xi32>
            %add3A_1271 = arith.addi %iota3A, %add3A_1270 : vector<16xi32>
            %and3A_1272 = arith.constant 31 : i32
            %and3A_1273 = vector.broadcast %and3A_1272 : i32 to vector<16xi32>
            %and3A_1274 = arith.andi %add3A_1271, %and3A_1273 : vector<16xi32>
            %gather3A_1275 = tpu.vector_load_idx %arg12[%min3A_1033, %and3A_1274] : memref<1024x32xf32, #tpu.memory_space<vmem>>[vector<16xi32>, vector<16xi32>], vector<16xf32>,
            %mul3A_1276 = arith.mulf %gather3A_1275, %gather3A_1034 : vector<16xf32>
            tpu.vector_store_idx %arg17[%and3A_1274, %sub3A_1036], %mul3A_1276 masked %and3A {add = true} : memref<32x1601xf32, #tpu.memory_space<vmem>>[vector<16xi32>, vector<16xi32>], vector<16xf32>, vector<16xi1>
            %add3A_1277 = arith.constant 30 : i32
            %add3A_1278 = vector.broadcast %add3A_1277 : i32 to vector<16xi32>
            %add3A_1279 = arith.addi %iota3A, %add3A_1278 : vector<16xi32>
            %and3A_1280 = arith.constant 31 : i32
            %and3A_1281 = vector.broadcast %and3A_1280 : i32 to vector<16xi32>
            %and3A_1282 = arith.andi %add3A_1279, %and3A_1281 : vector<16xi32>
            %gather3A_1283 = tpu.vector_load_idx %arg12[%min3A_1033, %and3A_1282] : memref<1024x32xf32, #tpu.memory_space<vmem>>[vector<16xi32>, vector<16xi32>], vector<16xf32>,
            %mul3A_1284 = arith.mulf %gather3A_1283, %gather3A_1034 : vector<16xf32>
            tpu.vector_store_idx %arg17[%and3A_1282, %sub3A_1036], %mul3A_1284 masked %and3A {add = true} : memref<32x1601xf32, #tpu.memory_space<vmem>>[vector<16xi32>, vector<16xi32>], vector<16xf32>, vector<16xi1>
            %add3A_1285 = arith.constant 31 : i32
            %add3A_1286 = vector.broadcast %add3A_1285 : i32 to vector<16xi32>
            %add3A_1287 = arith.addi %iota3A, %add3A_1286 : vector<16xi32>
            %and3A_1288 = arith.constant 31 : i32
            %and3A_1289 = vector.broadcast %and3A_1288 : i32 to vector<16xi32>
            %and3A_1290 = arith.andi %add3A_1287, %and3A_1289 : vector<16xi32>
            %gather3A_1291 = tpu.vector_load_idx %arg12[%min3A_1033, %and3A_1290] : memref<1024x32xf32, #tpu.memory_space<vmem>>[vector<16xi32>, vector<16xi32>], vector<16xf32>,
            %mul3A_1292 = arith.mulf %gather3A_1291, %gather3A_1034 : vector<16xf32>
            tpu.vector_store_idx %arg17[%and3A_1290, %sub3A_1036], %mul3A_1292 masked %and3A {add = true} : memref<32x1601xf32, #tpu.memory_space<vmem>>[vector<16xi32>, vector<16xi32>], vector<16xf32>, vector<16xi1>
          }
          %scan3A_1006 = arith.constant 64 : i32
          %add3A_1007 = arith.constant 1 : i32
          %add3A_1008 = arith.addi %add3A_917, %add3A_1007 : i32
          %lt3A_1009 = arith.cmpi slt, %add3A_1008, %div3A_47 : i32
          %convert_element_type3A_1010 = arith.extui %lt3A_1009 : i1 to i32
          %cond3A_1011 = arith.constant 0 : i32
          %cond3A_1012 = arith.cmpi ne, %convert_element_type3A_1010, %cond3A_1011 : i32
          scf.if %cond3A_1012 {
            %add3A_1017 = arith.constant 1 : i32
            %add3A_1018 = arith.addi %add3A_917, %add3A_1017 : i32
            %mul3A_1019 = arith.constant 1024 : i32
            %mul3A_1020 = arith.muli %add3A_1018, %mul3A_1019 : i32
            %add3A_1021 = arith.addi %multiple_of3A, %mul3A_1020 : i32
            %multiple_of3A_1022 = tpu.assume_multiple %add3A_1021, 16 : i32
            %min3A_1023 = arith.constant 1598976 : i32
            %min3A_1024 = arith.minsi %multiple_of3A_1022, %min3A_1023 : i32
            %multiple_of3A_1025 = tpu.assume_multiple %min3A_1024, 16 : i32
            %dma_start3A_1026 = tpu.memref_slice %arg3[%multiple_of3A_1025] : memref<1600000xi32, #tpu.memory_space<hbm>> -> memref<1024xi32, #tpu.memory_space<hbm>>
            %dma_start3A_1027 = tpu.memref_slice %arg3[%multiple_of3A_1025] : memref<1600000xi32, #tpu.memory_space<hbm>> -> memref<1024xi32, #tpu.memory_space<hbm>>
            tpu.enqueue_dma source(%dma_start3A_1027 : memref<1024xi32, #tpu.memory_space<hbm>>) target(%arg9 : memref<1024xi32, #tpu.memory_space<vmem>>) target_semaphore(%arg18 : memref<!tpu.dma_semaphore, #tpu.memory_space<semaphore_mem>>)
            %dma_start3A_1028 = tpu.memref_slice %arg4[%multiple_of3A_1025] : memref<1600000xi32, #tpu.memory_space<hbm>> -> memref<1024xi32, #tpu.memory_space<hbm>>
            %dma_start3A_1029 = tpu.memref_slice %arg4[%multiple_of3A_1025] : memref<1600000xi32, #tpu.memory_space<hbm>> -> memref<1024xi32, #tpu.memory_space<hbm>>
            tpu.enqueue_dma source(%dma_start3A_1029 : memref<1024xi32, #tpu.memory_space<hbm>>) target(%arg10 : memref<1024xi32, #tpu.memory_space<vmem>>) target_semaphore(%arg19 : memref<!tpu.dma_semaphore, #tpu.memory_space<semaphore_mem>>)
            %dma_start3A_1030 = tpu.memref_slice %arg5[%multiple_of3A_1025] : memref<1600000xf32, #tpu.memory_space<hbm>> -> memref<1024xf32, #tpu.memory_space<hbm>>
            %dma_start3A_1031 = tpu.memref_slice %arg5[%multiple_of3A_1025] : memref<1600000xf32, #tpu.memory_space<hbm>> -> memref<1024xf32, #tpu.memory_space<hbm>>
            tpu.enqueue_dma source(%dma_start3A_1031 : memref<1024xf32, #tpu.memory_space<hbm>>) target(%arg11 : memref<1024xf32, #tpu.memory_space<vmem>>) target_semaphore(%arg19 : memref<!tpu.dma_semaphore, #tpu.memory_space<semaphore_mem>>)
          } else {
          }
          %lt3A_1013 = arith.cmpi slt, %add3A_917, %div3A_47 : i32
          %convert_element_type3A_1014 = arith.extui %lt3A_1013 : i1 to i32
          %cond3A_1015 = arith.constant 0 : i32
          %cond3A_1016 = arith.cmpi ne, %convert_element_type3A_1014, %cond3A_1015 : i32
          scf.if %cond3A_1016 {
            %dma_wait3A_1017 = arith.constant 0 : i32
            %dma_wait3A_1018 = tpu.memref_slice %arg4[%dma_wait3A_1017] : memref<1600000xi32, #tpu.memory_space<hbm>> -> memref<1024xi32, #tpu.memory_space<hbm>>
            %dma_wait3A_1019 = arith.constant 0 : i32
            %dma_wait3A_1020 = tpu.memref_slice %arg4[%dma_wait3A_1019] : memref<1600000xi32, #tpu.memory_space<hbm>> -> memref<1024xi32, #tpu.memory_space<hbm>>
            tpu.wait_dma2 semaphore(%arg22 : memref<!tpu.dma_semaphore, #tpu.memory_space<semaphore_mem>>) src(%dma_wait3A_1020 : memref<1024xi32, #tpu.memory_space<hbm>>) dst(%arg14 : memref<1024xi32, #tpu.memory_space<vmem>>)
            %dma_wait3A_1021 = arith.constant 0 : i32
            %dma_wait3A_1022 = tpu.memref_slice %arg5[%dma_wait3A_1021] : memref<1600000xf32, #tpu.memory_space<hbm>> -> memref<1024xf32, #tpu.memory_space<hbm>>
            %dma_wait3A_1023 = arith.constant 0 : i32
            %dma_wait3A_1024 = tpu.memref_slice %arg5[%dma_wait3A_1023] : memref<1600000xf32, #tpu.memory_space<hbm>> -> memref<1024xf32, #tpu.memory_space<hbm>>
            tpu.wait_dma2 semaphore(%arg22 : memref<!tpu.dma_semaphore, #tpu.memory_space<semaphore_mem>>) src(%dma_wait3A_1024 : memref<1024xf32, #tpu.memory_space<hbm>>) dst(%arg15 : memref<1024xf32, #tpu.memory_space<vmem>>)
            %dma_wait3A_1025 = arith.constant 0 : i32
            %dma_wait3A_1026 = arith.constant 0 : i32
            %dma_wait3A_1027 = tpu.memref_slice %arg16[%dma_wait3A_1025, %dma_wait3A_1026] : memref<1024x32xf32, #tpu.memory_space<vmem>> -> memref<128x32xf32, #tpu.memory_space<vmem>>
            %dma_wait3A_1028 = arith.constant 0 : i32
            %dma_wait3A_1029 = tpu.memref_slice %arg13[%dma_wait3A_1028] : memref<1024xi32, #tpu.memory_space<vmem>> -> memref<128xi32, #tpu.memory_space<vmem>>
            %dma_wait3A_1030 = arith.constant 0 : i32
            %dma_wait3A_1031 = arith.constant 0 : i32
            %dma_wait3A_1032 = tpu.memref_slice %arg2[%dma_wait3A_1030, %dma_wait3A_1031] : memref<100000x32xf32, #tpu.memory_space<hbm>> -> memref<100000x32xf32, #tpu.memory_space<hbm>>
            tpu.wait_indirect_dma semaphore(%arg23 : memref<!tpu.dma_semaphore, #tpu.memory_space<semaphore_mem>>) src(%dma_wait3A_1032 : memref<100000x32xf32, #tpu.memory_space<hbm>>) dst(%dma_wait3A_1027 : memref<128x32xf32, #tpu.memory_space<vmem>>)
            %dma_wait3A_1033 = arith.constant 128 : i32
            %dma_wait3A_1034 = arith.constant 0 : i32
            %dma_wait3A_1035 = tpu.memref_slice %arg16[%dma_wait3A_1033, %dma_wait3A_1034] : memref<1024x32xf32, #tpu.memory_space<vmem>> -> memref<128x32xf32, #tpu.memory_space<vmem>>
            %dma_wait3A_1036 = arith.constant 128 : i32
            %dma_wait3A_1037 = tpu.memref_slice %arg13[%dma_wait3A_1036] : memref<1024xi32, #tpu.memory_space<vmem>> -> memref<128xi32, #tpu.memory_space<vmem>>
            %dma_wait3A_1038 = arith.constant 0 : i32
            %dma_wait3A_1039 = arith.constant 0 : i32
            %dma_wait3A_1040 = tpu.memref_slice %arg2[%dma_wait3A_1038, %dma_wait3A_1039] : memref<100000x32xf32, #tpu.memory_space<hbm>> -> memref<100000x32xf32, #tpu.memory_space<hbm>>
            tpu.wait_indirect_dma semaphore(%arg23 : memref<!tpu.dma_semaphore, #tpu.memory_space<semaphore_mem>>) src(%dma_wait3A_1040 : memref<100000x32xf32, #tpu.memory_space<hbm>>) dst(%dma_wait3A_1035 : memref<128x32xf32, #tpu.memory_space<vmem>>)
            %dma_wait3A_1041 = arith.constant 256 : i32
            %dma_wait3A_1042 = arith.constant 0 : i32
            %dma_wait3A_1043 = tpu.memref_slice %arg16[%dma_wait3A_1041, %dma_wait3A_1042] : memref<1024x32xf32, #tpu.memory_space<vmem>> -> memref<128x32xf32, #tpu.memory_space<vmem>>
            %dma_wait3A_1044 = arith.constant 256 : i32
            %dma_wait3A_1045 = tpu.memref_slice %arg13[%dma_wait3A_1044] : memref<1024xi32, #tpu.memory_space<vmem>> -> memref<128xi32, #tpu.memory_space<vmem>>
            %dma_wait3A_1046 = arith.constant 0 : i32
            %dma_wait3A_1047 = arith.constant 0 : i32
            %dma_wait3A_1048 = tpu.memref_slice %arg2[%dma_wait3A_1046, %dma_wait3A_1047] : memref<100000x32xf32, #tpu.memory_space<hbm>> -> memref<100000x32xf32, #tpu.memory_space<hbm>>
            tpu.wait_indirect_dma semaphore(%arg23 : memref<!tpu.dma_semaphore, #tpu.memory_space<semaphore_mem>>) src(%dma_wait3A_1048 : memref<100000x32xf32, #tpu.memory_space<hbm>>) dst(%dma_wait3A_1043 : memref<128x32xf32, #tpu.memory_space<vmem>>)
            %dma_wait3A_1049 = arith.constant 384 : i32
            %dma_wait3A_1050 = arith.constant 0 : i32
            %dma_wait3A_1051 = tpu.memref_slice %arg16[%dma_wait3A_1049, %dma_wait3A_1050] : memref<1024x32xf32, #tpu.memory_space<vmem>> -> memref<128x32xf32, #tpu.memory_space<vmem>>
            %dma_wait3A_1052 = arith.constant 384 : i32
            %dma_wait3A_1053 = tpu.memref_slice %arg13[%dma_wait3A_1052] : memref<1024xi32, #tpu.memory_space<vmem>> -> memref<128xi32, #tpu.memory_space<vmem>>
            %dma_wait3A_1054 = arith.constant 0 : i32
            %dma_wait3A_1055 = arith.constant 0 : i32
            %dma_wait3A_1056 = tpu.memref_slice %arg2[%dma_wait3A_1054, %dma_wait3A_1055] : memref<100000x32xf32, #tpu.memory_space<hbm>> -> memref<100000x32xf32, #tpu.memory_space<hbm>>
            tpu.wait_indirect_dma semaphore(%arg23 : memref<!tpu.dma_semaphore, #tpu.memory_space<semaphore_mem>>) src(%dma_wait3A_1056 : memref<100000x32xf32, #tpu.memory_space<hbm>>) dst(%dma_wait3A_1051 : memref<128x32xf32, #tpu.memory_space<vmem>>)
            %dma_wait3A_1057 = arith.constant 512 : i32
            %dma_wait3A_1058 = arith.constant 0 : i32
            %dma_wait3A_1059 = tpu.memref_slice %arg16[%dma_wait3A_1057, %dma_wait3A_1058] : memref<1024x32xf32, #tpu.memory_space<vmem>> -> memref<128x32xf32, #tpu.memory_space<vmem>>
            %dma_wait3A_1060 = arith.constant 512 : i32
            %dma_wait3A_1061 = tpu.memref_slice %arg13[%dma_wait3A_1060] : memref<1024xi32, #tpu.memory_space<vmem>> -> memref<128xi32, #tpu.memory_space<vmem>>
            %dma_wait3A_1062 = arith.constant 0 : i32
            %dma_wait3A_1063 = arith.constant 0 : i32
            %dma_wait3A_1064 = tpu.memref_slice %arg2[%dma_wait3A_1062, %dma_wait3A_1063] : memref<100000x32xf32, #tpu.memory_space<hbm>> -> memref<100000x32xf32, #tpu.memory_space<hbm>>
            tpu.wait_indirect_dma semaphore(%arg23 : memref<!tpu.dma_semaphore, #tpu.memory_space<semaphore_mem>>) src(%dma_wait3A_1064 : memref<100000x32xf32, #tpu.memory_space<hbm>>) dst(%dma_wait3A_1059 : memref<128x32xf32, #tpu.memory_space<vmem>>)
            %dma_wait3A_1065 = arith.constant 640 : i32
            %dma_wait3A_1066 = arith.constant 0 : i32
            %dma_wait3A_1067 = tpu.memref_slice %arg16[%dma_wait3A_1065, %dma_wait3A_1066] : memref<1024x32xf32, #tpu.memory_space<vmem>> -> memref<128x32xf32, #tpu.memory_space<vmem>>
            %dma_wait3A_1068 = arith.constant 640 : i32
            %dma_wait3A_1069 = tpu.memref_slice %arg13[%dma_wait3A_1068] : memref<1024xi32, #tpu.memory_space<vmem>> -> memref<128xi32, #tpu.memory_space<vmem>>
            %dma_wait3A_1070 = arith.constant 0 : i32
            %dma_wait3A_1071 = arith.constant 0 : i32
            %dma_wait3A_1072 = tpu.memref_slice %arg2[%dma_wait3A_1070, %dma_wait3A_1071] : memref<100000x32xf32, #tpu.memory_space<hbm>> -> memref<100000x32xf32, #tpu.memory_space<hbm>>
            tpu.wait_indirect_dma semaphore(%arg23 : memref<!tpu.dma_semaphore, #tpu.memory_space<semaphore_mem>>) src(%dma_wait3A_1072 : memref<100000x32xf32, #tpu.memory_space<hbm>>) dst(%dma_wait3A_1067 : memref<128x32xf32, #tpu.memory_space<vmem>>)
            %dma_wait3A_1073 = arith.constant 768 : i32
            %dma_wait3A_1074 = arith.constant 0 : i32
            %dma_wait3A_1075 = tpu.memref_slice %arg16[%dma_wait3A_1073, %dma_wait3A_1074] : memref<1024x32xf32, #tpu.memory_space<vmem>> -> memref<128x32xf32, #tpu.memory_space<vmem>>
            %dma_wait3A_1076 = arith.constant 768 : i32
            %dma_wait3A_1077 = tpu.memref_slice %arg13[%dma_wait3A_1076] : memref<1024xi32, #tpu.memory_space<vmem>> -> memref<128xi32, #tpu.memory_space<vmem>>
            %dma_wait3A_1078 = arith.constant 0 : i32
            %dma_wait3A_1079 = arith.constant 0 : i32
            %dma_wait3A_1080 = tpu.memref_slice %arg2[%dma_wait3A_1078, %dma_wait3A_1079] : memref<100000x32xf32, #tpu.memory_space<hbm>> -> memref<100000x32xf32, #tpu.memory_space<hbm>>
            tpu.wait_indirect_dma semaphore(%arg23 : memref<!tpu.dma_semaphore, #tpu.memory_space<semaphore_mem>>) src(%dma_wait3A_1080 : memref<100000x32xf32, #tpu.memory_space<hbm>>) dst(%dma_wait3A_1075 : memref<128x32xf32, #tpu.memory_space<vmem>>)
            %dma_wait3A_1081 = arith.constant 896 : i32
            %dma_wait3A_1082 = arith.constant 0 : i32
            %dma_wait3A_1083 = tpu.memref_slice %arg16[%dma_wait3A_1081, %dma_wait3A_1082] : memref<1024x32xf32, #tpu.memory_space<vmem>> -> memref<128x32xf32, #tpu.memory_space<vmem>>
            %dma_wait3A_1084 = arith.constant 896 : i32
            %dma_wait3A_1085 = tpu.memref_slice %arg13[%dma_wait3A_1084] : memref<1024xi32, #tpu.memory_space<vmem>> -> memref<128xi32, #tpu.memory_space<vmem>>
            %dma_wait3A_1086 = arith.constant 0 : i32
            %dma_wait3A_1087 = arith.constant 0 : i32
            %dma_wait3A_1088 = tpu.memref_slice %arg2[%dma_wait3A_1086, %dma_wait3A_1087] : memref<100000x32xf32, #tpu.memory_space<hbm>> -> memref<100000x32xf32, #tpu.memory_space<hbm>>
            tpu.wait_indirect_dma semaphore(%arg23 : memref<!tpu.dma_semaphore, #tpu.memory_space<semaphore_mem>>) src(%dma_wait3A_1088 : memref<100000x32xf32, #tpu.memory_space<hbm>>) dst(%dma_wait3A_1083 : memref<128x32xf32, #tpu.memory_space<vmem>>)
            %add3A_1089 = arith.constant 1 : i32
            %add3A_1090 = arith.addi %add3A_917, %add3A_1089 : i32
            %lt3A_1091 = arith.cmpi slt, %add3A_1090, %div3A_47 : i32
            %convert_element_type3A_1092 = arith.extui %lt3A_1091 : i1 to i32
            %cond3A_1093 = arith.constant 0 : i32
            %cond3A_1094 = arith.cmpi ne, %convert_element_type3A_1092, %cond3A_1093 : i32
            scf.if %cond3A_1094 {
              %dma_wait3A_1114 = arith.constant 0 : i32
              %dma_wait3A_1115 = tpu.memref_slice %arg3[%dma_wait3A_1114] : memref<1600000xi32, #tpu.memory_space<hbm>> -> memref<1024xi32, #tpu.memory_space<hbm>>
              %dma_wait3A_1116 = arith.constant 0 : i32
              %dma_wait3A_1117 = tpu.memref_slice %arg3[%dma_wait3A_1116] : memref<1600000xi32, #tpu.memory_space<hbm>> -> memref<1024xi32, #tpu.memory_space<hbm>>
              tpu.wait_dma2 semaphore(%arg18 : memref<!tpu.dma_semaphore, #tpu.memory_space<semaphore_mem>>) src(%dma_wait3A_1117 : memref<1024xi32, #tpu.memory_space<hbm>>) dst(%arg9 : memref<1024xi32, #tpu.memory_space<vmem>>)
              %dma_start3A_1118 = arith.constant 0 : i32
              %dma_start3A_1119 = arith.constant 0 : i32
              %dma_start3A_1120 = tpu.memref_slice %arg12[%dma_start3A_1118, %dma_start3A_1119] : memref<1024x32xf32, #tpu.memory_space<vmem>> -> memref<128x32xf32, #tpu.memory_space<vmem>>
              %dma_start3A_1121 = arith.constant 0 : i32
              %dma_start3A_1122 = tpu.memref_slice %arg9[%dma_start3A_1121] : memref<1024xi32, #tpu.memory_space<vmem>> -> memref<128xi32, #tpu.memory_space<vmem>>
              %dma_start3A_1123 = arith.constant 0 : i32
              %dma_start3A_1124 = arith.constant 0 : i32
              %dma_start3A_1125 = tpu.memref_slice %arg2[%dma_start3A_1123, %dma_start3A_1124] : memref<100000x32xf32, #tpu.memory_space<hbm>> -> memref<100000x32xf32, #tpu.memory_space<hbm>>
              tpu.enqueue_indirect_dma source(%dma_start3A_1125 : memref<100000x32xf32, #tpu.memory_space<hbm>>) target(%dma_start3A_1120 : memref<128x32xf32, #tpu.memory_space<vmem>>) offsets(%dma_start3A_1122 : memref<128xi32, #tpu.memory_space<vmem>>) semaphore(%arg20 : memref<!tpu.dma_semaphore, #tpu.memory_space<semaphore_mem>>)
              %dma_start3A_1126 = arith.constant 128 : i32
              %dma_start3A_1127 = arith.constant 0 : i32
              %dma_start3A_1128 = tpu.memref_slice %arg12[%dma_start3A_1126, %dma_start3A_1127] : memref<1024x32xf32, #tpu.memory_space<vmem>> -> memref<128x32xf32, #tpu.memory_space<vmem>>
              %dma_start3A_1129 = arith.constant 128 : i32
              %dma_start3A_1130 = tpu.memref_slice %arg9[%dma_start3A_1129] : memref<1024xi32, #tpu.memory_space<vmem>> -> memref<128xi32, #tpu.memory_space<vmem>>
              %dma_start3A_1131 = arith.constant 0 : i32
              %dma_start3A_1132 = arith.constant 0 : i32
              %dma_start3A_1133 = tpu.memref_slice %arg2[%dma_start3A_1131, %dma_start3A_1132] : memref<100000x32xf32, #tpu.memory_space<hbm>> -> memref<100000x32xf32, #tpu.memory_space<hbm>>
              tpu.enqueue_indirect_dma source(%dma_start3A_1133 : memref<100000x32xf32, #tpu.memory_space<hbm>>) target(%dma_start3A_1128 : memref<128x32xf32, #tpu.memory_space<vmem>>) offsets(%dma_start3A_1130 : memref<128xi32, #tpu.memory_space<vmem>>) semaphore(%arg20 : memref<!tpu.dma_semaphore, #tpu.memory_space<semaphore_mem>>)
              %dma_start3A_1134 = arith.constant 256 : i32
              %dma_start3A_1135 = arith.constant 0 : i32
              %dma_start3A_1136 = tpu.memref_slice %arg12[%dma_start3A_1134, %dma_start3A_1135] : memref<1024x32xf32, #tpu.memory_space<vmem>> -> memref<128x32xf32, #tpu.memory_space<vmem>>
              %dma_start3A_1137 = arith.constant 256 : i32
              %dma_start3A_1138 = tpu.memref_slice %arg9[%dma_start3A_1137] : memref<1024xi32, #tpu.memory_space<vmem>> -> memref<128xi32, #tpu.memory_space<vmem>>
              %dma_start3A_1139 = arith.constant 0 : i32
              %dma_start3A_1140 = arith.constant 0 : i32
              %dma_start3A_1141 = tpu.memref_slice %arg2[%dma_start3A_1139, %dma_start3A_1140] : memref<100000x32xf32, #tpu.memory_space<hbm>> -> memref<100000x32xf32, #tpu.memory_space<hbm>>
              tpu.enqueue_indirect_dma source(%dma_start3A_1141 : memref<100000x32xf32, #tpu.memory_space<hbm>>) target(%dma_start3A_1136 : memref<128x32xf32, #tpu.memory_space<vmem>>) offsets(%dma_start3A_1138 : memref<128xi32, #tpu.memory_space<vmem>>) semaphore(%arg20 : memref<!tpu.dma_semaphore, #tpu.memory_space<semaphore_mem>>)
              %dma_start3A_1142 = arith.constant 384 : i32
              %dma_start3A_1143 = arith.constant 0 : i32
              %dma_start3A_1144 = tpu.memref_slice %arg12[%dma_start3A_1142, %dma_start3A_1143] : memref<1024x32xf32, #tpu.memory_space<vmem>> -> memref<128x32xf32, #tpu.memory_space<vmem>>
              %dma_start3A_1145 = arith.constant 384 : i32
              %dma_start3A_1146 = tpu.memref_slice %arg9[%dma_start3A_1145] : memref<1024xi32, #tpu.memory_space<vmem>> -> memref<128xi32, #tpu.memory_space<vmem>>
              %dma_start3A_1147 = arith.constant 0 : i32
              %dma_start3A_1148 = arith.constant 0 : i32
              %dma_start3A_1149 = tpu.memref_slice %arg2[%dma_start3A_1147, %dma_start3A_1148] : memref<100000x32xf32, #tpu.memory_space<hbm>> -> memref<100000x32xf32, #tpu.memory_space<hbm>>
              tpu.enqueue_indirect_dma source(%dma_start3A_1149 : memref<100000x32xf32, #tpu.memory_space<hbm>>) target(%dma_start3A_1144 : memref<128x32xf32, #tpu.memory_space<vmem>>) offsets(%dma_start3A_1146 : memref<128xi32, #tpu.memory_space<vmem>>) semaphore(%arg20 : memref<!tpu.dma_semaphore, #tpu.memory_space<semaphore_mem>>)
              %dma_start3A_1150 = arith.constant 512 : i32
              %dma_start3A_1151 = arith.constant 0 : i32
              %dma_start3A_1152 = tpu.memref_slice %arg12[%dma_start3A_1150, %dma_start3A_1151] : memref<1024x32xf32, #tpu.memory_space<vmem>> -> memref<128x32xf32, #tpu.memory_space<vmem>>
              %dma_start3A_1153 = arith.constant 512 : i32
              %dma_start3A_1154 = tpu.memref_slice %arg9[%dma_start3A_1153] : memref<1024xi32, #tpu.memory_space<vmem>> -> memref<128xi32, #tpu.memory_space<vmem>>
              %dma_start3A_1155 = arith.constant 0 : i32
              %dma_start3A_1156 = arith.constant 0 : i32
              %dma_start3A_1157 = tpu.memref_slice %arg2[%dma_start3A_1155, %dma_start3A_1156] : memref<100000x32xf32, #tpu.memory_space<hbm>> -> memref<100000x32xf32, #tpu.memory_space<hbm>>
              tpu.enqueue_indirect_dma source(%dma_start3A_1157 : memref<100000x32xf32, #tpu.memory_space<hbm>>) target(%dma_start3A_1152 : memref<128x32xf32, #tpu.memory_space<vmem>>) offsets(%dma_start3A_1154 : memref<128xi32, #tpu.memory_space<vmem>>) semaphore(%arg20 : memref<!tpu.dma_semaphore, #tpu.memory_space<semaphore_mem>>)
              %dma_start3A_1158 = arith.constant 640 : i32
              %dma_start3A_1159 = arith.constant 0 : i32
              %dma_start3A_1160 = tpu.memref_slice %arg12[%dma_start3A_1158, %dma_start3A_1159] : memref<1024x32xf32, #tpu.memory_space<vmem>> -> memref<128x32xf32, #tpu.memory_space<vmem>>
              %dma_start3A_1161 = arith.constant 640 : i32
              %dma_start3A_1162 = tpu.memref_slice %arg9[%dma_start3A_1161] : memref<1024xi32, #tpu.memory_space<vmem>> -> memref<128xi32, #tpu.memory_space<vmem>>
              %dma_start3A_1163 = arith.constant 0 : i32
              %dma_start3A_1164 = arith.constant 0 : i32
              %dma_start3A_1165 = tpu.memref_slice %arg2[%dma_start3A_1163, %dma_start3A_1164] : memref<100000x32xf32, #tpu.memory_space<hbm>> -> memref<100000x32xf32, #tpu.memory_space<hbm>>
              tpu.enqueue_indirect_dma source(%dma_start3A_1165 : memref<100000x32xf32, #tpu.memory_space<hbm>>) target(%dma_start3A_1160 : memref<128x32xf32, #tpu.memory_space<vmem>>) offsets(%dma_start3A_1162 : memref<128xi32, #tpu.memory_space<vmem>>) semaphore(%arg20 : memref<!tpu.dma_semaphore, #tpu.memory_space<semaphore_mem>>)
              %dma_start3A_1166 = arith.constant 768 : i32
              %dma_start3A_1167 = arith.constant 0 : i32
              %dma_start3A_1168 = tpu.memref_slice %arg12[%dma_start3A_1166, %dma_start3A_1167] : memref<1024x32xf32, #tpu.memory_space<vmem>> -> memref<128x32xf32, #tpu.memory_space<vmem>>
              %dma_start3A_1169 = arith.constant 768 : i32
              %dma_start3A_1170 = tpu.memref_slice %arg9[%dma_start3A_1169] : memref<1024xi32, #tpu.memory_space<vmem>> -> memref<128xi32, #tpu.memory_space<vmem>>
              %dma_start3A_1171 = arith.constant 0 : i32
              %dma_start3A_1172 = arith.constant 0 : i32
              %dma_start3A_1173 = tpu.memref_slice %arg2[%dma_start3A_1171, %dma_start3A_1172] : memref<100000x32xf32, #tpu.memory_space<hbm>> -> memref<100000x32xf32, #tpu.memory_space<hbm>>
              tpu.enqueue_indirect_dma source(%dma_start3A_1173 : memref<100000x32xf32, #tpu.memory_space<hbm>>) target(%dma_start3A_1168 : memref<128x32xf32, #tpu.memory_space<vmem>>) offsets(%dma_start3A_1170 : memref<128xi32, #tpu.memory_space<vmem>>) semaphore(%arg20 : memref<!tpu.dma_semaphore, #tpu.memory_space<semaphore_mem>>)
              %dma_start3A_1174 = arith.constant 896 : i32
              %dma_start3A_1175 = arith.constant 0 : i32
              %dma_start3A_1176 = tpu.memref_slice %arg12[%dma_start3A_1174, %dma_start3A_1175] : memref<1024x32xf32, #tpu.memory_space<vmem>> -> memref<128x32xf32, #tpu.memory_space<vmem>>
              %dma_start3A_1177 = arith.constant 896 : i32
              %dma_start3A_1178 = tpu.memref_slice %arg9[%dma_start3A_1177] : memref<1024xi32, #tpu.memory_space<vmem>> -> memref<128xi32, #tpu.memory_space<vmem>>
              %dma_start3A_1179 = arith.constant 0 : i32
              %dma_start3A_1180 = arith.constant 0 : i32
              %dma_start3A_1181 = tpu.memref_slice %arg2[%dma_start3A_1179, %dma_start3A_1180] : memref<100000x32xf32, #tpu.memory_space<hbm>> -> memref<100000x32xf32, #tpu.memory_space<hbm>>
              tpu.enqueue_indirect_dma source(%dma_start3A_1181 : memref<100000x32xf32, #tpu.memory_space<hbm>>) target(%dma_start3A_1176 : memref<128x32xf32, #tpu.memory_space<vmem>>) offsets(%dma_start3A_1178 : memref<128xi32, #tpu.memory_space<vmem>>) semaphore(%arg20 : memref<!tpu.dma_semaphore, #tpu.memory_space<semaphore_mem>>)
            } else {
            }
            %mul3A_1095 = arith.constant 1024 : i32
            %mul3A_1096 = arith.muli %add3A_917, %mul3A_1095 : i32
            %add3A_1097 = arith.addi %multiple_of3A, %mul3A_1096 : i32
            %multiple_of3A_1098 = tpu.assume_multiple %add3A_1097, 16 : i32
            %min3A_1099 = arith.constant 1598976 : i32
            %min3A_1100 = arith.minsi %multiple_of3A_1098, %min3A_1099 : i32
            %multiple_of3A_1101 = tpu.assume_multiple %min3A_1100, 16 : i32
            %sub3A_1102 = arith.subi %multiple_of3A_1098, %multiple_of3A_1101 : i32
            %scan3A_1103 = arith.constant 0 : i32
            %scan3A_1104 = arith.constant 64 : i32
            %scan3A_1105 = arith.addi %scan3A_1103, %scan3A_1104 : i32
            %scan3A_1106 = arith.constant 1 : i32
            scf.for %scan3A_1114 = %scan3A_1103 to %scan3A_1105 step %scan3A_1106  : i32 {
              %mul3A_1115 = arith.constant 1 : i32
              %mul3A_1116 = arith.muli %scan3A_1114, %mul3A_1115 : i32
              %add3A_1117 = arith.constant 0 : i32
              %add3A_1118 = arith.addi %add3A_1117, %mul3A_1116 : i32
              %mul3A_1119 = arith.constant 16 : i32
              %mul3A_1120 = arith.muli %add3A_1118, %mul3A_1119 : i32
              %add3A_1121 = arith.addi %multiple_of3A_1098, %mul3A_1120 : i32
              %broadcast_in_dim3A_1122 = vector.broadcast %add3A_1121 : i32 to vector<16xi32>
              %add3A_1123 = arith.addi %broadcast_in_dim3A_1122, %iota3A : vector<16xi32>
              %ge3A = arith.cmpi sge, %add3A_1123, %broadcast_in_dim3A_48 : vector<16xi32>
              %lt3A_1124 = arith.cmpi slt, %add3A_1123, %broadcast_in_dim3A_49 : vector<16xi32>
              %and3A = arith.andi %ge3A, %lt3A_1124 : vector<16xi1>
              %add3A_1125 = arith.addi %sub3A_1102, %mul3A_1120 : i32
              %broadcast_in_dim3A_1126 = vector.broadcast %add3A_1125 : i32 to vector<16xi32>
              %add3A_1127 = arith.addi %broadcast_in_dim3A_1126, %iota3A : vector<16xi32>
              %min3A_1128 = arith.constant 1023 : i32
              %min3A_1129 = vector.broadcast %min3A_1128 : i32 to vector<16xi32>
              %min3A_1130 = arith.minsi %add3A_1127, %min3A_1129 : vector<16xi32>
              %gather3A_1131 = tpu.vector_load_idx %arg15[%min3A_1130] : memref<1024xf32, #tpu.memory_space<vmem>>[vector<16xi32>], vector<16xf32>,
              %gather3A_1132 = tpu.vector_load_idx %arg14[%min3A_1130] : memref<1024xi32, #tpu.memory_space<vmem>>[vector<16xi32>], vector<16xi32>,
              %sub3A_1133 = arith.subi %gather3A_1132, %broadcast_in_dim3A_50 : vector<16xi32>
              %add3A_1134 = arith.constant 0 : i32
              %add3A_1135 = vector.broadcast %add3A_1134 : i32 to vector<16xi32>
              %add3A_1136 = arith.addi %iota3A, %add3A_1135 : vector<16xi32>
              %and3A_1137 = arith.constant 31 : i32
              %and3A_1138 = vector.broadcast %and3A_1137 : i32 to vector<16xi32>
              %and3A_1139 = arith.andi %add3A_1136, %and3A_1138 : vector<16xi32>
              %gather3A_1140 = tpu.vector_load_idx %arg16[%min3A_1130, %and3A_1139] : memref<1024x32xf32, #tpu.memory_space<vmem>>[vector<16xi32>, vector<16xi32>], vector<16xf32>,
              %mul3A_1141 = arith.mulf %gather3A_1140, %gather3A_1131 : vector<16xf32>
              tpu.vector_store_idx %arg17[%and3A_1139, %sub3A_1133], %mul3A_1141 masked %and3A {add = true} : memref<32x1601xf32, #tpu.memory_space<vmem>>[vector<16xi32>, vector<16xi32>], vector<16xf32>, vector<16xi1>
              %add3A_1142 = arith.constant 1 : i32
              %add3A_1143 = vector.broadcast %add3A_1142 : i32 to vector<16xi32>
              %add3A_1144 = arith.addi %iota3A, %add3A_1143 : vector<16xi32>
              %and3A_1145 = arith.constant 31 : i32
              %and3A_1146 = vector.broadcast %and3A_1145 : i32 to vector<16xi32>
              %and3A_1147 = arith.andi %add3A_1144, %and3A_1146 : vector<16xi32>
              %gather3A_1148 = tpu.vector_load_idx %arg16[%min3A_1130, %and3A_1147] : memref<1024x32xf32, #tpu.memory_space<vmem>>[vector<16xi32>, vector<16xi32>], vector<16xf32>,
              %mul3A_1149 = arith.mulf %gather3A_1148, %gather3A_1131 : vector<16xf32>
              tpu.vector_store_idx %arg17[%and3A_1147, %sub3A_1133], %mul3A_1149 masked %and3A {add = true} : memref<32x1601xf32, #tpu.memory_space<vmem>>[vector<16xi32>, vector<16xi32>], vector<16xf32>, vector<16xi1>
              %add3A_1150 = arith.constant 2 : i32
              %add3A_1151 = vector.broadcast %add3A_1150 : i32 to vector<16xi32>
              %add3A_1152 = arith.addi %iota3A, %add3A_1151 : vector<16xi32>
              %and3A_1153 = arith.constant 31 : i32
              %and3A_1154 = vector.broadcast %and3A_1153 : i32 to vector<16xi32>
              %and3A_1155 = arith.andi %add3A_1152, %and3A_1154 : vector<16xi32>
              %gather3A_1156 = tpu.vector_load_idx %arg16[%min3A_1130, %and3A_1155] : memref<1024x32xf32, #tpu.memory_space<vmem>>[vector<16xi32>, vector<16xi32>], vector<16xf32>,
              %mul3A_1157 = arith.mulf %gather3A_1156, %gather3A_1131 : vector<16xf32>
              tpu.vector_store_idx %arg17[%and3A_1155, %sub3A_1133], %mul3A_1157 masked %and3A {add = true} : memref<32x1601xf32, #tpu.memory_space<vmem>>[vector<16xi32>, vector<16xi32>], vector<16xf32>, vector<16xi1>
              %add3A_1158 = arith.constant 3 : i32
              %add3A_1159 = vector.broadcast %add3A_1158 : i32 to vector<16xi32>
              %add3A_1160 = arith.addi %iota3A, %add3A_1159 : vector<16xi32>
              %and3A_1161 = arith.constant 31 : i32
              %and3A_1162 = vector.broadcast %and3A_1161 : i32 to vector<16xi32>
              %and3A_1163 = arith.andi %add3A_1160, %and3A_1162 : vector<16xi32>
              %gather3A_1164 = tpu.vector_load_idx %arg16[%min3A_1130, %and3A_1163] : memref<1024x32xf32, #tpu.memory_space<vmem>>[vector<16xi32>, vector<16xi32>], vector<16xf32>,
              %mul3A_1165 = arith.mulf %gather3A_1164, %gather3A_1131 : vector<16xf32>
              tpu.vector_store_idx %arg17[%and3A_1163, %sub3A_1133], %mul3A_1165 masked %and3A {add = true} : memref<32x1601xf32, #tpu.memory_space<vmem>>[vector<16xi32>, vector<16xi32>], vector<16xf32>, vector<16xi1>
              %add3A_1166 = arith.constant 4 : i32
              %add3A_1167 = vector.broadcast %add3A_1166 : i32 to vector<16xi32>
              %add3A_1168 = arith.addi %iota3A, %add3A_1167 : vector<16xi32>
              %and3A_1169 = arith.constant 31 : i32
              %and3A_1170 = vector.broadcast %and3A_1169 : i32 to vector<16xi32>
              %and3A_1171 = arith.andi %add3A_1168, %and3A_1170 : vector<16xi32>
              %gather3A_1172 = tpu.vector_load_idx %arg16[%min3A_1130, %and3A_1171] : memref<1024x32xf32, #tpu.memory_space<vmem>>[vector<16xi32>, vector<16xi32>], vector<16xf32>,
              %mul3A_1173 = arith.mulf %gather3A_1172, %gather3A_1131 : vector<16xf32>
              tpu.vector_store_idx %arg17[%and3A_1171, %sub3A_1133], %mul3A_1173 masked %and3A {add = true} : memref<32x1601xf32, #tpu.memory_space<vmem>>[vector<16xi32>, vector<16xi32>], vector<16xf32>, vector<16xi1>
              %add3A_1174 = arith.constant 5 : i32
              %add3A_1175 = vector.broadcast %add3A_1174 : i32 to vector<16xi32>
              %add3A_1176 = arith.addi %iota3A, %add3A_1175 : vector<16xi32>
              %and3A_1177 = arith.constant 31 : i32
              %and3A_1178 = vector.broadcast %and3A_1177 : i32 to vector<16xi32>
              %and3A_1179 = arith.andi %add3A_1176, %and3A_1178 : vector<16xi32>
              %gather3A_1180 = tpu.vector_load_idx %arg16[%min3A_1130, %and3A_1179] : memref<1024x32xf32, #tpu.memory_space<vmem>>[vector<16xi32>, vector<16xi32>], vector<16xf32>,
              %mul3A_1181 = arith.mulf %gather3A_1180, %gather3A_1131 : vector<16xf32>
              tpu.vector_store_idx %arg17[%and3A_1179, %sub3A_1133], %mul3A_1181 masked %and3A {add = true} : memref<32x1601xf32, #tpu.memory_space<vmem>>[vector<16xi32>, vector<16xi32>], vector<16xf32>, vector<16xi1>
              %add3A_1182 = arith.constant 6 : i32
              %add3A_1183 = vector.broadcast %add3A_1182 : i32 to vector<16xi32>
              %add3A_1184 = arith.addi %iota3A, %add3A_1183 : vector<16xi32>
              %and3A_1185 = arith.constant 31 : i32
              %and3A_1186 = vector.broadcast %and3A_1185 : i32 to vector<16xi32>
              %and3A_1187 = arith.andi %add3A_1184, %and3A_1186 : vector<16xi32>
              %gather3A_1188 = tpu.vector_load_idx %arg16[%min3A_1130, %and3A_1187] : memref<1024x32xf32, #tpu.memory_space<vmem>>[vector<16xi32>, vector<16xi32>], vector<16xf32>,
              %mul3A_1189 = arith.mulf %gather3A_1188, %gather3A_1131 : vector<16xf32>
              tpu.vector_store_idx %arg17[%and3A_1187, %sub3A_1133], %mul3A_1189 masked %and3A {add = true} : memref<32x1601xf32, #tpu.memory_space<vmem>>[vector<16xi32>, vector<16xi32>], vector<16xf32>, vector<16xi1>
              %add3A_1190 = arith.constant 7 : i32
              %add3A_1191 = vector.broadcast %add3A_1190 : i32 to vector<16xi32>
              %add3A_1192 = arith.addi %iota3A, %add3A_1191 : vector<16xi32>
              %and3A_1193 = arith.constant 31 : i32
              %and3A_1194 = vector.broadcast %and3A_1193 : i32 to vector<16xi32>
              %and3A_1195 = arith.andi %add3A_1192, %and3A_1194 : vector<16xi32>
              %gather3A_1196 = tpu.vector_load_idx %arg16[%min3A_1130, %and3A_1195] : memref<1024x32xf32, #tpu.memory_space<vmem>>[vector<16xi32>, vector<16xi32>], vector<16xf32>,
              %mul3A_1197 = arith.mulf %gather3A_1196, %gather3A_1131 : vector<16xf32>
              tpu.vector_store_idx %arg17[%and3A_1195, %sub3A_1133], %mul3A_1197 masked %and3A {add = true} : memref<32x1601xf32, #tpu.memory_space<vmem>>[vector<16xi32>, vector<16xi32>], vector<16xf32>, vector<16xi1>
              %add3A_1198 = arith.constant 8 : i32
              %add3A_1199 = vector.broadcast %add3A_1198 : i32 to vector<16xi32>
              %add3A_1200 = arith.addi %iota3A, %add3A_1199 : vector<16xi32>
              %and3A_1201 = arith.constant 31 : i32
              %and3A_1202 = vector.broadcast %and3A_1201 : i32 to vector<16xi32>
              %and3A_1203 = arith.andi %add3A_1200, %and3A_1202 : vector<16xi32>
              %gather3A_1204 = tpu.vector_load_idx %arg16[%min3A_1130, %and3A_1203] : memref<1024x32xf32, #tpu.memory_space<vmem>>[vector<16xi32>, vector<16xi32>], vector<16xf32>,
              %mul3A_1205 = arith.mulf %gather3A_1204, %gather3A_1131 : vector<16xf32>
              tpu.vector_store_idx %arg17[%and3A_1203, %sub3A_1133], %mul3A_1205 masked %and3A {add = true} : memref<32x1601xf32, #tpu.memory_space<vmem>>[vector<16xi32>, vector<16xi32>], vector<16xf32>, vector<16xi1>
              %add3A_1206 = arith.constant 9 : i32
              %add3A_1207 = vector.broadcast %add3A_1206 : i32 to vector<16xi32>
              %add3A_1208 = arith.addi %iota3A, %add3A_1207 : vector<16xi32>
              %and3A_1209 = arith.constant 31 : i32
              %and3A_1210 = vector.broadcast %and3A_1209 : i32 to vector<16xi32>
              %and3A_1211 = arith.andi %add3A_1208, %and3A_1210 : vector<16xi32>
              %gather3A_1212 = tpu.vector_load_idx %arg16[%min3A_1130, %and3A_1211] : memref<1024x32xf32, #tpu.memory_space<vmem>>[vector<16xi32>, vector<16xi32>], vector<16xf32>,
              %mul3A_1213 = arith.mulf %gather3A_1212, %gather3A_1131 : vector<16xf32>
              tpu.vector_store_idx %arg17[%and3A_1211, %sub3A_1133], %mul3A_1213 masked %and3A {add = true} : memref<32x1601xf32, #tpu.memory_space<vmem>>[vector<16xi32>, vector<16xi32>], vector<16xf32>, vector<16xi1>
              %add3A_1214 = arith.constant 10 : i32
              %add3A_1215 = vector.broadcast %add3A_1214 : i32 to vector<16xi32>
              %add3A_1216 = arith.addi %iota3A, %add3A_1215 : vector<16xi32>
              %and3A_1217 = arith.constant 31 : i32
              %and3A_1218 = vector.broadcast %and3A_1217 : i32 to vector<16xi32>
              %and3A_1219 = arith.andi %add3A_1216, %and3A_1218 : vector<16xi32>
              %gather3A_1220 = tpu.vector_load_idx %arg16[%min3A_1130, %and3A_1219] : memref<1024x32xf32, #tpu.memory_space<vmem>>[vector<16xi32>, vector<16xi32>], vector<16xf32>,
              %mul3A_1221 = arith.mulf %gather3A_1220, %gather3A_1131 : vector<16xf32>
              tpu.vector_store_idx %arg17[%and3A_1219, %sub3A_1133], %mul3A_1221 masked %and3A {add = true} : memref<32x1601xf32, #tpu.memory_space<vmem>>[vector<16xi32>, vector<16xi32>], vector<16xf32>, vector<16xi1>
              %add3A_1222 = arith.constant 11 : i32
              %add3A_1223 = vector.broadcast %add3A_1222 : i32 to vector<16xi32>
              %add3A_1224 = arith.addi %iota3A, %add3A_1223 : vector<16xi32>
              %and3A_1225 = arith.constant 31 : i32
              %and3A_1226 = vector.broadcast %and3A_1225 : i32 to vector<16xi32>
              %and3A_1227 = arith.andi %add3A_1224, %and3A_1226 : vector<16xi32>
              %gather3A_1228 = tpu.vector_load_idx %arg16[%min3A_1130, %and3A_1227] : memref<1024x32xf32, #tpu.memory_space<vmem>>[vector<16xi32>, vector<16xi32>], vector<16xf32>,
              %mul3A_1229 = arith.mulf %gather3A_1228, %gather3A_1131 : vector<16xf32>
              tpu.vector_store_idx %arg17[%and3A_1227, %sub3A_1133], %mul3A_1229 masked %and3A {add = true} : memref<32x1601xf32, #tpu.memory_space<vmem>>[vector<16xi32>, vector<16xi32>], vector<16xf32>, vector<16xi1>
              %add3A_1230 = arith.constant 12 : i32
              %add3A_1231 = vector.broadcast %add3A_1230 : i32 to vector<16xi32>
              %add3A_1232 = arith.addi %iota3A, %add3A_1231 : vector<16xi32>
              %and3A_1233 = arith.constant 31 : i32
              %and3A_1234 = vector.broadcast %and3A_1233 : i32 to vector<16xi32>
              %and3A_1235 = arith.andi %add3A_1232, %and3A_1234 : vector<16xi32>
              %gather3A_1236 = tpu.vector_load_idx %arg16[%min3A_1130, %and3A_1235] : memref<1024x32xf32, #tpu.memory_space<vmem>>[vector<16xi32>, vector<16xi32>], vector<16xf32>,
              %mul3A_1237 = arith.mulf %gather3A_1236, %gather3A_1131 : vector<16xf32>
              tpu.vector_store_idx %arg17[%and3A_1235, %sub3A_1133], %mul3A_1237 masked %and3A {add = true} : memref<32x1601xf32, #tpu.memory_space<vmem>>[vector<16xi32>, vector<16xi32>], vector<16xf32>, vector<16xi1>
              %add3A_1238 = arith.constant 13 : i32
              %add3A_1239 = vector.broadcast %add3A_1238 : i32 to vector<16xi32>
              %add3A_1240 = arith.addi %iota3A, %add3A_1239 : vector<16xi32>
              %and3A_1241 = arith.constant 31 : i32
              %and3A_1242 = vector.broadcast %and3A_1241 : i32 to vector<16xi32>
              %and3A_1243 = arith.andi %add3A_1240, %and3A_1242 : vector<16xi32>
              %gather3A_1244 = tpu.vector_load_idx %arg16[%min3A_1130, %and3A_1243] : memref<1024x32xf32, #tpu.memory_space<vmem>>[vector<16xi32>, vector<16xi32>], vector<16xf32>,
              %mul3A_1245 = arith.mulf %gather3A_1244, %gather3A_1131 : vector<16xf32>
              tpu.vector_store_idx %arg17[%and3A_1243, %sub3A_1133], %mul3A_1245 masked %and3A {add = true} : memref<32x1601xf32, #tpu.memory_space<vmem>>[vector<16xi32>, vector<16xi32>], vector<16xf32>, vector<16xi1>
              %add3A_1246 = arith.constant 14 : i32
              %add3A_1247 = vector.broadcast %add3A_1246 : i32 to vector<16xi32>
              %add3A_1248 = arith.addi %iota3A, %add3A_1247 : vector<16xi32>
              %and3A_1249 = arith.constant 31 : i32
              %and3A_1250 = vector.broadcast %and3A_1249 : i32 to vector<16xi32>
              %and3A_1251 = arith.andi %add3A_1248, %and3A_1250 : vector<16xi32>
              %gather3A_1252 = tpu.vector_load_idx %arg16[%min3A_1130, %and3A_1251] : memref<1024x32xf32, #tpu.memory_space<vmem>>[vector<16xi32>, vector<16xi32>], vector<16xf32>,
              %mul3A_1253 = arith.mulf %gather3A_1252, %gather3A_1131 : vector<16xf32>
              tpu.vector_store_idx %arg17[%and3A_1251, %sub3A_1133], %mul3A_1253 masked %and3A {add = true} : memref<32x1601xf32, #tpu.memory_space<vmem>>[vector<16xi32>, vector<16xi32>], vector<16xf32>, vector<16xi1>
              %add3A_1254 = arith.constant 15 : i32
              %add3A_1255 = vector.broadcast %add3A_1254 : i32 to vector<16xi32>
              %add3A_1256 = arith.addi %iota3A, %add3A_1255 : vector<16xi32>
              %and3A_1257 = arith.constant 31 : i32
              %and3A_1258 = vector.broadcast %and3A_1257 : i32 to vector<16xi32>
              %and3A_1259 = arith.andi %add3A_1256, %and3A_1258 : vector<16xi32>
              %gather3A_1260 = tpu.vector_load_idx %arg16[%min3A_1130, %and3A_1259] : memref<1024x32xf32, #tpu.memory_space<vmem>>[vector<16xi32>, vector<16xi32>], vector<16xf32>,
              %mul3A_1261 = arith.mulf %gather3A_1260, %gather3A_1131 : vector<16xf32>
              tpu.vector_store_idx %arg17[%and3A_1259, %sub3A_1133], %mul3A_1261 masked %and3A {add = true} : memref<32x1601xf32, #tpu.memory_space<vmem>>[vector<16xi32>, vector<16xi32>], vector<16xf32>, vector<16xi1>
              %add3A_1262 = arith.constant 16 : i32
              %add3A_1263 = vector.broadcast %add3A_1262 : i32 to vector<16xi32>
              %add3A_1264 = arith.addi %iota3A, %add3A_1263 : vector<16xi32>
              %and3A_1265 = arith.constant 31 : i32
              %and3A_1266 = vector.broadcast %and3A_1265 : i32 to vector<16xi32>
              %and3A_1267 = arith.andi %add3A_1264, %and3A_1266 : vector<16xi32>
              %gather3A_1268 = tpu.vector_load_idx %arg16[%min3A_1130, %and3A_1267] : memref<1024x32xf32, #tpu.memory_space<vmem>>[vector<16xi32>, vector<16xi32>], vector<16xf32>,
              %mul3A_1269 = arith.mulf %gather3A_1268, %gather3A_1131 : vector<16xf32>
              tpu.vector_store_idx %arg17[%and3A_1267, %sub3A_1133], %mul3A_1269 masked %and3A {add = true} : memref<32x1601xf32, #tpu.memory_space<vmem>>[vector<16xi32>, vector<16xi32>], vector<16xf32>, vector<16xi1>
              %add3A_1270 = arith.constant 17 : i32
              %add3A_1271 = vector.broadcast %add3A_1270 : i32 to vector<16xi32>
              %add3A_1272 = arith.addi %iota3A, %add3A_1271 : vector<16xi32>
              %and3A_1273 = arith.constant 31 : i32
              %and3A_1274 = vector.broadcast %and3A_1273 : i32 to vector<16xi32>
              %and3A_1275 = arith.andi %add3A_1272, %and3A_1274 : vector<16xi32>
              %gather3A_1276 = tpu.vector_load_idx %arg16[%min3A_1130, %and3A_1275] : memref<1024x32xf32, #tpu.memory_space<vmem>>[vector<16xi32>, vector<16xi32>], vector<16xf32>,
              %mul3A_1277 = arith.mulf %gather3A_1276, %gather3A_1131 : vector<16xf32>
              tpu.vector_store_idx %arg17[%and3A_1275, %sub3A_1133], %mul3A_1277 masked %and3A {add = true} : memref<32x1601xf32, #tpu.memory_space<vmem>>[vector<16xi32>, vector<16xi32>], vector<16xf32>, vector<16xi1>
              %add3A_1278 = arith.constant 18 : i32
              %add3A_1279 = vector.broadcast %add3A_1278 : i32 to vector<16xi32>
              %add3A_1280 = arith.addi %iota3A, %add3A_1279 : vector<16xi32>
              %and3A_1281 = arith.constant 31 : i32
              %and3A_1282 = vector.broadcast %and3A_1281 : i32 to vector<16xi32>
              %and3A_1283 = arith.andi %add3A_1280, %and3A_1282 : vector<16xi32>
              %gather3A_1284 = tpu.vector_load_idx %arg16[%min3A_1130, %and3A_1283] : memref<1024x32xf32, #tpu.memory_space<vmem>>[vector<16xi32>, vector<16xi32>], vector<16xf32>,
              %mul3A_1285 = arith.mulf %gather3A_1284, %gather3A_1131 : vector<16xf32>
              tpu.vector_store_idx %arg17[%and3A_1283, %sub3A_1133], %mul3A_1285 masked %and3A {add = true} : memref<32x1601xf32, #tpu.memory_space<vmem>>[vector<16xi32>, vector<16xi32>], vector<16xf32>, vector<16xi1>
              %add3A_1286 = arith.constant 19 : i32
              %add3A_1287 = vector.broadcast %add3A_1286 : i32 to vector<16xi32>
              %add3A_1288 = arith.addi %iota3A, %add3A_1287 : vector<16xi32>
              %and3A_1289 = arith.constant 31 : i32
              %and3A_1290 = vector.broadcast %and3A_1289 : i32 to vector<16xi32>
              %and3A_1291 = arith.andi %add3A_1288, %and3A_1290 : vector<16xi32>
              %gather3A_1292 = tpu.vector_load_idx %arg16[%min3A_1130, %and3A_1291] : memref<1024x32xf32, #tpu.memory_space<vmem>>[vector<16xi32>, vector<16xi32>], vector<16xf32>,
              %mul3A_1293 = arith.mulf %gather3A_1292, %gather3A_1131 : vector<16xf32>
              tpu.vector_store_idx %arg17[%and3A_1291, %sub3A_1133], %mul3A_1293 masked %and3A {add = true} : memref<32x1601xf32, #tpu.memory_space<vmem>>[vector<16xi32>, vector<16xi32>], vector<16xf32>, vector<16xi1>
              %add3A_1294 = arith.constant 20 : i32
              %add3A_1295 = vector.broadcast %add3A_1294 : i32 to vector<16xi32>
              %add3A_1296 = arith.addi %iota3A, %add3A_1295 : vector<16xi32>
              %and3A_1297 = arith.constant 31 : i32
              %and3A_1298 = vector.broadcast %and3A_1297 : i32 to vector<16xi32>
              %and3A_1299 = arith.andi %add3A_1296, %and3A_1298 : vector<16xi32>
              %gather3A_1300 = tpu.vector_load_idx %arg16[%min3A_1130, %and3A_1299] : memref<1024x32xf32, #tpu.memory_space<vmem>>[vector<16xi32>, vector<16xi32>], vector<16xf32>,
              %mul3A_1301 = arith.mulf %gather3A_1300, %gather3A_1131 : vector<16xf32>
              tpu.vector_store_idx %arg17[%and3A_1299, %sub3A_1133], %mul3A_1301 masked %and3A {add = true} : memref<32x1601xf32, #tpu.memory_space<vmem>>[vector<16xi32>, vector<16xi32>], vector<16xf32>, vector<16xi1>
              %add3A_1302 = arith.constant 21 : i32
              %add3A_1303 = vector.broadcast %add3A_1302 : i32 to vector<16xi32>
              %add3A_1304 = arith.addi %iota3A, %add3A_1303 : vector<16xi32>
              %and3A_1305 = arith.constant 31 : i32
              %and3A_1306 = vector.broadcast %and3A_1305 : i32 to vector<16xi32>
              %and3A_1307 = arith.andi %add3A_1304, %and3A_1306 : vector<16xi32>
              %gather3A_1308 = tpu.vector_load_idx %arg16[%min3A_1130, %and3A_1307] : memref<1024x32xf32, #tpu.memory_space<vmem>>[vector<16xi32>, vector<16xi32>], vector<16xf32>,
              %mul3A_1309 = arith.mulf %gather3A_1308, %gather3A_1131 : vector<16xf32>
              tpu.vector_store_idx %arg17[%and3A_1307, %sub3A_1133], %mul3A_1309 masked %and3A {add = true} : memref<32x1601xf32, #tpu.memory_space<vmem>>[vector<16xi32>, vector<16xi32>], vector<16xf32>, vector<16xi1>
              %add3A_1310 = arith.constant 22 : i32
              %add3A_1311 = vector.broadcast %add3A_1310 : i32 to vector<16xi32>
              %add3A_1312 = arith.addi %iota3A, %add3A_1311 : vector<16xi32>
              %and3A_1313 = arith.constant 31 : i32
              %and3A_1314 = vector.broadcast %and3A_1313 : i32 to vector<16xi32>
              %and3A_1315 = arith.andi %add3A_1312, %and3A_1314 : vector<16xi32>
              %gather3A_1316 = tpu.vector_load_idx %arg16[%min3A_1130, %and3A_1315] : memref<1024x32xf32, #tpu.memory_space<vmem>>[vector<16xi32>, vector<16xi32>], vector<16xf32>,
              %mul3A_1317 = arith.mulf %gather3A_1316, %gather3A_1131 : vector<16xf32>
              tpu.vector_store_idx %arg17[%and3A_1315, %sub3A_1133], %mul3A_1317 masked %and3A {add = true} : memref<32x1601xf32, #tpu.memory_space<vmem>>[vector<16xi32>, vector<16xi32>], vector<16xf32>, vector<16xi1>
              %add3A_1318 = arith.constant 23 : i32
              %add3A_1319 = vector.broadcast %add3A_1318 : i32 to vector<16xi32>
              %add3A_1320 = arith.addi %iota3A, %add3A_1319 : vector<16xi32>
              %and3A_1321 = arith.constant 31 : i32
              %and3A_1322 = vector.broadcast %and3A_1321 : i32 to vector<16xi32>
              %and3A_1323 = arith.andi %add3A_1320, %and3A_1322 : vector<16xi32>
              %gather3A_1324 = tpu.vector_load_idx %arg16[%min3A_1130, %and3A_1323] : memref<1024x32xf32, #tpu.memory_space<vmem>>[vector<16xi32>, vector<16xi32>], vector<16xf32>,
              %mul3A_1325 = arith.mulf %gather3A_1324, %gather3A_1131 : vector<16xf32>
              tpu.vector_store_idx %arg17[%and3A_1323, %sub3A_1133], %mul3A_1325 masked %and3A {add = true} : memref<32x1601xf32, #tpu.memory_space<vmem>>[vector<16xi32>, vector<16xi32>], vector<16xf32>, vector<16xi1>
              %add3A_1326 = arith.constant 24 : i32
              %add3A_1327 = vector.broadcast %add3A_1326 : i32 to vector<16xi32>
              %add3A_1328 = arith.addi %iota3A, %add3A_1327 : vector<16xi32>
              %and3A_1329 = arith.constant 31 : i32
              %and3A_1330 = vector.broadcast %and3A_1329 : i32 to vector<16xi32>
              %and3A_1331 = arith.andi %add3A_1328, %and3A_1330 : vector<16xi32>
              %gather3A_1332 = tpu.vector_load_idx %arg16[%min3A_1130, %and3A_1331] : memref<1024x32xf32, #tpu.memory_space<vmem>>[vector<16xi32>, vector<16xi32>], vector<16xf32>,
              %mul3A_1333 = arith.mulf %gather3A_1332, %gather3A_1131 : vector<16xf32>
              tpu.vector_store_idx %arg17[%and3A_1331, %sub3A_1133], %mul3A_1333 masked %and3A {add = true} : memref<32x1601xf32, #tpu.memory_space<vmem>>[vector<16xi32>, vector<16xi32>], vector<16xf32>, vector<16xi1>
              %add3A_1334 = arith.constant 25 : i32
              %add3A_1335 = vector.broadcast %add3A_1334 : i32 to vector<16xi32>
              %add3A_1336 = arith.addi %iota3A, %add3A_1335 : vector<16xi32>
              %and3A_1337 = arith.constant 31 : i32
              %and3A_1338 = vector.broadcast %and3A_1337 : i32 to vector<16xi32>
              %and3A_1339 = arith.andi %add3A_1336, %and3A_1338 : vector<16xi32>
              %gather3A_1340 = tpu.vector_load_idx %arg16[%min3A_1130, %and3A_1339] : memref<1024x32xf32, #tpu.memory_space<vmem>>[vector<16xi32>, vector<16xi32>], vector<16xf32>,
              %mul3A_1341 = arith.mulf %gather3A_1340, %gather3A_1131 : vector<16xf32>
              tpu.vector_store_idx %arg17[%and3A_1339, %sub3A_1133], %mul3A_1341 masked %and3A {add = true} : memref<32x1601xf32, #tpu.memory_space<vmem>>[vector<16xi32>, vector<16xi32>], vector<16xf32>, vector<16xi1>
              %add3A_1342 = arith.constant 26 : i32
              %add3A_1343 = vector.broadcast %add3A_1342 : i32 to vector<16xi32>
              %add3A_1344 = arith.addi %iota3A, %add3A_1343 : vector<16xi32>
              %and3A_1345 = arith.constant 31 : i32
              %and3A_1346 = vector.broadcast %and3A_1345 : i32 to vector<16xi32>
              %and3A_1347 = arith.andi %add3A_1344, %and3A_1346 : vector<16xi32>
              %gather3A_1348 = tpu.vector_load_idx %arg16[%min3A_1130, %and3A_1347] : memref<1024x32xf32, #tpu.memory_space<vmem>>[vector<16xi32>, vector<16xi32>], vector<16xf32>,
              %mul3A_1349 = arith.mulf %gather3A_1348, %gather3A_1131 : vector<16xf32>
              tpu.vector_store_idx %arg17[%and3A_1347, %sub3A_1133], %mul3A_1349 masked %and3A {add = true} : memref<32x1601xf32, #tpu.memory_space<vmem>>[vector<16xi32>, vector<16xi32>], vector<16xf32>, vector<16xi1>
              %add3A_1350 = arith.constant 27 : i32
              %add3A_1351 = vector.broadcast %add3A_1350 : i32 to vector<16xi32>
              %add3A_1352 = arith.addi %iota3A, %add3A_1351 : vector<16xi32>
              %and3A_1353 = arith.constant 31 : i32
              %and3A_1354 = vector.broadcast %and3A_1353 : i32 to vector<16xi32>
              %and3A_1355 = arith.andi %add3A_1352, %and3A_1354 : vector<16xi32>
              %gather3A_1356 = tpu.vector_load_idx %arg16[%min3A_1130, %and3A_1355] : memref<1024x32xf32, #tpu.memory_space<vmem>>[vector<16xi32>, vector<16xi32>], vector<16xf32>,
              %mul3A_1357 = arith.mulf %gather3A_1356, %gather3A_1131 : vector<16xf32>
              tpu.vector_store_idx %arg17[%and3A_1355, %sub3A_1133], %mul3A_1357 masked %and3A {add = true} : memref<32x1601xf32, #tpu.memory_space<vmem>>[vector<16xi32>, vector<16xi32>], vector<16xf32>, vector<16xi1>
              %add3A_1358 = arith.constant 28 : i32
              %add3A_1359 = vector.broadcast %add3A_1358 : i32 to vector<16xi32>
              %add3A_1360 = arith.addi %iota3A, %add3A_1359 : vector<16xi32>
              %and3A_1361 = arith.constant 31 : i32
              %and3A_1362 = vector.broadcast %and3A_1361 : i32 to vector<16xi32>
              %and3A_1363 = arith.andi %add3A_1360, %and3A_1362 : vector<16xi32>
              %gather3A_1364 = tpu.vector_load_idx %arg16[%min3A_1130, %and3A_1363] : memref<1024x32xf32, #tpu.memory_space<vmem>>[vector<16xi32>, vector<16xi32>], vector<16xf32>,
              %mul3A_1365 = arith.mulf %gather3A_1364, %gather3A_1131 : vector<16xf32>
              tpu.vector_store_idx %arg17[%and3A_1363, %sub3A_1133], %mul3A_1365 masked %and3A {add = true} : memref<32x1601xf32, #tpu.memory_space<vmem>>[vector<16xi32>, vector<16xi32>], vector<16xf32>, vector<16xi1>
              %add3A_1366 = arith.constant 29 : i32
              %add3A_1367 = vector.broadcast %add3A_1366 : i32 to vector<16xi32>
              %add3A_1368 = arith.addi %iota3A, %add3A_1367 : vector<16xi32>
              %and3A_1369 = arith.constant 31 : i32
              %and3A_1370 = vector.broadcast %and3A_1369 : i32 to vector<16xi32>
              %and3A_1371 = arith.andi %add3A_1368, %and3A_1370 : vector<16xi32>
              %gather3A_1372 = tpu.vector_load_idx %arg16[%min3A_1130, %and3A_1371] : memref<1024x32xf32, #tpu.memory_space<vmem>>[vector<16xi32>, vector<16xi32>], vector<16xf32>,
              %mul3A_1373 = arith.mulf %gather3A_1372, %gather3A_1131 : vector<16xf32>
              tpu.vector_store_idx %arg17[%and3A_1371, %sub3A_1133], %mul3A_1373 masked %and3A {add = true} : memref<32x1601xf32, #tpu.memory_space<vmem>>[vector<16xi32>, vector<16xi32>], vector<16xf32>, vector<16xi1>
              %add3A_1374 = arith.constant 30 : i32
              %add3A_1375 = vector.broadcast %add3A_1374 : i32 to vector<16xi32>
              %add3A_1376 = arith.addi %iota3A, %add3A_1375 : vector<16xi32>
              %and3A_1377 = arith.constant 31 : i32
              %and3A_1378 = vector.broadcast %and3A_1377 : i32 to vector<16xi32>
              %and3A_1379 = arith.andi %add3A_1376, %and3A_1378 : vector<16xi32>
              %gather3A_1380 = tpu.vector_load_idx %arg16[%min3A_1130, %and3A_1379] : memref<1024x32xf32, #tpu.memory_space<vmem>>[vector<16xi32>, vector<16xi32>], vector<16xf32>,
              %mul3A_1381 = arith.mulf %gather3A_1380, %gather3A_1131 : vector<16xf32>
              tpu.vector_store_idx %arg17[%and3A_1379, %sub3A_1133], %mul3A_1381 masked %and3A {add = true} : memref<32x1601xf32, #tpu.memory_space<vmem>>[vector<16xi32>, vector<16xi32>], vector<16xf32>, vector<16xi1>
              %add3A_1382 = arith.constant 31 : i32
              %add3A_1383 = vector.broadcast %add3A_1382 : i32 to vector<16xi32>
              %add3A_1384 = arith.addi %iota3A, %add3A_1383 : vector<16xi32>
              %and3A_1385 = arith.constant 31 : i32
              %and3A_1386 = vector.broadcast %and3A_1385 : i32 to vector<16xi32>
              %and3A_1387 = arith.andi %add3A_1384, %and3A_1386 : vector<16xi32>
              %gather3A_1388 = tpu.vector_load_idx %arg16[%min3A_1130, %and3A_1387] : memref<1024x32xf32, #tpu.memory_space<vmem>>[vector<16xi32>, vector<16xi32>], vector<16xf32>,
              %mul3A_1389 = arith.mulf %gather3A_1388, %gather3A_1131 : vector<16xf32>
              tpu.vector_store_idx %arg17[%and3A_1387, %sub3A_1133], %mul3A_1389 masked %and3A {add = true} : memref<32x1601xf32, #tpu.memory_space<vmem>>[vector<16xi32>, vector<16xi32>], vector<16xf32>, vector<16xi1>
            }
            %scan3A_1107 = arith.constant 64 : i32
            %add3A_1108 = arith.constant 2 : i32
            %add3A_1109 = arith.addi %add3A_917, %add3A_1108 : i32
            %lt3A_1110 = arith.cmpi slt, %add3A_1109, %div3A_47 : i32
            %convert_element_type3A_1111 = arith.extui %lt3A_1110 : i1 to i32
            %cond3A_1112 = arith.constant 0 : i32
            %cond3A_1113 = arith.cmpi ne, %convert_element_type3A_1111, %cond3A_1112 : i32
            scf.if %cond3A_1113 {
              %add3A_1114 = arith.constant 2 : i32
              %add3A_1115 = arith.addi %add3A_917, %add3A_1114 : i32
              %mul3A_1116 = arith.constant 1024 : i32
              %mul3A_1117 = arith.muli %add3A_1115, %mul3A_1116 : i32
              %add3A_1118 = arith.addi %multiple_of3A, %mul3A_1117 : i32
              %multiple_of3A_1119 = tpu.assume_multiple %add3A_1118, 16 : i32
              %min3A_1120 = arith.constant 1598976 : i32
              %min3A_1121 = arith.minsi %multiple_of3A_1119, %min3A_1120 : i32
              %multiple_of3A_1122 = tpu.assume_multiple %min3A_1121, 16 : i32
              %dma_start3A_1123 = tpu.memref_slice %arg3[%multiple_of3A_1122] : memref<1600000xi32, #tpu.memory_space<hbm>> -> memref<1024xi32, #tpu.memory_space<hbm>>
              %dma_start3A_1124 = tpu.memref_slice %arg3[%multiple_of3A_1122] : memref<1600000xi32, #tpu.memory_space<hbm>> -> memref<1024xi32, #tpu.memory_space<hbm>>
              tpu.enqueue_dma source(%dma_start3A_1124 : memref<1024xi32, #tpu.memory_space<hbm>>) target(%arg13 : memref<1024xi32, #tpu.memory_space<vmem>>) target_semaphore(%arg21 : memref<!tpu.dma_semaphore, #tpu.memory_space<semaphore_mem>>)
              %dma_start3A_1125 = tpu.memref_slice %arg4[%multiple_of3A_1122] : memref<1600000xi32, #tpu.memory_space<hbm>> -> memref<1024xi32, #tpu.memory_space<hbm>>
              %dma_start3A_1126 = tpu.memref_slice %arg4[%multiple_of3A_1122] : memref<1600000xi32, #tpu.memory_space<hbm>> -> memref<1024xi32, #tpu.memory_space<hbm>>
              tpu.enqueue_dma source(%dma_start3A_1126 : memref<1024xi32, #tpu.memory_space<hbm>>) target(%arg14 : memref<1024xi32, #tpu.memory_space<vmem>>) target_semaphore(%arg22 : memref<!tpu.dma_semaphore, #tpu.memory_space<semaphore_mem>>)
              %dma_start3A_1127 = tpu.memref_slice %arg5[%multiple_of3A_1122] : memref<1600000xf32, #tpu.memory_space<hbm>> -> memref<1024xf32, #tpu.memory_space<hbm>>
              %dma_start3A_1128 = tpu.memref_slice %arg5[%multiple_of3A_1122] : memref<1600000xf32, #tpu.memory_space<hbm>> -> memref<1024xf32, #tpu.memory_space<hbm>>
              tpu.enqueue_dma source(%dma_start3A_1128 : memref<1024xf32, #tpu.memory_space<hbm>>) target(%arg15 : memref<1024xf32, #tpu.memory_space<vmem>>) target_semaphore(%arg22 : memref<!tpu.dma_semaphore, #tpu.memory_space<semaphore_mem>>)
            } else {
            }
          } else {
          }
        }
        %dma_start3A_145 = arith.constant 0 : i32
        %dma_start3A_146 = arith.constant 0 : i32
        %dma_start3A_147 = arith.constant 0 : i32
        %dma_start3A_148 = tpu.memref_slice %arg17[%dma_start3A_145, %dma_start3A_147] : memref<32x1601xf32, #tpu.memory_space<vmem>> -> memref<1x1600xf32, #tpu.memory_space<vmem>>
        %dma_start3A_149 = tpu.memref_squeeze %dma_start3A_148 : memref<1x1600xf32, #tpu.memory_space<vmem>> -> memref<1600xf32, #tpu.memory_space<vmem>>
        %dma_start3A_150 = tpu.memref_slice %arg7[%dma_start3A_146, %mul3A_16] : memref<32x200000xf32, #tpu.memory_space<hbm>> -> memref<1x1600xf32, #tpu.memory_space<hbm>>
        %dma_start3A_151 = tpu.memref_squeeze %dma_start3A_150 : memref<1x1600xf32, #tpu.memory_space<hbm>> -> memref<1600xf32, #tpu.memory_space<hbm>>
        %dma_start3A_152 = tpu.memref_slice %arg7[%dma_start3A_146, %mul3A_16] : memref<32x200000xf32, #tpu.memory_space<hbm>> -> memref<1x1600xf32, #tpu.memory_space<hbm>>
        %dma_start3A_153 = tpu.memref_squeeze %dma_start3A_152 : memref<1x1600xf32, #tpu.memory_space<hbm>> -> memref<1600xf32, #tpu.memory_space<hbm>>
        %dma_start3A_154 = arith.constant 0 : i32
        %dma_start3A_155 = tpu.memref_slice %arg17[%dma_start3A_145, %dma_start3A_154] : memref<32x1601xf32, #tpu.memory_space<vmem>> -> memref<1x1600xf32, #tpu.memory_space<vmem>>
        %dma_start3A_156 = tpu.memref_squeeze %dma_start3A_155 : memref<1x1600xf32, #tpu.memory_space<vmem>> -> memref<1600xf32, #tpu.memory_space<vmem>>
        tpu.enqueue_dma source(%dma_start3A_156 : memref<1600xf32, #tpu.memory_space<vmem>>) target(%dma_start3A_153 : memref<1600xf32, #tpu.memory_space<hbm>>) target_semaphore(%arg24 : memref<!tpu.dma_semaphore, #tpu.memory_space<semaphore_mem>>)
        %dma_start3A_157 = arith.constant 1 : i32
        %dma_start3A_158 = arith.constant 1 : i32
        %dma_start3A_159 = arith.constant 0 : i32
        %dma_start3A_160 = tpu.memref_slice %arg17[%dma_start3A_157, %dma_start3A_159] : memref<32x1601xf32, #tpu.memory_space<vmem>> -> memref<1x1600xf32, #tpu.memory_space<vmem>>
        %dma_start3A_161 = tpu.memref_squeeze %dma_start3A_160 : memref<1x1600xf32, #tpu.memory_space<vmem>> -> memref<1600xf32, #tpu.memory_space<vmem>>
        %dma_start3A_162 = tpu.memref_slice %arg7[%dma_start3A_158, %mul3A_16] : memref<32x200000xf32, #tpu.memory_space<hbm>> -> memref<1x1600xf32, #tpu.memory_space<hbm>>
        %dma_start3A_163 = tpu.memref_squeeze %dma_start3A_162 : memref<1x1600xf32, #tpu.memory_space<hbm>> -> memref<1600xf32, #tpu.memory_space<hbm>>
        %dma_start3A_164 = tpu.memref_slice %arg7[%dma_start3A_158, %mul3A_16] : memref<32x200000xf32, #tpu.memory_space<hbm>> -> memref<1x1600xf32, #tpu.memory_space<hbm>>
        %dma_start3A_165 = tpu.memref_squeeze %dma_start3A_164 : memref<1x1600xf32, #tpu.memory_space<hbm>> -> memref<1600xf32, #tpu.memory_space<hbm>>
        %dma_start3A_166 = arith.constant 0 : i32
        %dma_start3A_167 = tpu.memref_slice %arg17[%dma_start3A_157, %dma_start3A_166] : memref<32x1601xf32, #tpu.memory_space<vmem>> -> memref<1x1600xf32, #tpu.memory_space<vmem>>
        %dma_start3A_168 = tpu.memref_squeeze %dma_start3A_167 : memref<1x1600xf32, #tpu.memory_space<vmem>> -> memref<1600xf32, #tpu.memory_space<vmem>>
        tpu.enqueue_dma source(%dma_start3A_168 : memref<1600xf32, #tpu.memory_space<vmem>>) target(%dma_start3A_165 : memref<1600xf32, #tpu.memory_space<hbm>>) target_semaphore(%arg24 : memref<!tpu.dma_semaphore, #tpu.memory_space<semaphore_mem>>)
        %dma_start3A_169 = arith.constant 2 : i32
        %dma_start3A_170 = arith.constant 2 : i32
        %dma_start3A_171 = arith.constant 0 : i32
        %dma_start3A_172 = tpu.memref_slice %arg17[%dma_start3A_169, %dma_start3A_171] : memref<32x1601xf32, #tpu.memory_space<vmem>> -> memref<1x1600xf32, #tpu.memory_space<vmem>>
        %dma_start3A_173 = tpu.memref_squeeze %dma_start3A_172 : memref<1x1600xf32, #tpu.memory_space<vmem>> -> memref<1600xf32, #tpu.memory_space<vmem>>
        %dma_start3A_174 = tpu.memref_slice %arg7[%dma_start3A_170, %mul3A_16] : memref<32x200000xf32, #tpu.memory_space<hbm>> -> memref<1x1600xf32, #tpu.memory_space<hbm>>
        %dma_start3A_175 = tpu.memref_squeeze %dma_start3A_174 : memref<1x1600xf32, #tpu.memory_space<hbm>> -> memref<1600xf32, #tpu.memory_space<hbm>>
        %dma_start3A_176 = tpu.memref_slice %arg7[%dma_start3A_170, %mul3A_16] : memref<32x200000xf32, #tpu.memory_space<hbm>> -> memref<1x1600xf32, #tpu.memory_space<hbm>>
        %dma_start3A_177 = tpu.memref_squeeze %dma_start3A_176 : memref<1x1600xf32, #tpu.memory_space<hbm>> -> memref<1600xf32, #tpu.memory_space<hbm>>
        %dma_start3A_178 = arith.constant 0 : i32
        %dma_start3A_179 = tpu.memref_slice %arg17[%dma_start3A_169, %dma_start3A_178] : memref<32x1601xf32, #tpu.memory_space<vmem>> -> memref<1x1600xf32, #tpu.memory_space<vmem>>
        %dma_start3A_180 = tpu.memref_squeeze %dma_start3A_179 : memref<1x1600xf32, #tpu.memory_space<vmem>> -> memref<1600xf32, #tpu.memory_space<vmem>>
        tpu.enqueue_dma source(%dma_start3A_180 : memref<1600xf32, #tpu.memory_space<vmem>>) target(%dma_start3A_177 : memref<1600xf32, #tpu.memory_space<hbm>>) target_semaphore(%arg24 : memref<!tpu.dma_semaphore, #tpu.memory_space<semaphore_mem>>)
        %dma_start3A_181 = arith.constant 3 : i32
        %dma_start3A_182 = arith.constant 3 : i32
        %dma_start3A_183 = arith.constant 0 : i32
        %dma_start3A_184 = tpu.memref_slice %arg17[%dma_start3A_181, %dma_start3A_183] : memref<32x1601xf32, #tpu.memory_space<vmem>> -> memref<1x1600xf32, #tpu.memory_space<vmem>>
        %dma_start3A_185 = tpu.memref_squeeze %dma_start3A_184 : memref<1x1600xf32, #tpu.memory_space<vmem>> -> memref<1600xf32, #tpu.memory_space<vmem>>
        %dma_start3A_186 = tpu.memref_slice %arg7[%dma_start3A_182, %mul3A_16] : memref<32x200000xf32, #tpu.memory_space<hbm>> -> memref<1x1600xf32, #tpu.memory_space<hbm>>
        %dma_start3A_187 = tpu.memref_squeeze %dma_start3A_186 : memref<1x1600xf32, #tpu.memory_space<hbm>> -> memref<1600xf32, #tpu.memory_space<hbm>>
        %dma_start3A_188 = tpu.memref_slice %arg7[%dma_start3A_182, %mul3A_16] : memref<32x200000xf32, #tpu.memory_space<hbm>> -> memref<1x1600xf32, #tpu.memory_space<hbm>>
        %dma_start3A_189 = tpu.memref_squeeze %dma_start3A_188 : memref<1x1600xf32, #tpu.memory_space<hbm>> -> memref<1600xf32, #tpu.memory_space<hbm>>
        %dma_start3A_190 = arith.constant 0 : i32
        %dma_start3A_191 = tpu.memref_slice %arg17[%dma_start3A_181, %dma_start3A_190] : memref<32x1601xf32, #tpu.memory_space<vmem>> -> memref<1x1600xf32, #tpu.memory_space<vmem>>
        %dma_start3A_192 = tpu.memref_squeeze %dma_start3A_191 : memref<1x1600xf32, #tpu.memory_space<vmem>> -> memref<1600xf32, #tpu.memory_space<vmem>>
        tpu.enqueue_dma source(%dma_start3A_192 : memref<1600xf32, #tpu.memory_space<vmem>>) target(%dma_start3A_189 : memref<1600xf32, #tpu.memory_space<hbm>>) target_semaphore(%arg24 : memref<!tpu.dma_semaphore, #tpu.memory_space<semaphore_mem>>)
        %dma_start3A_193 = arith.constant 4 : i32
        %dma_start3A_194 = arith.constant 4 : i32
        %dma_start3A_195 = arith.constant 0 : i32
        %dma_start3A_196 = tpu.memref_slice %arg17[%dma_start3A_193, %dma_start3A_195] : memref<32x1601xf32, #tpu.memory_space<vmem>> -> memref<1x1600xf32, #tpu.memory_space<vmem>>
        %dma_start3A_197 = tpu.memref_squeeze %dma_start3A_196 : memref<1x1600xf32, #tpu.memory_space<vmem>> -> memref<1600xf32, #tpu.memory_space<vmem>>
        %dma_start3A_198 = tpu.memref_slice %arg7[%dma_start3A_194, %mul3A_16] : memref<32x200000xf32, #tpu.memory_space<hbm>> -> memref<1x1600xf32, #tpu.memory_space<hbm>>
        %dma_start3A_199 = tpu.memref_squeeze %dma_start3A_198 : memref<1x1600xf32, #tpu.memory_space<hbm>> -> memref<1600xf32, #tpu.memory_space<hbm>>
        %dma_start3A_200 = tpu.memref_slice %arg7[%dma_start3A_194, %mul3A_16] : memref<32x200000xf32, #tpu.memory_space<hbm>> -> memref<1x1600xf32, #tpu.memory_space<hbm>>
        %dma_start3A_201 = tpu.memref_squeeze %dma_start3A_200 : memref<1x1600xf32, #tpu.memory_space<hbm>> -> memref<1600xf32, #tpu.memory_space<hbm>>
        %dma_start3A_202 = arith.constant 0 : i32
        %dma_start3A_203 = tpu.memref_slice %arg17[%dma_start3A_193, %dma_start3A_202] : memref<32x1601xf32, #tpu.memory_space<vmem>> -> memref<1x1600xf32, #tpu.memory_space<vmem>>
        %dma_start3A_204 = tpu.memref_squeeze %dma_start3A_203 : memref<1x1600xf32, #tpu.memory_space<vmem>> -> memref<1600xf32, #tpu.memory_space<vmem>>
        tpu.enqueue_dma source(%dma_start3A_204 : memref<1600xf32, #tpu.memory_space<vmem>>) target(%dma_start3A_201 : memref<1600xf32, #tpu.memory_space<hbm>>) target_semaphore(%arg24 : memref<!tpu.dma_semaphore, #tpu.memory_space<semaphore_mem>>)
        %dma_start3A_205 = arith.constant 5 : i32
        %dma_start3A_206 = arith.constant 5 : i32
        %dma_start3A_207 = arith.constant 0 : i32
        %dma_start3A_208 = tpu.memref_slice %arg17[%dma_start3A_205, %dma_start3A_207] : memref<32x1601xf32, #tpu.memory_space<vmem>> -> memref<1x1600xf32, #tpu.memory_space<vmem>>
        %dma_start3A_209 = tpu.memref_squeeze %dma_start3A_208 : memref<1x1600xf32, #tpu.memory_space<vmem>> -> memref<1600xf32, #tpu.memory_space<vmem>>
        %dma_start3A_210 = tpu.memref_slice %arg7[%dma_start3A_206, %mul3A_16] : memref<32x200000xf32, #tpu.memory_space<hbm>> -> memref<1x1600xf32, #tpu.memory_space<hbm>>
        %dma_start3A_211 = tpu.memref_squeeze %dma_start3A_210 : memref<1x1600xf32, #tpu.memory_space<hbm>> -> memref<1600xf32, #tpu.memory_space<hbm>>
        %dma_start3A_212 = tpu.memref_slice %arg7[%dma_start3A_206, %mul3A_16] : memref<32x200000xf32, #tpu.memory_space<hbm>> -> memref<1x1600xf32, #tpu.memory_space<hbm>>
        %dma_start3A_213 = tpu.memref_squeeze %dma_start3A_212 : memref<1x1600xf32, #tpu.memory_space<hbm>> -> memref<1600xf32, #tpu.memory_space<hbm>>
        %dma_start3A_214 = arith.constant 0 : i32
        %dma_start3A_215 = tpu.memref_slice %arg17[%dma_start3A_205, %dma_start3A_214] : memref<32x1601xf32, #tpu.memory_space<vmem>> -> memref<1x1600xf32, #tpu.memory_space<vmem>>
        %dma_start3A_216 = tpu.memref_squeeze %dma_start3A_215 : memref<1x1600xf32, #tpu.memory_space<vmem>> -> memref<1600xf32, #tpu.memory_space<vmem>>
        tpu.enqueue_dma source(%dma_start3A_216 : memref<1600xf32, #tpu.memory_space<vmem>>) target(%dma_start3A_213 : memref<1600xf32, #tpu.memory_space<hbm>>) target_semaphore(%arg24 : memref<!tpu.dma_semaphore, #tpu.memory_space<semaphore_mem>>)
        %dma_start3A_217 = arith.constant 6 : i32
        %dma_start3A_218 = arith.constant 6 : i32
        %dma_start3A_219 = arith.constant 0 : i32
        %dma_start3A_220 = tpu.memref_slice %arg17[%dma_start3A_217, %dma_start3A_219] : memref<32x1601xf32, #tpu.memory_space<vmem>> -> memref<1x1600xf32, #tpu.memory_space<vmem>>
        %dma_start3A_221 = tpu.memref_squeeze %dma_start3A_220 : memref<1x1600xf32, #tpu.memory_space<vmem>> -> memref<1600xf32, #tpu.memory_space<vmem>>
        %dma_start3A_222 = tpu.memref_slice %arg7[%dma_start3A_218, %mul3A_16] : memref<32x200000xf32, #tpu.memory_space<hbm>> -> memref<1x1600xf32, #tpu.memory_space<hbm>>
        %dma_start3A_223 = tpu.memref_squeeze %dma_start3A_222 : memref<1x1600xf32, #tpu.memory_space<hbm>> -> memref<1600xf32, #tpu.memory_space<hbm>>
        %dma_start3A_224 = tpu.memref_slice %arg7[%dma_start3A_218, %mul3A_16] : memref<32x200000xf32, #tpu.memory_space<hbm>> -> memref<1x1600xf32, #tpu.memory_space<hbm>>
        %dma_start3A_225 = tpu.memref_squeeze %dma_start3A_224 : memref<1x1600xf32, #tpu.memory_space<hbm>> -> memref<1600xf32, #tpu.memory_space<hbm>>
        %dma_start3A_226 = arith.constant 0 : i32
        %dma_start3A_227 = tpu.memref_slice %arg17[%dma_start3A_217, %dma_start3A_226] : memref<32x1601xf32, #tpu.memory_space<vmem>> -> memref<1x1600xf32, #tpu.memory_space<vmem>>
        %dma_start3A_228 = tpu.memref_squeeze %dma_start3A_227 : memref<1x1600xf32, #tpu.memory_space<vmem>> -> memref<1600xf32, #tpu.memory_space<vmem>>
        tpu.enqueue_dma source(%dma_start3A_228 : memref<1600xf32, #tpu.memory_space<vmem>>) target(%dma_start3A_225 : memref<1600xf32, #tpu.memory_space<hbm>>) target_semaphore(%arg24 : memref<!tpu.dma_semaphore, #tpu.memory_space<semaphore_mem>>)
        %dma_start3A_229 = arith.constant 7 : i32
        %dma_start3A_230 = arith.constant 7 : i32
        %dma_start3A_231 = arith.constant 0 : i32
        %dma_start3A_232 = tpu.memref_slice %arg17[%dma_start3A_229, %dma_start3A_231] : memref<32x1601xf32, #tpu.memory_space<vmem>> -> memref<1x1600xf32, #tpu.memory_space<vmem>>
        %dma_start3A_233 = tpu.memref_squeeze %dma_start3A_232 : memref<1x1600xf32, #tpu.memory_space<vmem>> -> memref<1600xf32, #tpu.memory_space<vmem>>
        %dma_start3A_234 = tpu.memref_slice %arg7[%dma_start3A_230, %mul3A_16] : memref<32x200000xf32, #tpu.memory_space<hbm>> -> memref<1x1600xf32, #tpu.memory_space<hbm>>
        %dma_start3A_235 = tpu.memref_squeeze %dma_start3A_234 : memref<1x1600xf32, #tpu.memory_space<hbm>> -> memref<1600xf32, #tpu.memory_space<hbm>>
        %dma_start3A_236 = tpu.memref_slice %arg7[%dma_start3A_230, %mul3A_16] : memref<32x200000xf32, #tpu.memory_space<hbm>> -> memref<1x1600xf32, #tpu.memory_space<hbm>>
        %dma_start3A_237 = tpu.memref_squeeze %dma_start3A_236 : memref<1x1600xf32, #tpu.memory_space<hbm>> -> memref<1600xf32, #tpu.memory_space<hbm>>
        %dma_start3A_238 = arith.constant 0 : i32
        %dma_start3A_239 = tpu.memref_slice %arg17[%dma_start3A_229, %dma_start3A_238] : memref<32x1601xf32, #tpu.memory_space<vmem>> -> memref<1x1600xf32, #tpu.memory_space<vmem>>
        %dma_start3A_240 = tpu.memref_squeeze %dma_start3A_239 : memref<1x1600xf32, #tpu.memory_space<vmem>> -> memref<1600xf32, #tpu.memory_space<vmem>>
        tpu.enqueue_dma source(%dma_start3A_240 : memref<1600xf32, #tpu.memory_space<vmem>>) target(%dma_start3A_237 : memref<1600xf32, #tpu.memory_space<hbm>>) target_semaphore(%arg24 : memref<!tpu.dma_semaphore, #tpu.memory_space<semaphore_mem>>)
        %dma_start3A_241 = arith.constant 8 : i32
        %dma_start3A_242 = arith.constant 8 : i32
        %dma_start3A_243 = arith.constant 0 : i32
        %dma_start3A_244 = tpu.memref_slice %arg17[%dma_start3A_241, %dma_start3A_243] : memref<32x1601xf32, #tpu.memory_space<vmem>> -> memref<1x1600xf32, #tpu.memory_space<vmem>>
        %dma_start3A_245 = tpu.memref_squeeze %dma_start3A_244 : memref<1x1600xf32, #tpu.memory_space<vmem>> -> memref<1600xf32, #tpu.memory_space<vmem>>
        %dma_start3A_246 = tpu.memref_slice %arg7[%dma_start3A_242, %mul3A_16] : memref<32x200000xf32, #tpu.memory_space<hbm>> -> memref<1x1600xf32, #tpu.memory_space<hbm>>
        %dma_start3A_247 = tpu.memref_squeeze %dma_start3A_246 : memref<1x1600xf32, #tpu.memory_space<hbm>> -> memref<1600xf32, #tpu.memory_space<hbm>>
        %dma_start3A_248 = tpu.memref_slice %arg7[%dma_start3A_242, %mul3A_16] : memref<32x200000xf32, #tpu.memory_space<hbm>> -> memref<1x1600xf32, #tpu.memory_space<hbm>>
        %dma_start3A_249 = tpu.memref_squeeze %dma_start3A_248 : memref<1x1600xf32, #tpu.memory_space<hbm>> -> memref<1600xf32, #tpu.memory_space<hbm>>
        %dma_start3A_250 = arith.constant 0 : i32
        %dma_start3A_251 = tpu.memref_slice %arg17[%dma_start3A_241, %dma_start3A_250] : memref<32x1601xf32, #tpu.memory_space<vmem>> -> memref<1x1600xf32, #tpu.memory_space<vmem>>
        %dma_start3A_252 = tpu.memref_squeeze %dma_start3A_251 : memref<1x1600xf32, #tpu.memory_space<vmem>> -> memref<1600xf32, #tpu.memory_space<vmem>>
        tpu.enqueue_dma source(%dma_start3A_252 : memref<1600xf32, #tpu.memory_space<vmem>>) target(%dma_start3A_249 : memref<1600xf32, #tpu.memory_space<hbm>>) target_semaphore(%arg24 : memref<!tpu.dma_semaphore, #tpu.memory_space<semaphore_mem>>)
        %dma_start3A_253 = arith.constant 9 : i32
        %dma_start3A_254 = arith.constant 9 : i32
        %dma_start3A_255 = arith.constant 0 : i32
        %dma_start3A_256 = tpu.memref_slice %arg17[%dma_start3A_253, %dma_start3A_255] : memref<32x1601xf32, #tpu.memory_space<vmem>> -> memref<1x1600xf32, #tpu.memory_space<vmem>>
        %dma_start3A_257 = tpu.memref_squeeze %dma_start3A_256 : memref<1x1600xf32, #tpu.memory_space<vmem>> -> memref<1600xf32, #tpu.memory_space<vmem>>
        %dma_start3A_258 = tpu.memref_slice %arg7[%dma_start3A_254, %mul3A_16] : memref<32x200000xf32, #tpu.memory_space<hbm>> -> memref<1x1600xf32, #tpu.memory_space<hbm>>
        %dma_start3A_259 = tpu.memref_squeeze %dma_start3A_258 : memref<1x1600xf32, #tpu.memory_space<hbm>> -> memref<1600xf32, #tpu.memory_space<hbm>>
        %dma_start3A_260 = tpu.memref_slice %arg7[%dma_start3A_254, %mul3A_16] : memref<32x200000xf32, #tpu.memory_space<hbm>> -> memref<1x1600xf32, #tpu.memory_space<hbm>>
        %dma_start3A_261 = tpu.memref_squeeze %dma_start3A_260 : memref<1x1600xf32, #tpu.memory_space<hbm>> -> memref<1600xf32, #tpu.memory_space<hbm>>
        %dma_start3A_262 = arith.constant 0 : i32
        %dma_start3A_263 = tpu.memref_slice %arg17[%dma_start3A_253, %dma_start3A_262] : memref<32x1601xf32, #tpu.memory_space<vmem>> -> memref<1x1600xf32, #tpu.memory_space<vmem>>
        %dma_start3A_264 = tpu.memref_squeeze %dma_start3A_263 : memref<1x1600xf32, #tpu.memory_space<vmem>> -> memref<1600xf32, #tpu.memory_space<vmem>>
        tpu.enqueue_dma source(%dma_start3A_264 : memref<1600xf32, #tpu.memory_space<vmem>>) target(%dma_start3A_261 : memref<1600xf32, #tpu.memory_space<hbm>>) target_semaphore(%arg24 : memref<!tpu.dma_semaphore, #tpu.memory_space<semaphore_mem>>)
        %dma_start3A_265 = arith.constant 10 : i32
        %dma_start3A_266 = arith.constant 10 : i32
        %dma_start3A_267 = arith.constant 0 : i32
        %dma_start3A_268 = tpu.memref_slice %arg17[%dma_start3A_265, %dma_start3A_267] : memref<32x1601xf32, #tpu.memory_space<vmem>> -> memref<1x1600xf32, #tpu.memory_space<vmem>>
        %dma_start3A_269 = tpu.memref_squeeze %dma_start3A_268 : memref<1x1600xf32, #tpu.memory_space<vmem>> -> memref<1600xf32, #tpu.memory_space<vmem>>
        %dma_start3A_270 = tpu.memref_slice %arg7[%dma_start3A_266, %mul3A_16] : memref<32x200000xf32, #tpu.memory_space<hbm>> -> memref<1x1600xf32, #tpu.memory_space<hbm>>
        %dma_start3A_271 = tpu.memref_squeeze %dma_start3A_270 : memref<1x1600xf32, #tpu.memory_space<hbm>> -> memref<1600xf32, #tpu.memory_space<hbm>>
        %dma_start3A_272 = tpu.memref_slice %arg7[%dma_start3A_266, %mul3A_16] : memref<32x200000xf32, #tpu.memory_space<hbm>> -> memref<1x1600xf32, #tpu.memory_space<hbm>>
        %dma_start3A_273 = tpu.memref_squeeze %dma_start3A_272 : memref<1x1600xf32, #tpu.memory_space<hbm>> -> memref<1600xf32, #tpu.memory_space<hbm>>
        %dma_start3A_274 = arith.constant 0 : i32
        %dma_start3A_275 = tpu.memref_slice %arg17[%dma_start3A_265, %dma_start3A_274] : memref<32x1601xf32, #tpu.memory_space<vmem>> -> memref<1x1600xf32, #tpu.memory_space<vmem>>
        %dma_start3A_276 = tpu.memref_squeeze %dma_start3A_275 : memref<1x1600xf32, #tpu.memory_space<vmem>> -> memref<1600xf32, #tpu.memory_space<vmem>>
        tpu.enqueue_dma source(%dma_start3A_276 : memref<1600xf32, #tpu.memory_space<vmem>>) target(%dma_start3A_273 : memref<1600xf32, #tpu.memory_space<hbm>>) target_semaphore(%arg24 : memref<!tpu.dma_semaphore, #tpu.memory_space<semaphore_mem>>)
        %dma_start3A_277 = arith.constant 11 : i32
        %dma_start3A_278 = arith.constant 11 : i32
        %dma_start3A_279 = arith.constant 0 : i32
        %dma_start3A_280 = tpu.memref_slice %arg17[%dma_start3A_277, %dma_start3A_279] : memref<32x1601xf32, #tpu.memory_space<vmem>> -> memref<1x1600xf32, #tpu.memory_space<vmem>>
        %dma_start3A_281 = tpu.memref_squeeze %dma_start3A_280 : memref<1x1600xf32, #tpu.memory_space<vmem>> -> memref<1600xf32, #tpu.memory_space<vmem>>
        %dma_start3A_282 = tpu.memref_slice %arg7[%dma_start3A_278, %mul3A_16] : memref<32x200000xf32, #tpu.memory_space<hbm>> -> memref<1x1600xf32, #tpu.memory_space<hbm>>
        %dma_start3A_283 = tpu.memref_squeeze %dma_start3A_282 : memref<1x1600xf32, #tpu.memory_space<hbm>> -> memref<1600xf32, #tpu.memory_space<hbm>>
        %dma_start3A_284 = tpu.memref_slice %arg7[%dma_start3A_278, %mul3A_16] : memref<32x200000xf32, #tpu.memory_space<hbm>> -> memref<1x1600xf32, #tpu.memory_space<hbm>>
        %dma_start3A_285 = tpu.memref_squeeze %dma_start3A_284 : memref<1x1600xf32, #tpu.memory_space<hbm>> -> memref<1600xf32, #tpu.memory_space<hbm>>
        %dma_start3A_286 = arith.constant 0 : i32
        %dma_start3A_287 = tpu.memref_slice %arg17[%dma_start3A_277, %dma_start3A_286] : memref<32x1601xf32, #tpu.memory_space<vmem>> -> memref<1x1600xf32, #tpu.memory_space<vmem>>
        %dma_start3A_288 = tpu.memref_squeeze %dma_start3A_287 : memref<1x1600xf32, #tpu.memory_space<vmem>> -> memref<1600xf32, #tpu.memory_space<vmem>>
        tpu.enqueue_dma source(%dma_start3A_288 : memref<1600xf32, #tpu.memory_space<vmem>>) target(%dma_start3A_285 : memref<1600xf32, #tpu.memory_space<hbm>>) target_semaphore(%arg24 : memref<!tpu.dma_semaphore, #tpu.memory_space<semaphore_mem>>)
        %dma_start3A_289 = arith.constant 12 : i32
        %dma_start3A_290 = arith.constant 12 : i32
        %dma_start3A_291 = arith.constant 0 : i32
        %dma_start3A_292 = tpu.memref_slice %arg17[%dma_start3A_289, %dma_start3A_291] : memref<32x1601xf32, #tpu.memory_space<vmem>> -> memref<1x1600xf32, #tpu.memory_space<vmem>>
        %dma_start3A_293 = tpu.memref_squeeze %dma_start3A_292 : memref<1x1600xf32, #tpu.memory_space<vmem>> -> memref<1600xf32, #tpu.memory_space<vmem>>
        %dma_start3A_294 = tpu.memref_slice %arg7[%dma_start3A_290, %mul3A_16] : memref<32x200000xf32, #tpu.memory_space<hbm>> -> memref<1x1600xf32, #tpu.memory_space<hbm>>
        %dma_start3A_295 = tpu.memref_squeeze %dma_start3A_294 : memref<1x1600xf32, #tpu.memory_space<hbm>> -> memref<1600xf32, #tpu.memory_space<hbm>>
        %dma_start3A_296 = tpu.memref_slice %arg7[%dma_start3A_290, %mul3A_16] : memref<32x200000xf32, #tpu.memory_space<hbm>> -> memref<1x1600xf32, #tpu.memory_space<hbm>>
        %dma_start3A_297 = tpu.memref_squeeze %dma_start3A_296 : memref<1x1600xf32, #tpu.memory_space<hbm>> -> memref<1600xf32, #tpu.memory_space<hbm>>
        %dma_start3A_298 = arith.constant 0 : i32
        %dma_start3A_299 = tpu.memref_slice %arg17[%dma_start3A_289, %dma_start3A_298] : memref<32x1601xf32, #tpu.memory_space<vmem>> -> memref<1x1600xf32, #tpu.memory_space<vmem>>
        %dma_start3A_300 = tpu.memref_squeeze %dma_start3A_299 : memref<1x1600xf32, #tpu.memory_space<vmem>> -> memref<1600xf32, #tpu.memory_space<vmem>>
        tpu.enqueue_dma source(%dma_start3A_300 : memref<1600xf32, #tpu.memory_space<vmem>>) target(%dma_start3A_297 : memref<1600xf32, #tpu.memory_space<hbm>>) target_semaphore(%arg24 : memref<!tpu.dma_semaphore, #tpu.memory_space<semaphore_mem>>)
        %dma_start3A_301 = arith.constant 13 : i32
        %dma_start3A_302 = arith.constant 13 : i32
        %dma_start3A_303 = arith.constant 0 : i32
        %dma_start3A_304 = tpu.memref_slice %arg17[%dma_start3A_301, %dma_start3A_303] : memref<32x1601xf32, #tpu.memory_space<vmem>> -> memref<1x1600xf32, #tpu.memory_space<vmem>>
        %dma_start3A_305 = tpu.memref_squeeze %dma_start3A_304 : memref<1x1600xf32, #tpu.memory_space<vmem>> -> memref<1600xf32, #tpu.memory_space<vmem>>
        %dma_start3A_306 = tpu.memref_slice %arg7[%dma_start3A_302, %mul3A_16] : memref<32x200000xf32, #tpu.memory_space<hbm>> -> memref<1x1600xf32, #tpu.memory_space<hbm>>
        %dma_start3A_307 = tpu.memref_squeeze %dma_start3A_306 : memref<1x1600xf32, #tpu.memory_space<hbm>> -> memref<1600xf32, #tpu.memory_space<hbm>>
        %dma_start3A_308 = tpu.memref_slice %arg7[%dma_start3A_302, %mul3A_16] : memref<32x200000xf32, #tpu.memory_space<hbm>> -> memref<1x1600xf32, #tpu.memory_space<hbm>>
        %dma_start3A_309 = tpu.memref_squeeze %dma_start3A_308 : memref<1x1600xf32, #tpu.memory_space<hbm>> -> memref<1600xf32, #tpu.memory_space<hbm>>
        %dma_start3A_310 = arith.constant 0 : i32
        %dma_start3A_311 = tpu.memref_slice %arg17[%dma_start3A_301, %dma_start3A_310] : memref<32x1601xf32, #tpu.memory_space<vmem>> -> memref<1x1600xf32, #tpu.memory_space<vmem>>
        %dma_start3A_312 = tpu.memref_squeeze %dma_start3A_311 : memref<1x1600xf32, #tpu.memory_space<vmem>> -> memref<1600xf32, #tpu.memory_space<vmem>>
        tpu.enqueue_dma source(%dma_start3A_312 : memref<1600xf32, #tpu.memory_space<vmem>>) target(%dma_start3A_309 : memref<1600xf32, #tpu.memory_space<hbm>>) target_semaphore(%arg24 : memref<!tpu.dma_semaphore, #tpu.memory_space<semaphore_mem>>)
        %dma_start3A_313 = arith.constant 14 : i32
        %dma_start3A_314 = arith.constant 14 : i32
        %dma_start3A_315 = arith.constant 0 : i32
        %dma_start3A_316 = tpu.memref_slice %arg17[%dma_start3A_313, %dma_start3A_315] : memref<32x1601xf32, #tpu.memory_space<vmem>> -> memref<1x1600xf32, #tpu.memory_space<vmem>>
        %dma_start3A_317 = tpu.memref_squeeze %dma_start3A_316 : memref<1x1600xf32, #tpu.memory_space<vmem>> -> memref<1600xf32, #tpu.memory_space<vmem>>
        %dma_start3A_318 = tpu.memref_slice %arg7[%dma_start3A_314, %mul3A_16] : memref<32x200000xf32, #tpu.memory_space<hbm>> -> memref<1x1600xf32, #tpu.memory_space<hbm>>
        %dma_start3A_319 = tpu.memref_squeeze %dma_start3A_318 : memref<1x1600xf32, #tpu.memory_space<hbm>> -> memref<1600xf32, #tpu.memory_space<hbm>>
        %dma_start3A_320 = tpu.memref_slice %arg7[%dma_start3A_314, %mul3A_16] : memref<32x200000xf32, #tpu.memory_space<hbm>> -> memref<1x1600xf32, #tpu.memory_space<hbm>>
        %dma_start3A_321 = tpu.memref_squeeze %dma_start3A_320 : memref<1x1600xf32, #tpu.memory_space<hbm>> -> memref<1600xf32, #tpu.memory_space<hbm>>
        %dma_start3A_322 = arith.constant 0 : i32
        %dma_start3A_323 = tpu.memref_slice %arg17[%dma_start3A_313, %dma_start3A_322] : memref<32x1601xf32, #tpu.memory_space<vmem>> -> memref<1x1600xf32, #tpu.memory_space<vmem>>
        %dma_start3A_324 = tpu.memref_squeeze %dma_start3A_323 : memref<1x1600xf32, #tpu.memory_space<vmem>> -> memref<1600xf32, #tpu.memory_space<vmem>>
        tpu.enqueue_dma source(%dma_start3A_324 : memref<1600xf32, #tpu.memory_space<vmem>>) target(%dma_start3A_321 : memref<1600xf32, #tpu.memory_space<hbm>>) target_semaphore(%arg24 : memref<!tpu.dma_semaphore, #tpu.memory_space<semaphore_mem>>)
        %dma_start3A_325 = arith.constant 15 : i32
        %dma_start3A_326 = arith.constant 15 : i32
        %dma_start3A_327 = arith.constant 0 : i32
        %dma_start3A_328 = tpu.memref_slice %arg17[%dma_start3A_325, %dma_start3A_327] : memref<32x1601xf32, #tpu.memory_space<vmem>> -> memref<1x1600xf32, #tpu.memory_space<vmem>>
        %dma_start3A_329 = tpu.memref_squeeze %dma_start3A_328 : memref<1x1600xf32, #tpu.memory_space<vmem>> -> memref<1600xf32, #tpu.memory_space<vmem>>
        %dma_start3A_330 = tpu.memref_slice %arg7[%dma_start3A_326, %mul3A_16] : memref<32x200000xf32, #tpu.memory_space<hbm>> -> memref<1x1600xf32, #tpu.memory_space<hbm>>
        %dma_start3A_331 = tpu.memref_squeeze %dma_start3A_330 : memref<1x1600xf32, #tpu.memory_space<hbm>> -> memref<1600xf32, #tpu.memory_space<hbm>>
        %dma_start3A_332 = tpu.memref_slice %arg7[%dma_start3A_326, %mul3A_16] : memref<32x200000xf32, #tpu.memory_space<hbm>> -> memref<1x1600xf32, #tpu.memory_space<hbm>>
        %dma_start3A_333 = tpu.memref_squeeze %dma_start3A_332 : memref<1x1600xf32, #tpu.memory_space<hbm>> -> memref<1600xf32, #tpu.memory_space<hbm>>
        %dma_start3A_334 = arith.constant 0 : i32
        %dma_start3A_335 = tpu.memref_slice %arg17[%dma_start3A_325, %dma_start3A_334] : memref<32x1601xf32, #tpu.memory_space<vmem>> -> memref<1x1600xf32, #tpu.memory_space<vmem>>
        %dma_start3A_336 = tpu.memref_squeeze %dma_start3A_335 : memref<1x1600xf32, #tpu.memory_space<vmem>> -> memref<1600xf32, #tpu.memory_space<vmem>>
        tpu.enqueue_dma source(%dma_start3A_336 : memref<1600xf32, #tpu.memory_space<vmem>>) target(%dma_start3A_333 : memref<1600xf32, #tpu.memory_space<hbm>>) target_semaphore(%arg24 : memref<!tpu.dma_semaphore, #tpu.memory_space<semaphore_mem>>)
        %dma_start3A_337 = arith.constant 16 : i32
        %dma_start3A_338 = arith.constant 16 : i32
        %dma_start3A_339 = arith.constant 0 : i32
        %dma_start3A_340 = tpu.memref_slice %arg17[%dma_start3A_337, %dma_start3A_339] : memref<32x1601xf32, #tpu.memory_space<vmem>> -> memref<1x1600xf32, #tpu.memory_space<vmem>>
        %dma_start3A_341 = tpu.memref_squeeze %dma_start3A_340 : memref<1x1600xf32, #tpu.memory_space<vmem>> -> memref<1600xf32, #tpu.memory_space<vmem>>
        %dma_start3A_342 = tpu.memref_slice %arg7[%dma_start3A_338, %mul3A_16] : memref<32x200000xf32, #tpu.memory_space<hbm>> -> memref<1x1600xf32, #tpu.memory_space<hbm>>
        %dma_start3A_343 = tpu.memref_squeeze %dma_start3A_342 : memref<1x1600xf32, #tpu.memory_space<hbm>> -> memref<1600xf32, #tpu.memory_space<hbm>>
        %dma_start3A_344 = tpu.memref_slice %arg7[%dma_start3A_338, %mul3A_16] : memref<32x200000xf32, #tpu.memory_space<hbm>> -> memref<1x1600xf32, #tpu.memory_space<hbm>>
        %dma_start3A_345 = tpu.memref_squeeze %dma_start3A_344 : memref<1x1600xf32, #tpu.memory_space<hbm>> -> memref<1600xf32, #tpu.memory_space<hbm>>
        %dma_start3A_346 = arith.constant 0 : i32
        %dma_start3A_347 = tpu.memref_slice %arg17[%dma_start3A_337, %dma_start3A_346] : memref<32x1601xf32, #tpu.memory_space<vmem>> -> memref<1x1600xf32, #tpu.memory_space<vmem>>
        %dma_start3A_348 = tpu.memref_squeeze %dma_start3A_347 : memref<1x1600xf32, #tpu.memory_space<vmem>> -> memref<1600xf32, #tpu.memory_space<vmem>>
        tpu.enqueue_dma source(%dma_start3A_348 : memref<1600xf32, #tpu.memory_space<vmem>>) target(%dma_start3A_345 : memref<1600xf32, #tpu.memory_space<hbm>>) target_semaphore(%arg24 : memref<!tpu.dma_semaphore, #tpu.memory_space<semaphore_mem>>)
        %dma_start3A_349 = arith.constant 17 : i32
        %dma_start3A_350 = arith.constant 17 : i32
        %dma_start3A_351 = arith.constant 0 : i32
        %dma_start3A_352 = tpu.memref_slice %arg17[%dma_start3A_349, %dma_start3A_351] : memref<32x1601xf32, #tpu.memory_space<vmem>> -> memref<1x1600xf32, #tpu.memory_space<vmem>>
        %dma_start3A_353 = tpu.memref_squeeze %dma_start3A_352 : memref<1x1600xf32, #tpu.memory_space<vmem>> -> memref<1600xf32, #tpu.memory_space<vmem>>
        %dma_start3A_354 = tpu.memref_slice %arg7[%dma_start3A_350, %mul3A_16] : memref<32x200000xf32, #tpu.memory_space<hbm>> -> memref<1x1600xf32, #tpu.memory_space<hbm>>
        %dma_start3A_355 = tpu.memref_squeeze %dma_start3A_354 : memref<1x1600xf32, #tpu.memory_space<hbm>> -> memref<1600xf32, #tpu.memory_space<hbm>>
        %dma_start3A_356 = tpu.memref_slice %arg7[%dma_start3A_350, %mul3A_16] : memref<32x200000xf32, #tpu.memory_space<hbm>> -> memref<1x1600xf32, #tpu.memory_space<hbm>>
        %dma_start3A_357 = tpu.memref_squeeze %dma_start3A_356 : memref<1x1600xf32, #tpu.memory_space<hbm>> -> memref<1600xf32, #tpu.memory_space<hbm>>
        %dma_start3A_358 = arith.constant 0 : i32
        %dma_start3A_359 = tpu.memref_slice %arg17[%dma_start3A_349, %dma_start3A_358] : memref<32x1601xf32, #tpu.memory_space<vmem>> -> memref<1x1600xf32, #tpu.memory_space<vmem>>
        %dma_start3A_360 = tpu.memref_squeeze %dma_start3A_359 : memref<1x1600xf32, #tpu.memory_space<vmem>> -> memref<1600xf32, #tpu.memory_space<vmem>>
        tpu.enqueue_dma source(%dma_start3A_360 : memref<1600xf32, #tpu.memory_space<vmem>>) target(%dma_start3A_357 : memref<1600xf32, #tpu.memory_space<hbm>>) target_semaphore(%arg24 : memref<!tpu.dma_semaphore, #tpu.memory_space<semaphore_mem>>)
        %dma_start3A_361 = arith.constant 18 : i32
        %dma_start3A_362 = arith.constant 18 : i32
        %dma_start3A_363 = arith.constant 0 : i32
        %dma_start3A_364 = tpu.memref_slice %arg17[%dma_start3A_361, %dma_start3A_363] : memref<32x1601xf32, #tpu.memory_space<vmem>> -> memref<1x1600xf32, #tpu.memory_space<vmem>>
        %dma_start3A_365 = tpu.memref_squeeze %dma_start3A_364 : memref<1x1600xf32, #tpu.memory_space<vmem>> -> memref<1600xf32, #tpu.memory_space<vmem>>
        %dma_start3A_366 = tpu.memref_slice %arg7[%dma_start3A_362, %mul3A_16] : memref<32x200000xf32, #tpu.memory_space<hbm>> -> memref<1x1600xf32, #tpu.memory_space<hbm>>
        %dma_start3A_367 = tpu.memref_squeeze %dma_start3A_366 : memref<1x1600xf32, #tpu.memory_space<hbm>> -> memref<1600xf32, #tpu.memory_space<hbm>>
        %dma_start3A_368 = tpu.memref_slice %arg7[%dma_start3A_362, %mul3A_16] : memref<32x200000xf32, #tpu.memory_space<hbm>> -> memref<1x1600xf32, #tpu.memory_space<hbm>>
        %dma_start3A_369 = tpu.memref_squeeze %dma_start3A_368 : memref<1x1600xf32, #tpu.memory_space<hbm>> -> memref<1600xf32, #tpu.memory_space<hbm>>
        %dma_start3A_370 = arith.constant 0 : i32
        %dma_start3A_371 = tpu.memref_slice %arg17[%dma_start3A_361, %dma_start3A_370] : memref<32x1601xf32, #tpu.memory_space<vmem>> -> memref<1x1600xf32, #tpu.memory_space<vmem>>
        %dma_start3A_372 = tpu.memref_squeeze %dma_start3A_371 : memref<1x1600xf32, #tpu.memory_space<vmem>> -> memref<1600xf32, #tpu.memory_space<vmem>>
        tpu.enqueue_dma source(%dma_start3A_372 : memref<1600xf32, #tpu.memory_space<vmem>>) target(%dma_start3A_369 : memref<1600xf32, #tpu.memory_space<hbm>>) target_semaphore(%arg24 : memref<!tpu.dma_semaphore, #tpu.memory_space<semaphore_mem>>)
        %dma_start3A_373 = arith.constant 19 : i32
        %dma_start3A_374 = arith.constant 19 : i32
        %dma_start3A_375 = arith.constant 0 : i32
        %dma_start3A_376 = tpu.memref_slice %arg17[%dma_start3A_373, %dma_start3A_375] : memref<32x1601xf32, #tpu.memory_space<vmem>> -> memref<1x1600xf32, #tpu.memory_space<vmem>>
        %dma_start3A_377 = tpu.memref_squeeze %dma_start3A_376 : memref<1x1600xf32, #tpu.memory_space<vmem>> -> memref<1600xf32, #tpu.memory_space<vmem>>
        %dma_start3A_378 = tpu.memref_slice %arg7[%dma_start3A_374, %mul3A_16] : memref<32x200000xf32, #tpu.memory_space<hbm>> -> memref<1x1600xf32, #tpu.memory_space<hbm>>
        %dma_start3A_379 = tpu.memref_squeeze %dma_start3A_378 : memref<1x1600xf32, #tpu.memory_space<hbm>> -> memref<1600xf32, #tpu.memory_space<hbm>>
        %dma_start3A_380 = tpu.memref_slice %arg7[%dma_start3A_374, %mul3A_16] : memref<32x200000xf32, #tpu.memory_space<hbm>> -> memref<1x1600xf32, #tpu.memory_space<hbm>>
        %dma_start3A_381 = tpu.memref_squeeze %dma_start3A_380 : memref<1x1600xf32, #tpu.memory_space<hbm>> -> memref<1600xf32, #tpu.memory_space<hbm>>
        %dma_start3A_382 = arith.constant 0 : i32
        %dma_start3A_383 = tpu.memref_slice %arg17[%dma_start3A_373, %dma_start3A_382] : memref<32x1601xf32, #tpu.memory_space<vmem>> -> memref<1x1600xf32, #tpu.memory_space<vmem>>
        %dma_start3A_384 = tpu.memref_squeeze %dma_start3A_383 : memref<1x1600xf32, #tpu.memory_space<vmem>> -> memref<1600xf32, #tpu.memory_space<vmem>>
        tpu.enqueue_dma source(%dma_start3A_384 : memref<1600xf32, #tpu.memory_space<vmem>>) target(%dma_start3A_381 : memref<1600xf32, #tpu.memory_space<hbm>>) target_semaphore(%arg24 : memref<!tpu.dma_semaphore, #tpu.memory_space<semaphore_mem>>)
        %dma_start3A_385 = arith.constant 20 : i32
        %dma_start3A_386 = arith.constant 20 : i32
        %dma_start3A_387 = arith.constant 0 : i32
        %dma_start3A_388 = tpu.memref_slice %arg17[%dma_start3A_385, %dma_start3A_387] : memref<32x1601xf32, #tpu.memory_space<vmem>> -> memref<1x1600xf32, #tpu.memory_space<vmem>>
        %dma_start3A_389 = tpu.memref_squeeze %dma_start3A_388 : memref<1x1600xf32, #tpu.memory_space<vmem>> -> memref<1600xf32, #tpu.memory_space<vmem>>
        %dma_start3A_390 = tpu.memref_slice %arg7[%dma_start3A_386, %mul3A_16] : memref<32x200000xf32, #tpu.memory_space<hbm>> -> memref<1x1600xf32, #tpu.memory_space<hbm>>
        %dma_start3A_391 = tpu.memref_squeeze %dma_start3A_390 : memref<1x1600xf32, #tpu.memory_space<hbm>> -> memref<1600xf32, #tpu.memory_space<hbm>>
        %dma_start3A_392 = tpu.memref_slice %arg7[%dma_start3A_386, %mul3A_16] : memref<32x200000xf32, #tpu.memory_space<hbm>> -> memref<1x1600xf32, #tpu.memory_space<hbm>>
        %dma_start3A_393 = tpu.memref_squeeze %dma_start3A_392 : memref<1x1600xf32, #tpu.memory_space<hbm>> -> memref<1600xf32, #tpu.memory_space<hbm>>
        %dma_start3A_394 = arith.constant 0 : i32
        %dma_start3A_395 = tpu.memref_slice %arg17[%dma_start3A_385, %dma_start3A_394] : memref<32x1601xf32, #tpu.memory_space<vmem>> -> memref<1x1600xf32, #tpu.memory_space<vmem>>
        %dma_start3A_396 = tpu.memref_squeeze %dma_start3A_395 : memref<1x1600xf32, #tpu.memory_space<vmem>> -> memref<1600xf32, #tpu.memory_space<vmem>>
        tpu.enqueue_dma source(%dma_start3A_396 : memref<1600xf32, #tpu.memory_space<vmem>>) target(%dma_start3A_393 : memref<1600xf32, #tpu.memory_space<hbm>>) target_semaphore(%arg24 : memref<!tpu.dma_semaphore, #tpu.memory_space<semaphore_mem>>)
        %dma_start3A_397 = arith.constant 21 : i32
        %dma_start3A_398 = arith.constant 21 : i32
        %dma_start3A_399 = arith.constant 0 : i32
        %dma_start3A_400 = tpu.memref_slice %arg17[%dma_start3A_397, %dma_start3A_399] : memref<32x1601xf32, #tpu.memory_space<vmem>> -> memref<1x1600xf32, #tpu.memory_space<vmem>>
        %dma_start3A_401 = tpu.memref_squeeze %dma_start3A_400 : memref<1x1600xf32, #tpu.memory_space<vmem>> -> memref<1600xf32, #tpu.memory_space<vmem>>
        %dma_start3A_402 = tpu.memref_slice %arg7[%dma_start3A_398, %mul3A_16] : memref<32x200000xf32, #tpu.memory_space<hbm>> -> memref<1x1600xf32, #tpu.memory_space<hbm>>
        %dma_start3A_403 = tpu.memref_squeeze %dma_start3A_402 : memref<1x1600xf32, #tpu.memory_space<hbm>> -> memref<1600xf32, #tpu.memory_space<hbm>>
        %dma_start3A_404 = tpu.memref_slice %arg7[%dma_start3A_398, %mul3A_16] : memref<32x200000xf32, #tpu.memory_space<hbm>> -> memref<1x1600xf32, #tpu.memory_space<hbm>>
        %dma_start3A_405 = tpu.memref_squeeze %dma_start3A_404 : memref<1x1600xf32, #tpu.memory_space<hbm>> -> memref<1600xf32, #tpu.memory_space<hbm>>
        %dma_start3A_406 = arith.constant 0 : i32
        %dma_start3A_407 = tpu.memref_slice %arg17[%dma_start3A_397, %dma_start3A_406] : memref<32x1601xf32, #tpu.memory_space<vmem>> -> memref<1x1600xf32, #tpu.memory_space<vmem>>
        %dma_start3A_408 = tpu.memref_squeeze %dma_start3A_407 : memref<1x1600xf32, #tpu.memory_space<vmem>> -> memref<1600xf32, #tpu.memory_space<vmem>>
        tpu.enqueue_dma source(%dma_start3A_408 : memref<1600xf32, #tpu.memory_space<vmem>>) target(%dma_start3A_405 : memref<1600xf32, #tpu.memory_space<hbm>>) target_semaphore(%arg24 : memref<!tpu.dma_semaphore, #tpu.memory_space<semaphore_mem>>)
        %dma_start3A_409 = arith.constant 22 : i32
        %dma_start3A_410 = arith.constant 22 : i32
        %dma_start3A_411 = arith.constant 0 : i32
        %dma_start3A_412 = tpu.memref_slice %arg17[%dma_start3A_409, %dma_start3A_411] : memref<32x1601xf32, #tpu.memory_space<vmem>> -> memref<1x1600xf32, #tpu.memory_space<vmem>>
        %dma_start3A_413 = tpu.memref_squeeze %dma_start3A_412 : memref<1x1600xf32, #tpu.memory_space<vmem>> -> memref<1600xf32, #tpu.memory_space<vmem>>
        %dma_start3A_414 = tpu.memref_slice %arg7[%dma_start3A_410, %mul3A_16] : memref<32x200000xf32, #tpu.memory_space<hbm>> -> memref<1x1600xf32, #tpu.memory_space<hbm>>
        %dma_start3A_415 = tpu.memref_squeeze %dma_start3A_414 : memref<1x1600xf32, #tpu.memory_space<hbm>> -> memref<1600xf32, #tpu.memory_space<hbm>>
        %dma_start3A_416 = tpu.memref_slice %arg7[%dma_start3A_410, %mul3A_16] : memref<32x200000xf32, #tpu.memory_space<hbm>> -> memref<1x1600xf32, #tpu.memory_space<hbm>>
        %dma_start3A_417 = tpu.memref_squeeze %dma_start3A_416 : memref<1x1600xf32, #tpu.memory_space<hbm>> -> memref<1600xf32, #tpu.memory_space<hbm>>
        %dma_start3A_418 = arith.constant 0 : i32
        %dma_start3A_419 = tpu.memref_slice %arg17[%dma_start3A_409, %dma_start3A_418] : memref<32x1601xf32, #tpu.memory_space<vmem>> -> memref<1x1600xf32, #tpu.memory_space<vmem>>
        %dma_start3A_420 = tpu.memref_squeeze %dma_start3A_419 : memref<1x1600xf32, #tpu.memory_space<vmem>> -> memref<1600xf32, #tpu.memory_space<vmem>>
        tpu.enqueue_dma source(%dma_start3A_420 : memref<1600xf32, #tpu.memory_space<vmem>>) target(%dma_start3A_417 : memref<1600xf32, #tpu.memory_space<hbm>>) target_semaphore(%arg24 : memref<!tpu.dma_semaphore, #tpu.memory_space<semaphore_mem>>)
        %dma_start3A_421 = arith.constant 23 : i32
        %dma_start3A_422 = arith.constant 23 : i32
        %dma_start3A_423 = arith.constant 0 : i32
        %dma_start3A_424 = tpu.memref_slice %arg17[%dma_start3A_421, %dma_start3A_423] : memref<32x1601xf32, #tpu.memory_space<vmem>> -> memref<1x1600xf32, #tpu.memory_space<vmem>>
        %dma_start3A_425 = tpu.memref_squeeze %dma_start3A_424 : memref<1x1600xf32, #tpu.memory_space<vmem>> -> memref<1600xf32, #tpu.memory_space<vmem>>
        %dma_start3A_426 = tpu.memref_slice %arg7[%dma_start3A_422, %mul3A_16] : memref<32x200000xf32, #tpu.memory_space<hbm>> -> memref<1x1600xf32, #tpu.memory_space<hbm>>
        %dma_start3A_427 = tpu.memref_squeeze %dma_start3A_426 : memref<1x1600xf32, #tpu.memory_space<hbm>> -> memref<1600xf32, #tpu.memory_space<hbm>>
        %dma_start3A_428 = tpu.memref_slice %arg7[%dma_start3A_422, %mul3A_16] : memref<32x200000xf32, #tpu.memory_space<hbm>> -> memref<1x1600xf32, #tpu.memory_space<hbm>>
        %dma_start3A_429 = tpu.memref_squeeze %dma_start3A_428 : memref<1x1600xf32, #tpu.memory_space<hbm>> -> memref<1600xf32, #tpu.memory_space<hbm>>
        %dma_start3A_430 = arith.constant 0 : i32
        %dma_start3A_431 = tpu.memref_slice %arg17[%dma_start3A_421, %dma_start3A_430] : memref<32x1601xf32, #tpu.memory_space<vmem>> -> memref<1x1600xf32, #tpu.memory_space<vmem>>
        %dma_start3A_432 = tpu.memref_squeeze %dma_start3A_431 : memref<1x1600xf32, #tpu.memory_space<vmem>> -> memref<1600xf32, #tpu.memory_space<vmem>>
        tpu.enqueue_dma source(%dma_start3A_432 : memref<1600xf32, #tpu.memory_space<vmem>>) target(%dma_start3A_429 : memref<1600xf32, #tpu.memory_space<hbm>>) target_semaphore(%arg24 : memref<!tpu.dma_semaphore, #tpu.memory_space<semaphore_mem>>)
        %dma_start3A_433 = arith.constant 24 : i32
        %dma_start3A_434 = arith.constant 24 : i32
        %dma_start3A_435 = arith.constant 0 : i32
        %dma_start3A_436 = tpu.memref_slice %arg17[%dma_start3A_433, %dma_start3A_435] : memref<32x1601xf32, #tpu.memory_space<vmem>> -> memref<1x1600xf32, #tpu.memory_space<vmem>>
        %dma_start3A_437 = tpu.memref_squeeze %dma_start3A_436 : memref<1x1600xf32, #tpu.memory_space<vmem>> -> memref<1600xf32, #tpu.memory_space<vmem>>
        %dma_start3A_438 = tpu.memref_slice %arg7[%dma_start3A_434, %mul3A_16] : memref<32x200000xf32, #tpu.memory_space<hbm>> -> memref<1x1600xf32, #tpu.memory_space<hbm>>
        %dma_start3A_439 = tpu.memref_squeeze %dma_start3A_438 : memref<1x1600xf32, #tpu.memory_space<hbm>> -> memref<1600xf32, #tpu.memory_space<hbm>>
        %dma_start3A_440 = tpu.memref_slice %arg7[%dma_start3A_434, %mul3A_16] : memref<32x200000xf32, #tpu.memory_space<hbm>> -> memref<1x1600xf32, #tpu.memory_space<hbm>>
        %dma_start3A_441 = tpu.memref_squeeze %dma_start3A_440 : memref<1x1600xf32, #tpu.memory_space<hbm>> -> memref<1600xf32, #tpu.memory_space<hbm>>
        %dma_start3A_442 = arith.constant 0 : i32
        %dma_start3A_443 = tpu.memref_slice %arg17[%dma_start3A_433, %dma_start3A_442] : memref<32x1601xf32, #tpu.memory_space<vmem>> -> memref<1x1600xf32, #tpu.memory_space<vmem>>
        %dma_start3A_444 = tpu.memref_squeeze %dma_start3A_443 : memref<1x1600xf32, #tpu.memory_space<vmem>> -> memref<1600xf32, #tpu.memory_space<vmem>>
        tpu.enqueue_dma source(%dma_start3A_444 : memref<1600xf32, #tpu.memory_space<vmem>>) target(%dma_start3A_441 : memref<1600xf32, #tpu.memory_space<hbm>>) target_semaphore(%arg24 : memref<!tpu.dma_semaphore, #tpu.memory_space<semaphore_mem>>)
        %dma_start3A_445 = arith.constant 25 : i32
        %dma_start3A_446 = arith.constant 25 : i32
        %dma_start3A_447 = arith.constant 0 : i32
        %dma_start3A_448 = tpu.memref_slice %arg17[%dma_start3A_445, %dma_start3A_447] : memref<32x1601xf32, #tpu.memory_space<vmem>> -> memref<1x1600xf32, #tpu.memory_space<vmem>>
        %dma_start3A_449 = tpu.memref_squeeze %dma_start3A_448 : memref<1x1600xf32, #tpu.memory_space<vmem>> -> memref<1600xf32, #tpu.memory_space<vmem>>
        %dma_start3A_450 = tpu.memref_slice %arg7[%dma_start3A_446, %mul3A_16] : memref<32x200000xf32, #tpu.memory_space<hbm>> -> memref<1x1600xf32, #tpu.memory_space<hbm>>
        %dma_start3A_451 = tpu.memref_squeeze %dma_start3A_450 : memref<1x1600xf32, #tpu.memory_space<hbm>> -> memref<1600xf32, #tpu.memory_space<hbm>>
        %dma_start3A_452 = tpu.memref_slice %arg7[%dma_start3A_446, %mul3A_16] : memref<32x200000xf32, #tpu.memory_space<hbm>> -> memref<1x1600xf32, #tpu.memory_space<hbm>>
        %dma_start3A_453 = tpu.memref_squeeze %dma_start3A_452 : memref<1x1600xf32, #tpu.memory_space<hbm>> -> memref<1600xf32, #tpu.memory_space<hbm>>
        %dma_start3A_454 = arith.constant 0 : i32
        %dma_start3A_455 = tpu.memref_slice %arg17[%dma_start3A_445, %dma_start3A_454] : memref<32x1601xf32, #tpu.memory_space<vmem>> -> memref<1x1600xf32, #tpu.memory_space<vmem>>
        %dma_start3A_456 = tpu.memref_squeeze %dma_start3A_455 : memref<1x1600xf32, #tpu.memory_space<vmem>> -> memref<1600xf32, #tpu.memory_space<vmem>>
        tpu.enqueue_dma source(%dma_start3A_456 : memref<1600xf32, #tpu.memory_space<vmem>>) target(%dma_start3A_453 : memref<1600xf32, #tpu.memory_space<hbm>>) target_semaphore(%arg24 : memref<!tpu.dma_semaphore, #tpu.memory_space<semaphore_mem>>)
        %dma_start3A_457 = arith.constant 26 : i32
        %dma_start3A_458 = arith.constant 26 : i32
        %dma_start3A_459 = arith.constant 0 : i32
        %dma_start3A_460 = tpu.memref_slice %arg17[%dma_start3A_457, %dma_start3A_459] : memref<32x1601xf32, #tpu.memory_space<vmem>> -> memref<1x1600xf32, #tpu.memory_space<vmem>>
        %dma_start3A_461 = tpu.memref_squeeze %dma_start3A_460 : memref<1x1600xf32, #tpu.memory_space<vmem>> -> memref<1600xf32, #tpu.memory_space<vmem>>
        %dma_start3A_462 = tpu.memref_slice %arg7[%dma_start3A_458, %mul3A_16] : memref<32x200000xf32, #tpu.memory_space<hbm>> -> memref<1x1600xf32, #tpu.memory_space<hbm>>
        %dma_start3A_463 = tpu.memref_squeeze %dma_start3A_462 : memref<1x1600xf32, #tpu.memory_space<hbm>> -> memref<1600xf32, #tpu.memory_space<hbm>>
        %dma_start3A_464 = tpu.memref_slice %arg7[%dma_start3A_458, %mul3A_16] : memref<32x200000xf32, #tpu.memory_space<hbm>> -> memref<1x1600xf32, #tpu.memory_space<hbm>>
        %dma_start3A_465 = tpu.memref_squeeze %dma_start3A_464 : memref<1x1600xf32, #tpu.memory_space<hbm>> -> memref<1600xf32, #tpu.memory_space<hbm>>
        %dma_start3A_466 = arith.constant 0 : i32
        %dma_start3A_467 = tpu.memref_slice %arg17[%dma_start3A_457, %dma_start3A_466] : memref<32x1601xf32, #tpu.memory_space<vmem>> -> memref<1x1600xf32, #tpu.memory_space<vmem>>
        %dma_start3A_468 = tpu.memref_squeeze %dma_start3A_467 : memref<1x1600xf32, #tpu.memory_space<vmem>> -> memref<1600xf32, #tpu.memory_space<vmem>>
        tpu.enqueue_dma source(%dma_start3A_468 : memref<1600xf32, #tpu.memory_space<vmem>>) target(%dma_start3A_465 : memref<1600xf32, #tpu.memory_space<hbm>>) target_semaphore(%arg24 : memref<!tpu.dma_semaphore, #tpu.memory_space<semaphore_mem>>)
        %dma_start3A_469 = arith.constant 27 : i32
        %dma_start3A_470 = arith.constant 27 : i32
        %dma_start3A_471 = arith.constant 0 : i32
        %dma_start3A_472 = tpu.memref_slice %arg17[%dma_start3A_469, %dma_start3A_471] : memref<32x1601xf32, #tpu.memory_space<vmem>> -> memref<1x1600xf32, #tpu.memory_space<vmem>>
        %dma_start3A_473 = tpu.memref_squeeze %dma_start3A_472 : memref<1x1600xf32, #tpu.memory_space<vmem>> -> memref<1600xf32, #tpu.memory_space<vmem>>
        %dma_start3A_474 = tpu.memref_slice %arg7[%dma_start3A_470, %mul3A_16] : memref<32x200000xf32, #tpu.memory_space<hbm>> -> memref<1x1600xf32, #tpu.memory_space<hbm>>
        %dma_start3A_475 = tpu.memref_squeeze %dma_start3A_474 : memref<1x1600xf32, #tpu.memory_space<hbm>> -> memref<1600xf32, #tpu.memory_space<hbm>>
        %dma_start3A_476 = tpu.memref_slice %arg7[%dma_start3A_470, %mul3A_16] : memref<32x200000xf32, #tpu.memory_space<hbm>> -> memref<1x1600xf32, #tpu.memory_space<hbm>>
        %dma_start3A_477 = tpu.memref_squeeze %dma_start3A_476 : memref<1x1600xf32, #tpu.memory_space<hbm>> -> memref<1600xf32, #tpu.memory_space<hbm>>
        %dma_start3A_478 = arith.constant 0 : i32
        %dma_start3A_479 = tpu.memref_slice %arg17[%dma_start3A_469, %dma_start3A_478] : memref<32x1601xf32, #tpu.memory_space<vmem>> -> memref<1x1600xf32, #tpu.memory_space<vmem>>
        %dma_start3A_480 = tpu.memref_squeeze %dma_start3A_479 : memref<1x1600xf32, #tpu.memory_space<vmem>> -> memref<1600xf32, #tpu.memory_space<vmem>>
        tpu.enqueue_dma source(%dma_start3A_480 : memref<1600xf32, #tpu.memory_space<vmem>>) target(%dma_start3A_477 : memref<1600xf32, #tpu.memory_space<hbm>>) target_semaphore(%arg24 : memref<!tpu.dma_semaphore, #tpu.memory_space<semaphore_mem>>)
        %dma_start3A_481 = arith.constant 28 : i32
        %dma_start3A_482 = arith.constant 28 : i32
        %dma_start3A_483 = arith.constant 0 : i32
        %dma_start3A_484 = tpu.memref_slice %arg17[%dma_start3A_481, %dma_start3A_483] : memref<32x1601xf32, #tpu.memory_space<vmem>> -> memref<1x1600xf32, #tpu.memory_space<vmem>>
        %dma_start3A_485 = tpu.memref_squeeze %dma_start3A_484 : memref<1x1600xf32, #tpu.memory_space<vmem>> -> memref<1600xf32, #tpu.memory_space<vmem>>
        %dma_start3A_486 = tpu.memref_slice %arg7[%dma_start3A_482, %mul3A_16] : memref<32x200000xf32, #tpu.memory_space<hbm>> -> memref<1x1600xf32, #tpu.memory_space<hbm>>
        %dma_start3A_487 = tpu.memref_squeeze %dma_start3A_486 : memref<1x1600xf32, #tpu.memory_space<hbm>> -> memref<1600xf32, #tpu.memory_space<hbm>>
        %dma_start3A_488 = tpu.memref_slice %arg7[%dma_start3A_482, %mul3A_16] : memref<32x200000xf32, #tpu.memory_space<hbm>> -> memref<1x1600xf32, #tpu.memory_space<hbm>>
        %dma_start3A_489 = tpu.memref_squeeze %dma_start3A_488 : memref<1x1600xf32, #tpu.memory_space<hbm>> -> memref<1600xf32, #tpu.memory_space<hbm>>
        %dma_start3A_490 = arith.constant 0 : i32
        %dma_start3A_491 = tpu.memref_slice %arg17[%dma_start3A_481, %dma_start3A_490] : memref<32x1601xf32, #tpu.memory_space<vmem>> -> memref<1x1600xf32, #tpu.memory_space<vmem>>
        %dma_start3A_492 = tpu.memref_squeeze %dma_start3A_491 : memref<1x1600xf32, #tpu.memory_space<vmem>> -> memref<1600xf32, #tpu.memory_space<vmem>>
        tpu.enqueue_dma source(%dma_start3A_492 : memref<1600xf32, #tpu.memory_space<vmem>>) target(%dma_start3A_489 : memref<1600xf32, #tpu.memory_space<hbm>>) target_semaphore(%arg24 : memref<!tpu.dma_semaphore, #tpu.memory_space<semaphore_mem>>)
        %dma_start3A_493 = arith.constant 29 : i32
        %dma_start3A_494 = arith.constant 29 : i32
        %dma_start3A_495 = arith.constant 0 : i32
        %dma_start3A_496 = tpu.memref_slice %arg17[%dma_start3A_493, %dma_start3A_495] : memref<32x1601xf32, #tpu.memory_space<vmem>> -> memref<1x1600xf32, #tpu.memory_space<vmem>>
        %dma_start3A_497 = tpu.memref_squeeze %dma_start3A_496 : memref<1x1600xf32, #tpu.memory_space<vmem>> -> memref<1600xf32, #tpu.memory_space<vmem>>
        %dma_start3A_498 = tpu.memref_slice %arg7[%dma_start3A_494, %mul3A_16] : memref<32x200000xf32, #tpu.memory_space<hbm>> -> memref<1x1600xf32, #tpu.memory_space<hbm>>
        %dma_start3A_499 = tpu.memref_squeeze %dma_start3A_498 : memref<1x1600xf32, #tpu.memory_space<hbm>> -> memref<1600xf32, #tpu.memory_space<hbm>>
        %dma_start3A_500 = tpu.memref_slice %arg7[%dma_start3A_494, %mul3A_16] : memref<32x200000xf32, #tpu.memory_space<hbm>> -> memref<1x1600xf32, #tpu.memory_space<hbm>>
        %dma_start3A_501 = tpu.memref_squeeze %dma_start3A_500 : memref<1x1600xf32, #tpu.memory_space<hbm>> -> memref<1600xf32, #tpu.memory_space<hbm>>
        %dma_start3A_502 = arith.constant 0 : i32
        %dma_start3A_503 = tpu.memref_slice %arg17[%dma_start3A_493, %dma_start3A_502] : memref<32x1601xf32, #tpu.memory_space<vmem>> -> memref<1x1600xf32, #tpu.memory_space<vmem>>
        %dma_start3A_504 = tpu.memref_squeeze %dma_start3A_503 : memref<1x1600xf32, #tpu.memory_space<vmem>> -> memref<1600xf32, #tpu.memory_space<vmem>>
        tpu.enqueue_dma source(%dma_start3A_504 : memref<1600xf32, #tpu.memory_space<vmem>>) target(%dma_start3A_501 : memref<1600xf32, #tpu.memory_space<hbm>>) target_semaphore(%arg24 : memref<!tpu.dma_semaphore, #tpu.memory_space<semaphore_mem>>)
        %dma_start3A_505 = arith.constant 30 : i32
        %dma_start3A_506 = arith.constant 30 : i32
        %dma_start3A_507 = arith.constant 0 : i32
        %dma_start3A_508 = tpu.memref_slice %arg17[%dma_start3A_505, %dma_start3A_507] : memref<32x1601xf32, #tpu.memory_space<vmem>> -> memref<1x1600xf32, #tpu.memory_space<vmem>>
        %dma_start3A_509 = tpu.memref_squeeze %dma_start3A_508 : memref<1x1600xf32, #tpu.memory_space<vmem>> -> memref<1600xf32, #tpu.memory_space<vmem>>
        %dma_start3A_510 = tpu.memref_slice %arg7[%dma_start3A_506, %mul3A_16] : memref<32x200000xf32, #tpu.memory_space<hbm>> -> memref<1x1600xf32, #tpu.memory_space<hbm>>
        %dma_start3A_511 = tpu.memref_squeeze %dma_start3A_510 : memref<1x1600xf32, #tpu.memory_space<hbm>> -> memref<1600xf32, #tpu.memory_space<hbm>>
        %dma_start3A_512 = tpu.memref_slice %arg7[%dma_start3A_506, %mul3A_16] : memref<32x200000xf32, #tpu.memory_space<hbm>> -> memref<1x1600xf32, #tpu.memory_space<hbm>>
        %dma_start3A_513 = tpu.memref_squeeze %dma_start3A_512 : memref<1x1600xf32, #tpu.memory_space<hbm>> -> memref<1600xf32, #tpu.memory_space<hbm>>
        %dma_start3A_514 = arith.constant 0 : i32
        %dma_start3A_515 = tpu.memref_slice %arg17[%dma_start3A_505, %dma_start3A_514] : memref<32x1601xf32, #tpu.memory_space<vmem>> -> memref<1x1600xf32, #tpu.memory_space<vmem>>
        %dma_start3A_516 = tpu.memref_squeeze %dma_start3A_515 : memref<1x1600xf32, #tpu.memory_space<vmem>> -> memref<1600xf32, #tpu.memory_space<vmem>>
        tpu.enqueue_dma source(%dma_start3A_516 : memref<1600xf32, #tpu.memory_space<vmem>>) target(%dma_start3A_513 : memref<1600xf32, #tpu.memory_space<hbm>>) target_semaphore(%arg24 : memref<!tpu.dma_semaphore, #tpu.memory_space<semaphore_mem>>)
        %dma_start3A_517 = arith.constant 31 : i32
        %dma_start3A_518 = arith.constant 31 : i32
        %dma_start3A_519 = arith.constant 0 : i32
        %dma_start3A_520 = tpu.memref_slice %arg17[%dma_start3A_517, %dma_start3A_519] : memref<32x1601xf32, #tpu.memory_space<vmem>> -> memref<1x1600xf32, #tpu.memory_space<vmem>>
        %dma_start3A_521 = tpu.memref_squeeze %dma_start3A_520 : memref<1x1600xf32, #tpu.memory_space<vmem>> -> memref<1600xf32, #tpu.memory_space<vmem>>
        %dma_start3A_522 = tpu.memref_slice %arg7[%dma_start3A_518, %mul3A_16] : memref<32x200000xf32, #tpu.memory_space<hbm>> -> memref<1x1600xf32, #tpu.memory_space<hbm>>
        %dma_start3A_523 = tpu.memref_squeeze %dma_start3A_522 : memref<1x1600xf32, #tpu.memory_space<hbm>> -> memref<1600xf32, #tpu.memory_space<hbm>>
        %dma_start3A_524 = tpu.memref_slice %arg7[%dma_start3A_518, %mul3A_16] : memref<32x200000xf32, #tpu.memory_space<hbm>> -> memref<1x1600xf32, #tpu.memory_space<hbm>>
        %dma_start3A_525 = tpu.memref_squeeze %dma_start3A_524 : memref<1x1600xf32, #tpu.memory_space<hbm>> -> memref<1600xf32, #tpu.memory_space<hbm>>
        %dma_start3A_526 = arith.constant 0 : i32
        %dma_start3A_527 = tpu.memref_slice %arg17[%dma_start3A_517, %dma_start3A_526] : memref<32x1601xf32, #tpu.memory_space<vmem>> -> memref<1x1600xf32, #tpu.memory_space<vmem>>
        %dma_start3A_528 = tpu.memref_squeeze %dma_start3A_527 : memref<1x1600xf32, #tpu.memory_space<vmem>> -> memref<1600xf32, #tpu.memory_space<vmem>>
        tpu.enqueue_dma source(%dma_start3A_528 : memref<1600xf32, #tpu.memory_space<vmem>>) target(%dma_start3A_525 : memref<1600xf32, #tpu.memory_space<hbm>>) target_semaphore(%arg24 : memref<!tpu.dma_semaphore, #tpu.memory_space<semaphore_mem>>)
        %dma_wait3A_529 = arith.constant 0 : i32
        %dma_wait3A_530 = arith.constant 0 : i32
        %dma_wait3A_531 = arith.constant 0 : i32
        %dma_wait3A_532 = tpu.memref_slice %arg17[%dma_wait3A_529, %dma_wait3A_531] : memref<32x1601xf32, #tpu.memory_space<vmem>> -> memref<1x1600xf32, #tpu.memory_space<vmem>>
        %dma_wait3A_533 = tpu.memref_squeeze %dma_wait3A_532 : memref<1x1600xf32, #tpu.memory_space<vmem>> -> memref<1600xf32, #tpu.memory_space<vmem>>
        %dma_wait3A_534 = tpu.memref_slice %arg7[%dma_wait3A_530, %mul3A_16] : memref<32x200000xf32, #tpu.memory_space<hbm>> -> memref<1x1600xf32, #tpu.memory_space<hbm>>
        %dma_wait3A_535 = tpu.memref_squeeze %dma_wait3A_534 : memref<1x1600xf32, #tpu.memory_space<hbm>> -> memref<1600xf32, #tpu.memory_space<hbm>>
        %dma_wait3A_536 = tpu.memref_slice %arg7[%dma_wait3A_530, %mul3A_16] : memref<32x200000xf32, #tpu.memory_space<hbm>> -> memref<1x1600xf32, #tpu.memory_space<hbm>>
        %dma_wait3A_537 = tpu.memref_squeeze %dma_wait3A_536 : memref<1x1600xf32, #tpu.memory_space<hbm>> -> memref<1600xf32, #tpu.memory_space<hbm>>
        %dma_wait3A_538 = arith.constant 0 : i32
        %dma_wait3A_539 = tpu.memref_slice %arg17[%dma_wait3A_529, %dma_wait3A_538] : memref<32x1601xf32, #tpu.memory_space<vmem>> -> memref<1x1600xf32, #tpu.memory_space<vmem>>
        %dma_wait3A_540 = tpu.memref_squeeze %dma_wait3A_539 : memref<1x1600xf32, #tpu.memory_space<vmem>> -> memref<1600xf32, #tpu.memory_space<vmem>>
        tpu.wait_dma2 semaphore(%arg24 : memref<!tpu.dma_semaphore, #tpu.memory_space<semaphore_mem>>) src(%dma_wait3A_540 : memref<1600xf32, #tpu.memory_space<vmem>>) dst(%dma_wait3A_537 : memref<1600xf32, #tpu.memory_space<hbm>>)
        %dma_wait3A_541 = arith.constant 1 : i32
        %dma_wait3A_542 = arith.constant 1 : i32
        %dma_wait3A_543 = arith.constant 0 : i32
        %dma_wait3A_544 = tpu.memref_slice %arg17[%dma_wait3A_541, %dma_wait3A_543] : memref<32x1601xf32, #tpu.memory_space<vmem>> -> memref<1x1600xf32, #tpu.memory_space<vmem>>
        %dma_wait3A_545 = tpu.memref_squeeze %dma_wait3A_544 : memref<1x1600xf32, #tpu.memory_space<vmem>> -> memref<1600xf32, #tpu.memory_space<vmem>>
        %dma_wait3A_546 = tpu.memref_slice %arg7[%dma_wait3A_542, %mul3A_16] : memref<32x200000xf32, #tpu.memory_space<hbm>> -> memref<1x1600xf32, #tpu.memory_space<hbm>>
        %dma_wait3A_547 = tpu.memref_squeeze %dma_wait3A_546 : memref<1x1600xf32, #tpu.memory_space<hbm>> -> memref<1600xf32, #tpu.memory_space<hbm>>
        %dma_wait3A_548 = tpu.memref_slice %arg7[%dma_wait3A_542, %mul3A_16] : memref<32x200000xf32, #tpu.memory_space<hbm>> -> memref<1x1600xf32, #tpu.memory_space<hbm>>
        %dma_wait3A_549 = tpu.memref_squeeze %dma_wait3A_548 : memref<1x1600xf32, #tpu.memory_space<hbm>> -> memref<1600xf32, #tpu.memory_space<hbm>>
        %dma_wait3A_550 = arith.constant 0 : i32
        %dma_wait3A_551 = tpu.memref_slice %arg17[%dma_wait3A_541, %dma_wait3A_550] : memref<32x1601xf32, #tpu.memory_space<vmem>> -> memref<1x1600xf32, #tpu.memory_space<vmem>>
        %dma_wait3A_552 = tpu.memref_squeeze %dma_wait3A_551 : memref<1x1600xf32, #tpu.memory_space<vmem>> -> memref<1600xf32, #tpu.memory_space<vmem>>
        tpu.wait_dma2 semaphore(%arg24 : memref<!tpu.dma_semaphore, #tpu.memory_space<semaphore_mem>>) src(%dma_wait3A_552 : memref<1600xf32, #tpu.memory_space<vmem>>) dst(%dma_wait3A_549 : memref<1600xf32, #tpu.memory_space<hbm>>)
        %dma_wait3A_553 = arith.constant 2 : i32
        %dma_wait3A_554 = arith.constant 2 : i32
        %dma_wait3A_555 = arith.constant 0 : i32
        %dma_wait3A_556 = tpu.memref_slice %arg17[%dma_wait3A_553, %dma_wait3A_555] : memref<32x1601xf32, #tpu.memory_space<vmem>> -> memref<1x1600xf32, #tpu.memory_space<vmem>>
        %dma_wait3A_557 = tpu.memref_squeeze %dma_wait3A_556 : memref<1x1600xf32, #tpu.memory_space<vmem>> -> memref<1600xf32, #tpu.memory_space<vmem>>
        %dma_wait3A_558 = tpu.memref_slice %arg7[%dma_wait3A_554, %mul3A_16] : memref<32x200000xf32, #tpu.memory_space<hbm>> -> memref<1x1600xf32, #tpu.memory_space<hbm>>
        %dma_wait3A_559 = tpu.memref_squeeze %dma_wait3A_558 : memref<1x1600xf32, #tpu.memory_space<hbm>> -> memref<1600xf32, #tpu.memory_space<hbm>>
        %dma_wait3A_560 = tpu.memref_slice %arg7[%dma_wait3A_554, %mul3A_16] : memref<32x200000xf32, #tpu.memory_space<hbm>> -> memref<1x1600xf32, #tpu.memory_space<hbm>>
        %dma_wait3A_561 = tpu.memref_squeeze %dma_wait3A_560 : memref<1x1600xf32, #tpu.memory_space<hbm>> -> memref<1600xf32, #tpu.memory_space<hbm>>
        %dma_wait3A_562 = arith.constant 0 : i32
        %dma_wait3A_563 = tpu.memref_slice %arg17[%dma_wait3A_553, %dma_wait3A_562] : memref<32x1601xf32, #tpu.memory_space<vmem>> -> memref<1x1600xf32, #tpu.memory_space<vmem>>
        %dma_wait3A_564 = tpu.memref_squeeze %dma_wait3A_563 : memref<1x1600xf32, #tpu.memory_space<vmem>> -> memref<1600xf32, #tpu.memory_space<vmem>>
        tpu.wait_dma2 semaphore(%arg24 : memref<!tpu.dma_semaphore, #tpu.memory_space<semaphore_mem>>) src(%dma_wait3A_564 : memref<1600xf32, #tpu.memory_space<vmem>>) dst(%dma_wait3A_561 : memref<1600xf32, #tpu.memory_space<hbm>>)
        %dma_wait3A_565 = arith.constant 3 : i32
        %dma_wait3A_566 = arith.constant 3 : i32
        %dma_wait3A_567 = arith.constant 0 : i32
        %dma_wait3A_568 = tpu.memref_slice %arg17[%dma_wait3A_565, %dma_wait3A_567] : memref<32x1601xf32, #tpu.memory_space<vmem>> -> memref<1x1600xf32, #tpu.memory_space<vmem>>
        %dma_wait3A_569 = tpu.memref_squeeze %dma_wait3A_568 : memref<1x1600xf32, #tpu.memory_space<vmem>> -> memref<1600xf32, #tpu.memory_space<vmem>>
        %dma_wait3A_570 = tpu.memref_slice %arg7[%dma_wait3A_566, %mul3A_16] : memref<32x200000xf32, #tpu.memory_space<hbm>> -> memref<1x1600xf32, #tpu.memory_space<hbm>>
        %dma_wait3A_571 = tpu.memref_squeeze %dma_wait3A_570 : memref<1x1600xf32, #tpu.memory_space<hbm>> -> memref<1600xf32, #tpu.memory_space<hbm>>
        %dma_wait3A_572 = tpu.memref_slice %arg7[%dma_wait3A_566, %mul3A_16] : memref<32x200000xf32, #tpu.memory_space<hbm>> -> memref<1x1600xf32, #tpu.memory_space<hbm>>
        %dma_wait3A_573 = tpu.memref_squeeze %dma_wait3A_572 : memref<1x1600xf32, #tpu.memory_space<hbm>> -> memref<1600xf32, #tpu.memory_space<hbm>>
        %dma_wait3A_574 = arith.constant 0 : i32
        %dma_wait3A_575 = tpu.memref_slice %arg17[%dma_wait3A_565, %dma_wait3A_574] : memref<32x1601xf32, #tpu.memory_space<vmem>> -> memref<1x1600xf32, #tpu.memory_space<vmem>>
        %dma_wait3A_576 = tpu.memref_squeeze %dma_wait3A_575 : memref<1x1600xf32, #tpu.memory_space<vmem>> -> memref<1600xf32, #tpu.memory_space<vmem>>
        tpu.wait_dma2 semaphore(%arg24 : memref<!tpu.dma_semaphore, #tpu.memory_space<semaphore_mem>>) src(%dma_wait3A_576 : memref<1600xf32, #tpu.memory_space<vmem>>) dst(%dma_wait3A_573 : memref<1600xf32, #tpu.memory_space<hbm>>)
        %dma_wait3A_577 = arith.constant 4 : i32
        %dma_wait3A_578 = arith.constant 4 : i32
        %dma_wait3A_579 = arith.constant 0 : i32
        %dma_wait3A_580 = tpu.memref_slice %arg17[%dma_wait3A_577, %dma_wait3A_579] : memref<32x1601xf32, #tpu.memory_space<vmem>> -> memref<1x1600xf32, #tpu.memory_space<vmem>>
        %dma_wait3A_581 = tpu.memref_squeeze %dma_wait3A_580 : memref<1x1600xf32, #tpu.memory_space<vmem>> -> memref<1600xf32, #tpu.memory_space<vmem>>
        %dma_wait3A_582 = tpu.memref_slice %arg7[%dma_wait3A_578, %mul3A_16] : memref<32x200000xf32, #tpu.memory_space<hbm>> -> memref<1x1600xf32, #tpu.memory_space<hbm>>
        %dma_wait3A_583 = tpu.memref_squeeze %dma_wait3A_582 : memref<1x1600xf32, #tpu.memory_space<hbm>> -> memref<1600xf32, #tpu.memory_space<hbm>>
        %dma_wait3A_584 = tpu.memref_slice %arg7[%dma_wait3A_578, %mul3A_16] : memref<32x200000xf32, #tpu.memory_space<hbm>> -> memref<1x1600xf32, #tpu.memory_space<hbm>>
        %dma_wait3A_585 = tpu.memref_squeeze %dma_wait3A_584 : memref<1x1600xf32, #tpu.memory_space<hbm>> -> memref<1600xf32, #tpu.memory_space<hbm>>
        %dma_wait3A_586 = arith.constant 0 : i32
        %dma_wait3A_587 = tpu.memref_slice %arg17[%dma_wait3A_577, %dma_wait3A_586] : memref<32x1601xf32, #tpu.memory_space<vmem>> -> memref<1x1600xf32, #tpu.memory_space<vmem>>
        %dma_wait3A_588 = tpu.memref_squeeze %dma_wait3A_587 : memref<1x1600xf32, #tpu.memory_space<vmem>> -> memref<1600xf32, #tpu.memory_space<vmem>>
        tpu.wait_dma2 semaphore(%arg24 : memref<!tpu.dma_semaphore, #tpu.memory_space<semaphore_mem>>) src(%dma_wait3A_588 : memref<1600xf32, #tpu.memory_space<vmem>>) dst(%dma_wait3A_585 : memref<1600xf32, #tpu.memory_space<hbm>>)
        %dma_wait3A_589 = arith.constant 5 : i32
        %dma_wait3A_590 = arith.constant 5 : i32
        %dma_wait3A_591 = arith.constant 0 : i32
        %dma_wait3A_592 = tpu.memref_slice %arg17[%dma_wait3A_589, %dma_wait3A_591] : memref<32x1601xf32, #tpu.memory_space<vmem>> -> memref<1x1600xf32, #tpu.memory_space<vmem>>
        %dma_wait3A_593 = tpu.memref_squeeze %dma_wait3A_592 : memref<1x1600xf32, #tpu.memory_space<vmem>> -> memref<1600xf32, #tpu.memory_space<vmem>>
        %dma_wait3A_594 = tpu.memref_slice %arg7[%dma_wait3A_590, %mul3A_16] : memref<32x200000xf32, #tpu.memory_space<hbm>> -> memref<1x1600xf32, #tpu.memory_space<hbm>>
        %dma_wait3A_595 = tpu.memref_squeeze %dma_wait3A_594 : memref<1x1600xf32, #tpu.memory_space<hbm>> -> memref<1600xf32, #tpu.memory_space<hbm>>
        %dma_wait3A_596 = tpu.memref_slice %arg7[%dma_wait3A_590, %mul3A_16] : memref<32x200000xf32, #tpu.memory_space<hbm>> -> memref<1x1600xf32, #tpu.memory_space<hbm>>
        %dma_wait3A_597 = tpu.memref_squeeze %dma_wait3A_596 : memref<1x1600xf32, #tpu.memory_space<hbm>> -> memref<1600xf32, #tpu.memory_space<hbm>>
        %dma_wait3A_598 = arith.constant 0 : i32
        %dma_wait3A_599 = tpu.memref_slice %arg17[%dma_wait3A_589, %dma_wait3A_598] : memref<32x1601xf32, #tpu.memory_space<vmem>> -> memref<1x1600xf32, #tpu.memory_space<vmem>>
        %dma_wait3A_600 = tpu.memref_squeeze %dma_wait3A_599 : memref<1x1600xf32, #tpu.memory_space<vmem>> -> memref<1600xf32, #tpu.memory_space<vmem>>
        tpu.wait_dma2 semaphore(%arg24 : memref<!tpu.dma_semaphore, #tpu.memory_space<semaphore_mem>>) src(%dma_wait3A_600 : memref<1600xf32, #tpu.memory_space<vmem>>) dst(%dma_wait3A_597 : memref<1600xf32, #tpu.memory_space<hbm>>)
        %dma_wait3A_601 = arith.constant 6 : i32
        %dma_wait3A_602 = arith.constant 6 : i32
        %dma_wait3A_603 = arith.constant 0 : i32
        %dma_wait3A_604 = tpu.memref_slice %arg17[%dma_wait3A_601, %dma_wait3A_603] : memref<32x1601xf32, #tpu.memory_space<vmem>> -> memref<1x1600xf32, #tpu.memory_space<vmem>>
        %dma_wait3A_605 = tpu.memref_squeeze %dma_wait3A_604 : memref<1x1600xf32, #tpu.memory_space<vmem>> -> memref<1600xf32, #tpu.memory_space<vmem>>
        %dma_wait3A_606 = tpu.memref_slice %arg7[%dma_wait3A_602, %mul3A_16] : memref<32x200000xf32, #tpu.memory_space<hbm>> -> memref<1x1600xf32, #tpu.memory_space<hbm>>
        %dma_wait3A_607 = tpu.memref_squeeze %dma_wait3A_606 : memref<1x1600xf32, #tpu.memory_space<hbm>> -> memref<1600xf32, #tpu.memory_space<hbm>>
        %dma_wait3A_608 = tpu.memref_slice %arg7[%dma_wait3A_602, %mul3A_16] : memref<32x200000xf32, #tpu.memory_space<hbm>> -> memref<1x1600xf32, #tpu.memory_space<hbm>>
        %dma_wait3A_609 = tpu.memref_squeeze %dma_wait3A_608 : memref<1x1600xf32, #tpu.memory_space<hbm>> -> memref<1600xf32, #tpu.memory_space<hbm>>
        %dma_wait3A_610 = arith.constant 0 : i32
        %dma_wait3A_611 = tpu.memref_slice %arg17[%dma_wait3A_601, %dma_wait3A_610] : memref<32x1601xf32, #tpu.memory_space<vmem>> -> memref<1x1600xf32, #tpu.memory_space<vmem>>
        %dma_wait3A_612 = tpu.memref_squeeze %dma_wait3A_611 : memref<1x1600xf32, #tpu.memory_space<vmem>> -> memref<1600xf32, #tpu.memory_space<vmem>>
        tpu.wait_dma2 semaphore(%arg24 : memref<!tpu.dma_semaphore, #tpu.memory_space<semaphore_mem>>) src(%dma_wait3A_612 : memref<1600xf32, #tpu.memory_space<vmem>>) dst(%dma_wait3A_609 : memref<1600xf32, #tpu.memory_space<hbm>>)
        %dma_wait3A_613 = arith.constant 7 : i32
        %dma_wait3A_614 = arith.constant 7 : i32
        %dma_wait3A_615 = arith.constant 0 : i32
        %dma_wait3A_616 = tpu.memref_slice %arg17[%dma_wait3A_613, %dma_wait3A_615] : memref<32x1601xf32, #tpu.memory_space<vmem>> -> memref<1x1600xf32, #tpu.memory_space<vmem>>
        %dma_wait3A_617 = tpu.memref_squeeze %dma_wait3A_616 : memref<1x1600xf32, #tpu.memory_space<vmem>> -> memref<1600xf32, #tpu.memory_space<vmem>>
        %dma_wait3A_618 = tpu.memref_slice %arg7[%dma_wait3A_614, %mul3A_16] : memref<32x200000xf32, #tpu.memory_space<hbm>> -> memref<1x1600xf32, #tpu.memory_space<hbm>>
        %dma_wait3A_619 = tpu.memref_squeeze %dma_wait3A_618 : memref<1x1600xf32, #tpu.memory_space<hbm>> -> memref<1600xf32, #tpu.memory_space<hbm>>
        %dma_wait3A_620 = tpu.memref_slice %arg7[%dma_wait3A_614, %mul3A_16] : memref<32x200000xf32, #tpu.memory_space<hbm>> -> memref<1x1600xf32, #tpu.memory_space<hbm>>
        %dma_wait3A_621 = tpu.memref_squeeze %dma_wait3A_620 : memref<1x1600xf32, #tpu.memory_space<hbm>> -> memref<1600xf32, #tpu.memory_space<hbm>>
        %dma_wait3A_622 = arith.constant 0 : i32
        %dma_wait3A_623 = tpu.memref_slice %arg17[%dma_wait3A_613, %dma_wait3A_622] : memref<32x1601xf32, #tpu.memory_space<vmem>> -> memref<1x1600xf32, #tpu.memory_space<vmem>>
        %dma_wait3A_624 = tpu.memref_squeeze %dma_wait3A_623 : memref<1x1600xf32, #tpu.memory_space<vmem>> -> memref<1600xf32, #tpu.memory_space<vmem>>
        tpu.wait_dma2 semaphore(%arg24 : memref<!tpu.dma_semaphore, #tpu.memory_space<semaphore_mem>>) src(%dma_wait3A_624 : memref<1600xf32, #tpu.memory_space<vmem>>) dst(%dma_wait3A_621 : memref<1600xf32, #tpu.memory_space<hbm>>)
        %dma_wait3A_625 = arith.constant 8 : i32
        %dma_wait3A_626 = arith.constant 8 : i32
        %dma_wait3A_627 = arith.constant 0 : i32
        %dma_wait3A_628 = tpu.memref_slice %arg17[%dma_wait3A_625, %dma_wait3A_627] : memref<32x1601xf32, #tpu.memory_space<vmem>> -> memref<1x1600xf32, #tpu.memory_space<vmem>>
        %dma_wait3A_629 = tpu.memref_squeeze %dma_wait3A_628 : memref<1x1600xf32, #tpu.memory_space<vmem>> -> memref<1600xf32, #tpu.memory_space<vmem>>
        %dma_wait3A_630 = tpu.memref_slice %arg7[%dma_wait3A_626, %mul3A_16] : memref<32x200000xf32, #tpu.memory_space<hbm>> -> memref<1x1600xf32, #tpu.memory_space<hbm>>
        %dma_wait3A_631 = tpu.memref_squeeze %dma_wait3A_630 : memref<1x1600xf32, #tpu.memory_space<hbm>> -> memref<1600xf32, #tpu.memory_space<hbm>>
        %dma_wait3A_632 = tpu.memref_slice %arg7[%dma_wait3A_626, %mul3A_16] : memref<32x200000xf32, #tpu.memory_space<hbm>> -> memref<1x1600xf32, #tpu.memory_space<hbm>>
        %dma_wait3A_633 = tpu.memref_squeeze %dma_wait3A_632 : memref<1x1600xf32, #tpu.memory_space<hbm>> -> memref<1600xf32, #tpu.memory_space<hbm>>
        %dma_wait3A_634 = arith.constant 0 : i32
        %dma_wait3A_635 = tpu.memref_slice %arg17[%dma_wait3A_625, %dma_wait3A_634] : memref<32x1601xf32, #tpu.memory_space<vmem>> -> memref<1x1600xf32, #tpu.memory_space<vmem>>
        %dma_wait3A_636 = tpu.memref_squeeze %dma_wait3A_635 : memref<1x1600xf32, #tpu.memory_space<vmem>> -> memref<1600xf32, #tpu.memory_space<vmem>>
        tpu.wait_dma2 semaphore(%arg24 : memref<!tpu.dma_semaphore, #tpu.memory_space<semaphore_mem>>) src(%dma_wait3A_636 : memref<1600xf32, #tpu.memory_space<vmem>>) dst(%dma_wait3A_633 : memref<1600xf32, #tpu.memory_space<hbm>>)
        %dma_wait3A_637 = arith.constant 9 : i32
        %dma_wait3A_638 = arith.constant 9 : i32
        %dma_wait3A_639 = arith.constant 0 : i32
        %dma_wait3A_640 = tpu.memref_slice %arg17[%dma_wait3A_637, %dma_wait3A_639] : memref<32x1601xf32, #tpu.memory_space<vmem>> -> memref<1x1600xf32, #tpu.memory_space<vmem>>
        %dma_wait3A_641 = tpu.memref_squeeze %dma_wait3A_640 : memref<1x1600xf32, #tpu.memory_space<vmem>> -> memref<1600xf32, #tpu.memory_space<vmem>>
        %dma_wait3A_642 = tpu.memref_slice %arg7[%dma_wait3A_638, %mul3A_16] : memref<32x200000xf32, #tpu.memory_space<hbm>> -> memref<1x1600xf32, #tpu.memory_space<hbm>>
        %dma_wait3A_643 = tpu.memref_squeeze %dma_wait3A_642 : memref<1x1600xf32, #tpu.memory_space<hbm>> -> memref<1600xf32, #tpu.memory_space<hbm>>
        %dma_wait3A_644 = tpu.memref_slice %arg7[%dma_wait3A_638, %mul3A_16] : memref<32x200000xf32, #tpu.memory_space<hbm>> -> memref<1x1600xf32, #tpu.memory_space<hbm>>
        %dma_wait3A_645 = tpu.memref_squeeze %dma_wait3A_644 : memref<1x1600xf32, #tpu.memory_space<hbm>> -> memref<1600xf32, #tpu.memory_space<hbm>>
        %dma_wait3A_646 = arith.constant 0 : i32
        %dma_wait3A_647 = tpu.memref_slice %arg17[%dma_wait3A_637, %dma_wait3A_646] : memref<32x1601xf32, #tpu.memory_space<vmem>> -> memref<1x1600xf32, #tpu.memory_space<vmem>>
        %dma_wait3A_648 = tpu.memref_squeeze %dma_wait3A_647 : memref<1x1600xf32, #tpu.memory_space<vmem>> -> memref<1600xf32, #tpu.memory_space<vmem>>
        tpu.wait_dma2 semaphore(%arg24 : memref<!tpu.dma_semaphore, #tpu.memory_space<semaphore_mem>>) src(%dma_wait3A_648 : memref<1600xf32, #tpu.memory_space<vmem>>) dst(%dma_wait3A_645 : memref<1600xf32, #tpu.memory_space<hbm>>)
        %dma_wait3A_649 = arith.constant 10 : i32
        %dma_wait3A_650 = arith.constant 10 : i32
        %dma_wait3A_651 = arith.constant 0 : i32
        %dma_wait3A_652 = tpu.memref_slice %arg17[%dma_wait3A_649, %dma_wait3A_651] : memref<32x1601xf32, #tpu.memory_space<vmem>> -> memref<1x1600xf32, #tpu.memory_space<vmem>>
        %dma_wait3A_653 = tpu.memref_squeeze %dma_wait3A_652 : memref<1x1600xf32, #tpu.memory_space<vmem>> -> memref<1600xf32, #tpu.memory_space<vmem>>
        %dma_wait3A_654 = tpu.memref_slice %arg7[%dma_wait3A_650, %mul3A_16] : memref<32x200000xf32, #tpu.memory_space<hbm>> -> memref<1x1600xf32, #tpu.memory_space<hbm>>
        %dma_wait3A_655 = tpu.memref_squeeze %dma_wait3A_654 : memref<1x1600xf32, #tpu.memory_space<hbm>> -> memref<1600xf32, #tpu.memory_space<hbm>>
        %dma_wait3A_656 = tpu.memref_slice %arg7[%dma_wait3A_650, %mul3A_16] : memref<32x200000xf32, #tpu.memory_space<hbm>> -> memref<1x1600xf32, #tpu.memory_space<hbm>>
        %dma_wait3A_657 = tpu.memref_squeeze %dma_wait3A_656 : memref<1x1600xf32, #tpu.memory_space<hbm>> -> memref<1600xf32, #tpu.memory_space<hbm>>
        %dma_wait3A_658 = arith.constant 0 : i32
        %dma_wait3A_659 = tpu.memref_slice %arg17[%dma_wait3A_649, %dma_wait3A_658] : memref<32x1601xf32, #tpu.memory_space<vmem>> -> memref<1x1600xf32, #tpu.memory_space<vmem>>
        %dma_wait3A_660 = tpu.memref_squeeze %dma_wait3A_659 : memref<1x1600xf32, #tpu.memory_space<vmem>> -> memref<1600xf32, #tpu.memory_space<vmem>>
        tpu.wait_dma2 semaphore(%arg24 : memref<!tpu.dma_semaphore, #tpu.memory_space<semaphore_mem>>) src(%dma_wait3A_660 : memref<1600xf32, #tpu.memory_space<vmem>>) dst(%dma_wait3A_657 : memref<1600xf32, #tpu.memory_space<hbm>>)
        %dma_wait3A_661 = arith.constant 11 : i32
        %dma_wait3A_662 = arith.constant 11 : i32
        %dma_wait3A_663 = arith.constant 0 : i32
        %dma_wait3A_664 = tpu.memref_slice %arg17[%dma_wait3A_661, %dma_wait3A_663] : memref<32x1601xf32, #tpu.memory_space<vmem>> -> memref<1x1600xf32, #tpu.memory_space<vmem>>
        %dma_wait3A_665 = tpu.memref_squeeze %dma_wait3A_664 : memref<1x1600xf32, #tpu.memory_space<vmem>> -> memref<1600xf32, #tpu.memory_space<vmem>>
        %dma_wait3A_666 = tpu.memref_slice %arg7[%dma_wait3A_662, %mul3A_16] : memref<32x200000xf32, #tpu.memory_space<hbm>> -> memref<1x1600xf32, #tpu.memory_space<hbm>>
        %dma_wait3A_667 = tpu.memref_squeeze %dma_wait3A_666 : memref<1x1600xf32, #tpu.memory_space<hbm>> -> memref<1600xf32, #tpu.memory_space<hbm>>
        %dma_wait3A_668 = tpu.memref_slice %arg7[%dma_wait3A_662, %mul3A_16] : memref<32x200000xf32, #tpu.memory_space<hbm>> -> memref<1x1600xf32, #tpu.memory_space<hbm>>
        %dma_wait3A_669 = tpu.memref_squeeze %dma_wait3A_668 : memref<1x1600xf32, #tpu.memory_space<hbm>> -> memref<1600xf32, #tpu.memory_space<hbm>>
        %dma_wait3A_670 = arith.constant 0 : i32
        %dma_wait3A_671 = tpu.memref_slice %arg17[%dma_wait3A_661, %dma_wait3A_670] : memref<32x1601xf32, #tpu.memory_space<vmem>> -> memref<1x1600xf32, #tpu.memory_space<vmem>>
        %dma_wait3A_672 = tpu.memref_squeeze %dma_wait3A_671 : memref<1x1600xf32, #tpu.memory_space<vmem>> -> memref<1600xf32, #tpu.memory_space<vmem>>
        tpu.wait_dma2 semaphore(%arg24 : memref<!tpu.dma_semaphore, #tpu.memory_space<semaphore_mem>>) src(%dma_wait3A_672 : memref<1600xf32, #tpu.memory_space<vmem>>) dst(%dma_wait3A_669 : memref<1600xf32, #tpu.memory_space<hbm>>)
        %dma_wait3A_673 = arith.constant 12 : i32
        %dma_wait3A_674 = arith.constant 12 : i32
        %dma_wait3A_675 = arith.constant 0 : i32
        %dma_wait3A_676 = tpu.memref_slice %arg17[%dma_wait3A_673, %dma_wait3A_675] : memref<32x1601xf32, #tpu.memory_space<vmem>> -> memref<1x1600xf32, #tpu.memory_space<vmem>>
        %dma_wait3A_677 = tpu.memref_squeeze %dma_wait3A_676 : memref<1x1600xf32, #tpu.memory_space<vmem>> -> memref<1600xf32, #tpu.memory_space<vmem>>
        %dma_wait3A_678 = tpu.memref_slice %arg7[%dma_wait3A_674, %mul3A_16] : memref<32x200000xf32, #tpu.memory_space<hbm>> -> memref<1x1600xf32, #tpu.memory_space<hbm>>
        %dma_wait3A_679 = tpu.memref_squeeze %dma_wait3A_678 : memref<1x1600xf32, #tpu.memory_space<hbm>> -> memref<1600xf32, #tpu.memory_space<hbm>>
        %dma_wait3A_680 = tpu.memref_slice %arg7[%dma_wait3A_674, %mul3A_16] : memref<32x200000xf32, #tpu.memory_space<hbm>> -> memref<1x1600xf32, #tpu.memory_space<hbm>>
        %dma_wait3A_681 = tpu.memref_squeeze %dma_wait3A_680 : memref<1x1600xf32, #tpu.memory_space<hbm>> -> memref<1600xf32, #tpu.memory_space<hbm>>
        %dma_wait3A_682 = arith.constant 0 : i32
        %dma_wait3A_683 = tpu.memref_slice %arg17[%dma_wait3A_673, %dma_wait3A_682] : memref<32x1601xf32, #tpu.memory_space<vmem>> -> memref<1x1600xf32, #tpu.memory_space<vmem>>
        %dma_wait3A_684 = tpu.memref_squeeze %dma_wait3A_683 : memref<1x1600xf32, #tpu.memory_space<vmem>> -> memref<1600xf32, #tpu.memory_space<vmem>>
        tpu.wait_dma2 semaphore(%arg24 : memref<!tpu.dma_semaphore, #tpu.memory_space<semaphore_mem>>) src(%dma_wait3A_684 : memref<1600xf32, #tpu.memory_space<vmem>>) dst(%dma_wait3A_681 : memref<1600xf32, #tpu.memory_space<hbm>>)
        %dma_wait3A_685 = arith.constant 13 : i32
        %dma_wait3A_686 = arith.constant 13 : i32
        %dma_wait3A_687 = arith.constant 0 : i32
        %dma_wait3A_688 = tpu.memref_slice %arg17[%dma_wait3A_685, %dma_wait3A_687] : memref<32x1601xf32, #tpu.memory_space<vmem>> -> memref<1x1600xf32, #tpu.memory_space<vmem>>
        %dma_wait3A_689 = tpu.memref_squeeze %dma_wait3A_688 : memref<1x1600xf32, #tpu.memory_space<vmem>> -> memref<1600xf32, #tpu.memory_space<vmem>>
        %dma_wait3A_690 = tpu.memref_slice %arg7[%dma_wait3A_686, %mul3A_16] : memref<32x200000xf32, #tpu.memory_space<hbm>> -> memref<1x1600xf32, #tpu.memory_space<hbm>>
        %dma_wait3A_691 = tpu.memref_squeeze %dma_wait3A_690 : memref<1x1600xf32, #tpu.memory_space<hbm>> -> memref<1600xf32, #tpu.memory_space<hbm>>
        %dma_wait3A_692 = tpu.memref_slice %arg7[%dma_wait3A_686, %mul3A_16] : memref<32x200000xf32, #tpu.memory_space<hbm>> -> memref<1x1600xf32, #tpu.memory_space<hbm>>
        %dma_wait3A_693 = tpu.memref_squeeze %dma_wait3A_692 : memref<1x1600xf32, #tpu.memory_space<hbm>> -> memref<1600xf32, #tpu.memory_space<hbm>>
        %dma_wait3A_694 = arith.constant 0 : i32
        %dma_wait3A_695 = tpu.memref_slice %arg17[%dma_wait3A_685, %dma_wait3A_694] : memref<32x1601xf32, #tpu.memory_space<vmem>> -> memref<1x1600xf32, #tpu.memory_space<vmem>>
        %dma_wait3A_696 = tpu.memref_squeeze %dma_wait3A_695 : memref<1x1600xf32, #tpu.memory_space<vmem>> -> memref<1600xf32, #tpu.memory_space<vmem>>
        tpu.wait_dma2 semaphore(%arg24 : memref<!tpu.dma_semaphore, #tpu.memory_space<semaphore_mem>>) src(%dma_wait3A_696 : memref<1600xf32, #tpu.memory_space<vmem>>) dst(%dma_wait3A_693 : memref<1600xf32, #tpu.memory_space<hbm>>)
        %dma_wait3A_697 = arith.constant 14 : i32
        %dma_wait3A_698 = arith.constant 14 : i32
        %dma_wait3A_699 = arith.constant 0 : i32
        %dma_wait3A_700 = tpu.memref_slice %arg17[%dma_wait3A_697, %dma_wait3A_699] : memref<32x1601xf32, #tpu.memory_space<vmem>> -> memref<1x1600xf32, #tpu.memory_space<vmem>>
        %dma_wait3A_701 = tpu.memref_squeeze %dma_wait3A_700 : memref<1x1600xf32, #tpu.memory_space<vmem>> -> memref<1600xf32, #tpu.memory_space<vmem>>
        %dma_wait3A_702 = tpu.memref_slice %arg7[%dma_wait3A_698, %mul3A_16] : memref<32x200000xf32, #tpu.memory_space<hbm>> -> memref<1x1600xf32, #tpu.memory_space<hbm>>
        %dma_wait3A_703 = tpu.memref_squeeze %dma_wait3A_702 : memref<1x1600xf32, #tpu.memory_space<hbm>> -> memref<1600xf32, #tpu.memory_space<hbm>>
        %dma_wait3A_704 = tpu.memref_slice %arg7[%dma_wait3A_698, %mul3A_16] : memref<32x200000xf32, #tpu.memory_space<hbm>> -> memref<1x1600xf32, #tpu.memory_space<hbm>>
        %dma_wait3A_705 = tpu.memref_squeeze %dma_wait3A_704 : memref<1x1600xf32, #tpu.memory_space<hbm>> -> memref<1600xf32, #tpu.memory_space<hbm>>
        %dma_wait3A_706 = arith.constant 0 : i32
        %dma_wait3A_707 = tpu.memref_slice %arg17[%dma_wait3A_697, %dma_wait3A_706] : memref<32x1601xf32, #tpu.memory_space<vmem>> -> memref<1x1600xf32, #tpu.memory_space<vmem>>
        %dma_wait3A_708 = tpu.memref_squeeze %dma_wait3A_707 : memref<1x1600xf32, #tpu.memory_space<vmem>> -> memref<1600xf32, #tpu.memory_space<vmem>>
        tpu.wait_dma2 semaphore(%arg24 : memref<!tpu.dma_semaphore, #tpu.memory_space<semaphore_mem>>) src(%dma_wait3A_708 : memref<1600xf32, #tpu.memory_space<vmem>>) dst(%dma_wait3A_705 : memref<1600xf32, #tpu.memory_space<hbm>>)
        %dma_wait3A_709 = arith.constant 15 : i32
        %dma_wait3A_710 = arith.constant 15 : i32
        %dma_wait3A_711 = arith.constant 0 : i32
        %dma_wait3A_712 = tpu.memref_slice %arg17[%dma_wait3A_709, %dma_wait3A_711] : memref<32x1601xf32, #tpu.memory_space<vmem>> -> memref<1x1600xf32, #tpu.memory_space<vmem>>
        %dma_wait3A_713 = tpu.memref_squeeze %dma_wait3A_712 : memref<1x1600xf32, #tpu.memory_space<vmem>> -> memref<1600xf32, #tpu.memory_space<vmem>>
        %dma_wait3A_714 = tpu.memref_slice %arg7[%dma_wait3A_710, %mul3A_16] : memref<32x200000xf32, #tpu.memory_space<hbm>> -> memref<1x1600xf32, #tpu.memory_space<hbm>>
        %dma_wait3A_715 = tpu.memref_squeeze %dma_wait3A_714 : memref<1x1600xf32, #tpu.memory_space<hbm>> -> memref<1600xf32, #tpu.memory_space<hbm>>
        %dma_wait3A_716 = tpu.memref_slice %arg7[%dma_wait3A_710, %mul3A_16] : memref<32x200000xf32, #tpu.memory_space<hbm>> -> memref<1x1600xf32, #tpu.memory_space<hbm>>
        %dma_wait3A_717 = tpu.memref_squeeze %dma_wait3A_716 : memref<1x1600xf32, #tpu.memory_space<hbm>> -> memref<1600xf32, #tpu.memory_space<hbm>>
        %dma_wait3A_718 = arith.constant 0 : i32
        %dma_wait3A_719 = tpu.memref_slice %arg17[%dma_wait3A_709, %dma_wait3A_718] : memref<32x1601xf32, #tpu.memory_space<vmem>> -> memref<1x1600xf32, #tpu.memory_space<vmem>>
        %dma_wait3A_720 = tpu.memref_squeeze %dma_wait3A_719 : memref<1x1600xf32, #tpu.memory_space<vmem>> -> memref<1600xf32, #tpu.memory_space<vmem>>
        tpu.wait_dma2 semaphore(%arg24 : memref<!tpu.dma_semaphore, #tpu.memory_space<semaphore_mem>>) src(%dma_wait3A_720 : memref<1600xf32, #tpu.memory_space<vmem>>) dst(%dma_wait3A_717 : memref<1600xf32, #tpu.memory_space<hbm>>)
        %dma_wait3A_721 = arith.constant 16 : i32
        %dma_wait3A_722 = arith.constant 16 : i32
        %dma_wait3A_723 = arith.constant 0 : i32
        %dma_wait3A_724 = tpu.memref_slice %arg17[%dma_wait3A_721, %dma_wait3A_723] : memref<32x1601xf32, #tpu.memory_space<vmem>> -> memref<1x1600xf32, #tpu.memory_space<vmem>>
        %dma_wait3A_725 = tpu.memref_squeeze %dma_wait3A_724 : memref<1x1600xf32, #tpu.memory_space<vmem>> -> memref<1600xf32, #tpu.memory_space<vmem>>
        %dma_wait3A_726 = tpu.memref_slice %arg7[%dma_wait3A_722, %mul3A_16] : memref<32x200000xf32, #tpu.memory_space<hbm>> -> memref<1x1600xf32, #tpu.memory_space<hbm>>
        %dma_wait3A_727 = tpu.memref_squeeze %dma_wait3A_726 : memref<1x1600xf32, #tpu.memory_space<hbm>> -> memref<1600xf32, #tpu.memory_space<hbm>>
        %dma_wait3A_728 = tpu.memref_slice %arg7[%dma_wait3A_722, %mul3A_16] : memref<32x200000xf32, #tpu.memory_space<hbm>> -> memref<1x1600xf32, #tpu.memory_space<hbm>>
        %dma_wait3A_729 = tpu.memref_squeeze %dma_wait3A_728 : memref<1x1600xf32, #tpu.memory_space<hbm>> -> memref<1600xf32, #tpu.memory_space<hbm>>
        %dma_wait3A_730 = arith.constant 0 : i32
        %dma_wait3A_731 = tpu.memref_slice %arg17[%dma_wait3A_721, %dma_wait3A_730] : memref<32x1601xf32, #tpu.memory_space<vmem>> -> memref<1x1600xf32, #tpu.memory_space<vmem>>
        %dma_wait3A_732 = tpu.memref_squeeze %dma_wait3A_731 : memref<1x1600xf32, #tpu.memory_space<vmem>> -> memref<1600xf32, #tpu.memory_space<vmem>>
        tpu.wait_dma2 semaphore(%arg24 : memref<!tpu.dma_semaphore, #tpu.memory_space<semaphore_mem>>) src(%dma_wait3A_732 : memref<1600xf32, #tpu.memory_space<vmem>>) dst(%dma_wait3A_729 : memref<1600xf32, #tpu.memory_space<hbm>>)
        %dma_wait3A_733 = arith.constant 17 : i32
        %dma_wait3A_734 = arith.constant 17 : i32
        %dma_wait3A_735 = arith.constant 0 : i32
        %dma_wait3A_736 = tpu.memref_slice %arg17[%dma_wait3A_733, %dma_wait3A_735] : memref<32x1601xf32, #tpu.memory_space<vmem>> -> memref<1x1600xf32, #tpu.memory_space<vmem>>
        %dma_wait3A_737 = tpu.memref_squeeze %dma_wait3A_736 : memref<1x1600xf32, #tpu.memory_space<vmem>> -> memref<1600xf32, #tpu.memory_space<vmem>>
        %dma_wait3A_738 = tpu.memref_slice %arg7[%dma_wait3A_734, %mul3A_16] : memref<32x200000xf32, #tpu.memory_space<hbm>> -> memref<1x1600xf32, #tpu.memory_space<hbm>>
        %dma_wait3A_739 = tpu.memref_squeeze %dma_wait3A_738 : memref<1x1600xf32, #tpu.memory_space<hbm>> -> memref<1600xf32, #tpu.memory_space<hbm>>
        %dma_wait3A_740 = tpu.memref_slice %arg7[%dma_wait3A_734, %mul3A_16] : memref<32x200000xf32, #tpu.memory_space<hbm>> -> memref<1x1600xf32, #tpu.memory_space<hbm>>
        %dma_wait3A_741 = tpu.memref_squeeze %dma_wait3A_740 : memref<1x1600xf32, #tpu.memory_space<hbm>> -> memref<1600xf32, #tpu.memory_space<hbm>>
        %dma_wait3A_742 = arith.constant 0 : i32
        %dma_wait3A_743 = tpu.memref_slice %arg17[%dma_wait3A_733, %dma_wait3A_742] : memref<32x1601xf32, #tpu.memory_space<vmem>> -> memref<1x1600xf32, #tpu.memory_space<vmem>>
        %dma_wait3A_744 = tpu.memref_squeeze %dma_wait3A_743 : memref<1x1600xf32, #tpu.memory_space<vmem>> -> memref<1600xf32, #tpu.memory_space<vmem>>
        tpu.wait_dma2 semaphore(%arg24 : memref<!tpu.dma_semaphore, #tpu.memory_space<semaphore_mem>>) src(%dma_wait3A_744 : memref<1600xf32, #tpu.memory_space<vmem>>) dst(%dma_wait3A_741 : memref<1600xf32, #tpu.memory_space<hbm>>)
        %dma_wait3A_745 = arith.constant 18 : i32
        %dma_wait3A_746 = arith.constant 18 : i32
        %dma_wait3A_747 = arith.constant 0 : i32
        %dma_wait3A_748 = tpu.memref_slice %arg17[%dma_wait3A_745, %dma_wait3A_747] : memref<32x1601xf32, #tpu.memory_space<vmem>> -> memref<1x1600xf32, #tpu.memory_space<vmem>>
        %dma_wait3A_749 = tpu.memref_squeeze %dma_wait3A_748 : memref<1x1600xf32, #tpu.memory_space<vmem>> -> memref<1600xf32, #tpu.memory_space<vmem>>
        %dma_wait3A_750 = tpu.memref_slice %arg7[%dma_wait3A_746, %mul3A_16] : memref<32x200000xf32, #tpu.memory_space<hbm>> -> memref<1x1600xf32, #tpu.memory_space<hbm>>
        %dma_wait3A_751 = tpu.memref_squeeze %dma_wait3A_750 : memref<1x1600xf32, #tpu.memory_space<hbm>> -> memref<1600xf32, #tpu.memory_space<hbm>>
        %dma_wait3A_752 = tpu.memref_slice %arg7[%dma_wait3A_746, %mul3A_16] : memref<32x200000xf32, #tpu.memory_space<hbm>> -> memref<1x1600xf32, #tpu.memory_space<hbm>>
        %dma_wait3A_753 = tpu.memref_squeeze %dma_wait3A_752 : memref<1x1600xf32, #tpu.memory_space<hbm>> -> memref<1600xf32, #tpu.memory_space<hbm>>
        %dma_wait3A_754 = arith.constant 0 : i32
        %dma_wait3A_755 = tpu.memref_slice %arg17[%dma_wait3A_745, %dma_wait3A_754] : memref<32x1601xf32, #tpu.memory_space<vmem>> -> memref<1x1600xf32, #tpu.memory_space<vmem>>
        %dma_wait3A_756 = tpu.memref_squeeze %dma_wait3A_755 : memref<1x1600xf32, #tpu.memory_space<vmem>> -> memref<1600xf32, #tpu.memory_space<vmem>>
        tpu.wait_dma2 semaphore(%arg24 : memref<!tpu.dma_semaphore, #tpu.memory_space<semaphore_mem>>) src(%dma_wait3A_756 : memref<1600xf32, #tpu.memory_space<vmem>>) dst(%dma_wait3A_753 : memref<1600xf32, #tpu.memory_space<hbm>>)
        %dma_wait3A_757 = arith.constant 19 : i32
        %dma_wait3A_758 = arith.constant 19 : i32
        %dma_wait3A_759 = arith.constant 0 : i32
        %dma_wait3A_760 = tpu.memref_slice %arg17[%dma_wait3A_757, %dma_wait3A_759] : memref<32x1601xf32, #tpu.memory_space<vmem>> -> memref<1x1600xf32, #tpu.memory_space<vmem>>
        %dma_wait3A_761 = tpu.memref_squeeze %dma_wait3A_760 : memref<1x1600xf32, #tpu.memory_space<vmem>> -> memref<1600xf32, #tpu.memory_space<vmem>>
        %dma_wait3A_762 = tpu.memref_slice %arg7[%dma_wait3A_758, %mul3A_16] : memref<32x200000xf32, #tpu.memory_space<hbm>> -> memref<1x1600xf32, #tpu.memory_space<hbm>>
        %dma_wait3A_763 = tpu.memref_squeeze %dma_wait3A_762 : memref<1x1600xf32, #tpu.memory_space<hbm>> -> memref<1600xf32, #tpu.memory_space<hbm>>
        %dma_wait3A_764 = tpu.memref_slice %arg7[%dma_wait3A_758, %mul3A_16] : memref<32x200000xf32, #tpu.memory_space<hbm>> -> memref<1x1600xf32, #tpu.memory_space<hbm>>
        %dma_wait3A_765 = tpu.memref_squeeze %dma_wait3A_764 : memref<1x1600xf32, #tpu.memory_space<hbm>> -> memref<1600xf32, #tpu.memory_space<hbm>>
        %dma_wait3A_766 = arith.constant 0 : i32
        %dma_wait3A_767 = tpu.memref_slice %arg17[%dma_wait3A_757, %dma_wait3A_766] : memref<32x1601xf32, #tpu.memory_space<vmem>> -> memref<1x1600xf32, #tpu.memory_space<vmem>>
        %dma_wait3A_768 = tpu.memref_squeeze %dma_wait3A_767 : memref<1x1600xf32, #tpu.memory_space<vmem>> -> memref<1600xf32, #tpu.memory_space<vmem>>
        tpu.wait_dma2 semaphore(%arg24 : memref<!tpu.dma_semaphore, #tpu.memory_space<semaphore_mem>>) src(%dma_wait3A_768 : memref<1600xf32, #tpu.memory_space<vmem>>) dst(%dma_wait3A_765 : memref<1600xf32, #tpu.memory_space<hbm>>)
        %dma_wait3A_769 = arith.constant 20 : i32
        %dma_wait3A_770 = arith.constant 20 : i32
        %dma_wait3A_771 = arith.constant 0 : i32
        %dma_wait3A_772 = tpu.memref_slice %arg17[%dma_wait3A_769, %dma_wait3A_771] : memref<32x1601xf32, #tpu.memory_space<vmem>> -> memref<1x1600xf32, #tpu.memory_space<vmem>>
        %dma_wait3A_773 = tpu.memref_squeeze %dma_wait3A_772 : memref<1x1600xf32, #tpu.memory_space<vmem>> -> memref<1600xf32, #tpu.memory_space<vmem>>
        %dma_wait3A_774 = tpu.memref_slice %arg7[%dma_wait3A_770, %mul3A_16] : memref<32x200000xf32, #tpu.memory_space<hbm>> -> memref<1x1600xf32, #tpu.memory_space<hbm>>
        %dma_wait3A_775 = tpu.memref_squeeze %dma_wait3A_774 : memref<1x1600xf32, #tpu.memory_space<hbm>> -> memref<1600xf32, #tpu.memory_space<hbm>>
        %dma_wait3A_776 = tpu.memref_slice %arg7[%dma_wait3A_770, %mul3A_16] : memref<32x200000xf32, #tpu.memory_space<hbm>> -> memref<1x1600xf32, #tpu.memory_space<hbm>>
        %dma_wait3A_777 = tpu.memref_squeeze %dma_wait3A_776 : memref<1x1600xf32, #tpu.memory_space<hbm>> -> memref<1600xf32, #tpu.memory_space<hbm>>
        %dma_wait3A_778 = arith.constant 0 : i32
        %dma_wait3A_779 = tpu.memref_slice %arg17[%dma_wait3A_769, %dma_wait3A_778] : memref<32x1601xf32, #tpu.memory_space<vmem>> -> memref<1x1600xf32, #tpu.memory_space<vmem>>
        %dma_wait3A_780 = tpu.memref_squeeze %dma_wait3A_779 : memref<1x1600xf32, #tpu.memory_space<vmem>> -> memref<1600xf32, #tpu.memory_space<vmem>>
        tpu.wait_dma2 semaphore(%arg24 : memref<!tpu.dma_semaphore, #tpu.memory_space<semaphore_mem>>) src(%dma_wait3A_780 : memref<1600xf32, #tpu.memory_space<vmem>>) dst(%dma_wait3A_777 : memref<1600xf32, #tpu.memory_space<hbm>>)
        %dma_wait3A_781 = arith.constant 21 : i32
        %dma_wait3A_782 = arith.constant 21 : i32
        %dma_wait3A_783 = arith.constant 0 : i32
        %dma_wait3A_784 = tpu.memref_slice %arg17[%dma_wait3A_781, %dma_wait3A_783] : memref<32x1601xf32, #tpu.memory_space<vmem>> -> memref<1x1600xf32, #tpu.memory_space<vmem>>
        %dma_wait3A_785 = tpu.memref_squeeze %dma_wait3A_784 : memref<1x1600xf32, #tpu.memory_space<vmem>> -> memref<1600xf32, #tpu.memory_space<vmem>>
        %dma_wait3A_786 = tpu.memref_slice %arg7[%dma_wait3A_782, %mul3A_16] : memref<32x200000xf32, #tpu.memory_space<hbm>> -> memref<1x1600xf32, #tpu.memory_space<hbm>>
        %dma_wait3A_787 = tpu.memref_squeeze %dma_wait3A_786 : memref<1x1600xf32, #tpu.memory_space<hbm>> -> memref<1600xf32, #tpu.memory_space<hbm>>
        %dma_wait3A_788 = tpu.memref_slice %arg7[%dma_wait3A_782, %mul3A_16] : memref<32x200000xf32, #tpu.memory_space<hbm>> -> memref<1x1600xf32, #tpu.memory_space<hbm>>
        %dma_wait3A_789 = tpu.memref_squeeze %dma_wait3A_788 : memref<1x1600xf32, #tpu.memory_space<hbm>> -> memref<1600xf32, #tpu.memory_space<hbm>>
        %dma_wait3A_790 = arith.constant 0 : i32
        %dma_wait3A_791 = tpu.memref_slice %arg17[%dma_wait3A_781, %dma_wait3A_790] : memref<32x1601xf32, #tpu.memory_space<vmem>> -> memref<1x1600xf32, #tpu.memory_space<vmem>>
        %dma_wait3A_792 = tpu.memref_squeeze %dma_wait3A_791 : memref<1x1600xf32, #tpu.memory_space<vmem>> -> memref<1600xf32, #tpu.memory_space<vmem>>
        tpu.wait_dma2 semaphore(%arg24 : memref<!tpu.dma_semaphore, #tpu.memory_space<semaphore_mem>>) src(%dma_wait3A_792 : memref<1600xf32, #tpu.memory_space<vmem>>) dst(%dma_wait3A_789 : memref<1600xf32, #tpu.memory_space<hbm>>)
        %dma_wait3A_793 = arith.constant 22 : i32
        %dma_wait3A_794 = arith.constant 22 : i32
        %dma_wait3A_795 = arith.constant 0 : i32
        %dma_wait3A_796 = tpu.memref_slice %arg17[%dma_wait3A_793, %dma_wait3A_795] : memref<32x1601xf32, #tpu.memory_space<vmem>> -> memref<1x1600xf32, #tpu.memory_space<vmem>>
        %dma_wait3A_797 = tpu.memref_squeeze %dma_wait3A_796 : memref<1x1600xf32, #tpu.memory_space<vmem>> -> memref<1600xf32, #tpu.memory_space<vmem>>
        %dma_wait3A_798 = tpu.memref_slice %arg7[%dma_wait3A_794, %mul3A_16] : memref<32x200000xf32, #tpu.memory_space<hbm>> -> memref<1x1600xf32, #tpu.memory_space<hbm>>
        %dma_wait3A_799 = tpu.memref_squeeze %dma_wait3A_798 : memref<1x1600xf32, #tpu.memory_space<hbm>> -> memref<1600xf32, #tpu.memory_space<hbm>>
        %dma_wait3A_800 = tpu.memref_slice %arg7[%dma_wait3A_794, %mul3A_16] : memref<32x200000xf32, #tpu.memory_space<hbm>> -> memref<1x1600xf32, #tpu.memory_space<hbm>>
        %dma_wait3A_801 = tpu.memref_squeeze %dma_wait3A_800 : memref<1x1600xf32, #tpu.memory_space<hbm>> -> memref<1600xf32, #tpu.memory_space<hbm>>
        %dma_wait3A_802 = arith.constant 0 : i32
        %dma_wait3A_803 = tpu.memref_slice %arg17[%dma_wait3A_793, %dma_wait3A_802] : memref<32x1601xf32, #tpu.memory_space<vmem>> -> memref<1x1600xf32, #tpu.memory_space<vmem>>
        %dma_wait3A_804 = tpu.memref_squeeze %dma_wait3A_803 : memref<1x1600xf32, #tpu.memory_space<vmem>> -> memref<1600xf32, #tpu.memory_space<vmem>>
        tpu.wait_dma2 semaphore(%arg24 : memref<!tpu.dma_semaphore, #tpu.memory_space<semaphore_mem>>) src(%dma_wait3A_804 : memref<1600xf32, #tpu.memory_space<vmem>>) dst(%dma_wait3A_801 : memref<1600xf32, #tpu.memory_space<hbm>>)
        %dma_wait3A_805 = arith.constant 23 : i32
        %dma_wait3A_806 = arith.constant 23 : i32
        %dma_wait3A_807 = arith.constant 0 : i32
        %dma_wait3A_808 = tpu.memref_slice %arg17[%dma_wait3A_805, %dma_wait3A_807] : memref<32x1601xf32, #tpu.memory_space<vmem>> -> memref<1x1600xf32, #tpu.memory_space<vmem>>
        %dma_wait3A_809 = tpu.memref_squeeze %dma_wait3A_808 : memref<1x1600xf32, #tpu.memory_space<vmem>> -> memref<1600xf32, #tpu.memory_space<vmem>>
        %dma_wait3A_810 = tpu.memref_slice %arg7[%dma_wait3A_806, %mul3A_16] : memref<32x200000xf32, #tpu.memory_space<hbm>> -> memref<1x1600xf32, #tpu.memory_space<hbm>>
        %dma_wait3A_811 = tpu.memref_squeeze %dma_wait3A_810 : memref<1x1600xf32, #tpu.memory_space<hbm>> -> memref<1600xf32, #tpu.memory_space<hbm>>
        %dma_wait3A_812 = tpu.memref_slice %arg7[%dma_wait3A_806, %mul3A_16] : memref<32x200000xf32, #tpu.memory_space<hbm>> -> memref<1x1600xf32, #tpu.memory_space<hbm>>
        %dma_wait3A_813 = tpu.memref_squeeze %dma_wait3A_812 : memref<1x1600xf32, #tpu.memory_space<hbm>> -> memref<1600xf32, #tpu.memory_space<hbm>>
        %dma_wait3A_814 = arith.constant 0 : i32
        %dma_wait3A_815 = tpu.memref_slice %arg17[%dma_wait3A_805, %dma_wait3A_814] : memref<32x1601xf32, #tpu.memory_space<vmem>> -> memref<1x1600xf32, #tpu.memory_space<vmem>>
        %dma_wait3A_816 = tpu.memref_squeeze %dma_wait3A_815 : memref<1x1600xf32, #tpu.memory_space<vmem>> -> memref<1600xf32, #tpu.memory_space<vmem>>
        tpu.wait_dma2 semaphore(%arg24 : memref<!tpu.dma_semaphore, #tpu.memory_space<semaphore_mem>>) src(%dma_wait3A_816 : memref<1600xf32, #tpu.memory_space<vmem>>) dst(%dma_wait3A_813 : memref<1600xf32, #tpu.memory_space<hbm>>)
        %dma_wait3A_817 = arith.constant 24 : i32
        %dma_wait3A_818 = arith.constant 24 : i32
        %dma_wait3A_819 = arith.constant 0 : i32
        %dma_wait3A_820 = tpu.memref_slice %arg17[%dma_wait3A_817, %dma_wait3A_819] : memref<32x1601xf32, #tpu.memory_space<vmem>> -> memref<1x1600xf32, #tpu.memory_space<vmem>>
        %dma_wait3A_821 = tpu.memref_squeeze %dma_wait3A_820 : memref<1x1600xf32, #tpu.memory_space<vmem>> -> memref<1600xf32, #tpu.memory_space<vmem>>
        %dma_wait3A_822 = tpu.memref_slice %arg7[%dma_wait3A_818, %mul3A_16] : memref<32x200000xf32, #tpu.memory_space<hbm>> -> memref<1x1600xf32, #tpu.memory_space<hbm>>
        %dma_wait3A_823 = tpu.memref_squeeze %dma_wait3A_822 : memref<1x1600xf32, #tpu.memory_space<hbm>> -> memref<1600xf32, #tpu.memory_space<hbm>>
        %dma_wait3A_824 = tpu.memref_slice %arg7[%dma_wait3A_818, %mul3A_16] : memref<32x200000xf32, #tpu.memory_space<hbm>> -> memref<1x1600xf32, #tpu.memory_space<hbm>>
        %dma_wait3A_825 = tpu.memref_squeeze %dma_wait3A_824 : memref<1x1600xf32, #tpu.memory_space<hbm>> -> memref<1600xf32, #tpu.memory_space<hbm>>
        %dma_wait3A_826 = arith.constant 0 : i32
        %dma_wait3A_827 = tpu.memref_slice %arg17[%dma_wait3A_817, %dma_wait3A_826] : memref<32x1601xf32, #tpu.memory_space<vmem>> -> memref<1x1600xf32, #tpu.memory_space<vmem>>
        %dma_wait3A_828 = tpu.memref_squeeze %dma_wait3A_827 : memref<1x1600xf32, #tpu.memory_space<vmem>> -> memref<1600xf32, #tpu.memory_space<vmem>>
        tpu.wait_dma2 semaphore(%arg24 : memref<!tpu.dma_semaphore, #tpu.memory_space<semaphore_mem>>) src(%dma_wait3A_828 : memref<1600xf32, #tpu.memory_space<vmem>>) dst(%dma_wait3A_825 : memref<1600xf32, #tpu.memory_space<hbm>>)
        %dma_wait3A_829 = arith.constant 25 : i32
        %dma_wait3A_830 = arith.constant 25 : i32
        %dma_wait3A_831 = arith.constant 0 : i32
        %dma_wait3A_832 = tpu.memref_slice %arg17[%dma_wait3A_829, %dma_wait3A_831] : memref<32x1601xf32, #tpu.memory_space<vmem>> -> memref<1x1600xf32, #tpu.memory_space<vmem>>
        %dma_wait3A_833 = tpu.memref_squeeze %dma_wait3A_832 : memref<1x1600xf32, #tpu.memory_space<vmem>> -> memref<1600xf32, #tpu.memory_space<vmem>>
        %dma_wait3A_834 = tpu.memref_slice %arg7[%dma_wait3A_830, %mul3A_16] : memref<32x200000xf32, #tpu.memory_space<hbm>> -> memref<1x1600xf32, #tpu.memory_space<hbm>>
        %dma_wait3A_835 = tpu.memref_squeeze %dma_wait3A_834 : memref<1x1600xf32, #tpu.memory_space<hbm>> -> memref<1600xf32, #tpu.memory_space<hbm>>
        %dma_wait3A_836 = tpu.memref_slice %arg7[%dma_wait3A_830, %mul3A_16] : memref<32x200000xf32, #tpu.memory_space<hbm>> -> memref<1x1600xf32, #tpu.memory_space<hbm>>
        %dma_wait3A_837 = tpu.memref_squeeze %dma_wait3A_836 : memref<1x1600xf32, #tpu.memory_space<hbm>> -> memref<1600xf32, #tpu.memory_space<hbm>>
        %dma_wait3A_838 = arith.constant 0 : i32
        %dma_wait3A_839 = tpu.memref_slice %arg17[%dma_wait3A_829, %dma_wait3A_838] : memref<32x1601xf32, #tpu.memory_space<vmem>> -> memref<1x1600xf32, #tpu.memory_space<vmem>>
        %dma_wait3A_840 = tpu.memref_squeeze %dma_wait3A_839 : memref<1x1600xf32, #tpu.memory_space<vmem>> -> memref<1600xf32, #tpu.memory_space<vmem>>
        tpu.wait_dma2 semaphore(%arg24 : memref<!tpu.dma_semaphore, #tpu.memory_space<semaphore_mem>>) src(%dma_wait3A_840 : memref<1600xf32, #tpu.memory_space<vmem>>) dst(%dma_wait3A_837 : memref<1600xf32, #tpu.memory_space<hbm>>)
        %dma_wait3A_841 = arith.constant 26 : i32
        %dma_wait3A_842 = arith.constant 26 : i32
        %dma_wait3A_843 = arith.constant 0 : i32
        %dma_wait3A_844 = tpu.memref_slice %arg17[%dma_wait3A_841, %dma_wait3A_843] : memref<32x1601xf32, #tpu.memory_space<vmem>> -> memref<1x1600xf32, #tpu.memory_space<vmem>>
        %dma_wait3A_845 = tpu.memref_squeeze %dma_wait3A_844 : memref<1x1600xf32, #tpu.memory_space<vmem>> -> memref<1600xf32, #tpu.memory_space<vmem>>
        %dma_wait3A_846 = tpu.memref_slice %arg7[%dma_wait3A_842, %mul3A_16] : memref<32x200000xf32, #tpu.memory_space<hbm>> -> memref<1x1600xf32, #tpu.memory_space<hbm>>
        %dma_wait3A_847 = tpu.memref_squeeze %dma_wait3A_846 : memref<1x1600xf32, #tpu.memory_space<hbm>> -> memref<1600xf32, #tpu.memory_space<hbm>>
        %dma_wait3A_848 = tpu.memref_slice %arg7[%dma_wait3A_842, %mul3A_16] : memref<32x200000xf32, #tpu.memory_space<hbm>> -> memref<1x1600xf32, #tpu.memory_space<hbm>>
        %dma_wait3A_849 = tpu.memref_squeeze %dma_wait3A_848 : memref<1x1600xf32, #tpu.memory_space<hbm>> -> memref<1600xf32, #tpu.memory_space<hbm>>
        %dma_wait3A_850 = arith.constant 0 : i32
        %dma_wait3A_851 = tpu.memref_slice %arg17[%dma_wait3A_841, %dma_wait3A_850] : memref<32x1601xf32, #tpu.memory_space<vmem>> -> memref<1x1600xf32, #tpu.memory_space<vmem>>
        %dma_wait3A_852 = tpu.memref_squeeze %dma_wait3A_851 : memref<1x1600xf32, #tpu.memory_space<vmem>> -> memref<1600xf32, #tpu.memory_space<vmem>>
        tpu.wait_dma2 semaphore(%arg24 : memref<!tpu.dma_semaphore, #tpu.memory_space<semaphore_mem>>) src(%dma_wait3A_852 : memref<1600xf32, #tpu.memory_space<vmem>>) dst(%dma_wait3A_849 : memref<1600xf32, #tpu.memory_space<hbm>>)
        %dma_wait3A_853 = arith.constant 27 : i32
        %dma_wait3A_854 = arith.constant 27 : i32
        %dma_wait3A_855 = arith.constant 0 : i32
        %dma_wait3A_856 = tpu.memref_slice %arg17[%dma_wait3A_853, %dma_wait3A_855] : memref<32x1601xf32, #tpu.memory_space<vmem>> -> memref<1x1600xf32, #tpu.memory_space<vmem>>
        %dma_wait3A_857 = tpu.memref_squeeze %dma_wait3A_856 : memref<1x1600xf32, #tpu.memory_space<vmem>> -> memref<1600xf32, #tpu.memory_space<vmem>>
        %dma_wait3A_858 = tpu.memref_slice %arg7[%dma_wait3A_854, %mul3A_16] : memref<32x200000xf32, #tpu.memory_space<hbm>> -> memref<1x1600xf32, #tpu.memory_space<hbm>>
        %dma_wait3A_859 = tpu.memref_squeeze %dma_wait3A_858 : memref<1x1600xf32, #tpu.memory_space<hbm>> -> memref<1600xf32, #tpu.memory_space<hbm>>
        %dma_wait3A_860 = tpu.memref_slice %arg7[%dma_wait3A_854, %mul3A_16] : memref<32x200000xf32, #tpu.memory_space<hbm>> -> memref<1x1600xf32, #tpu.memory_space<hbm>>
        %dma_wait3A_861 = tpu.memref_squeeze %dma_wait3A_860 : memref<1x1600xf32, #tpu.memory_space<hbm>> -> memref<1600xf32, #tpu.memory_space<hbm>>
        %dma_wait3A_862 = arith.constant 0 : i32
        %dma_wait3A_863 = tpu.memref_slice %arg17[%dma_wait3A_853, %dma_wait3A_862] : memref<32x1601xf32, #tpu.memory_space<vmem>> -> memref<1x1600xf32, #tpu.memory_space<vmem>>
        %dma_wait3A_864 = tpu.memref_squeeze %dma_wait3A_863 : memref<1x1600xf32, #tpu.memory_space<vmem>> -> memref<1600xf32, #tpu.memory_space<vmem>>
        tpu.wait_dma2 semaphore(%arg24 : memref<!tpu.dma_semaphore, #tpu.memory_space<semaphore_mem>>) src(%dma_wait3A_864 : memref<1600xf32, #tpu.memory_space<vmem>>) dst(%dma_wait3A_861 : memref<1600xf32, #tpu.memory_space<hbm>>)
        %dma_wait3A_865 = arith.constant 28 : i32
        %dma_wait3A_866 = arith.constant 28 : i32
        %dma_wait3A_867 = arith.constant 0 : i32
        %dma_wait3A_868 = tpu.memref_slice %arg17[%dma_wait3A_865, %dma_wait3A_867] : memref<32x1601xf32, #tpu.memory_space<vmem>> -> memref<1x1600xf32, #tpu.memory_space<vmem>>
        %dma_wait3A_869 = tpu.memref_squeeze %dma_wait3A_868 : memref<1x1600xf32, #tpu.memory_space<vmem>> -> memref<1600xf32, #tpu.memory_space<vmem>>
        %dma_wait3A_870 = tpu.memref_slice %arg7[%dma_wait3A_866, %mul3A_16] : memref<32x200000xf32, #tpu.memory_space<hbm>> -> memref<1x1600xf32, #tpu.memory_space<hbm>>
        %dma_wait3A_871 = tpu.memref_squeeze %dma_wait3A_870 : memref<1x1600xf32, #tpu.memory_space<hbm>> -> memref<1600xf32, #tpu.memory_space<hbm>>
        %dma_wait3A_872 = tpu.memref_slice %arg7[%dma_wait3A_866, %mul3A_16] : memref<32x200000xf32, #tpu.memory_space<hbm>> -> memref<1x1600xf32, #tpu.memory_space<hbm>>
        %dma_wait3A_873 = tpu.memref_squeeze %dma_wait3A_872 : memref<1x1600xf32, #tpu.memory_space<hbm>> -> memref<1600xf32, #tpu.memory_space<hbm>>
        %dma_wait3A_874 = arith.constant 0 : i32
        %dma_wait3A_875 = tpu.memref_slice %arg17[%dma_wait3A_865, %dma_wait3A_874] : memref<32x1601xf32, #tpu.memory_space<vmem>> -> memref<1x1600xf32, #tpu.memory_space<vmem>>
        %dma_wait3A_876 = tpu.memref_squeeze %dma_wait3A_875 : memref<1x1600xf32, #tpu.memory_space<vmem>> -> memref<1600xf32, #tpu.memory_space<vmem>>
        tpu.wait_dma2 semaphore(%arg24 : memref<!tpu.dma_semaphore, #tpu.memory_space<semaphore_mem>>) src(%dma_wait3A_876 : memref<1600xf32, #tpu.memory_space<vmem>>) dst(%dma_wait3A_873 : memref<1600xf32, #tpu.memory_space<hbm>>)
        %dma_wait3A_877 = arith.constant 29 : i32
        %dma_wait3A_878 = arith.constant 29 : i32
        %dma_wait3A_879 = arith.constant 0 : i32
        %dma_wait3A_880 = tpu.memref_slice %arg17[%dma_wait3A_877, %dma_wait3A_879] : memref<32x1601xf32, #tpu.memory_space<vmem>> -> memref<1x1600xf32, #tpu.memory_space<vmem>>
        %dma_wait3A_881 = tpu.memref_squeeze %dma_wait3A_880 : memref<1x1600xf32, #tpu.memory_space<vmem>> -> memref<1600xf32, #tpu.memory_space<vmem>>
        %dma_wait3A_882 = tpu.memref_slice %arg7[%dma_wait3A_878, %mul3A_16] : memref<32x200000xf32, #tpu.memory_space<hbm>> -> memref<1x1600xf32, #tpu.memory_space<hbm>>
        %dma_wait3A_883 = tpu.memref_squeeze %dma_wait3A_882 : memref<1x1600xf32, #tpu.memory_space<hbm>> -> memref<1600xf32, #tpu.memory_space<hbm>>
        %dma_wait3A_884 = tpu.memref_slice %arg7[%dma_wait3A_878, %mul3A_16] : memref<32x200000xf32, #tpu.memory_space<hbm>> -> memref<1x1600xf32, #tpu.memory_space<hbm>>
        %dma_wait3A_885 = tpu.memref_squeeze %dma_wait3A_884 : memref<1x1600xf32, #tpu.memory_space<hbm>> -> memref<1600xf32, #tpu.memory_space<hbm>>
        %dma_wait3A_886 = arith.constant 0 : i32
        %dma_wait3A_887 = tpu.memref_slice %arg17[%dma_wait3A_877, %dma_wait3A_886] : memref<32x1601xf32, #tpu.memory_space<vmem>> -> memref<1x1600xf32, #tpu.memory_space<vmem>>
        %dma_wait3A_888 = tpu.memref_squeeze %dma_wait3A_887 : memref<1x1600xf32, #tpu.memory_space<vmem>> -> memref<1600xf32, #tpu.memory_space<vmem>>
        tpu.wait_dma2 semaphore(%arg24 : memref<!tpu.dma_semaphore, #tpu.memory_space<semaphore_mem>>) src(%dma_wait3A_888 : memref<1600xf32, #tpu.memory_space<vmem>>) dst(%dma_wait3A_885 : memref<1600xf32, #tpu.memory_space<hbm>>)
        %dma_wait3A_889 = arith.constant 30 : i32
        %dma_wait3A_890 = arith.constant 30 : i32
        %dma_wait3A_891 = arith.constant 0 : i32
        %dma_wait3A_892 = tpu.memref_slice %arg17[%dma_wait3A_889, %dma_wait3A_891] : memref<32x1601xf32, #tpu.memory_space<vmem>> -> memref<1x1600xf32, #tpu.memory_space<vmem>>
        %dma_wait3A_893 = tpu.memref_squeeze %dma_wait3A_892 : memref<1x1600xf32, #tpu.memory_space<vmem>> -> memref<1600xf32, #tpu.memory_space<vmem>>
        %dma_wait3A_894 = tpu.memref_slice %arg7[%dma_wait3A_890, %mul3A_16] : memref<32x200000xf32, #tpu.memory_space<hbm>> -> memref<1x1600xf32, #tpu.memory_space<hbm>>
        %dma_wait3A_895 = tpu.memref_squeeze %dma_wait3A_894 : memref<1x1600xf32, #tpu.memory_space<hbm>> -> memref<1600xf32, #tpu.memory_space<hbm>>
        %dma_wait3A_896 = tpu.memref_slice %arg7[%dma_wait3A_890, %mul3A_16] : memref<32x200000xf32, #tpu.memory_space<hbm>> -> memref<1x1600xf32, #tpu.memory_space<hbm>>
        %dma_wait3A_897 = tpu.memref_squeeze %dma_wait3A_896 : memref<1x1600xf32, #tpu.memory_space<hbm>> -> memref<1600xf32, #tpu.memory_space<hbm>>
        %dma_wait3A_898 = arith.constant 0 : i32
        %dma_wait3A_899 = tpu.memref_slice %arg17[%dma_wait3A_889, %dma_wait3A_898] : memref<32x1601xf32, #tpu.memory_space<vmem>> -> memref<1x1600xf32, #tpu.memory_space<vmem>>
        %dma_wait3A_900 = tpu.memref_squeeze %dma_wait3A_899 : memref<1x1600xf32, #tpu.memory_space<vmem>> -> memref<1600xf32, #tpu.memory_space<vmem>>
        tpu.wait_dma2 semaphore(%arg24 : memref<!tpu.dma_semaphore, #tpu.memory_space<semaphore_mem>>) src(%dma_wait3A_900 : memref<1600xf32, #tpu.memory_space<vmem>>) dst(%dma_wait3A_897 : memref<1600xf32, #tpu.memory_space<hbm>>)
        %dma_wait3A_901 = arith.constant 31 : i32
        %dma_wait3A_902 = arith.constant 31 : i32
        %dma_wait3A_903 = arith.constant 0 : i32
        %dma_wait3A_904 = tpu.memref_slice %arg17[%dma_wait3A_901, %dma_wait3A_903] : memref<32x1601xf32, #tpu.memory_space<vmem>> -> memref<1x1600xf32, #tpu.memory_space<vmem>>
        %dma_wait3A_905 = tpu.memref_squeeze %dma_wait3A_904 : memref<1x1600xf32, #tpu.memory_space<vmem>> -> memref<1600xf32, #tpu.memory_space<vmem>>
        %dma_wait3A_906 = tpu.memref_slice %arg7[%dma_wait3A_902, %mul3A_16] : memref<32x200000xf32, #tpu.memory_space<hbm>> -> memref<1x1600xf32, #tpu.memory_space<hbm>>
        %dma_wait3A_907 = tpu.memref_squeeze %dma_wait3A_906 : memref<1x1600xf32, #tpu.memory_space<hbm>> -> memref<1600xf32, #tpu.memory_space<hbm>>
        %dma_wait3A_908 = tpu.memref_slice %arg7[%dma_wait3A_902, %mul3A_16] : memref<32x200000xf32, #tpu.memory_space<hbm>> -> memref<1x1600xf32, #tpu.memory_space<hbm>>
        %dma_wait3A_909 = tpu.memref_squeeze %dma_wait3A_908 : memref<1x1600xf32, #tpu.memory_space<hbm>> -> memref<1600xf32, #tpu.memory_space<hbm>>
        %dma_wait3A_910 = arith.constant 0 : i32
        %dma_wait3A_911 = tpu.memref_slice %arg17[%dma_wait3A_901, %dma_wait3A_910] : memref<32x1601xf32, #tpu.memory_space<vmem>> -> memref<1x1600xf32, #tpu.memory_space<vmem>>
        %dma_wait3A_912 = tpu.memref_squeeze %dma_wait3A_911 : memref<1x1600xf32, #tpu.memory_space<vmem>> -> memref<1600xf32, #tpu.memory_space<vmem>>
        tpu.wait_dma2 semaphore(%arg24 : memref<!tpu.dma_semaphore, #tpu.memory_space<semaphore_mem>>) src(%dma_wait3A_912 : memref<1600xf32, #tpu.memory_space<vmem>>) dst(%dma_wait3A_909 : memref<1600xf32, #tpu.memory_space<hbm>>)
      } else {
      }
    }
    %scan3A_4 = arith.constant 4 : i32
    return
  }
}

</mosaic_0001>

<sc_bundles>
// kernel: kernel.3.cloned.1.call-start
scs
__scs_entry_jumppad:
0x0: {  	(pc) =	sbr.rel $0x88, $3  }
0x1: {  	(tag) =	ssettag $0x0;
	lr =	simm.s32 $0x1  }
0x2: {  	[smem:$0x3F9D] =	sst lr;
	_ =	strace $0xD0000000  }
0x3: {  	_ = 	snop  }
0x4: {  	_ = 	snop  }
0x5: {  	_ = 	snop  }
0x6: {  	_ = 	snop  }
0x7: {  	_ = 	snop  }
__scs_overlays_trampoline_lowered:
0x8: {  	[smem:$0x3FAC] =	sst s0  }
0x9: {  	[smem:$0x3FAD] =	sst s1  }
0xa: {  	[smem:$0x3FAE] =	sst s2  }
0xb: {  	[smem:$0x3FAF] =	sst s3  }
0xc: {  	[smem:$0x3FB0] =	sst s4  }
0xd: {  	[smem:$0x3FB1] =	sst s5  }
0xe: {  	[smem:$0x3FB2] =	sst s6  }
0xf: {  	[smem:$0x3FB3] =	sst s7  }
0x10: {  	[smem:$0x3FB4] =	sst s8  }
0x11: {  	[smem:$0x3FB5] =	sst s9;
	s0 =	simm.s32 @!p0 $0x0  }
0x12: {  	s1 =	sld [smem:$0x3F9B];
	s0 =	simm.s32 @p0 $0x1  }
0x13: {  	[smem:$0x3FB6] =	sst s0;
	s0 =	simm.s32 @!p1 $0x0  }
0x14: {  	s2 =	sld [smem:$0x3F9A];
	s0 =	simm.s32 @p1 $0x1  }
0x15: {  	[smem:$0x3FB7] =	sst s0;
	s0 =	simm.s32 @!p2 $0x0  }
0x16: {  	s3 =	sld [smem:$0x3FDB];
	s0 =	simm.s32 @p2 $0x1  }
0x17: {  	s4 =	simm.s32 $0x1BF5;
	[smem:$0x3FB9] =	sst s0  }
0x18: {  	s0 =	sld [smem:$0x3F9C];
	_ =	swait.ge [sflag:s4], $0x0  }
0x19: {  	s7 =	sld [smem:$0x3F9D]  }
0x1a: {  	s8 =	sadd.s32 $0xFFFFE003, lr  }
0x1b: {  	s9 =	sadd.s32 $0xFFFFFEF7, lr;
	s5 =	simm.s32 $0xFFFFFFFF;
	p2 =	slt.u32 s8, $0xFFFFF086  }
0x1c: {  	p1 =	slt.u32 s9, $0xF7A;
	s5 =	simm.s32 @!p2 $0x0  }
0x1d: {  	s5 =	simm.s32 @p1 $0x1;
	p0 =	seq.s32 s7, s2  }
0x1e: {  	s7 =	smul.u32 @!p0 $0xF7A, s2;
	p2 =	seq.s32 @!p0 s5, $0x0  }
0x1f: {  	s9 =	smul.u32 $0xF7A, s1;
	s8 =	simm.s32 @!p0 $0x1BF5;
	p2 =	por !p2, p0  }
0x20: {  	[sflag:s8] =	ssyncset.s32 @!p0 $0xFFFFF086;
	s6 =	sadd.s32 @!p0 s3, s7;
	s7 =	simm.s32 @!p0 $0x108  }
0x21: {  	s3 =	sadd.s32 s3, s9;
	s6 =	sadd.s32 @!p0 $0x88, s6;
	s7 =	simm.s32 @p2 $0x1082  }
0x22: {  	[simem:s7], [sflag:s8] =	dma.local @!p0 [hbm:s6], $0xF7A  }
0x23: {  	s9 =	sor.u32 $0xD0000000, s2;
	s6 =	simm.s32 $0x108;
	_ =	swait.ge @!p0 [sflag:s8], $0x0  }
0x24: {  	s3 =	sadd.s32 $0x88, s3;
	s6 =	simm.s32 @!p1 $0x1082;
	[sflag:s4] =	ssyncset.s32 $0xFFFFF086  }
0x25: {  	[simem:s6], [sflag:s4] =	dma.local [hbm:s3], $0xF7A  }
0x26: {  	[smem:$0x3F9D] =	sst s1;
	(tag) =	ssettag s2;
	_ =	strace s9  }
0x27: {  	s1 =	sld [smem:$0x3FAD]  }
0x28: {  	s2 =	sld [smem:$0x3FAE]  }
0x29: {  	s4 =	sld [smem:$0x3FB0]  }
0x2a: {  	p0 =	seq.s32 s5, $0x0;
	s5 =	sld [smem:$0x3FB1]  }
0x2b: {  	s6 =	sld [smem:$0x3FB2]  }
0x2c: {  	s7 =	sld [smem:$0x3FB3]  }
0x2d: {  	s3 =	simm.s32 $0x108;
	s8 =	sld [smem:$0x3FB4]  }
0x2e: {  	s3 =	simm.s32 @!p0 $0x1082;
	s9 =	sld [smem:$0x3FB5]  }
0x2f: {  	lr =	sadd.s32 s0, s3;
	s0 =	sld [smem:$0x3FAC]  }
0x30: {  	s3 =	sld [smem:$0x3FAF]  }
0x31: {  	[smem:$0x3FB8] =	sst s10  }
0x32: {  	s10 =	sld [smem:$0x3FB6];
	_ =	sdelay $0x3  }
0x33: {  	p0 =	seq.s32 s10, $0x1;
	s10 =	sld [smem:$0x3FB8];
	_ =	sdelay $0x3  }
0x34: {  	[smem:$0x3FB8] =	sst s10  }
0x35: {  	s10 =	sld [smem:$0x3FB7];
	_ =	sdelay $0x3  }
0x36: {  	p1 =	seq.s32 s10, $0x1;
	s10 =	sld [smem:$0x3FB8];
	_ =	sdelay $0x3  }
0x37: {  	[smem:$0x3FB8] =	sst s10  }
0x38: {  	s10 =	sld [smem:$0x3FB9]  }
0x39: {  	_ = 	snop;
	(pc) =	sbr.ind lr, $3  }
0x3a: {  	_ = 	snop  }
0x3b: {  	_ = 	snop  }
0x3c: {  	p2 =	seq.s32 s10, $0x1;
	s10 =	sld [smem:$0x3FB8]  }
0x3d: {  	_ =	shalt  }
0x3e: {  	_ =	shalt  }
0x3f: {  	_ =	shalt  }
0x40: {  	_ =	shalt  }
0x41: {  	_ =	shalt  }
0x42: {  	_ =	shalt  }
0x43: {  	_ =	shalt  }
0x44: {  	_ =	shalt  }
0x45: {  	_ =	shalt  }
0x46: {  	_ =	shalt  }
0x47: {  	_ =	shalt  }
0x48: {  	_ =	shalt  }
0x49: {  	_ =	shalt  }
0x4a: {  	_ =	shalt  }
0x4b: {  	_ =	shalt  }
0x4c: {  	_ =	shalt  }
0x4d: {  	_ =	shalt  }
0x4e: {  	_ =	shalt  }
0x4f: {  	_ =	shalt  }
0x50: {  	_ =	shalt  }
0x51: {  	_ =	shalt  }
0x52: {  	_ =	shalt  }
0x53: {  	_ =	shalt  }
0x54: {  	_ =	shalt  }
0x55: {  	_ =	shalt  }
0x56: {  	_ =	shalt  }
0x57: {  	_ =	shalt  }
0x58: {  	_ =	shalt  }
0x59: {  	_ =	shalt  }
0x5a: {  	_ =	shalt  }
0x5b: {  	_ =	shalt  }
0x5c: {  	_ =	shalt  }
0x5d: {  	_ =	shalt  }
0x5e: {  	_ =	shalt  }
0x5f: {  	_ =	shalt  }
0x60: {  	_ =	shalt  }
0x61: {  	_ =	shalt  }
0x62: {  	_ =	shalt  }
0x63: {  	_ =	shalt  }
0x64: {  	_ =	shalt  }
0x65: {  	_ =	shalt  }
0x66: {  	_ =	shalt  }
0x67: {  	_ =	shalt  }
0x68: {  	_ =	shalt  }
0x69: {  	_ =	shalt  }
0x6a: {  	_ =	shalt  }
0x6b: {  	_ =	shalt  }
0x6c: {  	_ =	shalt  }
0x6d: {  	_ =	shalt  }
0x6e: {  	_ =	shalt  }
0x6f: {  	_ =	shalt  }
0x70: {  	_ =	shalt  }
0x71: {  	_ =	shalt  }
0x72: {  	_ =	shalt  }
0x73: {  	_ =	shalt  }
0x74: {  	_ =	shalt  }
0x75: {  	_ =	shalt  }
0x76: {  	_ =	shalt  }
0x77: {  	_ =	shalt  }
0x78: {  	_ =	shalt  }
0x79: {  	_ =	shalt  }
0x7a: {  	_ =	shalt  }
0x7b: {  	_ =	shalt  }
0x7c: {  	_ =	shalt  }
0x7d: {  	_ =	shalt  }
0x7e: {  	_ =	shalt  }
0x7f: {  	_ =	shalt  }
0x80: {  	_ =	shalt  }
0x81: {  	_ =	shalt  }
0x82: {  	_ =	shalt  }
0x83: {  	_ =	shalt  }
0x84: {  	_ =	shalt  }
0x85: {  	_ =	shalt  }
0x86: {  	_ =	shalt  }
0x87: {  	_ =	shalt  }
.Lfunc_end0:
.L_simem_size_0:
called_computation_lowered:
.L_overlay_start_0:
0x88: {  	s2 =	sld [smem:$0x3FD9]  }
0x89: {  	s3 =	sld [smem:$0x3FFE];
	_ =	sdelay $0x1  }
0x8a: {  	s1 =	srdreg.scid  }
0x8b: {  	s0 =	sand.u32 $0x1, s1  }
0x8c: {  	s17 =	sshll.u32 s0, $0xA;
	s2 =	sadd.s32 s3, s2  }
0x8d: {  	s2 =	sadd.s32 s2, s17  }
0x8e: {  	[smem:$0x3FC4] =	sst s2  }
0x8f: {  	_ = 	snop  }
0x90: {  	s2 =	sld [smem:$0x3FC8]  }
0x91: {  	s18 =	sld [smem:$0x3FC7]  }
0x92: {  	s4 =	sld [smem:$0x3FC6]  }
0x93: {  	s5 =	sld [smem:$0x3FD0];
	(tm) =	ssettm $0x1  }
0x94: {  	s6 =	sld [smem:$0x3FFB];
	_ =	sdelay $0x3  }
0x95: {  	_ =	strace s6  }
0x96: {  	s6 =	sld [smem:$0x3FFC];
	_ =	sdelay $0x3  }
0x97: {  	_ =	strace s6  }
0x98: {  	s6 =	sld [smem:$0x3FFD];
	_ =	sdelay $0x3  }
0x99: {  	_ =	strace s6  }
0x9a: {  	_ =	strace $0x8FFFFFFF  }
0x9b: {  	s19 =	sld [smem:$0x3FDB];
	_ =	sdelay $0x1  }
0x9c: {  	s7 =	simm.s32 $_scs_section_size  }
0x9d: {  	s8 =	simm.s32 $_size__tile_overlayer_lowered;
	s9 =	simm.s32 $_tile_overlayer_lowered  }
0x9e: {  	s22 =	simm.s32 $0x1BFF;
	s21 =	sshll.u32 s9, $0x1;
	s6 =	sadd.s32 s7, s19  }
0x9f: {  	s10 =	simm.s32 $0x0;
	s20 =	sshll.u32 s8, $0x1;
	s8 =	sadd.s32 s21, s6  }
0xa0: {  	[timem:s10], [sflag:s22] =	dma.local [hbm:s8], s20  }
0xa1: {  	_ =	swait.ge [sflag:s22], s20  }
0xa2: {  	s7 =	ssub.s32 $0x0, s20;
	[sflag:s22] =	ssyncset.done $0x0  }
0xa3: {  	[sflag:s22] =	ssyncadd.s32 s7;
	_ =	sdelay $0x1  }
0xa4: {  	s23 =	simm.s32 $0x1B8B  }
0xa5: {  	_ =	swait.ge [sflag:s23], $0x1  }
0xa6: {  	[sflag:s23] =	ssyncset.done $0x0  }
0xa7: {  	s25 =	simm.s32 $0x1B8E;
	s24 =	sld [smem:$0x3FFE];
	[sflag:s23] =	ssyncadd.s32 $0xFFFFFFFF  }
0xa8: {  	s26 =	simm.s32 $execute0_lowered;
	[smem:$0x3FD2] =	sst s25  }
0xa9: {  	s8 =	sshll.u32 s26, $0x1;
	_ =	strace $0x80000046;
	[dreg:$0x1] =	wrdreg $0xFFFFFFFF  }
0xaa: {  	s28 =	simm.s32 $_size_execute0_lowered;
	s6 =	sadd.s32 s6, s8;
	[dreg:$0x0] =	wrdreg $0x0  }
0xab: {  	s8 =	sshll.u32 s28, $0x1;
	[dreg:$0x2] =	wrdreg s6  }
0xac: {  	[dreg:$0x3] =	wrdreg s8  }
0xad: {  	[dreg:$0x4] =	wrdreg $0xC0  }
0xae: {  	_ =	task [dreg:s10], $0x5FFFF  }
0xaf: {  	[dreg:$0x1] =	wrdreg $0xFFFFFFFF  }
0xb0: {  	[dreg:$0x0] =	wrdreg $0x60  }
0xb1: {  	[dreg:$0x2] =	wrdreg s24  }
0xb2: {  	[dreg:$0x3] =	wrdreg s18  }
0xb3: {  	[dreg:$0x4] =	wrdreg s2  }
0xb4: {  	[dreg:$0x5] =	wrdreg s4  }
0xb5: {  	[dreg:$0x6] =	wrdreg s5  }
0xb6: {  	[dreg:$0x7] =	wrdreg $0x9  }
0xb7: {  	_ =	task.clear_ibuf [dreg:s10], $0x8FFFF;
	_ =	strace $0x90000046  }
0xb8: {  	s29 =	simm.s32 $0x9;
	_ =	strace $0x80000048  }
0xb9: {  	_ =	swait.ge [sflag:s29], $0x1  }
0xba: {  	[sflag:s29] =	ssyncadd.s32 $0xFFFFFFFF  }
0xbb: {  	_ =	strace $0x90000048  }
0xbc: {  	_ =	sfence  }
0xbd: {  	s30 =	sld [smem:$0x0];
	_ =	sdelay $0x2  }
0xbe: {  	s31 =	sshll.u32 s1, $0xD;
	s1 =	sshrl.u32 s1, $0x2  }
0xbf: {  	s3 =	sand.u32 $0x4000, s31;
	s1 =	sadd.s32 s1, s30  }
0xc0: {  	s0 =	sor.u32 s3, s0;
	s1 =	sshll.u32 s1, $0x11  }
0xc1: {  	s0 =	sor.u32 s1, s0  }
0xc2: {  	s0 =	sadd.s32 $0x8F2B, s0  }
0xc3: {  	[sflag:s0] =	ssyncadd.remote.s32 $0x1  }
0xc4: {  	_ =	sfence.sel $0xFFFF  }
0xc5: {  	[dreg:$0x0] =	wrdreg $0xFFFFFFFF;
	(pc) =	sbr.abs _section_cstart, $3  }
0xc6: {  	[dreg:$0x1] =	wrdreg $0xFFFFFFFF  }
0xc7: {  	_ =	task.clear_ibuf [dreg:s10], $0x2FFFF;
	_ =	strace $0x9FFFFFFF  }
0xc8: {  	(tm) =	ssettm $0x7FFFFFFF  }
0xc9: {  	_ =	shalt  }
tec
execute0_lowered:
.L_overlay_start_1:
0x0: {  	(tag) =	ssettag $0x1  }
0x1: {  	v0 =	vimm.s32 $0x1F1E1D;
	v2 =	vimm.s32 $0x32107654  }
0x2: {  	v5 =	vimm.s32 $0x43218765;
	v6 =	vimm.s32 $0x1F1E1D1C;
	vm0 =	vcmask $0x2F10  }
0x3: {  	v7 =	vimm.s32 $0xB0A0908;
	v8 =	vimm.s32 $0x6543A987;
	v9 =	vimm.s32 $0xC0B0A09  }
0x4: {  	v10 =	vimm.s32 $0xD0C0B0A;
	v11 =	vimm.s32 $0xE0D0C0B;
	v12 =	vimm.s32 $0x3240  }
0x5: {  	v13 =	vimm.s32 $0x3888;
	v14 =	vimm.s32 $0x3ED0;
	v15 =	vimm.s32 $0x4518  }
0x6: {  	v16 =	vimm.s32 $0x4B60;
	v17 =	vimm.s32 $0x51A8;
	v18 =	vimm.s32 $0x57F0  }
0x7: {  	v3 =	vunpack.c.0.s8.s32 v0;
	v0 =	vimm.s32 $0x1001F1E;
	v4 =	vunpack.c.l.s4.s8 v2  }
0x8: {  	v5 =	vunpack.c.l.s4.s8 v5;
	v51 =	vunpack.c.0.s8.s32 v6;
	v6 =	vimm.s32 $0x54329876  }
0x9: {  	v8 =	vunpack.c.l.s4.s8 v8;
	v7 =	vunpack.c.0.s8.s32 v7;
	v9 =	vunpack.c.0.s8.s32 v9  }
0xa: {  	v2 =	vunpack.c.0.s8.s32 v0;
	v0 =	vimm.s32 $0x201001F;
	v6 =	vunpack.c.l.s4.s8 v6  }
0xb: {  	v4 =	vunpack.c.0.s8.s32 v4;
	v5 =	vunpack.c.0.s8.s32 v5;
	v8 =	vunpack.c.0.s8.s32 v8  }
0xc: {  	v11 =	vunpack.c.0.s8.s32 v11;
	v0 =	vunpack.c.0.s8.s32 v0;
	v6 =	vunpack.c.0.s8.s32 v6  }
0xd: {  	v4 =	vand.u32 $0xF, v4;
	v5 =	vand.u32 $0xF, v5;
	v8 =	vand.u32 $0xF, v8  }
0xe: {  	v4 =	vsel vm0, v4, v51;
	v5 =	vsel vm0, v5, v3;
	v6 =	vand.u32 $0xF, v6  }
0xf: {  	v8 =	vsel vm0, v8, v0;
	v6 =	vsel vm0, v6, v2;
	vm0 =	vcmask $0x3F30  }
0x10: {  	v10 =	vunpack.c.0.s8.s32 v10;
	v4 =	vsel vm0, v7, v4;
	v22 =	vsel vm0, v9, v5  }
0x11: {  	v24 =	vsel vm0, v11, v8;
	v5 =	vimm.s32 $0x648;
	v7 =	vimm.s32 $0x12D8  }
0x12: {  	v8 =	vimm.s32 $0x1920;
	v9 =	vimm.s32 $0x1F68;
	v11 =	vimm.s32 $0x2BF8  }
0x13: {  	[tilespmem:$0x1FCD0] =	vst v4;
	v4 =	vsel vm0, v10, v6;
	vm0 =	vcmask $0x300;
	v6 =	vimm.s32 $0xC90  }
0x14: {  	v10 =	vimm.s32 $0x25B0;
	[tilespmem:$0x1FCE0] =	vst v4;
	v4 =	vimm.s32 $0x0;
	v5 =	vsel vm0, $0x7110, v5  }
0x15: {  	v6 =	vsel vm0, $0x7758, v6;
	v7 =	vsel vm0, $0x7DA0, v7;
	v8 =	vsel vm0, $0x83E8, v8  }
0x16: {  	v9 =	vsel vm0, $0x8A30, v9;
	v10 =	vsel vm0, $0x9078, v10;
	v11 =	vsel vm0, $0x96C0, v11  }
0x17: {  	v12 =	vsel vm0, $0x9D08, v12;
	v21 =	vsel vm0, $0xA350, v13;
	v14 =	vsel vm0, $0xA998, v14  }
0x18: {  	v15 =	vsel vm0, $0xAFE0, v15;
	v16 =	vsel vm0, $0xB628, v16;
	v17 =	vsel vm0, $0xBC70, v17  }
0x19: {  	v18 =	vsel vm0, $0xC2B8, v18;
	v4 =	vsel vm0, $0x6AC8, v4;
	vm0 =	vcmask $0x704  }
0x1a: {  	v4 =	vsel vm0, $0x7110, v4  }
0x1b: {  	v5 =	vsel vm0, $0x7758, v5;
	v6 =	vsel vm0, $0x7DA0, v6;
	v7 =	vsel vm0, $0x83E8, v7  }
0x1c: {  	v8 =	vsel vm0, $0x8A30, v8;
	v9 =	vsel vm0, $0x9078, v9;
	v10 =	vsel vm0, $0x96C0, v10  }
0x1d: {  	v19 =	vsel vm0, $0x9D08, v11;
	v12 =	vsel vm0, $0xA350, v12;
	v11 =	vsel vm0, $0xA998, v21  }
0x1e: {  	v25 =	vsel vm0, $0xAFE0, v14;
	v15 =	vsel vm0, $0xB628, v15;
	v16 =	vsel vm0, $0xBC70, v16  }
0x1f: {  	v17 =	vsel vm0, $0xC2B8, v17;
	v18 =	vsel vm0, $0x0, v18;
	vm0 =	vcmask $0xB08  }
0x20: {  	v4 =	vsel vm0, $0x7758, v4  }
0x21: {  	v5 =	vsel vm0, $0x7DA0, v5;
	v6 =	vsel vm0, $0x83E8, v6;
	v7 =	vsel vm0, $0x8A30, v7  }
0x22: {  	v8 =	vsel vm0, $0x9078, v8;
	v9 =	vsel vm0, $0x96C0, v9;
	v10 =	vsel vm0, $0x9D08, v10  }
0x23: {  	v19 =	vsel vm0, $0xA350, v19;
	v20 =	vsel vm0, $0xA998, v12;
	v21 =	vsel vm0, $0xAFE0, v11  }
0x24: {  	v14 =	vmovc v22;
	v22 =	vsel vm0, $0xB628, v25;
	v11 =	vsel vm0, $0xBC70, v15;
	v16 =	vsel vm0, $0xC2B8, v16  }
0x25: {  	v17 =	vsel vm0, $0x0, v17;
	v18 =	vsel vm0, $0x648, v18;
	vm0 =	vcmask $0xF0C  }
0x26: {  	v4 =	vsel vm0, $0x7DA0, v4  }
0x27: {  	v5 =	vsel vm0, $0x83E8, v5;
	v6 =	vsel vm0, $0x8A30, v6;
	v7 =	vsel vm0, $0x9078, v7  }
0x28: {  	v8 =	vsel vm0, $0x96C0, v8;
	v9 =	vsel vm0, $0x9D08, v9;
	v10 =	vsel vm0, $0xA350, v10  }
0x29: {  	v19 =	vsel vm0, $0xA998, v19;
	v20 =	vsel vm0, $0xAFE0, v20;
	v21 =	vsel vm0, $0xB628, v21  }
0x2a: {  	v22 =	vsel vm0, $0xBC70, v22;
	v23 =	vsel vm0, $0xC2B8, v11;
	v16 =	vsel vm0, $0x0, v16  }
0x2b: {  	v17 =	vsel vm0, $0x648, v17;
	v18 =	vsel vm0, $0xC90, v18;
	vm0 =	vcmask $0x1310  }
0x2c: {  	v4 =	vsel vm0, $0x83E8, v4  }
0x2d: {  	v5 =	vsel vm0, $0x8A30, v5;
	v6 =	vsel vm0, $0x9078, v6;
	v7 =	vsel vm0, $0x96C0, v7  }
0x2e: {  	v8 =	vsel vm0, $0x9D08, v8;
	v9 =	vsel vm0, $0xA350, v9;
	v10 =	vsel vm0, $0xA998, v10  }
0x2f: {  	v19 =	vsel vm0, $0xAFE0, v19;
	v20 =	vsel vm0, $0xB628, v20;
	v21 =	vsel vm0, $0xBC70, v21  }
0x30: {  	v22 =	vsel vm0, $0xC2B8, v22;
	v23 =	vsel vm0, $0x0, v23;
	v25 =	vsel vm0, $0xC90, v17  }
0x31: {  	v18 =	vsel vm0, $0x12D8, v18;
	v11 =	vmovc v24;
	v24 =	vsel vm0, $0x648, v16;
	vm0 =	vcmask $0x1714  }
0x32: {  	v4 =	vsel vm0, $0x8A30, v4  }
0x33: {  	v5 =	vsel vm0, $0x9078, v5;
	v6 =	vsel vm0, $0x96C0, v6;
	v7 =	vsel vm0, $0x9D08, v7  }
0x34: {  	v8 =	vsel vm0, $0xA350, v8;
	v9 =	vsel vm0, $0xA998, v9;
	v10 =	vsel vm0, $0xAFE0, v10  }
0x35: {  	v26 =	vsel vm0, $0xB628, v19;
	v20 =	vsel vm0, $0xBC70, v20;
	v21 =	vsel vm0, $0xC2B8, v21  }
0x36: {  	v22 =	vsel vm0, $0x0, v22;
	v23 =	vsel vm0, $0x648, v23;
	v24 =	vsel vm0, $0xC90, v24  }
0x37: {  	v25 =	vsel vm0, $0x12D8, v25;
	v27 =	vsel vm0, $0x1920, v18;
	vm0 =	vcmask $0x1B18  }
0x38: {  	v4 =	vsel vm0, $0x9078, v4  }
0x39: {  	v5 =	vsel vm0, $0x96C0, v5;
	v6 =	vsel vm0, $0x9D08, v6;
	v7 =	vsel vm0, $0xA350, v7  }
0x3a: {  	v8 =	vsel vm0, $0xA998, v8;
	v9 =	vsel vm0, $0xAFE0, v9;
	v10 =	vsel vm0, $0xB628, v10  }
0x3b: {  	v26 =	vsel vm0, $0xBC70, v26;
	v28 =	vsel vm0, $0xC2B8, v20;
	v29 =	vsel vm0, $0x0, v21  }
0x3c: {  	v22 =	vsel vm0, $0x648, v22;
	v23 =	vsel vm0, $0xC90, v23;
	v24 =	vsel vm0, $0x12D8, v24  }
0x3d: {  	v25 =	vsel vm0, $0x1920, v25;
	v27 =	vsel vm0, $0x1F68, v27;
	vm0 =	vcmask $0x1F1C  }
0x3e: {  	v4 =	vsel vm0, $0x96C0, v4  }
0x3f: {  	v5 =	vsel vm0, $0x9D08, v5;
	v6 =	vsel vm0, $0xA350, v6;
	v7 =	vsel vm0, $0xA998, v7  }
0x40: {  	v8 =	vsel vm0, $0xAFE0, v8;
	v9 =	vsel vm0, $0xB628, v9;
	v10 =	vsel vm0, $0xBC70, v10  }
0x41: {  	v26 =	vsel vm0, $0xC2B8, v26;
	v28 =	vsel vm0, $0x0, v28;
	v29 =	vsel vm0, $0x648, v29  }
0x42: {  	v30 =	vsel vm0, $0xC90, v22;
	v31 =	vsel vm0, $0x12D8, v23;
	v24 =	vsel vm0, $0x1920, v24  }
0x43: {  	v25 =	vsel vm0, $0x1F68, v25;
	v27 =	vsel vm0, $0x25B0, v27;
	vm0 =	vcmask $0x2320  }
0x44: {  	v4 =	vsel vm0, $0x9D08, v4  }
0x45: {  	v5 =	vsel vm0, $0xA350, v5;
	v6 =	vsel vm0, $0xA998, v6;
	v7 =	vsel vm0, $0xAFE0, v7  }
0x46: {  	v8 =	vsel vm0, $0xB628, v8;
	v9 =	vsel vm0, $0xBC70, v9;
	v10 =	vsel vm0, $0xC2B8, v10  }
0x47: {  	v34 =	vsel vm0, $0x0, v26;
	v28 =	vsel vm0, $0x648, v28;
	v29 =	vsel vm0, $0xC90, v29  }
0x48: {  	v30 =	vsel vm0, $0x12D8, v30;
	v31 =	vsel vm0, $0x1920, v31;
	v32 =	vsel vm0, $0x1F68, v24  }
0x49: {  	v33 =	vsel vm0, $0x25B0, v25;
	v27 =	vsel vm0, $0x2BF8, v27;
	vm0 =	vcmask $0x2724  }
0x4a: {  	v1 =	vlaneseq.u32;
	v4 =	vsel vm0, $0xA350, v4  }
0x4b: {  	v5 =	vsel vm0, $0xA998, v5;
	v6 =	vsel vm0, $0xAFE0, v6;
	v7 =	vsel vm0, $0xB628, v7  }
0x4c: {  	v8 =	vsel vm0, $0xBC70, v8;
	v9 =	vsel vm0, $0xC2B8, v9;
	v10 =	vsel vm0, $0x0, v10  }
0x4d: {  	v34 =	vsel vm0, $0x648, v34;
	v28 =	vsel vm0, $0xC90, v28;
	v29 =	vsel vm0, $0x12D8, v29  }
0x4e: {  	v30 =	vsel vm0, $0x1920, v30;
	v31 =	vsel vm0, $0x1F68, v31;
	v32 =	vsel vm0, $0x25B0, v32  }
0x4f: {  	v33 =	vsel vm0, $0x2BF8, v33;
	v35 =	vsel vm0, $0x3240, v27;
	vm0 =	vcmask $0x2B28  }
0x50: {  	v49 =	vmul.u32 $0x648, v1;
	v4 =	vsel vm0, $0xA998, v4  }
0x51: {  	v5 =	vsel vm0, $0xAFE0, v5;
	v6 =	vsel vm0, $0xB628, v6;
	v7 =	vsel vm0, $0xBC70, v7  }
0x52: {  	v8 =	vsel vm0, $0xC2B8, v8;
	v9 =	vsel vm0, $0x0, v9;
	v10 =	vsel vm0, $0x648, v10  }
0x53: {  	v34 =	vsel vm0, $0xC90, v34;
	v36 =	vsel vm0, $0x12D8, v28;
	v29 =	vsel vm0, $0x1920, v29  }
0x54: {  	v30 =	vsel vm0, $0x1F68, v30;
	v31 =	vsel vm0, $0x25B0, v31;
	v32 =	vsel vm0, $0x2BF8, v32  }
0x55: {  	v33 =	vsel vm0, $0x3240, v33;
	v35 =	vsel vm0, $0x3888, v35;
	vm0 =	vcmask $0x2F2C  }
0x56: {  	v13 =	vadd.s32 $0x2BF8, v49;
	v4 =	vsel vm0, $0xAFE0, v4  }
0x57: {  	v5 =	vsel vm0, $0xB628, v5;
	v6 =	vsel vm0, $0xBC70, v6;
	v7 =	vsel vm0, $0xC2B8, v7  }
0x58: {  	v8 =	vsel vm0, $0x0, v8;
	v9 =	vsel vm0, $0x648, v9;
	v10 =	vsel vm0, $0xC90, v10  }
0x59: {  	v34 =	vsel vm0, $0x12D8, v34;
	v36 =	vsel vm0, $0x1920, v36;
	v38 =	vsel vm0, $0x1F68, v29  }
0x5a: {  	v30 =	vsel vm0, $0x25B0, v30;
	v31 =	vsel vm0, $0x2BF8, v31;
	v32 =	vsel vm0, $0x3240, v32  }
0x5b: {  	v33 =	vsel vm0, $0x3888, v33;
	v35 =	vsel vm0, $0x3ED0, v35;
	vm0 =	vcmask $0x3330  }
0x5c: {  	v16 =	vadd.s32 $0xB, v1;
	v19 =	vadd.s32 $0x25B0, v49;
	v4 =	vsel vm0, $0xB628, v4  }
0x5d: {  	v5 =	vsel vm0, $0xBC70, v5;
	v6 =	vsel vm0, $0xC2B8, v6;
	v7 =	vsel vm0, $0x0, v7  }
0x5e: {  	v8 =	vsel vm0, $0x648, v8;
	v9 =	vsel vm0, $0xC90, v9;
	v10 =	vsel vm0, $0x12D8, v10  }
0x5f: {  	[tilespmem:$0x1FD10] =	vst v16;
	v27 =	vmovc v19;
	v34 =	vsel vm0, $0x1920, v34;
	v36 =	vsel vm0, $0x1F68, v36;
	v16 =	vsel vm0, $0x25B0, v38  }
0x60: {  	v28 =	vmovc v27;
	v30 =	vsel vm0, $0x2BF8, v30;
	v31 =	vsel vm0, $0x3240, v31;
	v27 =	vsel vm0, $0x3888, v32  }
0x61: {  	v33 =	vsel vm0, $0x3ED0, v33;
	v35 =	vsel vm0, $0x4518, v35;
	vm0 =	vcmask $0x3734  }
0x62: {  	[tilespmem:$0x1FCF0] =	vst v13;
	v13 =	vadd.s32 $0xA, v1;
	v4 =	vsel vm0, $0xBC70, v4  }
0x63: {  	v5 =	vsel vm0, $0xC2B8, v5;
	v6 =	vsel vm0, $0x0, v6;
	v7 =	vsel vm0, $0x648, v7  }
0x64: {  	v8 =	vsel vm0, $0xC90, v8;
	v9 =	vsel vm0, $0x12D8, v9;
	v10 =	vsel vm0, $0x1920, v10  }
0x65: {  	[tilespmem:$0x1FD00] =	vst v13;
	v13 =	vsel vm0, $0x1F68, v34;
	v39 =	vsel vm0, $0x25B0, v36;
	v40 =	vsel vm0, $0x2BF8, v16  }
0x66: {  	v41 =	vsel vm0, $0x3240, v30;
	v42 =	vsel vm0, $0x3888, v31;
	v43 =	vsel vm0, $0x3ED0, v27  }
0x67: {  	v44 =	vsel vm0, $0x4518, v33;
	v20 =	vsel vm0, $0x4B60, v35;
	vm0 =	vcmask $0x3B38  }
0x68: {  	v6 =	vsel vm0, $0x648, v6  }
0x69: {  	v7 =	vsel vm0, $0xC90, v7;
	[tilespmem:$0x1FD20] =	vst v6  }
0x6a: {  	v27 =	vsel vm0, $0x0, v5;
	v5 =	vsel vm0, $0x3888, v41;
	[tilespmem:$0x1FD30] =	vst v7  }
0x6b: {  	v6 =	vsel vm0, $0x3240, v40;
	[tilespmem:$0x1FD50] =	vst v5  }
0x6c: {  	v5 =	vsel vm0, $0x3ED0, v42;
	[tilespmem:$0x1FD40] =	vst v6  }
0x6d: {  	s3 =	rddreg [dreg:$0x0];
	v50 =	vsel vm0, $0x12D8, v8;
	v9 =	vsel vm0, $0x1920, v9;
	[tilespmem:$0x1FD60] =	vst v5;
	v5 =	vsel vm0, $0x4518, v43  }
0x6e: {  	s0 =	rddreg [dreg:$0x1];
	v10 =	vsel vm0, $0x1F68, v10;
	v7 =	vimm.s32 $0x19181716;
	[tilespmem:$0x1FD70] =	vst v5;
	v5 =	vsel vm0, $0x4B60, v44  }
0x6f: {  	s1 =	rddreg [dreg:$0x2];
	s5 =	simm.s32 $0x0;
	v8 =	vimm.s32 $0x1D1C1B1A;
	v41 =	vmovc v9;
	v9 =	vunpack.c.0.s8.s32 v7;
	[tilespmem:$0x1FD80] =	vst v5;
	v5 =	vsel vm0, $0x51A8, v20  }
0x70: {  	[smem:$0x7FF] =	sst s5;
	v21 =	vadd.s32 $0x4518, v49;
	v42 =	vmov v10;
	v10 =	vunpack.c.0.s8.s32 v8;
	[tilespmem:$0x1FD90] =	vst v5  }
0x71: {  	s2 =	rddreg [dreg:$0x3];
	v12 =	vadd.s32 $0x3, v1;
	v23 =	vadd.s32 $0x3240, v49;
	v40 =	vimm.s32 $0x1B1A1918;
	_ =	strace $0x80000047;
	[tilespmem:$0x1FDA0] =	vst v9  }
0x72: {  	v31 =	vmov v23;
	v23 =	vunpack.c.0.s8.s32 v40;
	[tilespmem:$0x1FDB0] =	vst v10  }
0x73: {  	[tilespmem:$0x1FDE0] =	vst v51  }
0x74: {  	v38 =	vmov v21;
	v21 =	vmov v12;
	v12 =	vmov v49;
	[tilespmem:$0x1FDF0] =	vst v23  }
0x75: {  	[tilespmem:$0x1FE80] =	vst v12  }
0x76: {  	v37 =	vimm.s32 $0x14131211;
	v46 =	vimm.s32 $0x18171615;
	[tilespmem:$0x1FE90] =	vst v14  }
0x77: {  	v56 =	vimm.s32 $0x1C1B1A19;
	v54 =	vimm.s32 $0x1E1D1C1B;
	v47 =	vadd.s32 $0x1, v1;
	[tilespmem:$0x1FEA0] =	vst v11  }
0x78: {  	v58 =	vadd.s32 $0x2, v1;
	v45 =	vunpack.c.0.s8.s32 v37;
	v52 =	vadd.s32 $0xC90, v49;
	[tilespmem:$0x1FEB0] =	vst v47  }
0x79: {  	v53 =	vadd.s32 $0x12D8, v49;
	v62 =	vadd.s32 $0x1920, v49;
	v24 =	vadd.s32 $0x3888, v49;
	[tilespmem:$0x1FED0] =	vst v58  }
0x7a: {  	v15 =	vadd.s32 $0x5, v1;
	v17 =	vadd.s32 $0x1F68, v49;
	v18 =	vadd.s32 $0x6, v1;
	[tilespmem:$0x1FEE0] =	vst v52  }
0x7b: {  	v22 =	vadd.s32 $0x8, v1;
	v25 =	vmovc v18;
	v18 =	vsel vm0, $0xC2B8, v4;
	v6 =	vimm.s32 $0x15141312;
	[tilespmem:$0x1FEF0] =	vst v21  }
0x7c: {  	v48 =	vsel vm0, $0x25B0, v13;
	v4 =	vunpack.c.0.s8.s32 v46;
	v16 =	vmovc v24;
	v24 =	vmovc v62;
	v6 =	vunpack.c.0.s8.s32 v6;
	[tilespmem:$0x1FF00] =	vst v53  }
0x7d: {  	v34 =	vsel vm0, $0x2BF8, v39;
	v43 =	vimm.s32 $0x4030201;
	vm0 =	vcmask $0x1F10;
	[tilespmem:$0x1FF20] =	vst v24  }
0x7e: {  	v5 =	vunpack.c.0.s8.s32 v56;
	v7 =	vsel vm0, v4, v45;
	v6 =	vsel vm0, v9, v6;
	[tilespmem:$0x1FF30] =	vst v15  }
0x7f: {  	v45 =	vunpack.c.0.s8.s32 v43;
	v56 =	vunpack.c.0.s8.s32 v54;
	v9 =	vimm.s32 $0x1A191817;
	[tilespmem:$0x1FFA0] =	vst v41  }
0x80: {  	v26 =	vmovc v17;
	v29 =	vmovc v22;
	[tilespmem:$0x1FFB0] =	vst v42;
	v8 =	vsel vm0, v3, v5;
	v22 =	vunpack.c.0.s8.s32 v9;
	v9 =	vimm.s32 $0x3020100  }
0x81: {  	[tilespmem:$0x1FFC0] =	vst v26;
	v3 =	vsel vm0, v45, v3;
	v4 =	vsel vm0, v5, v4;
	v5 =	vimm.s32 $0x5040302  }
0x82: {  	[tilespmem:$0x1FFD0] =	vst v48;
	v45 =	vadd.s32 $0xF, v1;
	v20 =	vcombine.low v7, v8;
	v7 =	vsel vm0, v2, v10  }
0x83: {  	[tilespmem:$0x1FFE0] =	vst v25;
	v10 =	vimm.s32 $0x17161514;
	v13 =	vcombine.low v4, v3;
	v3 =	vunpack.c.0.s8.s32 v5  }
0x84: {  	[tilespmem:$0x1FFF0] =	vst v29;
	v9 =	vunpack.c.0.s8.s32 v9;
	v4 =	vimm.s32 $0x98765432;
	v10 =	vunpack.c.0.s8.s32 v10  }
0x85: {  	[tilespmem:$0x1FE30] =	vst v56;
	v6 =	vcombine.low v6, v7;
	v4 =	vunpack.c.l.s4.s8 v4;
	v2 =	vsel vm0, v3, v2  }
0x86: {  	v9 =	vsel vm0, v9, v51;
	v10 =	vsel vm0, v23, v10;
	[tilespmem:$0x1FE00] =	vst v2;
	v2 =	vimm.s32 $0x6050403  }
0x87: {  	[tilespmem:$0x1FF60] =	vst v45;
	v10 =	vcombine.low v10, v9;
	v9 =	vimm.s32 $0x87654321;
	v2 =	vunpack.c.0.s8.s32 v2  }
0x88: {  	[tilespmem:$0x1FDC0] =	vst v6;
	v6 =	vimm.s32 $0x16151413;
	v4 =	vunpack.c.0.s8.s32 v4;
	v9 =	vunpack.c.l.s4.s8 v9  }
0x89: {  	v61 =	vadd.s32 $0x4, v1;
	[tilespmem:$0x1FDD0] =	vst v22;
	v6 =	vunpack.c.0.s8.s32 v6;
	v2 =	vsel vm0, v2, v0  }
0x8a: {  	v23 =	vmovc v61;
	v5 =	vunpack.c.0.s8.s32 v9;
	v9 =	vimm.s32 $0xA9876543;
	[tilespmem:$0x1FE20] =	vst v2;
	v2 =	vand.u32 $0xF, v4  }
0x8b: {  	v55 =	vadd.s32 $0x648, v49;
	[tilespmem:$0x1FF10] =	vst v23;
	v59 =	vunpack.c.l.s4.s8 v9;
	v2 =	vcombine.low v7, v2  }
0x8c: {  	v6 =	vsel vm0, v22, v6;
	v0 =	vsel vm0, v0, v56;
	[tilespmem:$0x1FF90] =	vst v10;
	v5 =	vand.u32 $0xF, v5  }
0x8d: {  	s4 =	srdreg.scid;
	v9 =	vmovc v27;
	v5 =	vcombine.low v8, v5;
	v8 =	vmovc v18;
	v18 =	vmov v55;
	v27 =	vunpack.c.0.s8.s32 v59;
	[tilespmem:$0x1FE40] =	vst v2  }
0x8e: {  	s14 =	simm.s32 $0x600;
	s15 =	simm.s32 $0xA00;
	s16 =	simm.s32 $0xE00;
	v56 =	vcombine.low v6, v0;
	[tilespmem:$0x1FEC0] =	vst v18  }
0x8f: {  	s9 =	stileid.u32;
	s12 =	simm.s32 $0x7;
	s11 =	simm.s32 $0x9200;
	v55 =	vor.u32 $0x10, v1;
	[tilespmem:$0x1FE10] =	vst v5;
	v5 =	vimm.s32 $0x76543210;
	v2 =	vand.u32 $0xF, v27  }
0x90: {  	s18 =	simm.s32 $0x3;
	s19 =	simm.s32 $0x11A00;
	s20 =	simm.s32 $0x5;
	[tilespmem:$0x1FF70] =	vst v55;
	v4 =	vunpack.c.l.s4.s8 v5;
	v5 =	vcombine.low v0, v2;
	v0 =	vadd.s32 $0xD, v1  }
0x91: {  	s21 =	simm.s32 $0x6;
	v63 =	vadd.s32 $0x7, v1;
	s8 =	sand.u32 $0x1, s4;
	s7 =	sadd.s32 $0x188000, s3;
	v17 =	vadd.s32 $0x9, v1;
	v2 =	vadd.s32 $0x57F0, v12;
	[tilespmem:$0x1FE50] =	vst v0  }
.Ltmp0:
0x92: {  	s3 =	sadd.s32 $0x1600, s3;
	s4 =	ssub.s32 $0x2, s8;
	v33 =	vmovc v17;
	v17 =	vadd.s32 $0xC, v1;
	v59 =	vadd.s32 $0xE, v1;
	v1 =	vadd.s32 $0x6480, v12;
	[tilespmem:$0x1FF50] =	vst v2;
	(pc) =	sbr.rel .LBB2_1-.Ltmp0, $4  }
0x93: {  	v57 =	vimm.f32 $0.0e+00;
	s22 =	simm.s32 $0x9A00;
	s6 =	sshrl.u32 s4, $0x1;
	v19 =	vadd.s32 $0x3ED0, v49;
	[dreg:$0x7] =	wrdreg s3;
	[tilespmem:$0x1FF80] =	vst v1  }
0x94: {  	s31 =	ssub.s32 s4, s6;
	s6 =	sshll.u32 s9, $0x1;
	v46 =	vmovc v63;
	v49 =	vadd.s32 $0x4B60, v49;
	[dreg:$0x6] =	wrdreg s8;
	v0 =	vunpack.c.0.s8.s32 v4;
	v4 =	vadd.s32 $0x5E38, v12;
	[tilespmem:$0x1FF40] =	vst v5  }
0x95: {  	s10 =	simm.s32 $0x0;
	v35 =	vmovc v19;
	v54 =	vadd.s32 $0x51A8, v12;
	s3 =	smax.u32 s31, $0x1;
	[dreg:$0x8] =	wrdreg s6;
	v51 =	vmovc v58;
	v43 =	vmov v13;
	v61 =	vmov v17;
	[tilespmem:$0x1FE70] =	vst v4  }
0x96: {  	s9 =	simm.s32 $0x9600;
	s4 =	simm.s32 $0x2;
	[dreg:$0x9] =	wrdreg s3;
	v17 =	vmovc v47;
	v3 =	vmovc v20;
	v20 =	vmov v52;
	v22 =	vmov v53;
	v62 =	vmov v10;
	[tilespmem:$0x1FE60] =	vst v0  }
.LBB2_20:
0x97: {  	s10 =	rddreg [dreg:$0xa]  }
0x98: {  	s3 =	rddreg [dreg:$0x9];
	s10 =	sadd.s32 $0x1, s10  }
0x99: {  	p0 =	sne.s32 s10, s3  }
.Ltmp1:
0x9a: {  	_ = 	snop;
	(pc) =	sbr.rel @!p0 .LBB2_21-.Ltmp1, $1  }
0x9b: {  	_ =	sdelay $0x3  }
.LBB2_1:
0x9c: {  	[dreg:$0xa] =	wrdreg s10  }
.Ltmp2:
0x9d: {  	s3 =	rddreg [dreg:$0x7];
	(pc) =	sbr.rel .LBB2_2-.Ltmp2, $4  }
0x9e: {  	[tilespmem:s5], [sflag:$0x7] =	stream.linear.gather [hbm4b:s3+s5], $0x200, $0x38;
	[tilespmem:$0x1E300] =	vst v63  }
0x9f: {  	_ =	swait.ge [sflag:s12], $0x200  }
0xa0: {  	[sflag:s12] =	ssyncset.done $0x0  }
0xa1: {  	s29 =	simm.s32 $0x0;
	[sflag:s12] =	ssyncadd.s32 $0xFFFFFE00  }
.LBB2_18:
0xa2: {  	s3 =	rddreg [dreg:$0xb]  }
0xa3: {  	s6 =	rddreg [dreg:$0x4];
	s3 =	sshrl.u32 s3, $0x3  }
0xa4: {  	s3 =	sadd.s32 s6, s3  }
0xa5: {  	[hbm4b:s3+s5] =	stream.linear.scatter [tilespmem:s19], [sflag:$0x7], $0x640, $0x38;
	[tilespmem:$0x1E300] =	vst v63  }
0xa6: {  	s8 =	simm.s32 $0x12048;
	s6 =	sadd.s32 $0x61A8, s3  }
0xa7: {  	[hbm4b:s6+s5] =	stream.linear.scatter [tilespmem:s8], [sflag:$0x7], $0x640, $0x38;
	[tilespmem:$0x1E300] =	vst v63  }
0xa8: {  	s23 =	simm.s32 $0x12690;
	s17 =	sadd.s32 $0xC350, s3  }
0xa9: {  	[hbm4b:s17+s5] =	stream.linear.scatter [tilespmem:s23], [sflag:$0x7], $0x640, $0x38;
	[tilespmem:$0x1E300] =	vst v63  }
0xaa: {  	s25 =	simm.s32 $0x12CD8;
	s24 =	sadd.s32 $0x124F8, s3  }
0xab: {  	[hbm4b:s24+s5] =	stream.linear.scatter [tilespmem:s25], [sflag:$0x7], $0x640, $0x38;
	[tilespmem:$0x1E300] =	vst v63  }
0xac: {  	s28 =	simm.s32 $0x13320;
	s26 =	sadd.s32 $0x186A0, s3  }
0xad: {  	[hbm4b:s26+s5] =	stream.linear.scatter [tilespmem:s28], [sflag:$0x7], $0x640, $0x38;
	[tilespmem:$0x1E300] =	vst v63  }
0xae: {  	s31 =	simm.s32 $0x13968;
	s30 =	sadd.s32 $0x1E848, s3  }
0xaf: {  	[hbm4b:s30+s5] =	stream.linear.scatter [tilespmem:s31], [sflag:$0x7], $0x640, $0x38;
	[tilespmem:$0x1E300] =	vst v63  }
0xb0: {  	s13 =	simm.s32 $0x13FB0;
	s10 =	sadd.s32 $0x249F0, s3  }
0xb1: {  	[hbm4b:s10+s5] =	stream.linear.scatter [tilespmem:s13], [sflag:$0x7], $0x640, $0x38;
	[tilespmem:$0x1E300] =	vst v63  }
0xb2: {  	s17 =	sadd.s32 $0x2AB98, s3;
	s23 =	simm.s32 $0x145F8  }
0xb3: {  	[hbm4b:s17+s5] =	stream.linear.scatter [tilespmem:s23], [sflag:$0x7], $0x640, $0x38;
	[tilespmem:$0x1E300] =	vst v63  }
0xb4: {  	s24 =	sadd.s32 $0x30D40, s3;
	s25 =	simm.s32 $0x14C40  }
0xb5: {  	[hbm4b:s24+s5] =	stream.linear.scatter [tilespmem:s25], [sflag:$0x7], $0x640, $0x38;
	[tilespmem:$0x1E300] =	vst v63  }
0xb6: {  	s26 =	sadd.s32 $0x36EE8, s3;
	s28 =	simm.s32 $0x15288  }
0xb7: {  	[hbm4b:s26+s5] =	stream.linear.scatter [tilespmem:s28], [sflag:$0x7], $0x640, $0x38;
	[tilespmem:$0x1E300] =	vst v63  }
0xb8: {  	s30 =	sadd.s32 $0x3D090, s3;
	s31 =	simm.s32 $0x158D0  }
0xb9: {  	[hbm4b:s30+s5] =	stream.linear.scatter [tilespmem:s31], [sflag:$0x7], $0x640, $0x38;
	[tilespmem:$0x1E300] =	vst v63  }
0xba: {  	s10 =	sadd.s32 $0x43238, s3;
	s13 =	simm.s32 $0x15F18  }
0xbb: {  	[hbm4b:s10+s5] =	stream.linear.scatter [tilespmem:s13], [sflag:$0x7], $0x640, $0x38;
	[tilespmem:$0x1E300] =	vst v63  }
0xbc: {  	s17 =	sadd.s32 $0x493E0, s3;
	s23 =	simm.s32 $0x16560  }
0xbd: {  	[hbm4b:s17+s5] =	stream.linear.scatter [tilespmem:s23], [sflag:$0x7], $0x640, $0x38;
	[tilespmem:$0x1E300] =	vst v63  }
0xbe: {  	s24 =	sadd.s32 $0x4F588, s3;
	s25 =	simm.s32 $0x16BA8  }
0xbf: {  	[hbm4b:s24+s5] =	stream.linear.scatter [tilespmem:s25], [sflag:$0x7], $0x640, $0x38;
	[tilespmem:$0x1E300] =	vst v63  }
0xc0: {  	s26 =	sadd.s32 $0x55730, s3;
	s28 =	simm.s32 $0x171F0  }
0xc1: {  	[hbm4b:s26+s5] =	stream.linear.scatter [tilespmem:s28], [sflag:$0x7], $0x640, $0x38;
	[tilespmem:$0x1E300] =	vst v63  }
0xc2: {  	s30 =	sadd.s32 $0x5B8D8, s3;
	s31 =	simm.s32 $0x17838  }
0xc3: {  	[hbm4b:s30+s5] =	stream.linear.scatter [tilespmem:s31], [sflag:$0x7], $0x640, $0x38;
	[tilespmem:$0x1E300] =	vst v63  }
0xc4: {  	s10 =	sadd.s32 $0x61A80, s3;
	s13 =	simm.s32 $0x17E80  }
0xc5: {  	[hbm4b:s10+s5] =	stream.linear.scatter [tilespmem:s13], [sflag:$0x7], $0x640, $0x38;
	[tilespmem:$0x1E300] =	vst v63  }
0xc6: {  	s17 =	sadd.s32 $0x67C28, s3;
	s23 =	simm.s32 $0x184C8  }
0xc7: {  	[hbm4b:s17+s5] =	stream.linear.scatter [tilespmem:s23], [sflag:$0x7], $0x640, $0x38;
	[tilespmem:$0x1E300] =	vst v63  }
0xc8: {  	s24 =	sadd.s32 $0x6DDD0, s3;
	s25 =	simm.s32 $0x18B10  }
0xc9: {  	[hbm4b:s24+s5] =	stream.linear.scatter [tilespmem:s25], [sflag:$0x7], $0x640, $0x38;
	[tilespmem:$0x1E300] =	vst v63  }
0xca: {  	s26 =	sadd.s32 $0x73F78, s3;
	s28 =	simm.s32 $0x19158  }
0xcb: {  	[hbm4b:s26+s5] =	stream.linear.scatter [tilespmem:s28], [sflag:$0x7], $0x640, $0x38;
	[tilespmem:$0x1E300] =	vst v63  }
0xcc: {  	s30 =	sadd.s32 $0x7A120, s3;
	s31 =	simm.s32 $0x197A0  }
0xcd: {  	[hbm4b:s30+s5] =	stream.linear.scatter [tilespmem:s31], [sflag:$0x7], $0x640, $0x38;
	[tilespmem:$0x1E300] =	vst v63  }
0xce: {  	s10 =	sadd.s32 $0x802C8, s3;
	s13 =	simm.s32 $0x19DE8  }
0xcf: {  	[hbm4b:s10+s5] =	stream.linear.scatter [tilespmem:s13], [sflag:$0x7], $0x640, $0x38;
	[tilespmem:$0x1E300] =	vst v63  }
0xd0: {  	s17 =	sadd.s32 $0x86470, s3;
	s23 =	simm.s32 $0x1A430  }
0xd1: {  	[hbm4b:s17+s5] =	stream.linear.scatter [tilespmem:s23], [sflag:$0x7], $0x640, $0x38;
	[tilespmem:$0x1E300] =	vst v63  }
0xd2: {  	s24 =	sadd.s32 $0x8C618, s3;
	s25 =	simm.s32 $0x1AA78  }
0xd3: {  	[hbm4b:s24+s5] =	stream.linear.scatter [tilespmem:s25], [sflag:$0x7], $0x640, $0x38;
	[tilespmem:$0x1E300] =	vst v63  }
0xd4: {  	s26 =	sadd.s32 $0x927C0, s3;
	s28 =	simm.s32 $0x1B0C0  }
0xd5: {  	[hbm4b:s26+s5] =	stream.linear.scatter [tilespmem:s28], [sflag:$0x7], $0x640, $0x38;
	[tilespmem:$0x1E300] =	vst v63  }
0xd6: {  	s30 =	sadd.s32 $0x98968, s3;
	s31 =	simm.s32 $0x1B708  }
0xd7: {  	[hbm4b:s30+s5] =	stream.linear.scatter [tilespmem:s31], [sflag:$0x7], $0x640, $0x38;
	[tilespmem:$0x1E300] =	vst v63  }
0xd8: {  	s8 =	sadd.s32 $0x9EB10, s3;
	s10 =	simm.s32 $0x1BD50  }
0xd9: {  	[hbm4b:s8+s5] =	stream.linear.scatter [tilespmem:s10], [sflag:$0x7], $0x640, $0x38;
	[tilespmem:$0x1E300] =	vst v63  }
0xda: {  	s13 =	sadd.s32 $0xA4CB8, s3;
	s17 =	simm.s32 $0x1C398  }
0xdb: {  	[hbm4b:s13+s5] =	stream.linear.scatter [tilespmem:s17], [sflag:$0x7], $0x640, $0x38;
	[tilespmem:$0x1E300] =	vst v63  }
0xdc: {  	s23 =	sadd.s32 $0xAAE60, s3;
	s24 =	simm.s32 $0x1C9E0  }
0xdd: {  	[hbm4b:s23+s5] =	stream.linear.scatter [tilespmem:s24], [sflag:$0x7], $0x640, $0x38;
	[tilespmem:$0x1E300] =	vst v63  }
0xde: {  	s25 =	sadd.s32 $0xB1008, s3;
	s26 =	simm.s32 $0x1D028  }
0xdf: {  	[hbm4b:s25+s5] =	stream.linear.scatter [tilespmem:s26], [sflag:$0x7], $0x640, $0x38;
	[tilespmem:$0x1E300] =	vst v63  }
0xe0: {  	s28 =	sadd.s32 $0xB71B0, s3;
	s30 =	simm.s32 $0x1D670  }
0xe1: {  	[hbm4b:s28+s5] =	stream.linear.scatter [tilespmem:s30], [sflag:$0x7], $0x640, $0x38;
	[tilespmem:$0x1E300] =	vst v63  }
0xe2: {  	s3 =	sadd.s32 $0xBD358, s3;
	s31 =	simm.s32 $0x1DCB8  }
0xe3: {  	[hbm4b:s3+s5] =	stream.linear.scatter [tilespmem:s31], [sflag:$0x7], $0x640, $0x38;
	[tilespmem:$0x1E300] =	vst v63  }
0xe4: {  	_ =	swait.ge [sflag:s12], $0x640  }
0xe5: {  	[sflag:s12] =	ssyncset.done $0x0  }
0xe6: {  	[sflag:s12] =	ssyncadd.s32 $0xFFFFF9C0  }
0xe7: {  	_ =	swait.ge [sflag:s12], $0x640  }
0xe8: {  	[sflag:s12] =	ssyncset.done $0x0  }
0xe9: {  	[sflag:s12] =	ssyncadd.s32 $0xFFFFF9C0  }
0xea: {  	_ =	swait.ge [sflag:s12], $0x640  }
0xeb: {  	[sflag:s12] =	ssyncset.done $0x0  }
0xec: {  	[sflag:s12] =	ssyncadd.s32 $0xFFFFF9C0  }
0xed: {  	_ =	swait.ge [sflag:s12], $0x640  }
0xee: {  	[sflag:s12] =	ssyncset.done $0x0  }
0xef: {  	[sflag:s12] =	ssyncadd.s32 $0xFFFFF9C0  }
0xf0: {  	_ =	swait.ge [sflag:s12], $0x640  }
0xf1: {  	[sflag:s12] =	ssyncset.done $0x0  }
0xf2: {  	[sflag:s12] =	ssyncadd.s32 $0xFFFFF9C0  }
0xf3: {  	_ =	swait.ge [sflag:s12], $0x640  }
0xf4: {  	[sflag:s12] =	ssyncset.done $0x0  }
0xf5: {  	[sflag:s12] =	ssyncadd.s32 $0xFFFFF9C0  }
0xf6: {  	_ =	swait.ge [sflag:s12], $0x640  }
0xf7: {  	[sflag:s12] =	ssyncset.done $0x0  }
0xf8: {  	[sflag:s12] =	ssyncadd.s32 $0xFFFFF9C0  }
0xf9: {  	_ =	swait.ge [sflag:s12], $0x640  }
0xfa: {  	[sflag:s12] =	ssyncset.done $0x0  }
0xfb: {  	[sflag:s12] =	ssyncadd.s32 $0xFFFFF9C0  }
0xfc: {  	_ =	swait.ge [sflag:s12], $0x640  }
0xfd: {  	[sflag:s12] =	ssyncset.done $0x0  }
0xfe: {  	[sflag:s12] =	ssyncadd.s32 $0xFFFFF9C0  }
0xff: {  	_ =	swait.ge [sflag:s12], $0x640  }
0x100: {  	[sflag:s12] =	ssyncset.done $0x0  }
0x101: {  	[sflag:s12] =	ssyncadd.s32 $0xFFFFF9C0  }
0x102: {  	_ =	swait.ge [sflag:s12], $0x640  }
0x103: {  	[sflag:s12] =	ssyncset.done $0x0  }
0x104: {  	[sflag:s12] =	ssyncadd.s32 $0xFFFFF9C0  }
0x105: {  	_ =	swait.ge [sflag:s12], $0x640  }
0x106: {  	[sflag:s12] =	ssyncset.done $0x0  }
0x107: {  	[sflag:s12] =	ssyncadd.s32 $0xFFFFF9C0  }
0x108: {  	_ =	swait.ge [sflag:s12], $0x640  }
0x109: {  	[sflag:s12] =	ssyncset.done $0x0  }
0x10a: {  	[sflag:s12] =	ssyncadd.s32 $0xFFFFF9C0  }
0x10b: {  	_ =	swait.ge [sflag:s12], $0x640  }
0x10c: {  	[sflag:s12] =	ssyncset.done $0x0  }
0x10d: {  	[sflag:s12] =	ssyncadd.s32 $0xFFFFF9C0  }
0x10e: {  	_ =	swait.ge [sflag:s12], $0x640  }
0x10f: {  	[sflag:s12] =	ssyncset.done $0x0  }
0x110: {  	[sflag:s12] =	ssyncadd.s32 $0xFFFFF9C0  }
0x111: {  	_ =	swait.ge [sflag:s12], $0x640  }
0x112: {  	[sflag:s12] =	ssyncset.done $0x0  }
0x113: {  	[sflag:s12] =	ssyncadd.s32 $0xFFFFF9C0  }
0x114: {  	_ =	swait.ge [sflag:s12], $0x640  }
0x115: {  	[sflag:s12] =	ssyncset.done $0x0  }
0x116: {  	[sflag:s12] =	ssyncadd.s32 $0xFFFFF9C0  }
0x117: {  	_ =	swait.ge [sflag:s12], $0x640  }
0x118: {  	[sflag:s12] =	ssyncset.done $0x0  }
0x119: {  	[sflag:s12] =	ssyncadd.s32 $0xFFFFF9C0  }
0x11a: {  	_ =	swait.ge [sflag:s12], $0x640  }
0x11b: {  	[sflag:s12] =	ssyncset.done $0x0  }
0x11c: {  	[sflag:s12] =	ssyncadd.s32 $0xFFFFF9C0  }
0x11d: {  	_ =	swait.ge [sflag:s12], $0x640  }
0x11e: {  	[sflag:s12] =	ssyncset.done $0x0  }
0x11f: {  	[sflag:s12] =	ssyncadd.s32 $0xFFFFF9C0  }
0x120: {  	_ =	swait.ge [sflag:s12], $0x640  }
0x121: {  	[sflag:s12] =	ssyncset.done $0x0  }
0x122: {  	[sflag:s12] =	ssyncadd.s32 $0xFFFFF9C0  }
0x123: {  	_ =	swait.ge [sflag:s12], $0x640  }
0x124: {  	[sflag:s12] =	ssyncset.done $0x0  }
0x125: {  	[sflag:s12] =	ssyncadd.s32 $0xFFFFF9C0  }
0x126: {  	_ =	swait.ge [sflag:s12], $0x640  }
0x127: {  	[sflag:s12] =	ssyncset.done $0x0  }
0x128: {  	[sflag:s12] =	ssyncadd.s32 $0xFFFFF9C0  }
0x129: {  	_ =	swait.ge [sflag:s12], $0x640  }
0x12a: {  	[sflag:s12] =	ssyncset.done $0x0  }
0x12b: {  	[sflag:s12] =	ssyncadd.s32 $0xFFFFF9C0  }
0x12c: {  	_ =	swait.ge [sflag:s12], $0x640  }
0x12d: {  	[sflag:s12] =	ssyncset.done $0x0  }
0x12e: {  	[sflag:s12] =	ssyncadd.s32 $0xFFFFF9C0  }
0x12f: {  	_ =	swait.ge [sflag:s12], $0x640  }
0x130: {  	[sflag:s12] =	ssyncset.done $0x0  }
0x131: {  	[sflag:s12] =	ssyncadd.s32 $0xFFFFF9C0  }
0x132: {  	_ =	swait.ge [sflag:s12], $0x640  }
0x133: {  	[sflag:s12] =	ssyncset.done $0x0  }
0x134: {  	[sflag:s12] =	ssyncadd.s32 $0xFFFFF9C0  }
0x135: {  	_ =	swait.ge [sflag:s12], $0x640  }
0x136: {  	[sflag:s12] =	ssyncset.done $0x0  }
0x137: {  	[sflag:s12] =	ssyncadd.s32 $0xFFFFF9C0  }
0x138: {  	_ =	swait.ge [sflag:s12], $0x640  }
0x139: {  	[sflag:s12] =	ssyncset.done $0x0  }
0x13a: {  	[sflag:s12] =	ssyncadd.s32 $0xFFFFF9C0  }
0x13b: {  	_ =	swait.ge [sflag:s12], $0x640  }
0x13c: {  	[sflag:s12] =	ssyncset.done $0x0  }
0x13d: {  	[sflag:s12] =	ssyncadd.s32 $0xFFFFF9C0  }
0x13e: {  	_ =	swait.ge [sflag:s12], $0x640  }
0x13f: {  	[sflag:s12] =	ssyncset.done $0x0  }
0x140: {  	[sflag:s12] =	ssyncadd.s32 $0xFFFFF9C0  }
0x141: {  	_ =	swait.ge [sflag:s12], $0x640  }
0x142: {  	[sflag:s12] =	ssyncset.done $0x0;
	s8 =	rddreg [dreg:$0x6]  }
0x143: {  	v57 =	vimm.f32 $0.0e+00;
	s6 =	rddreg [dreg:$0x8];
	[sflag:s12] =	ssyncadd.s32 $0xFFFFF9C0  }
.LBB2_19:
0x144: {  	s29 =	sadd.s32 $0x1, s29  }
0x145: {  	p0 =	sne.s32 s29, $0x4  }
.Ltmp3:
0x146: {  	_ = 	snop;
	(pc) =	sbr.rel @!p0 .LBB2_20-.Ltmp3, $1  }
0x147: {  	_ =	sdelay $0x3  }
.LBB2_2:
0x148: {  	s3 =	sshll.u32 s29, $0x5  }
0x149: {  	s3 =	sor.u32 s3, s6  }
0x14a: {  	s3 =	sor.u32 s8, s3  }
0x14b: {  	p0 =	sgt.u32 s3, $0x7C  }
.Ltmp4:
0x14c: {  	_ = 	snop;
	(pc) =	sbr.rel @p0 .LBB2_19-.Ltmp4, $1  }
0x14d: {  	_ =	sdelay $0x3  }
0x14e: {  	v0 =	vmov s3;
	s6 =	sadd.s32 $0x1, s3  }
0x14f: {  	v4 =	vmov s6;
	_ =	sdelay $0x2  }
0x150: {  	s6 =	simm.s32 $0x0  }
0x151: {  	v2 =	vld.idx.msk [tilespmem:v0+s6+$0x0], $0xffff  }
0x152: {  	s8 =	simm.s32 $0x11A00;
	v0 =	vld.idx.msk [tilespmem:v4+s6+$0x0], $0xffff  }
.LBB2_4:
0x153: {  	v4 =	vmov s8;
	_ =	sdelay $0x3  }
0x154: {  	s10 =	simm.s32 $0x40;
	s13 =	simm.s32 $0x0  }
.LBB2_5:
0x155: {  	p0 =	sne.s32 s10, $0x18C0;
	[tilespmem:v4+s13+$0x0 ss:$0x1] =	vst.idx.msk $0xffff, v57;
	s13 =	smov.u32 s10;
	s10 =	sadd.s32 $0x40, s10  }
.Ltmp5:
0x156: {  	(pc) =	sbr.rel @p0 .LBB2_5-.Ltmp5, $2  }
0x157: {  	_ =	sdelay $0x2  }
0x158: {  	s13 =	sshra.s32 s13, $0x2  }
0x159: {  	s6 =	sadd.s32 $0x1, s6  }
0x15a: {  	p0 =	sne.s32 s6, $0x20  }
.Ltmp6:
0x15b: {  	_ = 	snop;
	(pc) =	sbr.rel @p0 .LBB2_4-.Ltmp6, $2  }
0x15c: {  	_ =	sdelay $0x2  }
0x15d: {  	[tilespmem:v4+s13+$0x0 ss:$0x1] =	vst.idx.msk $0xffff, v57;
	s8 =	sadd.s32 $0x648, s8  }
0x15e: {  	v2 =	vxor.u32 $0x80000000, v2  }
0x15f: {  	(xrf0) =	vmax.scan.msk.u32 $0xffff, v2;
	_ =	sdelay $0x5  }
0x160: {  	v2, _, _ =	vpop (xrf0)  }
0x161: {  	(v2sf) =	vpush v2, $0xF;
	_ =	sdelay $0x4  }
0x162: {  	v0 =	vxor.u32 $0x80000000, v0  }
0x163: {  	(xrf0) =	vmax.scan.msk.u32 $0xffff, v0;
	_ =	sdelay $0x5  }
0x164: {  	v0, _, _ =	vpop (xrf0)  }
0x165: {  	(v2sf) =	vpush v0, $0xF;
	_ =	sdelay $0x1  }
0x166: {  	s6 =	spop (v2sf)  }
0x167: {  	s10 =	sxor.u32 $0x80000000, s6  }
0x168: {  	s8 =	sshra.s32 s10, $0x1F  }
0x169: {  	s8 =	sshrl.u32 s8, $0x1C  }
0x16a: {  	s8 =	sadd.s32 s8, s10  }
0x16b: {  	s26 =	sand.u32 $0xFFFFFFF0, s8  }
0x16c: {  	p0 =	slt.s32 s26, $0x186600;
	s8 =	smov.u32 s26  }
0x16d: {  	s8 =	simm.s32 @!p0 $0x186600  }
0x16e: {  	s8 =	sshrl.u32 s8, $0x3  }
0x16f: {  	s17 =	simm.s32 $0x200;
	s13 =	sadd.s32 s0, s8  }
0x170: {  	[tilespmem:s17], [sflag:$0x1] =	stream.linear.gather [hbm4b:s13+s5], $0x400, $0x38;
	[tilespmem:$0x1E300] =	vst v63  }
0x171: {  	s25 =	sadd.s32 s1, s8  }
0x172: {  	[tilespmem:s14], [sflag:$0x2] =	stream.linear.gather [hbm4b:s25+s5], $0x400, $0x38;
	[tilespmem:$0x1E300] =	vst v63  }
0x173: {  	s28 =	simm.s32 $0x1;
	s8 =	sadd.s32 s2, s8;
	s13 =	spop (v2sf)  }
0x174: {  	[tilespmem:s15], [sflag:$0x2] =	stream.linear.gather [hbm4b:s8+s5], $0x400, $0x38;
	[tilespmem:$0x1E300] =	vst v63  }
0x175: {  	_ =	swait.ge [sflag:s28], $0x400  }
0x176: {  	[sflag:s28] =	ssyncset.done $0x0  }
0x177: {  	s23 =	simm.s32 $0x80;
	[sflag:s28] =	ssyncadd.s32 $0xFFFFFC00  }
0x178: {  	[tilespmem:s16], [sflag:$0x3] =	stream.indirect.gather [hbm4b:s7+s23], $0x20, s17, s23, $0xb8;
	[tilespmem:$0x1E300] =	vst v63  }
0x179: {  	s30 =	simm.s32 $0x280;
	s31 =	simm.s32 $0x1E00  }
0x17a: {  	[tilespmem:s31], [sflag:$0x3] =	stream.indirect.gather [hbm4b:s7+s23], $0x20, s30, s23, $0xb8;
	[tilespmem:$0x1E300] =	vst v63  }
0x17b: {  	s24 =	simm.s32 $0x2E00;
	s17 =	simm.s32 $0x300  }
0x17c: {  	[tilespmem:s24], [sflag:$0x3] =	stream.indirect.gather [hbm4b:s7+s23], $0x20, s17, s23, $0xb8;
	[tilespmem:$0x1E300] =	vst v63  }
0x17d: {  	s13 =	sxor.u32 $0x80000000, s13;
	s25 =	simm.s32 $0x380;
	s28 =	simm.s32 $0x3E00  }
0x17e: {  	[tilespmem:s28], [sflag:$0x3] =	stream.indirect.gather [hbm4b:s7+s23], $0x20, s25, s23, $0xb8;
	[tilespmem:$0x1E300] =	vst v63  }
0x17f: {  	s25 =	ssub.s32 s13, s26  }
0x180: {  	s30 =	simm.s32 $0x400;
	s31 =	simm.s32 $0x4E00;
	s8 =	sadd.s32 $0x3FF, s25  }
0x181: {  	[tilespmem:s31], [sflag:$0x3] =	stream.indirect.gather [hbm4b:s7+s23], $0x20, s30, s23, $0xb8;
	[tilespmem:$0x1E300] =	vst v63  }
0x182: {  	s17 =	simm.s32 $0x480;
	s24 =	simm.s32 $0x5E00;
	p0 =	slt.s32 s8, $0x800  }
0x183: {  	[tilespmem:s24], [sflag:$0x3] =	stream.indirect.gather [hbm4b:s7+s23], $0x20, s17, s23, $0xb8;
	[tilespmem:$0x1E300] =	vst v63  }
.Ltmp7:
0x184: {  	_ = 	snop;
	(pc) =	sbr.rel @p0 .LBB2_9-.Ltmp7, $4  }
0x185: {  	s3 =	smul.u32 $0x640, s3;
	s28 =	simm.s32 $0x500;
	s24 =	simm.s32 $0x6E00  }
0x186: {  	[tilespmem:s24], [sflag:$0x3] =	stream.indirect.gather [hbm4b:s7+s23], $0x20, s28, s23, $0xb8;
	[tilespmem:$0x1E300] =	vst v63  }
0x187: {  	[dreg:$0xb] =	wrdreg s3;
	s30 =	simm.s32 $0x580;
	s31 =	simm.s32 $0x7E00  }
0x188: {  	[tilespmem:s31], [sflag:$0x3] =	stream.indirect.gather [hbm4b:s7+s23], $0x20, s30, s23, $0xb8;
	[tilespmem:$0x1E300] =	vst v63  }
0x189: {  	s3 =	sadd.s32 $0x400, s26  }
0x18a: {  	p0 =	slt.s32 s3, $0x186600  }
0x18b: {  	s3 =	simm.s32 @!p0 $0x186600  }
0x18c: {  	s3 =	sshrl.u32 s3, $0x3  }
0x18d: {  	s23 =	simm.s32 $0x8E00;
	s17 =	sadd.s32 s0, s3  }
0x18e: {  	[tilespmem:s23], [sflag:$0x4] =	stream.linear.gather [hbm4b:s17+s5], $0x400, $0x38;
	[tilespmem:$0x1E300] =	vst v63  }
.Ltmp8:
0x18f: {  	_ = 	snop;
	(pc) =	sbr.rel .LBB2_10-.Ltmp8, $4  }
0x190: {  	s31 =	sadd.s32 s1, s3  }
0x191: {  	[tilespmem:s11], [sflag:$0x5] =	stream.linear.gather [hbm4b:s31+s5], $0x400, $0x38;
	[tilespmem:$0x1E300] =	vst v63  }
0x192: {  	s3 =	sadd.s32 s2, s3  }
0x193: {  	v13 =	vld [tilespmem:$0x1FE50];
	v1 =	vlaneseq.u32;
	[tilespmem:s9], [sflag:$0x5] =	stream.linear.gather [hbm4b:s3+s5], $0x400, $0x38  }
.LBB2_9:
0x194: {  	p0 =	slt.s32 s8, $0x400  }
.Ltmp9:
0x195: {  	_ = 	snop;
	(pc) =	sbr.rel @p0 .LBB2_18-.Ltmp9, $2  }
0x196: {  	_ =	sdelay $0x2  }
0x197: {  	v13 =	vld [tilespmem:$0x1FE50];
	v1 =	vlaneseq.u32  }
.LBB2_10:
0x198: {  	s3 =	sshra.s32 s8, $0x1F  }
0x199: {  	s3 =	sshrl.u32 s3, $0x16  }
0x19a: {  	s3 =	sadd.s32 s3, s8  }
0x19b: {  	s3 =	sshra.s32 s3, $0xA  }
0x19c: {  	s25 =	sadd.s32 $0x1, s3  }
.Ltmp10:
0x19d: {  	s17 =	sshrl.u32 s25, $0x1F;
	(pc) =	sbr.rel .LBB2_11-.Ltmp10, $4  }
0x19e: {  	s8 =	sadd.s32 s17, s25  }
0x19f: {  	s28 =	ssub.s32 s10, s26;
	v2 =	vmov s13;
	s31 =	rddreg [dreg:$0xb];
	s8 =	sshra.s32 s8, $0x1  }
0x1a0: {  	s30 =	smov.u32 s26;
	s6 =	ssub.s32 s6, s28;
	[tilespmem:$0x1FCB0] =	vst v2;
	v58 =	vmov s31;
	p0 =	sgt.s32 s8, $0x1  }
0x1a1: {  	v39 =	vmov s10;
	s24 =	sadd.s32 $0x80000400, s6;
	[tilespmem:$0x1FCC0] =	vst v58;
	s25 =	simm.s32 $0x0;
	s8 =	simm.s32 @!p0 $0x1  }
.LBB2_17:
0x1a2: {  	v12 =	vld [tilespmem:$0x1FE80]  }
0x1a3: {  	v33 =	vmov v14;
	v14 =	vld [tilespmem:$0x1FE90]  }
0x1a4: {  	v28 =	vmov v11;
	v11 =	vld [tilespmem:$0x1FEA0]  }
0x1a5: {  	v17 =	vld [tilespmem:$0x1FEB0]  }
0x1a6: {  	v18 =	vld [tilespmem:$0x1FEC0]  }
0x1a7: {  	v51 =	vld [tilespmem:$0x1FED0]  }
0x1a8: {  	v20 =	vld [tilespmem:$0x1FEE0]  }
0x1a9: {  	s25 =	sadd.s32 $0x1, s25;
	v21 =	vld [tilespmem:$0x1FEF0]  }
0x1aa: {  	v34 =	vmov v22;
	v22 =	vld [tilespmem:$0x1FF00];
	p0 =	sne.s32 s25, s8  }
.Ltmp11:
0x1ab: {  	v23 =	vld [tilespmem:$0x1FF10];
	(pc) =	sbr.rel @!p0 .LBB2_18-.Ltmp11, $4  }
0x1ac: {  	v24 =	vld [tilespmem:$0x1FF20]  }
0x1ad: {  	v15 =	vld [tilespmem:$0x1FF30]  }
0x1ae: {  	v45 =	vld [tilespmem:$0x1FF60]  }
0x1af: {  	v48 =	vmov v47;
	v42 =	vmov v40;
	s30 =	sadd.s32 $0x800, s30;
	s24 =	sadd.s32 $0x800, s24;
	v55 =	vld [tilespmem:$0x1FF70]  }
.LBB2_11:
0x1b0: {  	_ =	swait.ge [sflag:s4], $0x400  }
0x1b1: {  	[sflag:s4] =	ssyncset.done $0x0  }
0x1b2: {  	[sflag:s4] =	ssyncadd.s32 $0xFFFFFC00  }
0x1b3: {  	_ =	swait.ge [sflag:s4], $0x400  }
0x1b4: {  	[sflag:s4] =	ssyncset.done $0x0  }
0x1b5: {  	[sflag:s4] =	ssyncadd.s32 $0xFFFFFC00  }
0x1b6: {  	_ =	swait.ge [sflag:s18], $0x1000  }
0x1b7: {  	[sflag:s18] =	ssyncset.done $0x0  }
0x1b8: {  	[sflag:s18] =	ssyncadd.s32 $0xFFFFF000  }
0x1b9: {  	_ =	swait.ge [sflag:s18], $0x1000  }
0x1ba: {  	[sflag:s18] =	ssyncset.done $0x0  }
0x1bb: {  	[sflag:s18] =	ssyncadd.s32 $0xFFFFF000  }
0x1bc: {  	_ =	swait.ge [sflag:s18], $0x1000  }
0x1bd: {  	[sflag:s18] =	ssyncset.done $0x0  }
0x1be: {  	[sflag:s18] =	ssyncadd.s32 $0xFFFFF000  }
0x1bf: {  	_ =	swait.ge [sflag:s18], $0x1000  }
0x1c0: {  	[sflag:s18] =	ssyncset.done $0x0  }
0x1c1: {  	[sflag:s18] =	ssyncadd.s32 $0xFFFFF000  }
0x1c2: {  	_ =	swait.ge [sflag:s18], $0x1000  }
0x1c3: {  	[sflag:s18] =	ssyncset.done $0x0  }
0x1c4: {  	[sflag:s18] =	ssyncadd.s32 $0xFFFFF000  }
0x1c5: {  	_ =	swait.ge [sflag:s18], $0x1000  }
0x1c6: {  	[sflag:s18] =	ssyncset.done $0x0  }
0x1c7: {  	[sflag:s18] =	ssyncadd.s32 $0xFFFFF000  }
0x1c8: {  	_ =	swait.ge [sflag:s18], $0x1000  }
0x1c9: {  	[sflag:s18] =	ssyncset.done $0x0  }
0x1ca: {  	[sflag:s18] =	ssyncadd.s32 $0xFFFFF000  }
0x1cb: {  	s6 =	sshllo.u32 s25, $0x1;
	_ =	swait.ge [sflag:s18], $0x1000  }
0x1cc: {  	p0 =	sge.s32 s6, s3;
	[sflag:s18] =	ssyncset.done $0x0  }
0x1cd: {  	s6 =	simm.s32 @!p0 $0x4;
	[sflag:s18] =	ssyncadd.s32 $0xFFFFF000  }
0x1ce: {  	_ =	swait.ge @!p0 [sflag:s6], $0x400  }
0x1cf: {  	p1 =	slt.s32 s30, $0x186600;
	s10 =	simm.s32 @!p0 $0x8E00;
	[sflag:s6] =	ssyncset.done @!p0 $0x0  }
0x1d0: {  	s13 =	simm.s32 @!p0 $0x9A00;
	[sflag:s6] =	ssyncadd.s32 @!p0 $0xFFFFFC00;
	s6 =	simm.s32 @!p0 $0x80  }
0x1d1: {  	[tilespmem:s13], [sflag:$0x6] =	stream.indirect.gather @!p0 [hbm4b:s7+s6], $0x20, s10, s6, $0xb8;
	[tilespmem:$0x1E300] =	vst v63  }
0x1d2: {  	s17 =	smov.u32 s30;
	s10 =	simm.s32 @!p0 $0x8E80;
	s13 =	simm.s32 @!p0 $0xAA00  }
0x1d3: {  	[tilespmem:s13], [sflag:$0x6] =	stream.indirect.gather @!p0 [hbm4b:s7+s6], $0x20, s10, s6, $0xb8;
	[tilespmem:$0x1E300] =	vst v63  }
0x1d4: {  	s17 =	simm.s32 @!p1 $0x186600;
	s10 =	simm.s32 @!p0 $0x8F00;
	s13 =	simm.s32 @!p0 $0xBA00  }
0x1d5: {  	[tilespmem:s13], [sflag:$0x6] =	stream.indirect.gather @!p0 [hbm4b:s7+s6], $0x20, s10, s6, $0xb8;
	[tilespmem:$0x1E300] =	vst v63  }
0x1d6: {  	s31 =	ssub.s32 $0x0, s17;
	s17 =	simm.s32 @!p0 $0xCA00;
	s13 =	simm.s32 @!p0 $0x8F80  }
0x1d7: {  	[tilespmem:s17], [sflag:$0x6] =	stream.indirect.gather @!p0 [hbm4b:s7+s6], $0x20, s13, s6, $0xb8;
	[tilespmem:$0x1E300] =	vst v63  }
0x1d8: {  	s17 =	sadd.s32 s31, s30  }
0x1d9: {  	s10 =	simm.s32 @!p0 $0x9000;
	s13 =	simm.s32 @!p0 $0xDA00;
	s28 =	sadd.s32 $0x0, s17  }
0x1da: {  	[tilespmem:s13], [sflag:$0x6] =	stream.indirect.gather @!p0 [hbm4b:s7+s6], $0x20, s10, s6, $0xb8;
	v2 =	vor.u32 s28, v1;
	[tilespmem:$0x1E300] =	vst v63  }
0x1db: {  	s10 =	simm.s32 @!p0 $0x9080;
	s13 =	simm.s32 @!p0 $0xEA00;
	vm1 =	vlt.s32 v2, $0x3FF  }
0x1dc: {  	[tilespmem:s13], [sflag:$0x6] =	stream.indirect.gather @!p0 [hbm4b:s7+s6], $0x20, s10, s6, $0xb8;
	v2 =	vnsel vm1, $0x3FF, v2;
	[tilespmem:$0x1E300] =	vst v63  }
0x1dd: {  	s10 =	simm.s32 @!p0 $0x9100;
	s13 =	simm.s32 @!p0 $0xFA00  }
0x1de: {  	[tilespmem:s13], [sflag:$0x6] =	stream.indirect.gather @!p0 [hbm4b:s7+s6], $0x20, s10, s6, $0xb8;
	[tilespmem:$0x1E300] =	vst v63  }
0x1df: {  	s10 =	simm.s32 @!p0 $0x9180;
	s13 =	simm.s32 @!p0 $0x10A00  }
0x1e0: {  	v0 =	vld [tilespmem:$0x1FCB0];
	[tilespmem:s13], [sflag:$0x6] =	stream.indirect.gather @!p0 [hbm4b:s7+s6], $0x20, s10, s6, $0xb8  }
0x1e1: {  	v6 =	vshll.u32 v2, $0x5;
	v4 =	vld.idx.msk [tilespmem:v2+s14+$0x0], $0xffff  }
0x1e2: {  	v5 =	vor.u32 v1, v6;
	_ =	sdelay $0x1  }
0x1e3: {  	s23 =	sadd.s32 $0x0, s30  }
0x1e4: {  	v7 =	vor.u32 s23, v1  }
0x1e5: {  	vm2 =	vlt.s32 v7, v0;
	v52 =	vld.idx.msk [tilespmem:v2+s15+$0x0], $0xffff;
	v2 =	vsub.s32 v4, v58  }
0x1e6: {  	vm1 =	vge.s32 v7, v39;
	v5 =	vld.idx.msk [tilespmem:v5+s16+$0x0], $0xffff;
	v4 =	vand.u32 $0x7, v4;
	v2 =	vand.u32 $0xFFFFFFF8, v2  }
0x1e7: {  	vm1 =	vmand vm1, vm2;
	v7 =	vor.u32 v4, v2  }
0x1e8: {  	v2 =	vadd.s32 v12, v7  }
0x1e9: {  	v4 =	vor.u32 v17, v6;
	_ =	sdelay $0x1  }
0x1ea: {  	v5 =	vmul.f32 v5, v52;
	_ =	sdelay $0x1  }
0x1eb: {  	[tilespmem:v2+s19+$0x0] =	vst.idx.add.f32.msk vm1, v5  }
0x1ec: {  	v2 =	vld.idx.msk [tilespmem:v4+s16+$0x0], $0xffff;
	_ =	sdelay $0x1  }
0x1ed: {  	v4 =	vadd.s32 v18, v7  }
0x1ee: {  	v5 =	vor.u32 v51, v6;
	_ =	sdelay $0x1  }
0x1ef: {  	v2 =	vmul.f32 v2, v52;
	_ =	sdelay $0x1  }
0x1f0: {  	[tilespmem:v4+s19+$0x0] =	vst.idx.add.f32.msk vm1, v2  }
0x1f1: {  	v2 =	vld.idx.msk [tilespmem:v5+s16+$0x0], $0xffff;
	_ =	sdelay $0x1  }
0x1f2: {  	v4 =	vadd.s32 v20, v7  }
0x1f3: {  	v5 =	vor.u32 v21, v6;
	_ =	sdelay $0x1  }
0x1f4: {  	v2 =	vmul.f32 v2, v52;
	_ =	sdelay $0x1  }
0x1f5: {  	[tilespmem:v4+s19+$0x0] =	vst.idx.add.f32.msk vm1, v2  }
0x1f6: {  	v2 =	vld.idx.msk [tilespmem:v5+s16+$0x0], $0xffff;
	_ =	sdelay $0x1  }
0x1f7: {  	v4 =	vadd.s32 v22, v7  }
0x1f8: {  	v5 =	vor.u32 v23, v6;
	_ =	sdelay $0x1  }
0x1f9: {  	v2 =	vmul.f32 v2, v52;
	_ =	sdelay $0x1  }
0x1fa: {  	[tilespmem:v4+s19+$0x0] =	vst.idx.add.f32.msk vm1, v2  }
0x1fb: {  	v2 =	vld.idx.msk [tilespmem:v5+s16+$0x0], $0xffff;
	_ =	sdelay $0x1  }
0x1fc: {  	v4 =	vadd.s32 v24, v7  }
0x1fd: {  	v5 =	vor.u32 v15, v6;
	_ =	sdelay $0x1  }
0x1fe: {  	v2 =	vmul.f32 v2, v52;
	_ =	sdelay $0x1  }
0x1ff: {  	[tilespmem:v4+s19+$0x0] =	vst.idx.add.f32.msk vm1, v2  }
0x200: {  	v2 =	vld.idx.msk [tilespmem:v5+s16+$0x0], $0xffff;
	_ =	sdelay $0x1  }
0x201: {  	v4 =	vadd.s32 v26, v7  }
0x202: {  	v5 =	vor.u32 v25, v6;
	_ =	sdelay $0x1  }
0x203: {  	v2 =	vmul.f32 v2, v52;
	_ =	sdelay $0x1  }
0x204: {  	[tilespmem:v4+s19+$0x0] =	vst.idx.add.f32.msk vm1, v2  }
0x205: {  	v2 =	vld.idx.msk [tilespmem:v5+s16+$0x0], $0xffff;
	_ =	sdelay $0x1  }
0x206: {  	v4 =	vadd.s32 v28, v7  }
0x207: {  	v5 =	vor.u32 v46, v6;
	_ =	sdelay $0x1  }
0x208: {  	v30 =	vld [tilespmem:$0x1FCF0];
	v2 =	vmul.f32 v2, v52;
	_ =	sdelay $0x1  }
0x209: {  	[tilespmem:v4+s19+$0x0] =	vst.idx.add.f32.msk vm1, v2  }
0x20a: {  	v2 =	vld.idx.msk [tilespmem:v5+s16+$0x0], $0xffff;
	_ =	sdelay $0x1  }
0x20b: {  	v4 =	vadd.s32 v30, v7  }
0x20c: {  	v5 =	vor.u32 v29, v6;
	_ =	sdelay $0x1  }
0x20d: {  	v2 =	vmul.f32 v2, v52;
	_ =	sdelay $0x1  }
0x20e: {  	[tilespmem:v4+s19+$0x0] =	vst.idx.add.f32.msk vm1, v2  }
0x20f: {  	v2 =	vld.idx.msk [tilespmem:v5+s16+$0x0], $0xffff;
	_ =	sdelay $0x1  }
0x210: {  	v4 =	vadd.s32 v31, v7  }
0x211: {  	v5 =	vor.u32 v33, v6;
	_ =	sdelay $0x1  }
0x212: {  	v2 =	vmul.f32 v2, v52  }
0x213: {  	v1 =	vld [tilespmem:$0x1FD00]  }
0x214: {  	[tilespmem:v4+s19+$0x0] =	vst.idx.add.f32.msk vm1, v2  }
0x215: {  	v2 =	vld.idx.msk [tilespmem:v5+s16+$0x0], $0xffff;
	_ =	sdelay $0x1  }
0x216: {  	v4 =	vadd.s32 v16, v7  }
0x217: {  	v5 =	vor.u32 v1, v6;
	_ =	sdelay $0x1  }
0x218: {  	v2 =	vmul.f32 v2, v52  }
0x219: {  	v37 =	vld [tilespmem:$0x1FD10]  }
0x21a: {  	[tilespmem:v4+s19+$0x0] =	vst.idx.add.f32.msk vm1, v2  }
0x21b: {  	v2 =	vld.idx.msk [tilespmem:v5+s16+$0x0], $0xffff;
	_ =	sdelay $0x1  }
0x21c: {  	v4 =	vadd.s32 v35, v7  }
0x21d: {  	v5 =	vor.u32 v37, v6;
	_ =	sdelay $0x1  }
0x21e: {  	v2 =	vmul.f32 v2, v52;
	_ =	sdelay $0x1  }
0x21f: {  	[tilespmem:v4+s19+$0x0] =	vst.idx.add.f32.msk vm1, v2  }
0x220: {  	v2 =	vld.idx.msk [tilespmem:v5+s16+$0x0], $0xffff;
	_ =	sdelay $0x1  }
0x221: {  	v4 =	vadd.s32 v38, v7  }
0x222: {  	v5 =	vor.u32 v61, v6;
	_ =	sdelay $0x1  }
0x223: {  	v2 =	vmul.f32 v2, v52;
	_ =	sdelay $0x1  }
0x224: {  	[tilespmem:v4+s19+$0x0] =	vst.idx.add.f32.msk vm1, v2  }
0x225: {  	v2 =	vld.idx.msk [tilespmem:v5+s16+$0x0], $0xffff;
	_ =	sdelay $0x1  }
0x226: {  	v4 =	vadd.s32 v49, v7  }
0x227: {  	v5 =	vor.u32 v13, v6;
	_ =	sdelay $0x1  }
0x228: {  	v2 =	vmul.f32 v2, v52;
	_ =	sdelay $0x1  }
0x229: {  	[tilespmem:v4+s19+$0x0] =	vst.idx.add.f32.msk vm1, v2  }
0x22a: {  	v2 =	vld.idx.msk [tilespmem:v5+s16+$0x0], $0xffff;
	_ =	sdelay $0x1  }
0x22b: {  	v4 =	vadd.s32 v54, v7  }
0x22c: {  	v5 =	vor.u32 v59, v6;
	_ =	sdelay $0x1  }
0x22d: {  	v0 =	vld [tilespmem:$0x1FF50];
	v2 =	vmul.f32 v2, v52;
	_ =	sdelay $0x1  }
0x22e: {  	[tilespmem:v4+s19+$0x0] =	vst.idx.add.f32.msk vm1, v2  }
0x22f: {  	v2 =	vld.idx.msk [tilespmem:v5+s16+$0x0], $0xffff;
	_ =	sdelay $0x1  }
0x230: {  	v4 =	vadd.s32 v0, v7  }
0x231: {  	v5 =	vor.u32 v45, v6;
	_ =	sdelay $0x1  }
0x232: {  	v0 =	vld [tilespmem:$0x1FE70];
	v2 =	vmul.f32 v2, v52;
	_ =	sdelay $0x1  }
0x233: {  	[tilespmem:v4+s19+$0x0] =	vst.idx.add.f32.msk vm1, v2  }
0x234: {  	v2 =	vld.idx.msk [tilespmem:v5+s16+$0x0], $0xffff;
	_ =	sdelay $0x1  }
0x235: {  	v4 =	vadd.s32 v0, v7  }
0x236: {  	v5 =	vor.u32 v55, v6;
	_ =	sdelay $0x1  }
0x237: {  	v0 =	vld [tilespmem:$0x1FF80];
	v2 =	vmul.f32 v2, v52;
	_ =	sdelay $0x1  }
0x238: {  	[tilespmem:v4+s19+$0x0] =	vst.idx.add.f32.msk vm1, v2  }
0x239: {  	v2 =	vld.idx.msk [tilespmem:v5+s16+$0x0], $0xffff;
	_ =	sdelay $0x1  }
0x23a: {  	v4 =	vadd.s32 v0, v7  }
0x23b: {  	v5 =	vor.u32 v3, v6;
	_ =	sdelay $0x1  }
0x23c: {  	v2 =	vmul.f32 v2, v52  }
0x23d: {  	v53 =	vmov v54;
	v54 =	vld [tilespmem:$0x1FDC0]  }
0x23e: {  	[tilespmem:v4+s19+$0x0] =	vst.idx.add.f32.msk vm1, v2  }
0x23f: {  	v2 =	vld.idx.msk [tilespmem:v5+s16+$0x0], $0xffff;
	_ =	sdelay $0x1  }
0x240: {  	v4 =	vadd.s32 v8, v7  }
0x241: {  	v5 =	vor.u32 v54, v6;
	_ =	sdelay $0x1  }
0x242: {  	v2 =	vmul.f32 v2, v52;
	_ =	sdelay $0x1  }
0x243: {  	[tilespmem:v4+s19+$0x0] =	vst.idx.add.f32.msk vm1, v2  }
0x244: {  	v2 =	vld.idx.msk [tilespmem:v5+s16+$0x0], $0xffff;
	_ =	sdelay $0x1  }
0x245: {  	v4 =	vadd.s32 v9, v7  }
0x246: {  	v5 =	vor.u32 v56, v6;
	_ =	sdelay $0x1  }
0x247: {  	v44 =	vmov v41;
	v41 =	vld [tilespmem:$0x1FD20];
	v2 =	vmul.f32 v2, v52;
	_ =	sdelay $0x1  }
0x248: {  	[tilespmem:v4+s19+$0x0] =	vst.idx.add.f32.msk vm1, v2  }
0x249: {  	v2 =	vld.idx.msk [tilespmem:v5+s16+$0x0], $0xffff;
	_ =	sdelay $0x1  }
0x24a: {  	v4 =	vadd.s32 v41, v7  }
0x24b: {  	v5 =	vor.u32 v62, v6;
	_ =	sdelay $0x1  }
0x24c: {  	v19 =	vmov v28;
	v28 =	vld [tilespmem:$0x1FD30];
	v2 =	vmul.f32 v2, v52;
	_ =	sdelay $0x1  }
0x24d: {  	[tilespmem:v4+s19+$0x0] =	vst.idx.add.f32.msk vm1, v2  }
0x24e: {  	v2 =	vld.idx.msk [tilespmem:v5+s16+$0x0], $0xffff;
	_ =	sdelay $0x1  }
0x24f: {  	v4 =	vadd.s32 v28, v7;
	_ =	sdelay $0x1  }
0x250: {  	v5 =	vor.u32 v43, v6  }
0x251: {  	v2 =	vmul.f32 v2, v52;
	_ =	sdelay $0x1  }
0x252: {  	[tilespmem:v4+s19+$0x0] =	vst.idx.add.f32.msk vm1, v2  }
0x253: {  	v2 =	vld [tilespmem:$0x1FDA0]  }
0x254: {  	v4 =	vld.idx.msk [tilespmem:v5+s16+$0x0], $0xffff  }
0x255: {  	v5 =	vld [tilespmem:$0x1FDB0];
	_ =	sdelay $0x4  }
0x256: {  	v2 =	vsel vm0, v5, v2;
	v5 =	vld [tilespmem:$0x1FE00];
	_ =	sdelay $0x4  }
0x257: {  	v0 =	vcombine.low v2, v5;
	v5 =	vadd.s32 v50, v7;
	_ =	sdelay $0x1  }
0x258: {  	v57 =	vmov v39;
	v39 =	vmov v8;
	v8 =	vor.u32 v0, v6  }
0x259: {  	v4 =	vmul.f32 v4, v52  }
0x25a: {  	v58 =	vmov v26;
	v26 =	vmov v3;
	v3 =	vld [tilespmem:$0x1FDD0]  }
0x25b: {  	[tilespmem:v5+s19+$0x0] =	vst.idx.add.f32.msk vm1, v4  }
0x25c: {  	v4 =	vld [tilespmem:$0x1FE30]  }
0x25d: {  	v5 =	vld.idx.msk [tilespmem:v8+s16+$0x0], $0xffff;
	_ =	sdelay $0x1  }
0x25e: {  	v8 =	vadd.s32 v44, v7;
	_ =	sdelay $0x1  }
0x25f: {  	v4 =	vsel vm0, v4, v3;
	v3 =	vld [tilespmem:$0x1FE20]  }
0x260: {  	v5 =	vmul.f32 v5, v52;
	_ =	sdelay $0x1  }
0x261: {  	[tilespmem:v8+s19+$0x0] =	vst.idx.add.f32.msk vm1, v5  }
0x262: {  	v2 =	vmov v43;
	v5 =	vld [tilespmem:$0x1FDE0]  }
0x263: {  	[tilespmem:$0x1FC80] =	vst v0;
	v0 =	vmov v2;
	v2 =	vcombine.low v4, v3;
	v3 =	vld [tilespmem:$0x1FDF0];
	_ =	sdelay $0x3  }
0x264: {  	v40 =	vmov v9;
	v9 =	vor.u32 v2, v6  }
0x265: {  	v5 =	vsel vm0, v5, v3;
	v3 =	vld [tilespmem:$0x1FE60];
	_ =	sdelay $0x3  }
0x266: {  	v8 =	vld.idx.msk [tilespmem:v9+s16+$0x0], $0xffff  }
0x267: {  	[tilespmem:$0x1FC90] =	vst v2;
	v2 =	vcombine.low v5, v3  }
0x268: {  	v9 =	vadd.s32 v42, v7  }
0x269: {  	v10 =	vor.u32 v2, v6;
	_ =	sdelay $0x1  }
0x26a: {  	v8 =	vmul.f32 v8, v52  }
0x26b: {  	v3 =	vld [tilespmem:$0x1FE10]  }
0x26c: {  	[tilespmem:v9+s19+$0x0] =	vst.idx.add.f32.msk vm1, v8  }
0x26d: {  	v8 =	vld.idx.msk [tilespmem:v10+s16+$0x0], $0xffff;
	_ =	sdelay $0x1  }
0x26e: {  	v9 =	vadd.s32 v48, v7  }
0x26f: {  	v10 =	vor.u32 v3, v6;
	_ =	sdelay $0x1  }
0x270: {  	v8 =	vmul.f32 v8, v52  }
0x271: {  	[tilespmem:$0x1FCA0] =	vst v2;
	v2 =	vld [tilespmem:$0x1FE40]  }
0x272: {  	[tilespmem:v9+s19+$0x0] =	vst.idx.add.f32.msk vm1, v8  }
0x273: {  	v8 =	vld.idx.msk [tilespmem:v10+s16+$0x0], $0xffff;
	_ =	sdelay $0x1  }
0x274: {  	v9 =	vadd.s32 v34, v7  }
0x275: {  	v10 =	vor.u32 v2, v6;
	_ =	sdelay $0x1  }
0x276: {  	v29 =	vld [tilespmem:$0x1FD40];
	v8 =	vmul.f32 v8, v52  }
0x277: {  	v63 =	vmov v3;
	v3 =	vld [tilespmem:$0x1FF40]  }
0x278: {  	[tilespmem:v9+s19+$0x0] =	vst.idx.add.f32.msk vm1, v8  }
0x279: {  	v8 =	vld.idx.msk [tilespmem:v10+s16+$0x0], $0xffff;
	_ =	sdelay $0x1  }
0x27a: {  	v9 =	vadd.s32 v29, v7  }
0x27b: {  	v10 =	vor.u32 v3, v6;
	_ =	sdelay $0x1  }
0x27c: {  	v27 =	vmov v61;
	v61 =	vld [tilespmem:$0x1FD50];
	v8 =	vmul.f32 v8, v52  }
0x27d: {  	v43 =	vmov v50;
	v50 =	vld [tilespmem:$0x1FCD0]  }
0x27e: {  	[tilespmem:v9+s19+$0x0] =	vst.idx.add.f32.msk vm1, v8  }
0x27f: {  	v8 =	vld.idx.msk [tilespmem:v10+s16+$0x0], $0xffff;
	_ =	sdelay $0x1  }
0x280: {  	v9 =	vadd.s32 v61, v7  }
0x281: {  	v10 =	vor.u32 v50, v6;
	_ =	sdelay $0x1  }
0x282: {  	v3 =	vld [tilespmem:$0x1FD60];
	v8 =	vmul.f32 v8, v52;
	_ =	sdelay $0x1  }
0x283: {  	[tilespmem:v9+s19+$0x0] =	vst.idx.add.f32.msk vm1, v8  }
0x284: {  	v8 =	vld.idx.msk [tilespmem:v10+s16+$0x0], $0xffff;
	_ =	sdelay $0x1  }
0x285: {  	v9 =	vadd.s32 v3, v7  }
0x286: {  	v10 =	vor.u32 v14, v6;
	_ =	sdelay $0x1  }
0x287: {  	v5 =	vld [tilespmem:$0x1FD70];
	v8 =	vmul.f32 v8, v52  }
0x288: {  	v15 =	vmov v11;
	v11 =	vld [tilespmem:$0x1FCE0]  }
0x289: {  	[tilespmem:v9+s19+$0x0] =	vst.idx.add.f32.msk vm1, v8  }
0x28a: {  	v8 =	vld.idx.msk [tilespmem:v10+s16+$0x0], $0xffff;
	_ =	sdelay $0x1  }
0x28b: {  	v9 =	vadd.s32 v5, v7  }
0x28c: {  	v10 =	vor.u32 v11, v6;
	_ =	sdelay $0x1  }
0x28d: {  	v32 =	vmovc v16;
	v16 =	vmov v42;
	v42 =	vmov v34;
	v34 =	vld [tilespmem:$0x1FD80];
	v8 =	vmul.f32 v8, v52;
	_ =	sdelay $0x1  }
0x28e: {  	[tilespmem:v9+s19+$0x0] =	vst.idx.add.f32.msk vm1, v8  }
0x28f: {  	v8 =	vld.idx.msk [tilespmem:v10+s16+$0x0], $0xffff;
	_ =	sdelay $0x1  }
0x290: {  	v9 =	vadd.s32 v34, v7  }
0x291: {  	v6 =	vor.u32 v15, v6;
	_ =	sdelay $0x1  }
0x292: {  	v8 =	vmul.f32 v8, v52  }
0x293: {  	v60 =	vld [tilespmem:$0x1FD90]  }
0x294: {  	[tilespmem:v9+s19+$0x0] =	vst.idx.add.f32.msk vm1, v8  }
0x295: {  	s31 =	sadd.s32 $0x10, s17;
	v2 =	vlaneseq.u32;
	v9 =	vld.idx.msk [tilespmem:v6+s16+$0x0], $0xffff  }
0x296: {  	v6 =	vor.u32 s31, v2  }
0x297: {  	vm2 =	vlt.s32 v6, $0x3FF  }
0x298: {  	v47 =	vmov v18;
	p1 =	slt.s32 s24, $0x186600;
	s6 =	smov.u32 s24;
	v18 =	vld [tilespmem:$0x1FFF0];
	v10 =	vadd.s32 v60, v7;
	v8 =	vnsel vm2, $0x3FF, v6  }
0x299: {  	v36 =	vmovc v35;
	s28 =	sshll.u32 s25, $0x1;
	s6 =	simm.s32 @!p1 $0x186600;
	v25 =	vld [tilespmem:$0x1FFE0];
	v35 =	vmov v1;
	v1 =	vmov v51;
	v6 =	vshll.u32 v8, $0x5  }
0x29a: {  	s10 =	simm.s32 $0x20;
	s13 =	ssub.s32 $0x0, s6;
	s6 =	simm.s32 $0x10;
	v51 =	vmovc v20;
	v20 =	vmovc v58;
	v58 =	vld [tilespmem:$0x1FF30];
	v4 =	vmov v11;
	v7 =	vmul.f32 v9, v52;
	v9 =	vor.u32 v2, v6  }
.LBB2_12:
0x29b: {  	_ = 	snop  }
0x29c: {  	v11 =	vld [tilespmem:$0x1FCC0]  }
0x29d: {  	[tilespmem:v10+s19+$0x0] =	vst.idx.add.f32.msk vm1, v7  }
0x29e: {  	v10 =	vld.idx.msk [tilespmem:v8+s14+$0x0], $0xffff  }
0x29f: {  	v52 =	vld [tilespmem:$0x1FCB0];
	_ =	sdelay $0x1  }
0x2a0: {  	s23 =	sadd.s32 s6, s30  }
0x2a1: {  	v7 =	vld.idx.msk [tilespmem:v8+s15+$0x0], $0xffff;
	v8 =	vor.u32 s23, v2  }
0x2a2: {  	vm1 =	vge.s32 v8, v57;
	v11 =	vsub.s32 v10, v11  }
0x2a3: {  	v9 =	vld.idx.msk [tilespmem:v9+s16+$0x0], $0xffff;
	vm2 =	vlt.s32 v8, v52;
	v10 =	vand.u32 $0x7, v10;
	v8 =	vand.u32 $0xFFFFFFF8, v11  }
0x2a4: {  	vm1 =	vmand vm1, vm2;
	v8 =	vor.u32 v10, v8  }
0x2a5: {  	v10 =	vadd.s32 v12, v8  }
0x2a6: {  	v11 =	vor.u32 v17, v6;
	_ =	sdelay $0x1  }
0x2a7: {  	v9 =	vmul.f32 v9, v7;
	_ =	sdelay $0x1  }
0x2a8: {  	[tilespmem:v10+s19+$0x0] =	vst.idx.add.f32.msk vm1, v9  }
0x2a9: {  	v9 =	vld.idx.msk [tilespmem:v11+s16+$0x0], $0xffff;
	_ =	sdelay $0x1  }
0x2aa: {  	v10 =	vadd.s32 v47, v8  }
0x2ab: {  	v11 =	vor.u32 v1, v6;
	_ =	sdelay $0x1  }
0x2ac: {  	v9 =	vmul.f32 v9, v7;
	_ =	sdelay $0x1  }
0x2ad: {  	[tilespmem:v10+s19+$0x0] =	vst.idx.add.f32.msk vm1, v9  }
0x2ae: {  	v9 =	vld.idx.msk [tilespmem:v11+s16+$0x0], $0xffff;
	_ =	sdelay $0x1  }
0x2af: {  	v10 =	vadd.s32 v51, v8  }
0x2b0: {  	v11 =	vor.u32 v21, v6;
	_ =	sdelay $0x1  }
0x2b1: {  	v9 =	vmul.f32 v9, v7;
	_ =	sdelay $0x1  }
0x2b2: {  	[tilespmem:v10+s19+$0x0] =	vst.idx.add.f32.msk vm1, v9  }
0x2b3: {  	v9 =	vld.idx.msk [tilespmem:v11+s16+$0x0], $0xffff;
	_ =	sdelay $0x1  }
0x2b4: {  	v10 =	vadd.s32 v22, v8  }
0x2b5: {  	v11 =	vor.u32 v23, v6;
	_ =	sdelay $0x1  }
0x2b6: {  	v9 =	vmul.f32 v9, v7;
	_ =	sdelay $0x1  }
0x2b7: {  	[tilespmem:v10+s19+$0x0] =	vst.idx.add.f32.msk vm1, v9  }
0x2b8: {  	v9 =	vld.idx.msk [tilespmem:v11+s16+$0x0], $0xffff;
	_ =	sdelay $0x1  }
0x2b9: {  	v10 =	vadd.s32 v24, v8  }
0x2ba: {  	v11 =	vor.u32 v58, v6;
	_ =	sdelay $0x1  }
0x2bb: {  	v9 =	vmul.f32 v9, v7;
	_ =	sdelay $0x1  }
0x2bc: {  	[tilespmem:v10+s19+$0x0] =	vst.idx.add.f32.msk vm1, v9  }
0x2bd: {  	v9 =	vld.idx.msk [tilespmem:v11+s16+$0x0], $0xffff;
	_ =	sdelay $0x1  }
0x2be: {  	v10 =	vadd.s32 v20, v8  }
0x2bf: {  	v11 =	vor.u32 v25, v6;
	_ =	sdelay $0x1  }
0x2c0: {  	v9 =	vmul.f32 v9, v7;
	_ =	sdelay $0x1  }
0x2c1: {  	[tilespmem:v10+s19+$0x0] =	vst.idx.add.f32.msk vm1, v9  }
0x2c2: {  	v9 =	vld.idx.msk [tilespmem:v11+s16+$0x0], $0xffff;
	_ =	sdelay $0x1  }
0x2c3: {  	v10 =	vadd.s32 v19, v8  }
0x2c4: {  	v11 =	vor.u32 v46, v6;
	_ =	sdelay $0x1  }
0x2c5: {  	v9 =	vmul.f32 v9, v7;
	_ =	sdelay $0x1  }
0x2c6: {  	[tilespmem:v10+s19+$0x0] =	vst.idx.add.f32.msk vm1, v9  }
0x2c7: {  	v9 =	vld.idx.msk [tilespmem:v11+s16+$0x0], $0xffff;
	_ =	sdelay $0x1  }
0x2c8: {  	v10 =	vadd.s32 v30, v8  }
0x2c9: {  	v11 =	vor.u32 v18, v6;
	_ =	sdelay $0x1  }
0x2ca: {  	v9 =	vmul.f32 v9, v7;
	_ =	sdelay $0x1  }
0x2cb: {  	[tilespmem:v10+s19+$0x0] =	vst.idx.add.f32.msk vm1, v9  }
0x2cc: {  	v9 =	vld.idx.msk [tilespmem:v11+s16+$0x0], $0xffff;
	_ =	sdelay $0x1  }
0x2cd: {  	v10 =	vadd.s32 v31, v8  }
0x2ce: {  	v11 =	vor.u32 v33, v6;
	_ =	sdelay $0x1  }
0x2cf: {  	v9 =	vmul.f32 v9, v7;
	_ =	sdelay $0x1  }
0x2d0: {  	[tilespmem:v10+s19+$0x0] =	vst.idx.add.f32.msk vm1, v9  }
0x2d1: {  	v9 =	vld.idx.msk [tilespmem:v11+s16+$0x0], $0xffff;
	_ =	sdelay $0x1  }
0x2d2: {  	v10 =	vadd.s32 v32, v8  }
0x2d3: {  	v11 =	vor.u32 v35, v6;
	_ =	sdelay $0x1  }
0x2d4: {  	v9 =	vmul.f32 v9, v7;
	_ =	sdelay $0x1  }
0x2d5: {  	[tilespmem:v10+s19+$0x0] =	vst.idx.add.f32.msk vm1, v9  }
0x2d6: {  	v9 =	vld.idx.msk [tilespmem:v11+s16+$0x0], $0xffff;
	_ =	sdelay $0x1  }
0x2d7: {  	v10 =	vadd.s32 v36, v8  }
0x2d8: {  	v11 =	vor.u32 v37, v6;
	_ =	sdelay $0x1  }
0x2d9: {  	v9 =	vmul.f32 v9, v7;
	_ =	sdelay $0x1  }
0x2da: {  	[tilespmem:v10+s19+$0x0] =	vst.idx.add.f32.msk vm1, v9  }
0x2db: {  	v9 =	vld.idx.msk [tilespmem:v11+s16+$0x0], $0xffff;
	_ =	sdelay $0x1  }
0x2dc: {  	v10 =	vadd.s32 v38, v8  }
0x2dd: {  	v11 =	vor.u32 v27, v6;
	_ =	sdelay $0x1  }
0x2de: {  	v9 =	vmul.f32 v9, v7;
	_ =	sdelay $0x1  }
0x2df: {  	[tilespmem:v10+s19+$0x0] =	vst.idx.add.f32.msk vm1, v9  }
0x2e0: {  	v9 =	vld.idx.msk [tilespmem:v11+s16+$0x0], $0xffff;
	_ =	sdelay $0x1  }
0x2e1: {  	v10 =	vadd.s32 v49, v8  }
0x2e2: {  	v11 =	vor.u32 v13, v6;
	_ =	sdelay $0x1  }
0x2e3: {  	v9 =	vmul.f32 v9, v7;
	_ =	sdelay $0x1  }
0x2e4: {  	[tilespmem:v10+s19+$0x0] =	vst.idx.add.f32.msk vm1, v9  }
0x2e5: {  	v9 =	vld.idx.msk [tilespmem:v11+s16+$0x0], $0xffff;
	_ =	sdelay $0x1  }
0x2e6: {  	v10 =	vadd.s32 v53, v8;
	_ =	sdelay $0x2  }
0x2e7: {  	v9 =	vmul.f32 v9, v7  }
0x2e8: {  	v11 =	vor.u32 v59, v6  }
0x2e9: {  	[tilespmem:v10+s19+$0x0] =	vst.idx.add.f32.msk vm1, v9  }
0x2ea: {  	v10 =	vld [tilespmem:$0x1FF50];
	_ =	sdelay $0x2  }
0x2eb: {  	v9 =	vld.idx.msk [tilespmem:v11+s16+$0x0], $0xffff;
	_ =	sdelay $0x1  }
0x2ec: {  	v10 =	vadd.s32 v10, v8;
	_ =	sdelay $0x2  }
0x2ed: {  	v9 =	vmul.f32 v9, v7  }
0x2ee: {  	v11 =	vor.u32 v45, v6  }
0x2ef: {  	[tilespmem:v10+s19+$0x0] =	vst.idx.add.f32.msk vm1, v9  }
0x2f0: {  	v10 =	vld [tilespmem:$0x1FE70];
	_ =	sdelay $0x2  }
0x2f1: {  	v9 =	vld.idx.msk [tilespmem:v11+s16+$0x0], $0xffff;
	_ =	sdelay $0x1  }
0x2f2: {  	v10 =	vadd.s32 v10, v8;
	_ =	sdelay $0x2  }
0x2f3: {  	v9 =	vmul.f32 v9, v7  }
0x2f4: {  	v11 =	vor.u32 v55, v6  }
0x2f5: {  	[tilespmem:v10+s19+$0x0] =	vst.idx.add.f32.msk vm1, v9  }
0x2f6: {  	v10 =	vld [tilespmem:$0x1FF80];
	_ =	sdelay $0x2  }
0x2f7: {  	v9 =	vld.idx.msk [tilespmem:v11+s16+$0x0], $0xffff;
	_ =	sdelay $0x1  }
0x2f8: {  	v10 =	vadd.s32 v10, v8  }
0x2f9: {  	v11 =	vor.u32 v26, v6;
	_ =	sdelay $0x1  }
0x2fa: {  	v9 =	vmul.f32 v9, v7;
	_ =	sdelay $0x1  }
0x2fb: {  	[tilespmem:v10+s19+$0x0] =	vst.idx.add.f32.msk vm1, v9  }
0x2fc: {  	v9 =	vld.idx.msk [tilespmem:v11+s16+$0x0], $0xffff;
	_ =	sdelay $0x1  }
0x2fd: {  	v10 =	vadd.s32 v39, v8  }
0x2fe: {  	v11 =	vor.u32 v54, v6;
	_ =	sdelay $0x1  }
0x2ff: {  	v9 =	vmul.f32 v9, v7;
	_ =	sdelay $0x1  }
0x300: {  	[tilespmem:v10+s19+$0x0] =	vst.idx.add.f32.msk vm1, v9  }
0x301: {  	v9 =	vld.idx.msk [tilespmem:v11+s16+$0x0], $0xffff;
	_ =	sdelay $0x1  }
0x302: {  	v10 =	vadd.s32 v40, v8  }
0x303: {  	v11 =	vor.u32 v56, v6;
	_ =	sdelay $0x1  }
0x304: {  	v9 =	vmul.f32 v9, v7;
	_ =	sdelay $0x1  }
0x305: {  	[tilespmem:v10+s19+$0x0] =	vst.idx.add.f32.msk vm1, v9  }
0x306: {  	v9 =	vld.idx.msk [tilespmem:v11+s16+$0x0], $0xffff;
	_ =	sdelay $0x1  }
0x307: {  	v10 =	vadd.s32 v41, v8  }
0x308: {  	v11 =	vor.u32 v62, v6;
	_ =	sdelay $0x1  }
0x309: {  	v9 =	vmul.f32 v9, v7;
	_ =	sdelay $0x1  }
0x30a: {  	[tilespmem:v10+s19+$0x0] =	vst.idx.add.f32.msk vm1, v9  }
0x30b: {  	v9 =	vld.idx.msk [tilespmem:v11+s16+$0x0], $0xffff;
	_ =	sdelay $0x1  }
0x30c: {  	v10 =	vadd.s32 v28, v8  }
0x30d: {  	v11 =	vor.u32 v0, v6;
	_ =	sdelay $0x1  }
0x30e: {  	v9 =	vmul.f32 v9, v7;
	_ =	sdelay $0x1  }
0x30f: {  	[tilespmem:v10+s19+$0x0] =	vst.idx.add.f32.msk vm1, v9  }
0x310: {  	v9 =	vld.idx.msk [tilespmem:v11+s16+$0x0], $0xffff  }
0x311: {  	v11 =	vld [tilespmem:$0x1FC80];
	_ =	sdelay $0x3  }
0x312: {  	v10 =	vadd.s32 v43, v8  }
0x313: {  	v11 =	vor.u32 v11, v6;
	_ =	sdelay $0x1  }
0x314: {  	v9 =	vmul.f32 v9, v7;
	_ =	sdelay $0x1  }
0x315: {  	[tilespmem:v10+s19+$0x0] =	vst.idx.add.f32.msk vm1, v9  }
0x316: {  	v9 =	vld.idx.msk [tilespmem:v11+s16+$0x0], $0xffff  }
0x317: {  	v11 =	vld [tilespmem:$0x1FC90];
	_ =	sdelay $0x3  }
0x318: {  	v10 =	vadd.s32 v44, v8  }
0x319: {  	v11 =	vor.u32 v11, v6;
	_ =	sdelay $0x1  }
0x31a: {  	v9 =	vmul.f32 v9, v7;
	_ =	sdelay $0x1  }
0x31b: {  	[tilespmem:v10+s19+$0x0] =	vst.idx.add.f32.msk vm1, v9  }
0x31c: {  	v9 =	vld.idx.msk [tilespmem:v11+s16+$0x0], $0xffff  }
0x31d: {  	v11 =	vld [tilespmem:$0x1FCA0];
	_ =	sdelay $0x3  }
0x31e: {  	v10 =	vadd.s32 v16, v8  }
0x31f: {  	v11 =	vor.u32 v11, v6;
	_ =	sdelay $0x1  }
0x320: {  	v9 =	vmul.f32 v9, v7;
	_ =	sdelay $0x1  }
0x321: {  	[tilespmem:v10+s19+$0x0] =	vst.idx.add.f32.msk vm1, v9  }
0x322: {  	v9 =	vld.idx.msk [tilespmem:v11+s16+$0x0], $0xffff;
	_ =	sdelay $0x1  }
0x323: {  	v10 =	vadd.s32 v48, v8  }
0x324: {  	v11 =	vor.u32 v63, v6;
	_ =	sdelay $0x1  }
0x325: {  	v9 =	vmul.f32 v9, v7;
	_ =	sdelay $0x1  }
0x326: {  	[tilespmem:v10+s19+$0x0] =	vst.idx.add.f32.msk vm1, v9  }
0x327: {  	v9 =	vld.idx.msk [tilespmem:v11+s16+$0x0], $0xffff  }
0x328: {  	v11 =	vld [tilespmem:$0x1FE40];
	_ =	sdelay $0x3  }
0x329: {  	v10 =	vadd.s32 v42, v8  }
0x32a: {  	v11 =	vor.u32 v11, v6;
	_ =	sdelay $0x1  }
0x32b: {  	v9 =	vmul.f32 v9, v7;
	_ =	sdelay $0x1  }
0x32c: {  	[tilespmem:v10+s19+$0x0] =	vst.idx.add.f32.msk vm1, v9  }
0x32d: {  	v9 =	vld.idx.msk [tilespmem:v11+s16+$0x0], $0xffff  }
0x32e: {  	v11 =	vld [tilespmem:$0x1FF40];
	_ =	sdelay $0x3  }
0x32f: {  	v10 =	vadd.s32 v29, v8  }
0x330: {  	v11 =	vor.u32 v11, v6;
	_ =	sdelay $0x1  }
0x331: {  	v9 =	vmul.f32 v9, v7;
	_ =	sdelay $0x1  }
0x332: {  	[tilespmem:v10+s19+$0x0] =	vst.idx.add.f32.msk vm1, v9  }
0x333: {  	v9 =	vld.idx.msk [tilespmem:v11+s16+$0x0], $0xffff;
	_ =	sdelay $0x1  }
0x334: {  	v10 =	vadd.s32 v61, v8  }
0x335: {  	v11 =	vor.u32 v50, v6;
	_ =	sdelay $0x1  }
0x336: {  	v9 =	vmul.f32 v9, v7;
	_ =	sdelay $0x1  }
0x337: {  	[tilespmem:v10+s19+$0x0] =	vst.idx.add.f32.msk vm1, v9  }
0x338: {  	v9 =	vld.idx.msk [tilespmem:v11+s16+$0x0], $0xffff;
	_ =	sdelay $0x1  }
0x339: {  	v10 =	vadd.s32 v3, v8  }
0x33a: {  	v11 =	vor.u32 v14, v6;
	_ =	sdelay $0x1  }
0x33b: {  	v9 =	vmul.f32 v9, v7;
	_ =	sdelay $0x1  }
0x33c: {  	[tilespmem:v10+s19+$0x0] =	vst.idx.add.f32.msk vm1, v9  }
0x33d: {  	v9 =	vld.idx.msk [tilespmem:v11+s16+$0x0], $0xffff;
	_ =	sdelay $0x1  }
0x33e: {  	v10 =	vadd.s32 v5, v8  }
0x33f: {  	v11 =	vor.u32 v4, v6;
	_ =	sdelay $0x1  }
0x340: {  	v9 =	vmul.f32 v9, v7;
	_ =	sdelay $0x1  }
0x341: {  	[tilespmem:v10+s19+$0x0] =	vst.idx.add.f32.msk vm1, v9  }
0x342: {  	v9 =	vld.idx.msk [tilespmem:v11+s16+$0x0], $0xffff;
	_ =	sdelay $0x1  }
0x343: {  	v10 =	vadd.s32 v34, v8  }
0x344: {  	v6 =	vor.u32 v15, v6;
	_ =	sdelay $0x1  }
0x345: {  	v9 =	vmul.f32 v9, v7  }
0x346: {  	s31 =	smov.u32 s10  }
0x347: {  	s6 =	smov.u32 s31;
	[tilespmem:v10+s19+$0x0] =	vst.idx.add.f32.msk vm1, v9  }
0x348: {  	p1 =	sne.s32 s10, $0x3F0;
	s31 =	sadd.s32 s6, s17;
	v11 =	vld.idx.msk [tilespmem:v6+s16+$0x0], $0xffff  }
.Ltmp12:
0x349: {  	v6 =	vor.u32 s31, v2;
	(pc) =	sbr.rel @p1 .LBB2_12-.Ltmp12, $4  }
0x34a: {  	vm2 =	vlt.s32 v6, $0x3FF  }
0x34b: {  	v10 =	vadd.s32 v60, v8;
	v8 =	vnsel vm2, $0x3FF, v6  }
0x34c: {  	v6 =	vshll.u32 v8, $0x5  }
0x34d: {  	s10 =	sadd.s32 $0x10, s10;
	v9 =	vor.u32 v2, v6;
	v7 =	vmul.f32 v11, v7  }
0x34e: {  	_ =	sdelay $0x3  }
0x34f: {  	v52 =	vld [tilespmem:$0x1FCC0]  }
0x350: {  	[tilespmem:v10+s19+$0x0] =	vst.idx.add.f32.msk vm1, v7  }
0x351: {  	s6 =	sadd.s32 s6, s30;
	v10 =	vld.idx.msk [tilespmem:v8+s14+$0x0], $0xffff  }
0x352: {  	v11 =	vor.u32 s6, v2;
	v2 =	vld [tilespmem:$0x1FCB0];
	_ =	sdelay $0x3  }
0x353: {  	v7 =	vld.idx.msk [tilespmem:v8+s15+$0x0], $0xffff;
	vm1 =	vge.s32 v11, v57;
	v8 =	vsub.s32 v10, v52  }
0x354: {  	v9 =	vld.idx.msk [tilespmem:v9+s16+$0x0], $0xffff;
	vm2 =	vlt.s32 v11, v2;
	v10 =	vand.u32 $0x7, v10;
	v8 =	vand.u32 $0xFFFFFFF8, v8  }
0x355: {  	vm1 =	vmand vm1, vm2;
	v8 =	vor.u32 v10, v8  }
0x356: {  	v10 =	vadd.s32 v12, v8  }
0x357: {  	v11 =	vor.u32 v17, v6;
	_ =	sdelay $0x1  }
0x358: {  	v9 =	vmul.f32 v9, v7;
	_ =	sdelay $0x1  }
0x359: {  	[tilespmem:v10+s19+$0x0] =	vst.idx.add.f32.msk vm1, v9  }
0x35a: {  	v9 =	vld.idx.msk [tilespmem:v11+s16+$0x0], $0xffff;
	_ =	sdelay $0x1  }
0x35b: {  	v10 =	vadd.s32 v47, v8  }
0x35c: {  	v11 =	vor.u32 v1, v6;
	_ =	sdelay $0x1  }
0x35d: {  	v9 =	vmul.f32 v9, v7;
	_ =	sdelay $0x1  }
0x35e: {  	[tilespmem:v10+s19+$0x0] =	vst.idx.add.f32.msk vm1, v9  }
0x35f: {  	v9 =	vld.idx.msk [tilespmem:v11+s16+$0x0], $0xffff;
	_ =	sdelay $0x1  }
0x360: {  	v10 =	vadd.s32 v51, v8  }
0x361: {  	v11 =	vor.u32 v21, v6;
	_ =	sdelay $0x1  }
0x362: {  	v9 =	vmul.f32 v9, v7;
	_ =	sdelay $0x1  }
0x363: {  	[tilespmem:v10+s19+$0x0] =	vst.idx.add.f32.msk vm1, v9  }
0x364: {  	v9 =	vld.idx.msk [tilespmem:v11+s16+$0x0], $0xffff;
	_ =	sdelay $0x1  }
0x365: {  	v10 =	vadd.s32 v22, v8  }
0x366: {  	v11 =	vor.u32 v23, v6;
	_ =	sdelay $0x1  }
0x367: {  	v9 =	vmul.f32 v9, v7;
	_ =	sdelay $0x1  }
0x368: {  	[tilespmem:v10+s19+$0x0] =	vst.idx.add.f32.msk vm1, v9  }
0x369: {  	v9 =	vld.idx.msk [tilespmem:v11+s16+$0x0], $0xffff;
	_ =	sdelay $0x1  }
0x36a: {  	v10 =	vadd.s32 v24, v8  }
0x36b: {  	v11 =	vor.u32 v58, v6;
	_ =	sdelay $0x1  }
0x36c: {  	v9 =	vmul.f32 v9, v7;
	_ =	sdelay $0x1  }
0x36d: {  	[tilespmem:v10+s19+$0x0] =	vst.idx.add.f32.msk vm1, v9  }
0x36e: {  	v9 =	vld.idx.msk [tilespmem:v11+s16+$0x0], $0xffff;
	_ =	sdelay $0x1  }
0x36f: {  	v10 =	vadd.s32 v20, v8  }
0x370: {  	v11 =	vor.u32 v25, v6;
	_ =	sdelay $0x1  }
0x371: {  	v9 =	vmul.f32 v9, v7;
	_ =	sdelay $0x1  }
0x372: {  	[tilespmem:v10+s19+$0x0] =	vst.idx.add.f32.msk vm1, v9  }
0x373: {  	v9 =	vld.idx.msk [tilespmem:v11+s16+$0x0], $0xffff;
	_ =	sdelay $0x1  }
0x374: {  	v10 =	vadd.s32 v19, v8  }
0x375: {  	v11 =	vor.u32 v46, v6;
	_ =	sdelay $0x1  }
0x376: {  	v9 =	vmul.f32 v9, v7;
	_ =	sdelay $0x1  }
0x377: {  	[tilespmem:v10+s19+$0x0] =	vst.idx.add.f32.msk vm1, v9  }
0x378: {  	v9 =	vld.idx.msk [tilespmem:v11+s16+$0x0], $0xffff;
	_ =	sdelay $0x1  }
0x379: {  	v10 =	vadd.s32 v30, v8  }
0x37a: {  	v11 =	vor.u32 v18, v6;
	_ =	sdelay $0x1  }
0x37b: {  	v9 =	vmul.f32 v9, v7;
	_ =	sdelay $0x1  }
0x37c: {  	[tilespmem:v10+s19+$0x0] =	vst.idx.add.f32.msk vm1, v9  }
0x37d: {  	v9 =	vld.idx.msk [tilespmem:v11+s16+$0x0], $0xffff;
	_ =	sdelay $0x1  }
0x37e: {  	v10 =	vadd.s32 v31, v8  }
0x37f: {  	v11 =	vor.u32 v33, v6;
	_ =	sdelay $0x1  }
0x380: {  	v9 =	vmul.f32 v9, v7;
	_ =	sdelay $0x1  }
0x381: {  	[tilespmem:v10+s19+$0x0] =	vst.idx.add.f32.msk vm1, v9  }
0x382: {  	v9 =	vld.idx.msk [tilespmem:v11+s16+$0x0], $0xffff;
	_ =	sdelay $0x1  }
0x383: {  	v10 =	vadd.s32 v32, v8  }
0x384: {  	v11 =	vor.u32 v35, v6;
	_ =	sdelay $0x1  }
0x385: {  	v9 =	vmul.f32 v9, v7;
	_ =	sdelay $0x1  }
0x386: {  	[tilespmem:v10+s19+$0x0] =	vst.idx.add.f32.msk vm1, v9  }
0x387: {  	v9 =	vld.idx.msk [tilespmem:v11+s16+$0x0], $0xffff;
	_ =	sdelay $0x1  }
0x388: {  	v10 =	vadd.s32 v36, v8  }
0x389: {  	v11 =	vor.u32 v37, v6;
	_ =	sdelay $0x1  }
0x38a: {  	v9 =	vmul.f32 v9, v7;
	_ =	sdelay $0x1  }
0x38b: {  	[tilespmem:v10+s19+$0x0] =	vst.idx.add.f32.msk vm1, v9  }
0x38c: {  	v9 =	vld.idx.msk [tilespmem:v11+s16+$0x0], $0xffff;
	_ =	sdelay $0x1  }
0x38d: {  	v10 =	vadd.s32 v38, v8  }
0x38e: {  	v11 =	vor.u32 v27, v6;
	_ =	sdelay $0x1  }
0x38f: {  	v9 =	vmul.f32 v9, v7;
	_ =	sdelay $0x1  }
0x390: {  	[tilespmem:v10+s19+$0x0] =	vst.idx.add.f32.msk vm1, v9  }
0x391: {  	v9 =	vld.idx.msk [tilespmem:v11+s16+$0x0], $0xffff;
	_ =	sdelay $0x1  }
0x392: {  	v10 =	vadd.s32 v49, v8  }
0x393: {  	v11 =	vor.u32 v13, v6;
	_ =	sdelay $0x1  }
0x394: {  	v9 =	vmul.f32 v9, v7;
	_ =	sdelay $0x1  }
0x395: {  	[tilespmem:v10+s19+$0x0] =	vst.idx.add.f32.msk vm1, v9  }
0x396: {  	v9 =	vld.idx.msk [tilespmem:v11+s16+$0x0], $0xffff;
	_ =	sdelay $0x1  }
0x397: {  	v10 =	vadd.s32 v53, v8  }
0x398: {  	v11 =	vor.u32 v59, v6;
	_ =	sdelay $0x1  }
0x399: {  	v1 =	vld [tilespmem:$0x1FF50];
	v9 =	vmul.f32 v9, v7;
	_ =	sdelay $0x1  }
0x39a: {  	[tilespmem:v10+s19+$0x0] =	vst.idx.add.f32.msk vm1, v9  }
0x39b: {  	v9 =	vld.idx.msk [tilespmem:v11+s16+$0x0], $0xffff;
	_ =	sdelay $0x1  }
0x39c: {  	v10 =	vadd.s32 v1, v8  }
0x39d: {  	v11 =	vor.u32 v45, v6;
	_ =	sdelay $0x1  }
0x39e: {  	v12 =	vld [tilespmem:$0x1FE70];
	v9 =	vmul.f32 v9, v7;
	_ =	sdelay $0x1  }
0x39f: {  	[tilespmem:v10+s19+$0x0] =	vst.idx.add.f32.msk vm1, v9  }
0x3a0: {  	v9 =	vld.idx.msk [tilespmem:v11+s16+$0x0], $0xffff;
	_ =	sdelay $0x1  }
0x3a1: {  	v10 =	vadd.s32 v12, v8  }
0x3a2: {  	v11 =	vor.u32 v55, v6;
	_ =	sdelay $0x1  }
0x3a3: {  	v1 =	vld [tilespmem:$0x1FF80];
	v9 =	vmul.f32 v9, v7;
	_ =	sdelay $0x1  }
0x3a4: {  	[tilespmem:v10+s19+$0x0] =	vst.idx.add.f32.msk vm1, v9  }
0x3a5: {  	v9 =	vld.idx.msk [tilespmem:v11+s16+$0x0], $0xffff;
	_ =	sdelay $0x1  }
0x3a6: {  	v10 =	vadd.s32 v1, v8  }
0x3a7: {  	v11 =	vor.u32 v26, v6;
	_ =	sdelay $0x1  }
0x3a8: {  	v9 =	vmul.f32 v9, v7;
	_ =	sdelay $0x1  }
0x3a9: {  	[tilespmem:v10+s19+$0x0] =	vst.idx.add.f32.msk vm1, v9  }
0x3aa: {  	v9 =	vld.idx.msk [tilespmem:v11+s16+$0x0], $0xffff;
	_ =	sdelay $0x1  }
0x3ab: {  	v10 =	vadd.s32 v39, v8  }
0x3ac: {  	v11 =	vor.u32 v54, v6;
	_ =	sdelay $0x1  }
0x3ad: {  	v9 =	vmul.f32 v9, v7;
	_ =	sdelay $0x1  }
0x3ae: {  	[tilespmem:v10+s19+$0x0] =	vst.idx.add.f32.msk vm1, v9  }
0x3af: {  	v9 =	vld.idx.msk [tilespmem:v11+s16+$0x0], $0xffff;
	_ =	sdelay $0x1  }
0x3b0: {  	v10 =	vadd.s32 v40, v8  }
0x3b1: {  	v11 =	vor.u32 v56, v6;
	_ =	sdelay $0x1  }
0x3b2: {  	v9 =	vmul.f32 v9, v7;
	_ =	sdelay $0x1  }
0x3b3: {  	[tilespmem:v10+s19+$0x0] =	vst.idx.add.f32.msk vm1, v9  }
0x3b4: {  	v9 =	vld.idx.msk [tilespmem:v11+s16+$0x0], $0xffff;
	_ =	sdelay $0x1  }
0x3b5: {  	v10 =	vadd.s32 v41, v8  }
0x3b6: {  	v11 =	vor.u32 v62, v6;
	_ =	sdelay $0x1  }
0x3b7: {  	v9 =	vmul.f32 v9, v7;
	_ =	sdelay $0x1  }
0x3b8: {  	[tilespmem:v10+s19+$0x0] =	vst.idx.add.f32.msk vm1, v9  }
0x3b9: {  	v9 =	vld.idx.msk [tilespmem:v11+s16+$0x0], $0xffff;
	_ =	sdelay $0x1  }
0x3ba: {  	v10 =	vadd.s32 v28, v8  }
0x3bb: {  	v11 =	vor.u32 v0, v6;
	_ =	sdelay $0x1  }
0x3bc: {  	v9 =	vmul.f32 v9, v7  }
0x3bd: {  	v2 =	vld [tilespmem:$0x1FC80]  }
0x3be: {  	[tilespmem:v10+s19+$0x0] =	vst.idx.add.f32.msk vm1, v9  }
0x3bf: {  	v9 =	vld.idx.msk [tilespmem:v11+s16+$0x0], $0xffff;
	_ =	sdelay $0x1  }
0x3c0: {  	v10 =	vadd.s32 v43, v8  }
0x3c1: {  	v11 =	vor.u32 v2, v6;
	_ =	sdelay $0x1  }
0x3c2: {  	v9 =	vmul.f32 v9, v7  }
0x3c3: {  	v2 =	vld [tilespmem:$0x1FC90]  }
0x3c4: {  	[tilespmem:v10+s19+$0x0] =	vst.idx.add.f32.msk vm1, v9  }
0x3c5: {  	v9 =	vld.idx.msk [tilespmem:v11+s16+$0x0], $0xffff;
	_ =	sdelay $0x1  }
0x3c6: {  	v10 =	vadd.s32 v44, v8  }
0x3c7: {  	v11 =	vor.u32 v2, v6;
	_ =	sdelay $0x1  }
0x3c8: {  	v9 =	vmul.f32 v9, v7  }
0x3c9: {  	v2 =	vld [tilespmem:$0x1FCA0]  }
0x3ca: {  	[tilespmem:v10+s19+$0x0] =	vst.idx.add.f32.msk vm1, v9  }
0x3cb: {  	v9 =	vld.idx.msk [tilespmem:v11+s16+$0x0], $0xffff;
	_ =	sdelay $0x1  }
0x3cc: {  	v10 =	vadd.s32 v16, v8  }
0x3cd: {  	v11 =	vor.u32 v2, v6;
	_ =	sdelay $0x1  }
0x3ce: {  	v9 =	vmul.f32 v9, v7;
	_ =	sdelay $0x1  }
0x3cf: {  	[tilespmem:v10+s19+$0x0] =	vst.idx.add.f32.msk vm1, v9  }
0x3d0: {  	v9 =	vld.idx.msk [tilespmem:v11+s16+$0x0], $0xffff;
	_ =	sdelay $0x1  }
0x3d1: {  	v10 =	vadd.s32 v48, v8  }
0x3d2: {  	v11 =	vor.u32 v63, v6;
	_ =	sdelay $0x1  }
0x3d3: {  	v9 =	vmul.f32 v9, v7  }
0x3d4: {  	v58 =	vld [tilespmem:$0x1FE40]  }
0x3d5: {  	[tilespmem:v10+s19+$0x0] =	vst.idx.add.f32.msk vm1, v9  }
0x3d6: {  	v9 =	vld.idx.msk [tilespmem:v11+s16+$0x0], $0xffff;
	_ =	sdelay $0x1  }
0x3d7: {  	v10 =	vadd.s32 v42, v8  }
0x3d8: {  	v11 =	vor.u32 v58, v6;
	_ =	sdelay $0x1  }
0x3d9: {  	v9 =	vmul.f32 v9, v7  }
0x3da: {  	v2 =	vld [tilespmem:$0x1FF40]  }
0x3db: {  	[tilespmem:v10+s19+$0x0] =	vst.idx.add.f32.msk vm1, v9  }
0x3dc: {  	v9 =	vld.idx.msk [tilespmem:v11+s16+$0x0], $0xffff;
	_ =	sdelay $0x1  }
0x3dd: {  	v10 =	vadd.s32 v29, v8  }
0x3de: {  	v11 =	vor.u32 v2, v6;
	_ =	sdelay $0x1  }
0x3df: {  	v9 =	vmul.f32 v9, v7;
	_ =	sdelay $0x1  }
0x3e0: {  	[tilespmem:v10+s19+$0x0] =	vst.idx.add.f32.msk vm1, v9  }
0x3e1: {  	v9 =	vld.idx.msk [tilespmem:v11+s16+$0x0], $0xffff;
	_ =	sdelay $0x1  }
0x3e2: {  	v10 =	vadd.s32 v61, v8  }
0x3e3: {  	v11 =	vor.u32 v50, v6;
	_ =	sdelay $0x1  }
0x3e4: {  	v9 =	vmul.f32 v9, v7;
	_ =	sdelay $0x1  }
0x3e5: {  	[tilespmem:v10+s19+$0x0] =	vst.idx.add.f32.msk vm1, v9  }
0x3e6: {  	v9 =	vld.idx.msk [tilespmem:v11+s16+$0x0], $0xffff;
	_ =	sdelay $0x1  }
0x3e7: {  	v10 =	vadd.s32 v3, v8  }
0x3e8: {  	v11 =	vor.u32 v14, v6;
	_ =	sdelay $0x1  }
0x3e9: {  	v9 =	vmul.f32 v9, v7;
	_ =	sdelay $0x1  }
0x3ea: {  	[tilespmem:v10+s19+$0x0] =	vst.idx.add.f32.msk vm1, v9  }
0x3eb: {  	v9 =	vld.idx.msk [tilespmem:v11+s16+$0x0], $0xffff;
	_ =	sdelay $0x1  }
0x3ec: {  	v10 =	vadd.s32 v5, v8  }
0x3ed: {  	v11 =	vor.u32 v4, v6;
	_ =	sdelay $0x1  }
0x3ee: {  	v9 =	vmul.f32 v9, v7;
	_ =	sdelay $0x1  }
0x3ef: {  	[tilespmem:v10+s19+$0x0] =	vst.idx.add.f32.msk vm1, v9  }
0x3f0: {  	v9 =	vld.idx.msk [tilespmem:v11+s16+$0x0], $0xffff;
	_ =	sdelay $0x1  }
0x3f1: {  	v10 =	vadd.s32 v34, v8  }
0x3f2: {  	v6 =	vor.u32 v15, v6;
	_ =	sdelay $0x1  }
0x3f3: {  	v9 =	vmul.f32 v9, v7;
	_ =	sdelay $0x1  }
0x3f4: {  	s6 =	sadd.s32 $0x2, s28;
	[tilespmem:v10+s19+$0x0] =	vst.idx.add.f32.msk vm1, v9  }
0x3f5: {  	p1 =	sge.s32 s6, s3;
	v6 =	vld.idx.msk [tilespmem:v6+s16+$0x0], $0xffff  }
0x3f6: {  	s6 =	sshll.u32 @!p1 s6, $0xA  }
0x3f7: {  	s6 =	sadd.s32 @!p1 s26, s6;
	v8 =	vadd.s32 v60, v8  }
0x3f8: {  	p2 =	slt.s32 @!p1 s6, $0x186600  }
0x3f9: {  	p2 =	por !p2, p1  }
0x3fa: {  	s6 =	simm.s32 @p2 $0x186600;
	v6 =	vmul.f32 v6, v7  }
0x3fb: {  	s10 =	sshrl.u32 @!p1 s6, $0x3  }
0x3fc: {  	s23 =	simm.s32 @!p1 $0x0;
	s6 =	simm.s32 @!p1 $0x200;
	s17 =	sadd.s32 @!p1 s0, s10;
	[tilespmem:v8+s19+$0x0] =	vst.idx.add.f32.msk vm1, v6  }
0x3fd: {  	[tilespmem:s6], [sflag:$0x1] =	stream.linear.gather @!p1 [hbm4b:s17+s23], $0x400, $0x38;
	[tilespmem:$0x1E300] =	vst v63  }
.Ltmp13:
0x3fe: {  	v17 =	vmovc v16;
	v47 =	vmovc v48;
	v22 =	vmov v42;
	v35 =	vmov v36;
	v55 =	vmov v29;
	(pc) =	sbr.rel @p0 .LBB2_17-.Ltmp13, $4  }
0x3ff: {  	s31 =	simm.s32 @!p1 $0x600;
	v1 =	vmovc v26;
	v26 =	vmovc v20;
	v54 =	vmov v53;
	v41 =	vmov v44;
	v16 =	vmov v32;
	s17 =	sadd.s32 @!p1 s1, s10  }
0x400: {  	v32 =	vmovc v61;
	v58 =	vmovc v52;
	v29 =	vmov v18;
	v61 =	vmov v27;
	v3 =	vmov v1;
	[tilespmem:s31], [sflag:$0x2] =	stream.linear.gather @!p1 [hbm4b:s17+s23], $0x400, $0x38;
	[tilespmem:$0x1E300] =	vst v63  }
0x401: {  	v1 =	vlaneseq.u32;
	v14 =	vmovc v33;
	v11 =	vmovc v19;
	v9 =	vmov v40;
	v40 =	vmov v17;
	s10 =	sadd.s32 @!p1 s2, s10;
	s17 =	simm.s32 @!p1 $0xA00  }
0x402: {  	v8 =	vmovc v39;
	v39 =	vmovc v57;
	v6 =	vmov v50;
	v50 =	vmov v43;
	v43 =	vmov v0;
	[tilespmem:s17], [sflag:$0x2] =	stream.linear.gather @!p1 [hbm4b:s10+s23], $0x400, $0x38;
	[tilespmem:$0x1E300] =	vst v63  }
0x403: {  	_ =	swait.ge [sflag:s20], $0x400  }
0x404: {  	[sflag:s20] =	ssyncset.done $0x0  }
0x405: {  	[sflag:s20] =	ssyncadd.s32 $0xFFFFFC00  }
0x406: {  	_ =	swait.ge [sflag:s20], $0x400  }
0x407: {  	[sflag:s20] =	ssyncset.done $0x0  }
0x408: {  	[sflag:s20] =	ssyncadd.s32 $0xFFFFFC00  }
0x409: {  	_ =	swait.ge [sflag:s21], $0x1000  }
0x40a: {  	[sflag:s21] =	ssyncset.done $0x0  }
0x40b: {  	[sflag:s21] =	ssyncadd.s32 $0xFFFFF000  }
0x40c: {  	_ =	swait.ge [sflag:s21], $0x1000  }
0x40d: {  	[sflag:s21] =	ssyncset.done $0x0  }
0x40e: {  	[sflag:s21] =	ssyncadd.s32 $0xFFFFF000  }
0x40f: {  	_ =	swait.ge [sflag:s21], $0x1000  }
0x410: {  	[sflag:s21] =	ssyncset.done $0x0  }
0x411: {  	[sflag:s21] =	ssyncadd.s32 $0xFFFFF000  }
0x412: {  	_ =	swait.ge [sflag:s21], $0x1000  }
0x413: {  	[sflag:s21] =	ssyncset.done $0x0  }
0x414: {  	[sflag:s21] =	ssyncadd.s32 $0xFFFFF000  }
0x415: {  	_ =	swait.ge [sflag:s21], $0x1000  }
0x416: {  	[sflag:s21] =	ssyncset.done $0x0  }
0x417: {  	[sflag:s21] =	ssyncadd.s32 $0xFFFFF000  }
0x418: {  	_ =	swait.ge [sflag:s21], $0x1000  }
0x419: {  	[sflag:s21] =	ssyncset.done $0x0  }
0x41a: {  	[sflag:s21] =	ssyncadd.s32 $0xFFFFF000  }
0x41b: {  	_ =	swait.ge [sflag:s21], $0x1000  }
0x41c: {  	[sflag:s21] =	ssyncset.done $0x0  }
0x41d: {  	[sflag:s21] =	ssyncadd.s32 $0xFFFFF000  }
0x41e: {  	_ =	swait.ge [sflag:s21], $0x1000  }
0x41f: {  	[sflag:s21] =	ssyncset.done $0x0  }
0x420: {  	s10 =	simm.s32 @!p1 $0x1;
	[sflag:s21] =	ssyncadd.s32 $0xFFFFF000  }
0x421: {  	_ =	swait.ge @!p1 [sflag:s10], $0x400  }
0x422: {  	[sflag:s10] =	ssyncset.done @!p1 $0x0  }
0x423: {  	s17 =	simm.s32 @!p1 $0xE00;
	[sflag:s10] =	ssyncadd.s32 @!p1 $0xFFFFFC00;
	s10 =	simm.s32 @!p1 $0x80  }
0x424: {  	[tilespmem:s17], [sflag:$0x3] =	stream.indirect.gather @!p1 [hbm4b:s7+s10], $0x20, s6, s10, $0xb8;
	[tilespmem:$0x1E300] =	vst v63  }
0x425: {  	s6 =	simm.s32 @!p1 $0x280;
	s17 =	simm.s32 @!p1 $0x1E00  }
0x426: {  	[tilespmem:s17], [sflag:$0x3] =	stream.indirect.gather @!p1 [hbm4b:s7+s10], $0x20, s6, s10, $0xb8;
	[tilespmem:$0x1E300] =	vst v63  }
0x427: {  	s6 =	simm.s32 @!p1 $0x300;
	s17 =	simm.s32 @!p1 $0x2E00  }
0x428: {  	[tilespmem:s17], [sflag:$0x3] =	stream.indirect.gather @!p1 [hbm4b:s7+s10], $0x20, s6, s10, $0xb8;
	[tilespmem:$0x1E300] =	vst v63  }
0x429: {  	s13 =	sadd.s32 s13, s24;
	s6 =	simm.s32 @!p1 $0x380;
	s17 =	simm.s32 @!p1 $0x3E00  }
0x42a: {  	[tilespmem:s17], [sflag:$0x3] =	stream.indirect.gather @!p1 [hbm4b:s7+s10], $0x20, s6, s10, $0xb8;
	[tilespmem:$0x1E300] =	vst v63  }
0x42b: {  	s23 =	sadd.s32 $0x0, s13;
	s6 =	simm.s32 @!p1 $0x400;
	s17 =	simm.s32 @!p1 $0x4E00  }
0x42c: {  	v48 =	vmov v6;
	v6 =	vor.u32 s23, v1;
	[tilespmem:s17], [sflag:$0x3] =	stream.indirect.gather @!p1 [hbm4b:s7+s10], $0x20, s6, s10, $0xb8;
	[tilespmem:$0x1E300] =	vst v63  }
0x42d: {  	vm1 =	vlt.s32 v6, $0x3FF;
	s6 =	simm.s32 @!p1 $0x480;
	s17 =	simm.s32 @!p1 $0x5E00  }
0x42e: {  	v7 =	vnsel vm1, $0x3FF, v6;
	[tilespmem:s17], [sflag:$0x3] =	stream.indirect.gather @!p1 [hbm4b:s7+s10], $0x20, s6, s10, $0xb8;
	[tilespmem:$0x1E300] =	vst v63  }
0x42f: {  	s6 =	simm.s32 @!p1 $0x500;
	s17 =	simm.s32 @!p1 $0x6E00  }
0x430: {  	[tilespmem:s17], [sflag:$0x3] =	stream.indirect.gather @!p1 [hbm4b:s7+s10], $0x20, s6, s10, $0xb8;
	[tilespmem:$0x1E300] =	vst v63  }
0x431: {  	s6 =	simm.s32 @!p1 $0x580;
	s17 =	simm.s32 @!p1 $0x7E00  }
0x432: {  	[tilespmem:s17], [sflag:$0x3] =	stream.indirect.gather @!p1 [hbm4b:s7+s10], $0x20, s6, s10, $0xb8;
	[tilespmem:$0x1E300] =	vst v63  }
0x433: {  	v15 =	vmov v8;
	v6 =	vshll.u32 v7, $0x5;
	v8 =	vld.idx.msk [tilespmem:v7+s11+$0x0], $0xffff  }
0x434: {  	v33 =	vmov v5;
	v53 =	vmov v9;
	v9 =	vor.u32 v1, v6;
	v5 =	vld [tilespmem:$0x1FCB0];
	_ =	sdelay $0x1  }
0x435: {  	s23 =	sadd.s32 $0x0, s24;
	v12 =	vld [tilespmem:$0x1FE80]  }
0x436: {  	v10 =	vor.u32 s23, v1;
	v17 =	vld [tilespmem:$0x1FEB0]  }
0x437: {  	vm1 =	vge.s32 v10, v39;
	v37 =	vld.idx.msk [tilespmem:v7+s9+$0x0], $0xffff;
	v7 =	vsub.s32 v8, v58  }
0x438: {  	vm2 =	vlt.s32 v10, v5;
	v9 =	vld.idx.msk [tilespmem:v9+s22+$0x0], $0xffff;
	v8 =	vand.u32 $0x7, v8;
	v7 =	vand.u32 $0xFFFFFFF8, v7  }
0x439: {  	vm1 =	vmand vm1, vm2;
	v7 =	vor.u32 v8, v7  }
0x43a: {  	v8 =	vadd.s32 v12, v7  }
0x43b: {  	v10 =	vor.u32 v17, v6;
	_ =	sdelay $0x1  }
0x43c: {  	v18 =	vld [tilespmem:$0x1FEC0];
	v9 =	vmul.f32 v9, v37  }
0x43d: {  	v19 =	vld [tilespmem:$0x1FED0]  }
0x43e: {  	[tilespmem:v8+s19+$0x0] =	vst.idx.add.f32.msk vm1, v9  }
0x43f: {  	v8 =	vld.idx.msk [tilespmem:v10+s22+$0x0], $0xffff;
	_ =	sdelay $0x1  }
0x440: {  	v9 =	vadd.s32 v18, v7  }
0x441: {  	v10 =	vor.u32 v19, v6;
	_ =	sdelay $0x1  }
0x442: {  	v44 =	vmov v50;
	v50 =	vld [tilespmem:$0x1FEE0];
	v8 =	vmul.f32 v8, v37  }
0x443: {  	v21 =	vld [tilespmem:$0x1FEF0]  }
0x444: {  	[tilespmem:v9+s19+$0x0] =	vst.idx.add.f32.msk vm1, v8  }
0x445: {  	v8 =	vld.idx.msk [tilespmem:v10+s22+$0x0], $0xffff;
	_ =	sdelay $0x1  }
0x446: {  	v9 =	vadd.s32 v50, v7  }
0x447: {  	v10 =	vor.u32 v21, v6;
	_ =	sdelay $0x1  }
0x448: {  	v27 =	vld [tilespmem:$0x1FF00];
	v8 =	vmul.f32 v8, v37  }
0x449: {  	v23 =	vld [tilespmem:$0x1FF10]  }
0x44a: {  	[tilespmem:v9+s19+$0x0] =	vst.idx.add.f32.msk vm1, v8  }
0x44b: {  	v8 =	vld.idx.msk [tilespmem:v10+s22+$0x0], $0xffff;
	_ =	sdelay $0x1  }
0x44c: {  	v9 =	vadd.s32 v27, v7  }
0x44d: {  	v10 =	vor.u32 v23, v6;
	_ =	sdelay $0x1  }
0x44e: {  	v24 =	vld [tilespmem:$0x1FF20];
	v8 =	vmul.f32 v8, v37  }
0x44f: {  	v0 =	vmov v25;
	v25 =	vld [tilespmem:$0x1FF30]  }
0x450: {  	[tilespmem:v9+s19+$0x0] =	vst.idx.add.f32.msk vm1, v8  }
0x451: {  	v8 =	vld.idx.msk [tilespmem:v10+s22+$0x0], $0xffff;
	_ =	sdelay $0x1  }
0x452: {  	v9 =	vadd.s32 v24, v7  }
0x453: {  	v10 =	vor.u32 v25, v6;
	_ =	sdelay $0x1  }
0x454: {  	v8 =	vmul.f32 v8, v37;
	_ =	sdelay $0x1  }
0x455: {  	[tilespmem:v9+s19+$0x0] =	vst.idx.add.f32.msk vm1, v8  }
0x456: {  	v8 =	vld.idx.msk [tilespmem:v10+s22+$0x0], $0xffff;
	_ =	sdelay $0x1  }
0x457: {  	v9 =	vadd.s32 v26, v7  }
0x458: {  	v10 =	vor.u32 v0, v6;
	_ =	sdelay $0x1  }
0x459: {  	v8 =	vmul.f32 v8, v37;
	_ =	sdelay $0x1  }
0x45a: {  	[tilespmem:v9+s19+$0x0] =	vst.idx.add.f32.msk vm1, v8  }
0x45b: {  	v8 =	vld.idx.msk [tilespmem:v10+s22+$0x0], $0xffff;
	_ =	sdelay $0x1  }
0x45c: {  	v9 =	vadd.s32 v11, v7  }
0x45d: {  	v10 =	vor.u32 v46, v6;
	_ =	sdelay $0x1  }
0x45e: {  	v51 =	vld [tilespmem:$0x1FCF0];
	v8 =	vmul.f32 v8, v37;
	_ =	sdelay $0x1  }
0x45f: {  	[tilespmem:v9+s19+$0x0] =	vst.idx.add.f32.msk vm1, v8  }
0x460: {  	v8 =	vld.idx.msk [tilespmem:v10+s22+$0x0], $0xffff;
	_ =	sdelay $0x1  }
0x461: {  	v9 =	vadd.s32 v51, v7  }
0x462: {  	v10 =	vor.u32 v29, v6;
	_ =	sdelay $0x1  }
0x463: {  	v8 =	vmul.f32 v8, v37;
	_ =	sdelay $0x1  }
0x464: {  	[tilespmem:v9+s19+$0x0] =	vst.idx.add.f32.msk vm1, v8  }
0x465: {  	v8 =	vld.idx.msk [tilespmem:v10+s22+$0x0], $0xffff;
	_ =	sdelay $0x1  }
0x466: {  	v9 =	vadd.s32 v31, v7  }
0x467: {  	v10 =	vor.u32 v14, v6;
	_ =	sdelay $0x1  }
0x468: {  	v8 =	vmul.f32 v8, v37  }
0x469: {  	v20 =	vld [tilespmem:$0x1FD00]  }
0x46a: {  	[tilespmem:v9+s19+$0x0] =	vst.idx.add.f32.msk vm1, v8  }
0x46b: {  	v8 =	vld.idx.msk [tilespmem:v10+s22+$0x0], $0xffff;
	_ =	sdelay $0x1  }
0x46c: {  	v9 =	vadd.s32 v16, v7  }
0x46d: {  	v10 =	vor.u32 v20, v6;
	_ =	sdelay $0x1  }
0x46e: {  	v8 =	vmul.f32 v8, v37  }
0x46f: {  	v30 =	vmov v4;
	v4 =	vld [tilespmem:$0x1FD10]  }
0x470: {  	[tilespmem:v9+s19+$0x0] =	vst.idx.add.f32.msk vm1, v8  }
0x471: {  	v8 =	vld.idx.msk [tilespmem:v10+s22+$0x0], $0xffff;
	_ =	sdelay $0x1  }
0x472: {  	v9 =	vadd.s32 v35, v7  }
0x473: {  	v10 =	vor.u32 v4, v6;
	_ =	sdelay $0x1  }
0x474: {  	v8 =	vmul.f32 v8, v37;
	_ =	sdelay $0x1  }
0x475: {  	[tilespmem:v9+s19+$0x0] =	vst.idx.add.f32.msk vm1, v8  }
0x476: {  	v8 =	vld.idx.msk [tilespmem:v10+s22+$0x0], $0xffff;
	_ =	sdelay $0x1  }
0x477: {  	v9 =	vadd.s32 v38, v7  }
0x478: {  	v10 =	vor.u32 v61, v6;
	_ =	sdelay $0x1  }
0x479: {  	v8 =	vmul.f32 v8, v37;
	_ =	sdelay $0x1  }
0x47a: {  	[tilespmem:v9+s19+$0x0] =	vst.idx.add.f32.msk vm1, v8  }
0x47b: {  	v8 =	vld.idx.msk [tilespmem:v10+s22+$0x0], $0xffff;
	_ =	sdelay $0x1  }
0x47c: {  	v9 =	vadd.s32 v49, v7  }
0x47d: {  	v10 =	vor.u32 v13, v6;
	_ =	sdelay $0x1  }
0x47e: {  	v8 =	vmul.f32 v8, v37;
	_ =	sdelay $0x1  }
0x47f: {  	[tilespmem:v9+s19+$0x0] =	vst.idx.add.f32.msk vm1, v8  }
0x480: {  	v8 =	vld.idx.msk [tilespmem:v10+s22+$0x0], $0xffff;
	_ =	sdelay $0x1  }
0x481: {  	v9 =	vadd.s32 v54, v7  }
0x482: {  	v10 =	vor.u32 v59, v6;
	_ =	sdelay $0x1  }
0x483: {  	v2 =	vld [tilespmem:$0x1FF50];
	v8 =	vmul.f32 v8, v37  }
0x484: {  	v26 =	vld [tilespmem:$0x1FF60]  }
0x485: {  	[tilespmem:v9+s19+$0x0] =	vst.idx.add.f32.msk vm1, v8  }
0x486: {  	v8 =	vld.idx.msk [tilespmem:v10+s22+$0x0], $0xffff;
	_ =	sdelay $0x1  }
0x487: {  	v9 =	vadd.s32 v2, v7  }
0x488: {  	v10 =	vor.u32 v26, v6;
	_ =	sdelay $0x1  }
0x489: {  	v28 =	vmov v31;
	v31 =	vmov v0;
	v0 =	vld [tilespmem:$0x1FE70];
	v8 =	vmul.f32 v8, v37  }
0x48a: {  	v63 =	vmovc v13;
	v13 =	vmov v16;
	v16 =	vmov v20;
	v20 =	vmov v29;
	v29 =	vld [tilespmem:$0x1FF70]  }
0x48b: {  	[tilespmem:v9+s19+$0x0] =	vst.idx.add.f32.msk vm1, v8  }
0x48c: {  	v8 =	vld.idx.msk [tilespmem:v10+s22+$0x0], $0xffff;
	_ =	sdelay $0x1  }
0x48d: {  	v9 =	vadd.s32 v0, v7  }
0x48e: {  	v10 =	vor.u32 v29, v6;
	_ =	sdelay $0x1  }
0x48f: {  	v0 =	vmov v40;
	v40 =	vmov v41;
	v41 =	vld [tilespmem:$0x1FF80];
	v8 =	vmul.f32 v8, v37;
	_ =	sdelay $0x1  }
0x490: {  	[tilespmem:v9+s19+$0x0] =	vst.idx.add.f32.msk vm1, v8  }
0x491: {  	v8 =	vld.idx.msk [tilespmem:v10+s22+$0x0], $0xffff;
	_ =	sdelay $0x1  }
0x492: {  	v9 =	vadd.s32 v41, v7  }
0x493: {  	v10 =	vor.u32 v3, v6;
	_ =	sdelay $0x1  }
0x494: {  	v8 =	vmul.f32 v8, v37  }
0x495: {  	v45 =	vmovc v34;
	v34 =	vmov v46;
	v46 =	vmov v38;
	v38 =	vmov v11;
	v11 =	vld [tilespmem:$0x1FDC0]  }
0x496: {  	[tilespmem:v9+s19+$0x0] =	vst.idx.add.f32.msk vm1, v8  }
0x497: {  	v8 =	vld.idx.msk [tilespmem:v10+s22+$0x0], $0xffff;
	_ =	sdelay $0x1  }
0x498: {  	v9 =	vadd.s32 v15, v7  }
0x499: {  	v10 =	vor.u32 v11, v6;
	_ =	sdelay $0x1  }
0x49a: {  	v8 =	vmul.f32 v8, v37;
	_ =	sdelay $0x1  }
0x49b: {  	[tilespmem:v9+s19+$0x0] =	vst.idx.add.f32.msk vm1, v8  }
0x49c: {  	v8 =	vld.idx.msk [tilespmem:v10+s22+$0x0], $0xffff;
	_ =	sdelay $0x1  }
0x49d: {  	v9 =	vadd.s32 v53, v7  }
0x49e: {  	v10 =	vor.u32 v56, v6;
	_ =	sdelay $0x1  }
0x49f: {  	v52 =	vld [tilespmem:$0x1FD20];
	v8 =	vmul.f32 v8, v37;
	_ =	sdelay $0x1  }
0x4a0: {  	[tilespmem:v9+s19+$0x0] =	vst.idx.add.f32.msk vm1, v8  }
0x4a1: {  	v8 =	vld.idx.msk [tilespmem:v10+s22+$0x0], $0xffff;
	_ =	sdelay $0x1  }
0x4a2: {  	v60 =	vmov v62;
	v9 =	vadd.s32 v52, v7  }
0x4a3: {  	v10 =	vor.u32 v60, v6;
	_ =	sdelay $0x1  }
0x4a4: {  	v36 =	vld [tilespmem:$0x1FD30];
	v8 =	vmul.f32 v8, v37;
	_ =	sdelay $0x1  }
0x4a5: {  	[tilespmem:v9+s19+$0x0] =	vst.idx.add.f32.msk vm1, v8  }
0x4a6: {  	v8 =	vld.idx.msk [tilespmem:v10+s22+$0x0], $0xffff;
	_ =	sdelay $0x1  }
0x4a7: {  	v9 =	vadd.s32 v36, v7  }
0x4a8: {  	v10 =	vor.u32 v43, v6;
	_ =	sdelay $0x1  }
0x4a9: {  	v8 =	vmul.f32 v8, v37;
	_ =	sdelay $0x1  }
0x4aa: {  	[tilespmem:v9+s19+$0x0] =	vst.idx.add.f32.msk vm1, v8  }
0x4ab: {  	v8 =	vld.idx.msk [tilespmem:v10+s22+$0x0], $0xffff  }
0x4ac: {  	v10 =	vld [tilespmem:$0x1FC80];
	_ =	sdelay $0x3  }
0x4ad: {  	v9 =	vadd.s32 v44, v7  }
0x4ae: {  	v10 =	vor.u32 v10, v6;
	_ =	sdelay $0x1  }
0x4af: {  	v8 =	vmul.f32 v8, v37;
	_ =	sdelay $0x1  }
0x4b0: {  	[tilespmem:v9+s19+$0x0] =	vst.idx.add.f32.msk vm1, v8  }
0x4b1: {  	v8 =	vld.idx.msk [tilespmem:v10+s22+$0x0], $0xffff  }
0x4b2: {  	v10 =	vld [tilespmem:$0x1FC90];
	_ =	sdelay $0x3  }
0x4b3: {  	v9 =	vadd.s32 v40, v7  }
0x4b4: {  	v10 =	vor.u32 v10, v6;
	_ =	sdelay $0x1  }
0x4b5: {  	v8 =	vmul.f32 v8, v37;
	_ =	sdelay $0x1  }
0x4b6: {  	[tilespmem:v9+s19+$0x0] =	vst.idx.add.f32.msk vm1, v8  }
0x4b7: {  	v8 =	vld.idx.msk [tilespmem:v10+s22+$0x0], $0xffff  }
0x4b8: {  	v10 =	vld [tilespmem:$0x1FCA0];
	_ =	sdelay $0x1  }
0x4b9: {  	v0 =	vadd.s32 v0, v7;
	_ =	sdelay $0x2  }
0x4ba: {  	v10 =	vor.u32 v10, v6;
	v8 =	vmul.f32 v8, v37;
	_ =	sdelay $0x1  }
0x4bb: {  	[tilespmem:v0+s19+$0x0] =	vst.idx.add.f32.msk vm1, v8  }
0x4bc: {  	v0 =	vld [tilespmem:$0x1FE10];
	_ =	sdelay $0x1  }
0x4bd: {  	v8 =	vld.idx.msk [tilespmem:v10+s22+$0x0], $0xffff  }
0x4be: {  	v62 =	vmov v47  }
0x4bf: {  	v57 =	vmov v22;
	v22 =	vadd.s32 v62, v7  }
0x4c0: {  	v10 =	vor.u32 v0, v6  }
0x4c1: {  	v9 =	vmov v37  }
0x4c2: {  	v8 =	vmul.f32 v8, v9  }
0x4c3: {  	v37 =	vmov v11;
	v11 =	vmov v45;
	v45 =	vld [tilespmem:$0x1FE40]  }
0x4c4: {  	[tilespmem:v22+s19+$0x0] =	vst.idx.add.f32.msk vm1, v8  }
0x4c5: {  	v8 =	vld.idx.msk [tilespmem:v10+s22+$0x0], $0xffff;
	_ =	sdelay $0x1  }
0x4c6: {  	v22 =	vadd.s32 v57, v7;
	_ =	sdelay $0x2  }
0x4c7: {  	v10 =	vor.u32 v45, v6;
	v8 =	vmul.f32 v8, v9;
	_ =	sdelay $0x1  }
0x4c8: {  	[tilespmem:v22+s19+$0x0] =	vst.idx.add.f32.msk vm1, v8  }
0x4c9: {  	v60 =	vmovc v36;
	v36 =	vmov v33;
	v33 =	vmov v55;
	v22 =	vadd.s32 v55, v7;
	v55 =	vld [tilespmem:$0x1FF40];
	_ =	sdelay $0x1  }
0x4ca: {  	v8 =	vld.idx.msk [tilespmem:v10+s22+$0x0], $0xffff;
	_ =	sdelay $0x2  }
0x4cb: {  	v10 =	vor.u32 v55, v6;
	_ =	sdelay $0x1  }
0x4cc: {  	v8 =	vmul.f32 v8, v9;
	_ =	sdelay $0x1  }
0x4cd: {  	[tilespmem:v22+s19+$0x0] =	vst.idx.add.f32.msk vm1, v8  }
0x4ce: {  	v8 =	vld.idx.msk [tilespmem:v10+s22+$0x0], $0xffff;
	_ =	sdelay $0x1  }
0x4cf: {  	v22 =	vadd.s32 v32, v7  }
0x4d0: {  	v10 =	vor.u32 v48, v6;
	_ =	sdelay $0x1  }
0x4d1: {  	v42 =	vld [tilespmem:$0x1FD60];
	v8 =	vmul.f32 v8, v9  }
0x4d2: {  	v40 =	vld [tilespmem:$0x1FE90]  }
0x4d3: {  	[tilespmem:v22+s19+$0x0] =	vst.idx.add.f32.msk vm1, v8  }
0x4d4: {  	v8 =	vld.idx.msk [tilespmem:v10+s22+$0x0], $0xffff;
	_ =	sdelay $0x1  }
0x4d5: {  	v47 =	vmov v52;
	v52 =	vmov v48;
	v48 =	vadd.s32 v42, v7  }
0x4d6: {  	v10 =	vor.u32 v40, v6;
	_ =	sdelay $0x1  }
0x4d7: {  	v8 =	vmul.f32 v8, v9;
	_ =	sdelay $0x1  }
0x4d8: {  	[tilespmem:v48+s19+$0x0] =	vst.idx.add.f32.msk vm1, v8  }
0x4d9: {  	v8 =	vld.idx.msk [tilespmem:v10+s22+$0x0], $0xffff;
	_ =	sdelay $0x1  }
0x4da: {  	v62 =	vmovc v57;
	v57 =	vmovc v32;
	v32 =	vmov v60;
	v60 =	vmov v36;
	v36 =	vadd.s32 v36, v7;
	_ =	sdelay $0x1  }
0x4db: {  	v10 =	vor.u32 v30, v6  }
0x4dc: {  	v8 =	vmul.f32 v8, v9;
	_ =	sdelay $0x1  }
0x4dd: {  	[tilespmem:v36+s19+$0x0] =	vst.idx.add.f32.msk vm1, v8  }
0x4de: {  	v36 =	vld [tilespmem:$0x1FEA0]  }
0x4df: {  	v8 =	vld.idx.msk [tilespmem:v10+s22+$0x0], $0xffff;
	_ =	sdelay $0x1  }
0x4e0: {  	v10 =	vadd.s32 v11, v7;
	_ =	sdelay $0x2  }
0x4e1: {  	v6 =	vor.u32 v36, v6;
	v8 =	vmul.f32 v8, v9;
	_ =	sdelay $0x1  }
0x4e2: {  	[tilespmem:v10+s19+$0x0] =	vst.idx.add.f32.msk vm1, v8  }
0x4e3: {  	v10 =	vld [tilespmem:$0x1FD90];
	_ =	sdelay $0x1  }
0x4e4: {  	s31 =	sadd.s32 $0x10, s13;
	v48 =	vmov v11;
	v11 =	vld.idx.msk [tilespmem:v6+s22+$0x0], $0xffff  }
0x4e5: {  	v6 =	vor.u32 s31, v1  }
0x4e6: {  	vm2 =	vlt.s32 v6, $0x3FF  }
0x4e7: {  	v22 =	vmovc v15;
	v15 =	vmovc v30;
	v8 =	vnsel vm2, $0x3FF, v6;
	v30 =	vmov v10;
	v10 =	vadd.s32 v10, v7  }
0x4e8: {  	v6 =	vshll.u32 v8, $0x5  }
0x4e9: {  	s6 =	simm.s32 $0x10;
	s10 =	simm.s32 $0x20;
	v7 =	vmul.f32 v11, v9;
	v9 =	vor.u32 v1, v6  }
.LBB2_15:
0x4ea: {  	_ =	sdelay $0x1  }
0x4eb: {  	[tilespmem:v10+s19+$0x0] =	vst.idx.add.f32.msk vm1, v7  }
0x4ec: {  	v10 =	vld.idx.msk [tilespmem:v8+s11+$0x0], $0xffff;
	_ =	sdelay $0x2  }
0x4ed: {  	s23 =	sadd.s32 s6, s24  }
0x4ee: {  	v7 =	vld.idx.msk [tilespmem:v8+s9+$0x0], $0xffff;
	v8 =	vor.u32 s23, v1  }
0x4ef: {  	vm1 =	vge.s32 v8, v39;
	v11 =	vsub.s32 v10, v58  }
0x4f0: {  	v9 =	vld.idx.msk [tilespmem:v9+s22+$0x0], $0xffff;
	vm2 =	vlt.s32 v8, v5;
	v10 =	vand.u32 $0x7, v10;
	v8 =	vand.u32 $0xFFFFFFF8, v11  }
0x4f1: {  	vm1 =	vmand vm1, vm2;
	v8 =	vor.u32 v10, v8  }
0x4f2: {  	v10 =	vadd.s32 v12, v8  }
0x4f3: {  	v11 =	vor.u32 v17, v6;
	_ =	sdelay $0x1  }
0x4f4: {  	v9 =	vmul.f32 v9, v7;
	_ =	sdelay $0x1  }
0x4f5: {  	[tilespmem:v10+s19+$0x0] =	vst.idx.add.f32.msk vm1, v9  }
0x4f6: {  	v9 =	vld.idx.msk [tilespmem:v11+s22+$0x0], $0xffff;
	_ =	sdelay $0x1  }
0x4f7: {  	v10 =	vadd.s32 v18, v8  }
0x4f8: {  	v11 =	vor.u32 v19, v6;
	_ =	sdelay $0x1  }
0x4f9: {  	v9 =	vmul.f32 v9, v7;
	_ =	sdelay $0x1  }
0x4fa: {  	[tilespmem:v10+s19+$0x0] =	vst.idx.add.f32.msk vm1, v9  }
0x4fb: {  	v9 =	vld.idx.msk [tilespmem:v11+s22+$0x0], $0xffff;
	_ =	sdelay $0x1  }
0x4fc: {  	v10 =	vadd.s32 v50, v8  }
0x4fd: {  	v11 =	vor.u32 v21, v6;
	_ =	sdelay $0x1  }
0x4fe: {  	v9 =	vmul.f32 v9, v7;
	_ =	sdelay $0x1  }
0x4ff: {  	[tilespmem:v10+s19+$0x0] =	vst.idx.add.f32.msk vm1, v9  }
0x500: {  	v9 =	vld.idx.msk [tilespmem:v11+s22+$0x0], $0xffff;
	_ =	sdelay $0x1  }
0x501: {  	v10 =	vadd.s32 v27, v8  }
0x502: {  	v11 =	vor.u32 v23, v6;
	_ =	sdelay $0x1  }
0x503: {  	v9 =	vmul.f32 v9, v7;
	_ =	sdelay $0x1  }
0x504: {  	[tilespmem:v10+s19+$0x0] =	vst.idx.add.f32.msk vm1, v9  }
0x505: {  	v9 =	vld.idx.msk [tilespmem:v11+s22+$0x0], $0xffff;
	_ =	sdelay $0x1  }
0x506: {  	v10 =	vadd.s32 v24, v8;
	_ =	sdelay $0x2  }
0x507: {  	v9 =	vmul.f32 v9, v7  }
0x508: {  	v11 =	vor.u32 v25, v6  }
0x509: {  	[tilespmem:v10+s19+$0x0] =	vst.idx.add.f32.msk vm1, v9  }
0x50a: {  	v10 =	vld [tilespmem:$0x1FFC0];
	_ =	sdelay $0x2  }
0x50b: {  	v9 =	vld.idx.msk [tilespmem:v11+s22+$0x0], $0xffff;
	_ =	sdelay $0x1  }
0x50c: {  	v10 =	vadd.s32 v10, v8  }
0x50d: {  	v11 =	vor.u32 v31, v6;
	_ =	sdelay $0x1  }
0x50e: {  	v9 =	vmul.f32 v9, v7;
	_ =	sdelay $0x1  }
0x50f: {  	[tilespmem:v10+s19+$0x0] =	vst.idx.add.f32.msk vm1, v9  }
0x510: {  	v9 =	vld.idx.msk [tilespmem:v11+s22+$0x0], $0xffff;
	_ =	sdelay $0x1  }
0x511: {  	v10 =	vadd.s32 v38, v8  }
0x512: {  	v11 =	vor.u32 v34, v6;
	_ =	sdelay $0x1  }
0x513: {  	v9 =	vmul.f32 v9, v7;
	_ =	sdelay $0x1  }
0x514: {  	[tilespmem:v10+s19+$0x0] =	vst.idx.add.f32.msk vm1, v9  }
0x515: {  	v9 =	vld.idx.msk [tilespmem:v11+s22+$0x0], $0xffff;
	_ =	sdelay $0x1  }
0x516: {  	v10 =	vadd.s32 v51, v8  }
0x517: {  	v11 =	vor.u32 v20, v6;
	_ =	sdelay $0x1  }
0x518: {  	v9 =	vmul.f32 v9, v7;
	_ =	sdelay $0x1  }
0x519: {  	[tilespmem:v10+s19+$0x0] =	vst.idx.add.f32.msk vm1, v9  }
0x51a: {  	v9 =	vld.idx.msk [tilespmem:v11+s22+$0x0], $0xffff;
	_ =	sdelay $0x1  }
0x51b: {  	v10 =	vadd.s32 v28, v8  }
0x51c: {  	v11 =	vor.u32 v14, v6;
	_ =	sdelay $0x1  }
0x51d: {  	v9 =	vmul.f32 v9, v7;
	_ =	sdelay $0x1  }
0x51e: {  	[tilespmem:v10+s19+$0x0] =	vst.idx.add.f32.msk vm1, v9  }
0x51f: {  	v9 =	vld.idx.msk [tilespmem:v11+s22+$0x0], $0xffff;
	_ =	sdelay $0x1  }
0x520: {  	v10 =	vadd.s32 v13, v8  }
0x521: {  	v11 =	vor.u32 v16, v6;
	_ =	sdelay $0x1  }
0x522: {  	v9 =	vmul.f32 v9, v7;
	_ =	sdelay $0x1  }
0x523: {  	[tilespmem:v10+s19+$0x0] =	vst.idx.add.f32.msk vm1, v9  }
0x524: {  	v9 =	vld.idx.msk [tilespmem:v11+s22+$0x0], $0xffff;
	_ =	sdelay $0x1  }
0x525: {  	v10 =	vadd.s32 v35, v8  }
0x526: {  	v11 =	vor.u32 v4, v6;
	_ =	sdelay $0x1  }
0x527: {  	v9 =	vmul.f32 v9, v7;
	_ =	sdelay $0x1  }
0x528: {  	[tilespmem:v10+s19+$0x0] =	vst.idx.add.f32.msk vm1, v9  }
0x529: {  	v9 =	vld.idx.msk [tilespmem:v11+s22+$0x0], $0xffff;
	_ =	sdelay $0x1  }
0x52a: {  	v10 =	vadd.s32 v46, v8  }
0x52b: {  	v11 =	vor.u32 v61, v6;
	_ =	sdelay $0x1  }
0x52c: {  	v9 =	vmul.f32 v9, v7;
	_ =	sdelay $0x1  }
0x52d: {  	[tilespmem:v10+s19+$0x0] =	vst.idx.add.f32.msk vm1, v9  }
0x52e: {  	v9 =	vld.idx.msk [tilespmem:v11+s22+$0x0], $0xffff;
	_ =	sdelay $0x1  }
0x52f: {  	v10 =	vadd.s32 v49, v8  }
0x530: {  	v11 =	vor.u32 v63, v6;
	_ =	sdelay $0x1  }
0x531: {  	v9 =	vmul.f32 v9, v7;
	_ =	sdelay $0x1  }
0x532: {  	[tilespmem:v10+s19+$0x0] =	vst.idx.add.f32.msk vm1, v9  }
0x533: {  	v9 =	vld.idx.msk [tilespmem:v11+s22+$0x0], $0xffff;
	_ =	sdelay $0x1  }
0x534: {  	v10 =	vadd.s32 v54, v8  }
0x535: {  	v11 =	vor.u32 v59, v6;
	_ =	sdelay $0x1  }
0x536: {  	v9 =	vmul.f32 v9, v7;
	_ =	sdelay $0x1  }
0x537: {  	[tilespmem:v10+s19+$0x0] =	vst.idx.add.f32.msk vm1, v9  }
0x538: {  	v9 =	vld.idx.msk [tilespmem:v11+s22+$0x0], $0xffff;
	_ =	sdelay $0x1  }
0x539: {  	v10 =	vadd.s32 v2, v8;
	_ =	sdelay $0x2  }
0x53a: {  	v9 =	vmul.f32 v9, v7  }
0x53b: {  	v11 =	vor.u32 v26, v6  }
0x53c: {  	[tilespmem:v10+s19+$0x0] =	vst.idx.add.f32.msk vm1, v9  }
0x53d: {  	v10 =	vld [tilespmem:$0x1FE70];
	_ =	sdelay $0x2  }
0x53e: {  	v9 =	vld.idx.msk [tilespmem:v11+s22+$0x0], $0xffff;
	_ =	sdelay $0x1  }
0x53f: {  	v10 =	vadd.s32 v10, v8  }
0x540: {  	v11 =	vor.u32 v29, v6;
	_ =	sdelay $0x1  }
0x541: {  	v9 =	vmul.f32 v9, v7;
	_ =	sdelay $0x1  }
0x542: {  	[tilespmem:v10+s19+$0x0] =	vst.idx.add.f32.msk vm1, v9  }
0x543: {  	v9 =	vld.idx.msk [tilespmem:v11+s22+$0x0], $0xffff;
	_ =	sdelay $0x1  }
0x544: {  	v10 =	vadd.s32 v41, v8  }
0x545: {  	v11 =	vor.u32 v3, v6;
	_ =	sdelay $0x1  }
0x546: {  	v9 =	vmul.f32 v9, v7;
	_ =	sdelay $0x1  }
0x547: {  	[tilespmem:v10+s19+$0x0] =	vst.idx.add.f32.msk vm1, v9  }
0x548: {  	v9 =	vld.idx.msk [tilespmem:v11+s22+$0x0], $0xffff;
	_ =	sdelay $0x1  }
0x549: {  	v10 =	vadd.s32 v22, v8  }
0x54a: {  	v11 =	vor.u32 v37, v6;
	_ =	sdelay $0x1  }
0x54b: {  	v9 =	vmul.f32 v9, v7;
	_ =	sdelay $0x1  }
0x54c: {  	[tilespmem:v10+s19+$0x0] =	vst.idx.add.f32.msk vm1, v9  }
0x54d: {  	v9 =	vld.idx.msk [tilespmem:v11+s22+$0x0], $0xffff;
	_ =	sdelay $0x1  }
0x54e: {  	v10 =	vadd.s32 v53, v8  }
0x54f: {  	v11 =	vor.u32 v56, v6;
	_ =	sdelay $0x1  }
0x550: {  	v9 =	vmul.f32 v9, v7;
	_ =	sdelay $0x1  }
0x551: {  	[tilespmem:v10+s19+$0x0] =	vst.idx.add.f32.msk vm1, v9  }
0x552: {  	v9 =	vld.idx.msk [tilespmem:v11+s22+$0x0], $0xffff  }
0x553: {  	v11 =	vld [tilespmem:$0x1FF90];
	_ =	sdelay $0x3  }
0x554: {  	v10 =	vadd.s32 v47, v8  }
0x555: {  	v11 =	vor.u32 v11, v6;
	_ =	sdelay $0x1  }
0x556: {  	v9 =	vmul.f32 v9, v7;
	_ =	sdelay $0x1  }
0x557: {  	[tilespmem:v10+s19+$0x0] =	vst.idx.add.f32.msk vm1, v9  }
0x558: {  	v9 =	vld.idx.msk [tilespmem:v11+s22+$0x0], $0xffff;
	_ =	sdelay $0x1  }
0x559: {  	v10 =	vadd.s32 v32, v8  }
0x55a: {  	v11 =	vor.u32 v43, v6;
	_ =	sdelay $0x1  }
0x55b: {  	v9 =	vmul.f32 v9, v7;
	_ =	sdelay $0x1  }
0x55c: {  	[tilespmem:v10+s19+$0x0] =	vst.idx.add.f32.msk vm1, v9  }
0x55d: {  	v9 =	vld.idx.msk [tilespmem:v11+s22+$0x0], $0xffff  }
0x55e: {  	v11 =	vld [tilespmem:$0x1FC80]  }
0x55f: {  	v10 =	vadd.s32 v44, v8;
	_ =	sdelay $0x2  }
0x560: {  	v9 =	vmul.f32 v9, v7  }
0x561: {  	v11 =	vor.u32 v11, v6  }
0x562: {  	[tilespmem:v10+s19+$0x0] =	vst.idx.add.f32.msk vm1, v9  }
0x563: {  	v10 =	vld [tilespmem:$0x1FFA0];
	_ =	sdelay $0x2  }
0x564: {  	v9 =	vld.idx.msk [tilespmem:v11+s22+$0x0], $0xffff  }
0x565: {  	v11 =	vld [tilespmem:$0x1FC90]  }
0x566: {  	v10 =	vadd.s32 v10, v8;
	_ =	sdelay $0x2  }
0x567: {  	v9 =	vmul.f32 v9, v7  }
0x568: {  	v11 =	vor.u32 v11, v6  }
0x569: {  	[tilespmem:v10+s19+$0x0] =	vst.idx.add.f32.msk vm1, v9  }
0x56a: {  	v10 =	vld [tilespmem:$0x1FFB0];
	_ =	sdelay $0x2  }
0x56b: {  	v9 =	vld.idx.msk [tilespmem:v11+s22+$0x0], $0xffff  }
0x56c: {  	v11 =	vld [tilespmem:$0x1FCA0]  }
0x56d: {  	v10 =	vadd.s32 v10, v8;
	_ =	sdelay $0x2  }
0x56e: {  	v9 =	vmul.f32 v9, v7  }
0x56f: {  	v11 =	vor.u32 v11, v6  }
0x570: {  	[tilespmem:v10+s19+$0x0] =	vst.idx.add.f32.msk vm1, v9  }
0x571: {  	v10 =	vld [tilespmem:$0x1FFD0];
	_ =	sdelay $0x2  }
0x572: {  	v9 =	vld.idx.msk [tilespmem:v11+s22+$0x0], $0xffff;
	_ =	sdelay $0x1  }
0x573: {  	v10 =	vadd.s32 v10, v8  }
0x574: {  	v11 =	vor.u32 v0, v6;
	_ =	sdelay $0x1  }
0x575: {  	v9 =	vmul.f32 v9, v7;
	_ =	sdelay $0x1  }
0x576: {  	[tilespmem:v10+s19+$0x0] =	vst.idx.add.f32.msk vm1, v9  }
0x577: {  	v9 =	vld.idx.msk [tilespmem:v11+s22+$0x0], $0xffff;
	_ =	sdelay $0x1  }
0x578: {  	v10 =	vadd.s32 v62, v8  }
0x579: {  	v11 =	vor.u32 v45, v6;
	_ =	sdelay $0x1  }
0x57a: {  	v9 =	vmul.f32 v9, v7;
	_ =	sdelay $0x1  }
0x57b: {  	[tilespmem:v10+s19+$0x0] =	vst.idx.add.f32.msk vm1, v9  }
0x57c: {  	v9 =	vld.idx.msk [tilespmem:v11+s22+$0x0], $0xffff;
	_ =	sdelay $0x1  }
0x57d: {  	v10 =	vadd.s32 v33, v8  }
0x57e: {  	v11 =	vor.u32 v55, v6;
	_ =	sdelay $0x1  }
0x57f: {  	v9 =	vmul.f32 v9, v7;
	_ =	sdelay $0x1  }
0x580: {  	[tilespmem:v10+s19+$0x0] =	vst.idx.add.f32.msk vm1, v9  }
0x581: {  	v9 =	vld.idx.msk [tilespmem:v11+s22+$0x0], $0xffff;
	_ =	sdelay $0x1  }
0x582: {  	v10 =	vadd.s32 v57, v8  }
0x583: {  	v11 =	vor.u32 v52, v6;
	_ =	sdelay $0x1  }
0x584: {  	v9 =	vmul.f32 v9, v7;
	_ =	sdelay $0x1  }
0x585: {  	[tilespmem:v10+s19+$0x0] =	vst.idx.add.f32.msk vm1, v9  }
0x586: {  	v9 =	vld.idx.msk [tilespmem:v11+s22+$0x0], $0xffff;
	_ =	sdelay $0x1  }
0x587: {  	v10 =	vadd.s32 v42, v8  }
0x588: {  	v11 =	vor.u32 v40, v6;
	_ =	sdelay $0x1  }
0x589: {  	v9 =	vmul.f32 v9, v7;
	_ =	sdelay $0x1  }
0x58a: {  	[tilespmem:v10+s19+$0x0] =	vst.idx.add.f32.msk vm1, v9  }
0x58b: {  	v9 =	vld.idx.msk [tilespmem:v11+s22+$0x0], $0xffff;
	_ =	sdelay $0x1  }
0x58c: {  	v10 =	vadd.s32 v60, v8  }
0x58d: {  	v11 =	vor.u32 v15, v6;
	_ =	sdelay $0x1  }
0x58e: {  	v9 =	vmul.f32 v9, v7;
	_ =	sdelay $0x1  }
0x58f: {  	[tilespmem:v10+s19+$0x0] =	vst.idx.add.f32.msk vm1, v9  }
0x590: {  	v9 =	vld.idx.msk [tilespmem:v11+s22+$0x0], $0xffff;
	_ =	sdelay $0x1  }
0x591: {  	v10 =	vadd.s32 v48, v8  }
0x592: {  	v6 =	vor.u32 v36, v6;
	_ =	sdelay $0x1  }
0x593: {  	v9 =	vmul.f32 v9, v7  }
0x594: {  	s17 =	smov.u32 s10  }
0x595: {  	s6 =	smov.u32 s17;
	[tilespmem:v10+s19+$0x0] =	vst.idx.add.f32.msk vm1, v9  }
0x596: {  	p0 =	sne.s32 s10, $0x3F0;
	s17 =	sadd.s32 s6, s13;
	v11 =	vld.idx.msk [tilespmem:v6+s22+$0x0], $0xffff  }
.Ltmp14:
0x597: {  	v6 =	vor.u32 s17, v1;
	(pc) =	sbr.rel @p0 .LBB2_15-.Ltmp14, $4  }
0x598: {  	vm2 =	vlt.s32 v6, $0x3FF  }
0x599: {  	v10 =	vadd.s32 v30, v8;
	v8 =	vnsel vm2, $0x3FF, v6  }
0x59a: {  	v6 =	vshll.u32 v8, $0x5  }
0x59b: {  	s10 =	sadd.s32 $0x10, s10;
	v9 =	vor.u32 v1, v6;
	v7 =	vmul.f32 v11, v7  }
0x59c: {  	_ =	sdelay $0x4  }
0x59d: {  	[tilespmem:v10+s19+$0x0] =	vst.idx.add.f32.msk vm1, v7  }
0x59e: {  	v10 =	vld.idx.msk [tilespmem:v8+s11+$0x0], $0xffff;
	_ =	sdelay $0x2  }
0x59f: {  	s6 =	sadd.s32 s6, s24  }
0x5a0: {  	v11 =	vor.u32 s6, v1  }
0x5a1: {  	v7 =	vld.idx.msk [tilespmem:v8+s9+$0x0], $0xffff;
	vm1 =	vge.s32 v11, v39;
	v8 =	vsub.s32 v10, v58  }
0x5a2: {  	v9 =	vld.idx.msk [tilespmem:v9+s22+$0x0], $0xffff;
	vm2 =	vlt.s32 v11, v5;
	v10 =	vand.u32 $0x7, v10;
	v8 =	vand.u32 $0xFFFFFFF8, v8  }
0x5a3: {  	vm1 =	vmand vm1, vm2;
	v8 =	vor.u32 v10, v8  }
0x5a4: {  	v10 =	vadd.s32 v12, v8  }
0x5a5: {  	v11 =	vor.u32 v17, v6;
	_ =	sdelay $0x1  }
0x5a6: {  	v9 =	vmul.f32 v9, v7;
	_ =	sdelay $0x1  }
0x5a7: {  	[tilespmem:v10+s19+$0x0] =	vst.idx.add.f32.msk vm1, v9  }
0x5a8: {  	v9 =	vld.idx.msk [tilespmem:v11+s22+$0x0], $0xffff;
	_ =	sdelay $0x1  }
0x5a9: {  	v10 =	vadd.s32 v18, v8  }
0x5aa: {  	v11 =	vor.u32 v19, v6;
	_ =	sdelay $0x1  }
0x5ab: {  	v9 =	vmul.f32 v9, v7;
	_ =	sdelay $0x1  }
0x5ac: {  	[tilespmem:v10+s19+$0x0] =	vst.idx.add.f32.msk vm1, v9  }
0x5ad: {  	v9 =	vld.idx.msk [tilespmem:v11+s22+$0x0], $0xffff;
	_ =	sdelay $0x1  }
0x5ae: {  	v10 =	vadd.s32 v50, v8  }
0x5af: {  	v11 =	vor.u32 v21, v6;
	_ =	sdelay $0x1  }
0x5b0: {  	v9 =	vmul.f32 v9, v7;
	_ =	sdelay $0x1  }
0x5b1: {  	[tilespmem:v10+s19+$0x0] =	vst.idx.add.f32.msk vm1, v9  }
0x5b2: {  	v9 =	vld.idx.msk [tilespmem:v11+s22+$0x0], $0xffff;
	_ =	sdelay $0x1  }
0x5b3: {  	v10 =	vadd.s32 v27, v8  }
0x5b4: {  	v11 =	vor.u32 v23, v6;
	_ =	sdelay $0x1  }
0x5b5: {  	v9 =	vmul.f32 v9, v7;
	_ =	sdelay $0x1  }
0x5b6: {  	[tilespmem:v10+s19+$0x0] =	vst.idx.add.f32.msk vm1, v9  }
0x5b7: {  	v9 =	vld.idx.msk [tilespmem:v11+s22+$0x0], $0xffff;
	_ =	sdelay $0x1  }
0x5b8: {  	v10 =	vadd.s32 v24, v8  }
0x5b9: {  	v11 =	vor.u32 v25, v6;
	_ =	sdelay $0x1  }
0x5ba: {  	v17 =	vld [tilespmem:$0x1FFC0];
	v9 =	vmul.f32 v9, v7;
	_ =	sdelay $0x1  }
0x5bb: {  	[tilespmem:v10+s19+$0x0] =	vst.idx.add.f32.msk vm1, v9  }
0x5bc: {  	v9 =	vld.idx.msk [tilespmem:v11+s22+$0x0], $0xffff;
	_ =	sdelay $0x1  }
0x5bd: {  	v10 =	vadd.s32 v17, v8  }
0x5be: {  	v11 =	vor.u32 v31, v6;
	_ =	sdelay $0x1  }
0x5bf: {  	v9 =	vmul.f32 v9, v7;
	_ =	sdelay $0x1  }
0x5c0: {  	[tilespmem:v10+s19+$0x0] =	vst.idx.add.f32.msk vm1, v9  }
0x5c1: {  	v9 =	vld.idx.msk [tilespmem:v11+s22+$0x0], $0xffff;
	_ =	sdelay $0x1  }
0x5c2: {  	v10 =	vadd.s32 v38, v8  }
0x5c3: {  	v11 =	vor.u32 v34, v6;
	_ =	sdelay $0x1  }
0x5c4: {  	v9 =	vmul.f32 v9, v7;
	_ =	sdelay $0x1  }
0x5c5: {  	[tilespmem:v10+s19+$0x0] =	vst.idx.add.f32.msk vm1, v9  }
0x5c6: {  	v9 =	vld.idx.msk [tilespmem:v11+s22+$0x0], $0xffff;
	_ =	sdelay $0x1  }
0x5c7: {  	v10 =	vadd.s32 v51, v8  }
0x5c8: {  	v11 =	vor.u32 v20, v6;
	_ =	sdelay $0x1  }
0x5c9: {  	v9 =	vmul.f32 v9, v7;
	_ =	sdelay $0x1  }
0x5ca: {  	[tilespmem:v10+s19+$0x0] =	vst.idx.add.f32.msk vm1, v9  }
0x5cb: {  	v9 =	vld.idx.msk [tilespmem:v11+s22+$0x0], $0xffff;
	_ =	sdelay $0x1  }
0x5cc: {  	v10 =	vadd.s32 v28, v8  }
0x5cd: {  	v11 =	vor.u32 v14, v6;
	_ =	sdelay $0x1  }
0x5ce: {  	v9 =	vmul.f32 v9, v7;
	_ =	sdelay $0x1  }
0x5cf: {  	[tilespmem:v10+s19+$0x0] =	vst.idx.add.f32.msk vm1, v9  }
0x5d0: {  	v9 =	vld.idx.msk [tilespmem:v11+s22+$0x0], $0xffff;
	_ =	sdelay $0x1  }
0x5d1: {  	v10 =	vadd.s32 v13, v8  }
0x5d2: {  	v11 =	vor.u32 v16, v6;
	_ =	sdelay $0x1  }
0x5d3: {  	v9 =	vmul.f32 v9, v7;
	_ =	sdelay $0x1  }
0x5d4: {  	[tilespmem:v10+s19+$0x0] =	vst.idx.add.f32.msk vm1, v9  }
0x5d5: {  	v9 =	vld.idx.msk [tilespmem:v11+s22+$0x0], $0xffff;
	_ =	sdelay $0x1  }
0x5d6: {  	v10 =	vadd.s32 v35, v8  }
0x5d7: {  	v11 =	vor.u32 v4, v6;
	_ =	sdelay $0x1  }
0x5d8: {  	v9 =	vmul.f32 v9, v7;
	_ =	sdelay $0x1  }
0x5d9: {  	[tilespmem:v10+s19+$0x0] =	vst.idx.add.f32.msk vm1, v9  }
0x5da: {  	v9 =	vld.idx.msk [tilespmem:v11+s22+$0x0], $0xffff;
	_ =	sdelay $0x1  }
0x5db: {  	v10 =	vadd.s32 v46, v8  }
0x5dc: {  	v11 =	vor.u32 v61, v6;
	_ =	sdelay $0x1  }
0x5dd: {  	v9 =	vmul.f32 v9, v7;
	_ =	sdelay $0x1  }
0x5de: {  	[tilespmem:v10+s19+$0x0] =	vst.idx.add.f32.msk vm1, v9  }
0x5df: {  	v9 =	vld.idx.msk [tilespmem:v11+s22+$0x0], $0xffff;
	_ =	sdelay $0x1  }
0x5e0: {  	v10 =	vadd.s32 v49, v8  }
0x5e1: {  	v11 =	vor.u32 v63, v6;
	_ =	sdelay $0x1  }
0x5e2: {  	v9 =	vmul.f32 v9, v7;
	_ =	sdelay $0x1  }
0x5e3: {  	[tilespmem:v10+s19+$0x0] =	vst.idx.add.f32.msk vm1, v9  }
0x5e4: {  	v9 =	vld.idx.msk [tilespmem:v11+s22+$0x0], $0xffff;
	_ =	sdelay $0x1  }
0x5e5: {  	v10 =	vadd.s32 v54, v8  }
0x5e6: {  	v11 =	vor.u32 v59, v6;
	_ =	sdelay $0x1  }
0x5e7: {  	v9 =	vmul.f32 v9, v7;
	_ =	sdelay $0x1  }
0x5e8: {  	[tilespmem:v10+s19+$0x0] =	vst.idx.add.f32.msk vm1, v9  }
0x5e9: {  	v9 =	vld.idx.msk [tilespmem:v11+s22+$0x0], $0xffff;
	_ =	sdelay $0x1  }
0x5ea: {  	v10 =	vadd.s32 v2, v8  }
0x5eb: {  	v11 =	vor.u32 v26, v6;
	_ =	sdelay $0x1  }
0x5ec: {  	v2 =	vld [tilespmem:$0x1FE70];
	v9 =	vmul.f32 v9, v7;
	_ =	sdelay $0x1  }
0x5ed: {  	[tilespmem:v10+s19+$0x0] =	vst.idx.add.f32.msk vm1, v9  }
0x5ee: {  	v9 =	vld.idx.msk [tilespmem:v11+s22+$0x0], $0xffff;
	_ =	sdelay $0x1  }
0x5ef: {  	v10 =	vadd.s32 v2, v8  }
0x5f0: {  	v11 =	vor.u32 v29, v6;
	_ =	sdelay $0x1  }
0x5f1: {  	v9 =	vmul.f32 v9, v7;
	_ =	sdelay $0x1  }
0x5f2: {  	[tilespmem:v10+s19+$0x0] =	vst.idx.add.f32.msk vm1, v9  }
0x5f3: {  	v9 =	vld.idx.msk [tilespmem:v11+s22+$0x0], $0xffff;
	_ =	sdelay $0x1  }
0x5f4: {  	v10 =	vadd.s32 v41, v8  }
0x5f5: {  	v11 =	vor.u32 v3, v6;
	_ =	sdelay $0x1  }
0x5f6: {  	v9 =	vmul.f32 v9, v7;
	_ =	sdelay $0x1  }
0x5f7: {  	[tilespmem:v10+s19+$0x0] =	vst.idx.add.f32.msk vm1, v9  }
0x5f8: {  	v9 =	vld.idx.msk [tilespmem:v11+s22+$0x0], $0xffff;
	_ =	sdelay $0x1  }
0x5f9: {  	v10 =	vadd.s32 v22, v8  }
0x5fa: {  	v11 =	vor.u32 v37, v6;
	_ =	sdelay $0x1  }
0x5fb: {  	v9 =	vmul.f32 v9, v7;
	_ =	sdelay $0x1  }
0x5fc: {  	[tilespmem:v10+s19+$0x0] =	vst.idx.add.f32.msk vm1, v9  }
0x5fd: {  	v9 =	vld.idx.msk [tilespmem:v11+s22+$0x0], $0xffff;
	_ =	sdelay $0x1  }
0x5fe: {  	v10 =	vadd.s32 v53, v8  }
0x5ff: {  	v11 =	vor.u32 v56, v6;
	_ =	sdelay $0x1  }
0x600: {  	v9 =	vmul.f32 v9, v7  }
0x601: {  	v12 =	vld [tilespmem:$0x1FF90]  }
0x602: {  	[tilespmem:v10+s19+$0x0] =	vst.idx.add.f32.msk vm1, v9  }
0x603: {  	v9 =	vld.idx.msk [tilespmem:v11+s22+$0x0], $0xffff;
	_ =	sdelay $0x1  }
0x604: {  	v10 =	vadd.s32 v47, v8  }
0x605: {  	v11 =	vor.u32 v12, v6;
	_ =	sdelay $0x1  }
0x606: {  	v9 =	vmul.f32 v9, v7;
	_ =	sdelay $0x1  }
0x607: {  	[tilespmem:v10+s19+$0x0] =	vst.idx.add.f32.msk vm1, v9  }
0x608: {  	v9 =	vld.idx.msk [tilespmem:v11+s22+$0x0], $0xffff;
	_ =	sdelay $0x1  }
0x609: {  	v10 =	vadd.s32 v32, v8  }
0x60a: {  	v11 =	vor.u32 v43, v6;
	_ =	sdelay $0x1  }
0x60b: {  	v9 =	vmul.f32 v9, v7  }
0x60c: {  	v2 =	vld [tilespmem:$0x1FC80]  }
0x60d: {  	[tilespmem:v10+s19+$0x0] =	vst.idx.add.f32.msk vm1, v9  }
0x60e: {  	v9 =	vld.idx.msk [tilespmem:v11+s22+$0x0], $0xffff;
	_ =	sdelay $0x1  }
0x60f: {  	v10 =	vadd.s32 v44, v8  }
0x610: {  	v2 =	vor.u32 v2, v6;
	_ =	sdelay $0x1  }
0x611: {  	v41 =	vld [tilespmem:$0x1FFA0];
	v9 =	vmul.f32 v9, v7  }
0x612: {  	v4 =	vld [tilespmem:$0x1FC90]  }
0x613: {  	[tilespmem:v10+s19+$0x0] =	vst.idx.add.f32.msk vm1, v9  }
0x614: {  	v2 =	vld.idx.msk [tilespmem:v2+s22+$0x0], $0xffff;
	_ =	sdelay $0x1  }
0x615: {  	v9 =	vadd.s32 v41, v8  }
0x616: {  	v4 =	vor.u32 v4, v6;
	_ =	sdelay $0x1  }
0x617: {  	v18 =	vld [tilespmem:$0x1FFB0];
	v2 =	vmul.f32 v2, v7  }
0x618: {  	v5 =	vld [tilespmem:$0x1FCA0]  }
0x619: {  	[tilespmem:v9+s19+$0x0] =	vst.idx.add.f32.msk vm1, v2  }
0x61a: {  	v2 =	vld.idx.msk [tilespmem:v4+s22+$0x0], $0xffff;
	_ =	sdelay $0x1  }
0x61b: {  	v4 =	vadd.s32 v18, v8  }
0x61c: {  	v5 =	vor.u32 v5, v6;
	_ =	sdelay $0x1  }
0x61d: {  	v47 =	vld [tilespmem:$0x1FFD0];
	v2 =	vmul.f32 v2, v7;
	_ =	sdelay $0x1  }
0x61e: {  	[tilespmem:v4+s19+$0x0] =	vst.idx.add.f32.msk vm1, v2  }
0x61f: {  	v2 =	vld.idx.msk [tilespmem:v5+s22+$0x0], $0xffff;
	_ =	sdelay $0x1  }
0x620: {  	v4 =	vadd.s32 v47, v8  }
0x621: {  	v5 =	vor.u32 v0, v6;
	_ =	sdelay $0x1  }
0x622: {  	v2 =	vmul.f32 v2, v7;
	_ =	sdelay $0x1  }
0x623: {  	[tilespmem:v4+s19+$0x0] =	vst.idx.add.f32.msk vm1, v2  }
0x624: {  	v2 =	vld.idx.msk [tilespmem:v5+s22+$0x0], $0xffff;
	_ =	sdelay $0x1  }
0x625: {  	v4 =	vadd.s32 v62, v8  }
0x626: {  	v5 =	vor.u32 v45, v6;
	_ =	sdelay $0x1  }
0x627: {  	v2 =	vmul.f32 v2, v7;
	_ =	sdelay $0x1  }
0x628: {  	[tilespmem:v4+s19+$0x0] =	vst.idx.add.f32.msk vm1, v2  }
0x629: {  	v2 =	vld.idx.msk [tilespmem:v5+s22+$0x0], $0xffff;
	_ =	sdelay $0x1  }
0x62a: {  	v4 =	vadd.s32 v33, v8  }
0x62b: {  	v5 =	vor.u32 v55, v6;
	_ =	sdelay $0x1  }
0x62c: {  	v2 =	vmul.f32 v2, v7;
	_ =	sdelay $0x1  }
0x62d: {  	[tilespmem:v4+s19+$0x0] =	vst.idx.add.f32.msk vm1, v2  }
0x62e: {  	v2 =	vld.idx.msk [tilespmem:v5+s22+$0x0], $0xffff;
	_ =	sdelay $0x1  }
0x62f: {  	v4 =	vadd.s32 v57, v8  }
0x630: {  	v5 =	vor.u32 v52, v6;
	_ =	sdelay $0x1  }
0x631: {  	v2 =	vmul.f32 v2, v7;
	_ =	sdelay $0x1  }
0x632: {  	[tilespmem:v4+s19+$0x0] =	vst.idx.add.f32.msk vm1, v2  }
0x633: {  	v2 =	vld.idx.msk [tilespmem:v5+s22+$0x0], $0xffff;
	_ =	sdelay $0x1  }
0x634: {  	v4 =	vadd.s32 v42, v8  }
0x635: {  	v5 =	vor.u32 v40, v6;
	_ =	sdelay $0x1  }
0x636: {  	v2 =	vmul.f32 v2, v7;
	_ =	sdelay $0x1  }
0x637: {  	[tilespmem:v4+s19+$0x0] =	vst.idx.add.f32.msk vm1, v2  }
0x638: {  	v2 =	vld.idx.msk [tilespmem:v5+s22+$0x0], $0xffff;
	_ =	sdelay $0x1  }
0x639: {  	v4 =	vadd.s32 v60, v8  }
0x63a: {  	v5 =	vor.u32 v15, v6;
	_ =	sdelay $0x1  }
0x63b: {  	v2 =	vmul.f32 v2, v7;
	_ =	sdelay $0x1  }
0x63c: {  	[tilespmem:v4+s19+$0x0] =	vst.idx.add.f32.msk vm1, v2  }
0x63d: {  	v2 =	vld.idx.msk [tilespmem:v5+s22+$0x0], $0xffff;
	_ =	sdelay $0x1  }
0x63e: {  	v4 =	vadd.s32 v48, v8  }
0x63f: {  	v5 =	vor.u32 v36, v6;
	_ =	sdelay $0x1  }
0x640: {  	v2 =	vmul.f32 v2, v7;
	_ =	sdelay $0x1  }
0x641: {  	s6 =	sadd.s32 $0x3, s28;
	[tilespmem:v4+s19+$0x0] =	vst.idx.add.f32.msk vm1, v2  }
0x642: {  	p0 =	sge.s32 s6, s3;
	v2 =	vld.idx.msk [tilespmem:v5+s22+$0x0], $0xffff  }
0x643: {  	s6 =	sshll.u32 @!p0 s6, $0xA  }
0x644: {  	s6 =	sadd.s32 @!p0 s26, s6;
	v4 =	vadd.s32 v30, v8  }
0x645: {  	p1 =	slt.s32 @!p0 s6, $0x186600  }
0x646: {  	p1 =	por !p1, p0  }
0x647: {  	s6 =	simm.s32 @p1 $0x186600;
	v2 =	vmul.f32 v2, v7  }
0x648: {  	s6 =	sshrl.u32 @!p0 s6, $0x3  }
0x649: {  	s13 =	simm.s32 @!p0 $0x0;
	s17 =	simm.s32 @!p0 $0x8E00;
	s10 =	sadd.s32 @!p0 s0, s6;
	[tilespmem:v4+s19+$0x0] =	vst.idx.add.f32.msk vm1, v2  }
0x64a: {  	[tilespmem:s17], [sflag:$0x4] =	stream.linear.gather @!p0 [hbm4b:s10+s13], $0x400, $0x38;
	[tilespmem:$0x1E300] =	vst v63  }
.Ltmp15:
0x64b: {  	_ = 	snop;
	(pc) =	sbr.rel .LBB2_17-.Ltmp15, $4  }
0x64c: {  	s10 =	sadd.s32 @!p0 s1, s6;
	s17 =	simm.s32 @!p0 $0x9200  }
0x64d: {  	v50 =	vmovc v44;
	v25 =	vmovc v31;
	v31 =	vmov v28;
	v16 =	vmov v13;
	v13 =	vmov v63;
	[tilespmem:s17], [sflag:$0x5] =	stream.linear.gather @!p0 [hbm4b:s10+s13], $0x400, $0x38;
	[tilespmem:$0x1E300] =	vst v63  }
0x64e: {  	v26 =	vmovc v17;
	v29 =	vmovc v20;
	v11 =	vmov v38;
	v38 =	vmov v46;
	v46 =	vmov v34;
	s6 =	sadd.s32 @!p0 s2, s6;
	s10 =	simm.s32 @!p0 $0x9600  }
0x64f: {  	v9 =	vmovc v53;
	v40 =	vmovc v18;
	v8 =	vmov v22;
	v22 =	vmov v62;
	v62 =	vmov v12;
	[tilespmem:s10], [sflag:$0x5] =	stream.linear.gather @!p0 [hbm4b:s6+s13], $0x400, $0x38;
	[tilespmem:$0x1E300] =	vst v63  }
.LBB2_21:
0x650: {  	_ =	sfence.sel $0x180000  }
0x651: {  	[bflag:$0x0] =	sbarrier.arrive $0xFFFF  }
0x652: {  	_ =	strace $0x90000047  }
0x653: {  	s0 =	stileid.u32;
	[bflag:$0x2] =	sbarrier.arrive $0xFFFF  }
0x654: {  	p0 =	sne.s32 s0, $0x0;
	s0 =	rddreg [dreg:$0x5]  }
0x655: {  	s0 =	sadd.s32 @!p0 $0x100000, s0  }
0x656: {  	[sflag:s0] =	ssyncadd.tile.s32 @!p0 $0x1;
	_ =	shalt  }
.Lfunc_end2:
_tile_overlayer_lowered:
.L_overlay_start_2:
0x657: {  	(tag) =	ssettag $0x2  }
0x658: {  	s0 =	rddreg [dreg:$0x0];
	s2 =	stileid.u32  }
0x659: {  	s1 =	rddreg [dreg:$0x1];
	p0 =	sne.s32 s2, $0x0  }
0x65a: {  	s3 =	rddreg [dreg:$0x2];
	[bflag:$0x3] =	sbarrier.arrive $0xFFFF;
	s2 =	simm.s32 @!p0 $0x1C08  }
0x65b: {  	[timem:s3], [sflag:s2] =	dma.local @!p0 [hbm:s0], s1  }
0x65c: {  	s0 =	simm.s32 @!p0 $0x8  }
0x65d: {  	_ =	swait.ge @!p0 [sflag:s0], s1  }
0x65e: {  	s1 =	ssub.s32 @!p0 $0x0, s1;
	[sflag:s0] =	ssyncset.done @!p0 $0x0  }
0x65f: {  	[sflag:s0] =	ssyncadd.s32 @!p0 s1  }
0x660: {  	[bflag:$0x3] =	sbarrier.arrive $0xFFFF  }
0x661: {  	_ =	shalt  }

</sc_bundles>
